<compile_context>
chip_gen: v7x
topology: tpu7x:2x2x1
jax: 0.10.2.dev20260603
libtpu: 0.0.44.dev20260713+nightly
codegen_flags: <defaults>
</compile_context>

<pallas_src>
import functools

import jax
import jax.numpy as jnp
import numpy as np
from jax import lax
from jax.experimental import pallas as pl
from jax.experimental.pallas import tpu as pltpu

FEAT_DIM = [32, 32, 64, 64, 128, 256, 512, 512]
C_DIM = 256
NUM_LAYERS = 8
DOWN_LAYERS = [2, 4, 6]
DOWN_FACTOR = [4, 4, 4]
ATT_START = 2
HEAD_C = 16
RES_GLOBAL_START = 2
K_NN = 16
NEG = 0.2
EPS = 1e-6


def _dot(A, x):
    return lax.dot_general(A, x, (((1,), (0,)), ((), ())),
                           preferred_element_type=jnp.float32)


def _dot_t(a, b):
    return lax.dot_general(a, b, (((1,), (1,)), ((), ())),
                           preferred_element_type=jnp.float32)


def _lna3(q, d):
    n2 = d[0] * d[0] + d[1] * d[1] + d[2] * d[2]
    den = jnp.sqrt(n2) + EPS
    dh = [d[v] / den for v in range(3)]
    dot = q[0] * dh[0] + q[1] * dh[1] + q[2] * dh[2]
    return [jnp.where(dot >= 0, q[v], q[v] - (1.0 - NEG) * dot * dh[v])
            for v in range(3)]


def _cevn3(x):
    n2 = x[0] * x[0] + x[1] * x[1] + x[2] * x[2]
    norm = jnp.sqrt(n2)
    x_dir = [x[v] / (norm + EPS) for v in range(3)]
    chn = jnp.sqrt(jnp.sum(n2, axis=0, keepdims=True))
    nrm = norm / (chn + EPS)
    return [x_dir[v] * nrm for v in range(3)]


def _tree_sum(xs):
    xs = list(xs)
    n = len(xs)
    while n > 1:
        h = n // 2
        xs = [xs[i] + xs[i + h] for i in range(h)]
        n = h
    return xs[0]



def _edge0_body(nn_ref, dst_ref, VW_ref, VU_ref, out_ref):
    k = K_NN
    F = VW_ref.shape[0]
    dst = [dst_ref[0, v] for v in range(3)]
    n2 = dst[0] * dst[0] + dst[1] * dst[1] + dst[2] * dst[2]
    den = jnp.sqrt(n2) + EPS
    xd = [dst[v] / den for v in range(3)]
    VW = VW_ref[...]
    VU = VU_ref[...]
    vs = []
    for j in range(k):
        nn = [nn_ref[0, v * k + j] for v in range(3)]
        q = [None] * 3
        d = [None] * 3
        for v in range(3):
            cr = xd[(v + 1) % 3] * nn[(v + 2) % 3] - xd[(v + 2) % 3] * nn[(v + 1) % 3]
            Y = jnp.concatenate([cr, nn[v] - dst[v], dst[v]], axis=0)
            q[v] = _dot(VW, Y)
            d[v] = _dot(VU, Y)
        vs.append(_lna3(q, d))
    for v in range(3):
        out_ref[0, v * F:(v + 1) * F] = _tree_sum([vo[v] for vo in vs]) / k


def _edge_noatt_body(nn_ref, dst_ref, VW_ref, VU_ref, out_ref):
    k = K_NN
    F = VW_ref.shape[0]
    dst = [dst_ref[0, v] for v in range(3)]
    VW, VU = VW_ref[...], VU_ref[...]
    vs = []
    for j in range(k):
        Y = [jnp.concatenate([nn_ref[0, v * k + j] - dst[v], dst[v]], axis=0)
             for v in range(3)]
        q = [_dot(VW, Y[v]) for v in range(3)]
        d = [_dot(VU, Y[v]) for v in range(3)]
        vs.append(_lna3(q, d))
    for v in range(3):
        out_ref[0, v * F:(v + 1) * F] = _tree_sum([vo[v] for vo in vs]) / k


_SQ48 = np.sqrt(3 * HEAD_C)


def _edge_att_body(nn_ref, dst_ref, VW_ref, VU_ref, KW_ref, KU_ref,
                   QW_ref, QU_ref, out_ref):
    k = K_NN
    F = VW_ref.shape[0]
    nh = F // HEAD_C
    NB = out_ref.shape[-1]
    dst = [dst_ref[0, v] for v in range(3)]
    VW, VU = VW_ref[...], VU_ref[...]
    KW, KU = KW_ref[...], KU_ref[...]
    qq = [_dot(QW_ref[...], dst[v]) for v in range(3)]
    qd = [_dot(QU_ref[...], dst[v]) for v in range(3)]
    qf = _cevn3(_lna3(qq, qd))
    s_list = []
    vout = []
    for j in range(k):
        Y = [jnp.concatenate([nn_ref[0, v * k + j] - dst[v], dst[v]], axis=0)
             for v in range(3)]
        vq = [_dot(VW, Y[v]) for v in range(3)]
        vd = [_dot(VU, Y[v]) for v in range(3)]
        vout.append(_lna3(vq, vd))
        kq = [_dot(KW, Y[v]) for v in range(3)]
        kd = [_dot(KU, Y[v]) for v in range(3)]
        kf = _cevn3(_lna3(kq, kd))
        qk = kf[0] * qf[0] + kf[1] * qf[1] + kf[2] * qf[2]
        hs = jnp.sum(qk.reshape(nh, HEAD_C, NB), axis=1)
        s_list.append(hs / _SQ48)
    mx = s_list[0]
    for j in range(1, k):
        mx = jnp.maximum(mx, s_list[j])
    es = [jnp.exp(s - mx) for s in s_list]
    Z = _tree_sum(es)
    acc = [[] for _ in range(3)]
    for j in range(k):
        a = es[j] / Z
        A = jnp.broadcast_to(a[:, None, :], (nh, HEAD_C, NB)).reshape(F, NB)
        for v in range(3):
            acc[v].append(A * vout[j][v])
    for v in range(3):
        out_ref[0, v * F:(v + 1) * F] = _tree_sum(acc[v])


def _full_spec(w):
    nd = w.ndim
    return pl.BlockSpec(w.shape, lambda b, n, _nd=nd: (0,) * _nd)


def _edge_layer(nn_g, dstf, wlist, body, F, NB):
    B, tk, Cp, Nd = nn_g.shape
    grid = (B, Nd // NB)
    in_specs = [
        pl.BlockSpec((1, tk, Cp, NB), lambda b, n: (b, 0, 0, n)),
        pl.BlockSpec((1, 3, Cp, NB), lambda b, n: (b, 0, 0, n)),
    ] + [_full_spec(w) for w in wlist]
    out_spec = pl.BlockSpec((1, 3 * F, NB), lambda b, n: (b, 0, n))
    return pl.pallas_call(
        body,
        grid=grid,
        in_specs=in_specs,
        out_specs=out_spec,
        out_shape=jax.ShapeDtypeStruct((B, 3 * F, Nd), jnp.float32),
        compiler_params=pltpu.CompilerParams(
            dimension_semantics=("parallel", "parallel")),
    )(nn_g, dstf, *wlist)



def _make_vecconv_body(n_in, bcast, residual):
    def body(*refs):
        x_refs = refs[:n_in]
        W_ref = refs[n_in]
        U_ref = refs[n_in + 1]
        out_ref = refs[-1]
        F = W_ref.shape[0]
        NB = out_ref.shape[-1]
        W, U = W_ref[...], U_ref[...]
        q = [None] * 3
        d = [None] * 3
        for v in range(3):
            parts = []
            for i in range(n_in):
                xv = x_refs[i][0, v]
                if bcast[i]:
                    xv = jnp.broadcast_to(xv, (xv.shape[0], NB))
                parts.append(xv)
            xin = parts[0] if n_in == 1 else jnp.concatenate(parts, axis=0)
            q[v] = _dot(W, xin)
            d[v] = _dot(U, xin)
        o = _lna3(q, d)
        for v in range(3):
            if residual:
                o[v] = x_refs[0][0, v] + o[v]
            out_ref[0, v * F:(v + 1) * F] = o[v]
    return body


def _vecconv(xs, W, U, NB, residual=False):
    B = xs[0].shape[0]
    N = xs[0].shape[-1]
    F = W.shape[0]
    bcast = tuple(x.shape[-1] == 1 and N != 1 for x in xs)
    grid = (B, N // NB)
    in_specs = []
    for x, bc in zip(xs, bcast):
        Ci = x.shape[2]
        if bc:
            in_specs.append(pl.BlockSpec((1, 3, Ci, 1), lambda b, n: (b, 0, 0, 0)))
        else:
            in_specs.append(pl.BlockSpec((1, 3, Ci, NB), lambda b, n: (b, 0, 0, n)))
    in_specs += [_full_spec(W), _full_spec(U)]
    body = _make_vecconv_body(len(xs), bcast, residual)
    return pl.pallas_call(
        body,
        grid=grid,
        in_specs=in_specs,
        out_specs=pl.BlockSpec((1, 3 * F, NB), lambda b, n: (b, 0, n)),
        out_shape=jax.ShapeDtypeStruct((B, 3 * F, N), jnp.float32),
        compiler_params=pltpu.CompilerParams(
            dimension_semantics=("parallel", "parallel")),
    )(*(list(xs) + [W, U]))



def _make_knn_body(K, Ns):
    def body(q_ref, s_ref, q2_ref, s2_ref, out_ref):
        q = q_ref[0]
        s = s_ref[0]
        q2 = q2_ref[0]
        s2 = s2_ref[0]
        sc = -((q2 - 2.0 * _dot_t(q, s)) + s2)
        NBq = sc.shape[0]
        iota = lax.broadcasted_iota(jnp.int32, (NBq, Ns), 1)
        cols = []
        work = sc
        for _ in range(K):
            m = jnp.max(work, axis=1, keepdims=True)
            hit = work >= m
            idc = jnp.min(jnp.where(hit, iota, Ns), axis=1, keepdims=True)
            cols.append(idc)
            if K > 1:
                work = jnp.where(iota == idc, -jnp.inf, work)
        out_ref[0] = jnp.concatenate(cols, axis=1)
    return body


def _knn(qrows, srows, K, NBq):
    B, Nd, D = qrows.shape
    Ns = srows.shape[1]
    q2 = jnp.sum(qrows * qrows, axis=-1, keepdims=True)
    s2 = jnp.sum(srows * srows, axis=-1)[:, None, :]
    grid = (B, Nd // NBq)
    return pl.pallas_call(
        _make_knn_body(K, Ns),
        grid=grid,
        in_specs=[
            pl.BlockSpec((1, NBq, D), lambda b, n: (b, n, 0)),
            pl.BlockSpec((1, Ns, D), lambda b, n: (b, 0, 0)),
            pl.BlockSpec((1, NBq, 1), lambda b, n: (b, n, 0)),
            pl.BlockSpec((1, 1, Ns), lambda b, n: (b, 0, 0)),
        ],
        out_specs=pl.BlockSpec((1, NBq, K), lambda b, n: (b, n, 0)),
        out_shape=jax.ShapeDtypeStruct((B, Nd, K), jnp.int32),
        compiler_params=pltpu.CompilerParams(
            dimension_semantics=("parallel", "parallel")),
    )(qrows, srows, q2, s2)



def _make_fps_body(N, K, R):
    C = N // R

    def body(p_ref, out_ref):
        p = [p_ref[0, v] for v in range(3)]
        iota2 = (lax.broadcasted_iota(jnp.int32, (R, C), 0) * C
                 + lax.broadcasted_iota(jnp.int32, (R, C), 1))
        iotaK = lax.broadcasted_iota(jnp.int32, (1, K), 1)
        px0 = p_ref[0, 0, 0, 0]
        py0 = p_ref[0, 1, 0, 0]
        pz0 = p_ref[0, 2, 0, 0]

        def step(i, st):
            dists, row, px, py, pz = st
            d = ((p[0] - px) ** 2 + (p[1] - py) ** 2 + (p[2] - pz) ** 2)
            dists = jnp.minimum(dists, d)
            m = jnp.max(dists)
            nxt = jnp.min(jnp.where(dists >= m, iota2, N))
            row = jnp.where(iotaK == i, nxt, row)
            oh = iota2 == nxt
            npx = jnp.sum(jnp.where(oh, p[0], 0.0))
            npy = jnp.sum(jnp.where(oh, p[1], 0.0))
            npz = jnp.sum(jnp.where(oh, p[2], 0.0))
            return (dists, row, npx, npy, npz)

        init = (jnp.full((R, C), 1e10, jnp.float32),
                jnp.zeros((1, K), jnp.int32), px0, py0, pz0)
        st = lax.fori_loop(1, K, step, init)
        out_ref[0] = st[1]

    return body


def _fps_idx(xyz, K, R=8):
    B, _, N = xyz.shape
    p4 = xyz.reshape(B, 3, R, N // R)
    return pl.pallas_call(
        _make_fps_body(N, K, R),
        grid=(B,),
        in_specs=[pl.BlockSpec((1, 3, R, N // R), lambda b: (b, 0, 0, 0))],
        out_specs=pl.BlockSpec((1, 1, K), lambda b: (b, 0, 0)),
        out_shape=jax.ShapeDtypeStruct((B, 1, K), jnp.int32),
        compiler_params=pltpu.CompilerParams(
            dimension_semantics=("arbitrary",)),
    )(p4)[:, 0]



def _rows_of(st2):
    B, tC, N = st2.shape
    C = tC // 3
    return st2.reshape(B, 3, C, N).transpose(0, 3, 2, 1).reshape(B, N, C * 3)


def _gather_rows(rows, idx):
    return jnp.take_along_axis(rows, idx[:, :, None], axis=1)


def _nn_layout(g, Nd, k, Cp):
    B = g.shape[0]
    g = g.reshape(B, Nd, k, Cp, 3).transpose(0, 4, 2, 3, 1)
    return g.reshape(B, 3 * k, Cp, Nd)


_NB_EDGE = {0: 512, 1: 512, 2: 512, 3: 512, 4: 256, 5: 256, 6: 64, 7: 64}


def _forward_opt(x, params):
    B, _, N = x.shape
    st2 = x
    xyz = x
    feat_list, xyz_list = [], []
    for i in range(NUM_LAYERS):
        Ns = st2.shape[-1]
        Cp = st2.shape[1] // 3
        rows = _rows_of(st2)
        if i in DOWN_LAYERS:
            feat_list.append(st2)
            xyz_list.append(xyz)
            Knew = Ns // DOWN_FACTOR[DOWN_LAYERS.index(i)]
            fidx = _fps_idx(xyz, Knew)
            xyz_rows = xyz.transpose(0, 2, 1)
            dst_xyz = _gather_rows(xyz_rows, fidx).transpose(0, 2, 1)
            drows = _gather_rows(rows, fidx)
            dstf = drows.reshape(B, Knew, Cp, 3).transpose(0, 3, 2, 1)
            qrows = drows
            Nd = Knew
        else:
            dstf = st2.reshape(B, 3, Cp, Ns)
            qrows = rows
            dst_xyz = xyz
            Nd = Ns
        idx = _knn(qrows, rows, K_NN, min(Nd, 256))
        g = _gather_rows(rows, idx.reshape(B, Nd * K_NN))
        nn_g = _nn_layout(g, Nd, K_NN, Cp)
        F = FEAT_DIM[i]
        NB = min(_NB_EDGE[i], Nd)
        if i == 0:
            w = [params['V0_W'], params['V0_U']]
            newf = _edge_layer(nn_g, dstf, w, _edge0_body, F, NB)
        elif i < ATT_START:
            w = [params['V%d_W' % i], params['V%d_U' % i]]
            newf = _edge_layer(nn_g, dstf, w, _edge_noatt_body, F, NB)
        else:
            w = [params['V%d_W' % i], params['V%d_U' % i],
                 params['K%d_W' % i], params['K%d_U' % i],
                 params['Q%d_W' % i], params['Q%d_U' % i]]
            newf = _edge_layer(nn_g, dstf, w, _edge_att_body, F, NB)
        if i >= RES_GLOBAL_START:
            nf4 = newf.reshape(B, 3, F, Nd)
            fg = jnp.mean(nf4, axis=-1, keepdims=True)
            newf = _vecconv([nf4, fg], params['G%d_W' % i], params['G%d_U' % i],
                            NB, residual=True)
        st2 = newf
        xyz = dst_xyz

    Cl = st2.shape[1] // 3
    f = _vecconv([st2.reshape(B, 3, Cl, st2.shape[-1])],
                  params['UP3_W'], params['UP3_U'], st2.shape[-1])
    coarse_xyz = xyz
    for li in range(len(DOWN_LAYERS) - 1, -1, -1):
        tgt_xyz = xyz_list[li]
        Nt = tgt_xyz.shape[-1]
        Cf = f.shape[1] // 3
        upidx = _knn(tgt_xyz.transpose(0, 2, 1),
                     coarse_xyz.transpose(0, 2, 1), 1, min(Nt, 256))[..., 0]
        f_up = _gather_rows(_rows_of(f), upidx)
        f_up = f_up.reshape(B, Nt, Cf, 3).transpose(0, 3, 2, 1)
        Cs = feat_list[li].shape[1] // 3
        skip = feat_list[li].reshape(B, 3, Cs, Nt)
        W = params['UP%d_W' % li]
        U = params['UP%d_U' % li]
        f = _vecconv([f_up, skip], W, U, min(512, Nt))
        coarse_xyz = tgt_xyz

    n7 = st2.shape[-1]
    zc = _vecconv([st2.reshape(B, 3, Cl, n7)],
                  params['convc_W'], params['convc_U'], n7)
    zc_ref = zc.reshape(B, 3, C_DIM, n7).transpose(0, 2, 1, 3)
    z = zc_ref.mean(-1)
    dual = jnp.einsum('oc,bcv->bov', params['fcinv_W'], z)
    f_ref = f.reshape(B, 3, FEAT_DIM[1], N).transpose(0, 2, 1, 3)
    pp = jnp.einsum('oc,bcvn->bovn', params['pp_W'], f_ref)
    h = jnp.einsum('bcvn,bdv->bndc', pp, dual)
    h = h.reshape(B, N, C_DIM * FEAT_DIM[1])
    h = h @ params['fc1_W'].T + params['fc1_b']
    mu = h.mean(axis=(0, 1))
    var = h.var(axis=(0, 1))
    h = (h - mu) / jnp.sqrt(var + 1e-5) * params['bn_g'] + params['bn_b']
    h = jnp.where(h >= 0, h, NEG * h)
    return h @ params['fc2_W'].T + params['fc2_b']




def _topk_scores(scores, K, NBq):
    B, Nd, Ns = scores.shape

    def body(s_ref, o_ref):
        work = s_ref[0]
        iota = lax.broadcasted_iota(jnp.int32, work.shape, 1)
        cols = []
        for _ in range(K):
            m = jnp.max(work, axis=1, keepdims=True)
            hit = work >= m
            idc = jnp.min(jnp.where(hit, iota, Ns), axis=1, keepdims=True)
            cols.append(idc)
            if K > 1:
                work = jnp.where(iota == idc, -jnp.inf, work)
        o_ref[0] = jnp.concatenate(cols, axis=1) if K > 1 else cols[0]

    return pl.pallas_call(
        body,
        grid=(B, Nd // NBq),
        in_specs=[pl.BlockSpec((1, NBq, Ns), lambda b, n: (b, n, 0))],
        out_specs=pl.BlockSpec((1, NBq, K), lambda b, n: (b, n, 0)),
        out_shape=jax.ShapeDtypeStruct((B, Nd, K), jnp.int32),
        compiler_params=pltpu.CompilerParams(
            dimension_semantics=("parallel", "parallel")),
    )(scores)


def _knn_idx_hybrid(q, s, K):
    d = (jnp.sum(q * q, -1, keepdims=True)
         - 2.0 * jnp.einsum('bqd,bsd->bqs', q, s)
         + jnp.sum(s * s, -1)[:, None, :])
    NBq = min(q.shape[1], 256)
    return _topk_scores(-d, K, NBq)


def _fps_hybrid(pts, K):
    idx = _fps_idx(pts.transpose(0, 2, 1), K)
    B = pts.shape[0]
    new = jnp.take_along_axis(
        pts, jnp.broadcast_to(idx[..., None], (B, K, 3)), axis=1)
    return new, idx


def _graph_feature_h(src_f, dst_f, k, cross):
    B, C, _, Ns = src_f.shape
    Nd = dst_f.shape[-1]
    qf = dst_f.reshape(B, C * 3, Nd).transpose(0, 2, 1)
    sf = src_f.reshape(B, C * 3, Ns).transpose(0, 2, 1)
    idx = _knn_idx_hybrid(qf, sf, k)
    nn = jax.vmap(lambda s, i: s[i])(sf, idx)
    nn = nn.reshape(B, Nd, k, C, 3).transpose(0, 3, 4, 1, 2)
    dst_b = jnp.broadcast_to(dst_f[..., None], nn.shape)
    if cross:
        x_dir = src_f / (jnp.linalg.norm(src_f, axis=2, keepdims=True) + EPS)
        x_dir_b = jnp.broadcast_to(x_dir[..., None], nn.shape)
        cr = jnp.cross(x_dir_b, nn, axis=2)
        return jnp.concatenate([cr, nn - dst_b, dst_b], axis=1)
    return jnp.concatenate([nn - dst_b, dst_b], axis=1)


def _vlna(W, U, x):
    q = jnp.einsum('oc,bcv...->bov...', W, x)
    d = jnp.einsum('oc,bcv...->bov...', U, x)
    d = d / (jnp.linalg.norm(d, axis=2, keepdims=True) + EPS)
    dot = jnp.sum(q * d, axis=2, keepdims=True)
    return jnp.where(dot >= 0, q, q - (1.0 - NEG) * dot * d)


def _cevn_x(x):
    norm = jnp.linalg.norm(x, axis=2, keepdims=True)
    x_dir = x / (norm + EPS)
    nrm = norm / (jnp.linalg.norm(norm, axis=1, keepdims=True) + EPS)
    return x_dir * nrm


def _forward_hybrid(x, params):
    B, _, N = x.shape
    src_xyz = x[:, None]
    src_f = x[:, None]
    feat_list, xyz_list = [], []
    for i in range(NUM_LAYERS):
        if i in DOWN_LAYERS:
            feat_list.append(src_f)
            pts = src_xyz[:, 0].transpose(0, 2, 1)
            xyz_list.append(pts)
            factor = DOWN_FACTOR[DOWN_LAYERS.index(i)]
            Knew = pts.shape[1] // factor
            new_pts, idx = _fps_hybrid(jax.lax.stop_gradient(pts), Knew)
            dst_xyz = new_pts.transpose(0, 2, 1)[:, None]
            C = src_f.shape[1]
            idxb = jnp.broadcast_to(idx[:, None, None, :], (B, C, 3, Knew))
            dst_f = jnp.take_along_axis(src_f, idxb, axis=-1)
        else:
            dst_xyz, dst_f = src_xyz, src_f
        y = _graph_feature_h(src_f, dst_f, K_NN, cross=(i == 0))
        if i < ATT_START:
            dst_f = _vlna(params['V%d_W' % i], params['V%d_U' % i], y).mean(-1)
        else:
            kf = _cevn_x(_vlna(params['K%d_W' % i], params['K%d_U' % i], y))
            qf = _cevn_x(_vlna(params['Q%d_W' % i], params['Q%d_U' % i], dst_f))
            v = _vlna(params['V%d_W' % i], params['V%d_U' % i], y)
            qk = jnp.sum(kf * qf[..., None], axis=2)
            Bq, Cq, Nd, Kk = qk.shape
            nh = Cq // HEAD_C
            att = qk.reshape(Bq, nh, HEAD_C, Nd, Kk).sum(2, keepdims=True) / np.sqrt(3 * HEAD_C)
            att = jax.nn.softmax(att, axis=-1)
            att = jnp.broadcast_to(att, (Bq, nh, HEAD_C, Nd, Kk)).reshape(Bq, Cq, Nd, Kk)[:, :, None]
            dst_f = jnp.sum(att * v, axis=-1)
        if i >= RES_GLOBAL_START:
            fg = jnp.broadcast_to(dst_f.mean(-1, keepdims=True), dst_f.shape)
            dst_f = dst_f + _vlna(params['G%d_W' % i], params['G%d_U' % i],
                                  jnp.concatenate([dst_f, fg], axis=1))
        src_f, src_xyz = dst_f, dst_xyz
    f = _vlna(params['UP3_W'], params['UP3_U'], src_f)
    coarse_xyz = src_xyz[:, 0].transpose(0, 2, 1)
    for li in range(len(DOWN_LAYERS) - 1, -1, -1):
        tgt_xyz = xyz_list[li]
        idx = _knn_idx_hybrid(tgt_xyz, coarse_xyz, 1)[..., 0]
        C = f.shape[1]
        Nt = tgt_xyz.shape[1]
        idxb = jnp.broadcast_to(idx[:, None, None, :], (B, C, 3, Nt))
        f_up = jnp.take_along_axis(f, idxb, axis=-1)
        f = _vlna(params['UP%d_W' % li], params['UP%d_U' % li],
                  jnp.concatenate([f_up, feat_list[li]], axis=1))
        coarse_xyz = tgt_xyz
    pp = jnp.einsum('oc,bcvn->bovn', params['pp_W'], f)
    z = _vlna(params['convc_W'], params['convc_U'], src_f).mean(-1)
    dual = jnp.einsum('oc,bcv->bov', params['fcinv_W'], z)
    h = jnp.einsum('bcvn,bdv->bndc', pp, dual)
    h = h.reshape(B, N, C_DIM * FEAT_DIM[1])
    h = h @ params['fc1_W'].T + params['fc1_b']
    mu = h.mean(axis=(0, 1))
    var = h.var(axis=(0, 1))
    h = (h - mu) / jnp.sqrt(var + 1e-5) * params['bn_g'] + params['bn_b']
    h = jnp.where(h >= 0, h, NEG * h)
    return h @ params['fc2_W'].T + params['fc2_b']





def kernel(x, params):
    return _forward_hybrid(x, params)

# --- scband reference (transcript-rebuilt; emitter-appended) ---
"""Pipeline reference for scband-vec-dgcnn-att-unet-67508295958611 (READ-ONLY COPY).

The authoritative reference and input builder live on the scoring server;
editing this copy changes nothing except your own understanding.
"""

import jax, jax.numpy as jnp
import numpy as np

FEAT_DIM = [32, 32, 64, 64, 128, 256, 512, 512]
C_DIM = 256
NUM_LAYERS = 8
DOWN_LAYERS = [2, 4, 6]
DOWN_FACTOR = [4, 4, 4]
ATT_START = 2
HEAD_C = 16
RES_GLOBAL_START = 2
K_NN = 16
NEG = 0.2
EPS = 1e-6

def _mat(key, o, i):
    return jax.random.normal(key, (o, i), jnp.float32) / np.sqrt(i)

def init_params(key):
    p = {}
    cnt = [0]
    def nk():
        cnt[0] += 1
        return jax.random.fold_in(key, cnt[0])
    for i in range(NUM_LAYERS):
        vin = 3 if i == 0 else FEAT_DIM[i - 1] * 2
        p['V%d_W' % i] = _mat(nk(), FEAT_DIM[i], vin)
        p['V%d_U' % i] = _mat(nk(), FEAT_DIM[i], vin)
        if i >= ATT_START:
            p['Q%d_W' % i] = _mat(nk(), FEAT_DIM[i], FEAT_DIM[i - 1])
            p['Q%d_U' % i] = _mat(nk(), FEAT_DIM[i], FEAT_DIM[i - 1])
            p['K%d_W' % i] = _mat(nk(), FEAT_DIM[i], FEAT_DIM[i - 1] * 2)
            p['K%d_U' % i] = _mat(nk(), FEAT_DIM[i], FEAT_DIM[i - 1] * 2)
        if i >= RES_GLOBAL_START:
            p['G%d_W' % i] = _mat(nk(), FEAT_DIM[i], FEAT_DIM[i] * 2)
            p['G%d_U' % i] = _mat(nk(), FEAT_DIM[i], FEAT_DIM[i] * 2)
    p['convc_W'] = _mat(nk(), C_DIM, FEAT_DIM[-1])
    p['convc_U'] = _mat(nk(), C_DIM, FEAT_DIM[-1])
    p['fcinv_W'] = _mat(nk(), C_DIM, C_DIM)
    ups = [(FEAT_DIM[3] + FEAT_DIM[1], FEAT_DIM[1]), (FEAT_DIM[5] + FEAT_DIM[3], FEAT_DIM[3]), (FEAT_DIM[7] + FEAT_DIM[5], FEAT_DIM[5]), (FEAT_DIM[7], FEAT_DIM[7])]
    for li in range(4):
        iin, oo = ups[li]
        p['UP%d_W' % li] = _mat(nk(), oo, iin)
        p['UP%d_U' % li] = _mat(nk(), oo, iin)
    p['pp_W'] = _mat(nk(), FEAT_DIM[1], FEAT_DIM[1])
    p['fc1_W'] = _mat(nk(), C_DIM, C_DIM * FEAT_DIM[1])
    p['fc1_b'] = jnp.zeros((C_DIM,), jnp.float32)
    p['bn_g'] = jnp.ones((C_DIM,), jnp.float32)
    p['bn_b'] = jnp.zeros((C_DIM,), jnp.float32)
    p['fc2_W'] = _mat(nk(), 64, C_DIM)
    p['fc2_b'] = jnp.zeros((64,), jnp.float32)
    return p

def vec_lna(W, U, x):
    q = jnp.einsum('oc,bcv...->bov...', W, x)
    d = jnp.einsum('oc,bcv...->bov...', U, x)
    d = d / (jnp.linalg.norm(d, axis=2, keepdims=True) + EPS)
    dot = jnp.sum(q * d, axis=2, keepdims=True)
    return jnp.where(dot >= 0, q, q - (1.0 - NEG) * dot * d)

def cevn(x):
    norm = jnp.linalg.norm(x, axis=2, keepdims=True)
    x_dir = x / (norm + EPS)
    nrm = norm / (jnp.linalg.norm(norm, axis=1, keepdims=True) + EPS)
    return x_dir * nrm

def knn_idx(q, s, K):
    d = jnp.sum(q * q, -1, keepdims=True) - 2.0 * jnp.einsum('bqd,bsd->bqs', q, s) + jnp.sum(s * s, -1)[:, None, :]
    _, idx = jax.lax.top_k(-d, K)
    return idx

def graph_feature(src_f, dst_f, k, cross):
    B, C, _, Ns = src_f.shape
    Nd = dst_f.shape[-1]
    qf = dst_f.reshape(B, C * 3, Nd).transpose(0, 2, 1)
    sf = src_f.reshape(B, C * 3, Ns).transpose(0, 2, 1)
    idx = knn_idx(qf, sf, k)
    nn = jax.vmap(lambda s, i: s[i])(sf, idx)
    nn = nn.reshape(B, Nd, k, C, 3).transpose(0, 3, 4, 1, 2)
    dst_b = jnp.broadcast_to(dst_f[..., None], nn.shape)
    if cross:
        x_dir = src_f / (jnp.linalg.norm(src_f, axis=2, keepdims=True) + EPS)
        x_dir_b = jnp.broadcast_to(x_dir[..., None], nn.shape)
        cr = jnp.cross(x_dir_b, nn, axis=2)
        return jnp.concatenate([cr, nn - dst_b, dst_b], axis=1)
    return jnp.concatenate([nn - dst_b, dst_b], axis=1)

def fps(pts, K):
    B, N, _ = pts.shape
    def single(p):
        def body(i, state):
            idxs, dists, last = state
            d = jnp.sum((p - p[last]) ** 2, axis=-1)
            dists = jnp.minimum(dists, d)
            nxt = jnp.argmax(dists).astype(jnp.int32)
            return (idxs.at[i].set(nxt), dists, nxt)
        state = (jnp.zeros((K,), jnp.int32), jnp.full((N,), 1e10, jnp.float32), jnp.int32(0))
        idxs, _, _ = jax.lax.fori_loop(1, K, body, state)
        return idxs
    idx = jax.vmap(single)(pts)
    new = jnp.take_along_axis(pts, jnp.broadcast_to(idx[..., None], (B, K, 3)), axis=1)
    return new, idx

def _forward(x, params):
    B, _, N = x.shape
    src_xyz = x[:, None]
    src_f = x[:, None]
    feat_list, xyz_list = [], []
    for i in range(NUM_LAYERS):
        if i in DOWN_LAYERS:
            feat_list.append(src_f)
            pts = src_xyz[:, 0].transpose(0, 2, 1)
            xyz_list.append(pts)
            factor = DOWN_FACTOR[DOWN_LAYERS.index(i)]
            Knew = pts.shape[1] // factor
            new_pts, idx = fps(jax.lax.stop_gradient(pts), Knew)
            dst_xyz = new_pts.transpose(0, 2, 1)[:, None]
            C = src_f.shape[1]
            idxb = jnp.broadcast_to(idx[:, None, None, :], (B, C, 3, Knew))
            dst_f = jnp.take_along_axis(src_f, idxb, axis=-1)
        else:
            dst_xyz, dst_f = src_xyz, src_f
        y = graph_feature(src_f, dst_f, K_NN, cross=(i == 0))
        if i < ATT_START:
            dst_f = vec_lna(params['V%d_W' % i], params['V%d_U' % i], y).mean(-1)
        else:
            kf = cevn(vec_lna(params['K%d_W' % i], params['K%d_U' % i], y))
            qf = cevn(vec_lna(params['Q%d_W' % i], params['Q%d_U' % i], dst_f))
            v = vec_lna(params['V%d_W' % i], params['V%d_U' % i], y)
            qk = jnp.sum(kf * qf[..., None], axis=2)
            Bq, Cq, Nd, Kk = qk.shape
            nh = Cq // HEAD_C
            att = qk.reshape(Bq, nh, HEAD_C, Nd, Kk).sum(2, keepdims=True) / np.sqrt(3 * HEAD_C)
            att = jax.nn.softmax(att, axis=-1)
            att = jnp.broadcast_to(att, (Bq, nh, HEAD_C, Nd, Kk)).reshape(Bq, Cq, Nd, Kk)[:, :, None]
            dst_f = jnp.sum(att * v, axis=-1)
        if i >= RES_GLOBAL_START:
            fg = jnp.broadcast_to(dst_f.mean(-1, keepdims=True), dst_f.shape)
            dst_f = dst_f + vec_lna(params['G%d_W' % i], params['G%d_U' % i], jnp.concatenate([dst_f, fg], axis=1))
        src_f, src_xyz = dst_f, dst_xyz
    f = vec_lna(params['UP3_W'], params['UP3_U'], src_f)
    coarse_xyz = src_xyz[:, 0].transpose(0, 2, 1)
    for li in range(len(DOWN_LAYERS) - 1, -1, -1):
        tgt_xyz = xyz_list[li]
        idx = knn_idx(tgt_xyz, coarse_xyz, 1)[..., 0]
        C = f.shape[1]
        Nt = tgt_xyz.shape[1]
        idxb = jnp.broadcast_to(idx[:, None, None, :], (B, C, 3, Nt))
        f_up = jnp.take_along_axis(f, idxb, axis=-1)
        f = vec_lna(params['UP%d_W' % li], params['UP%d_U' % li], jnp.concatenate([f_up, feat_list[li]], axis=1))
        coarse_xyz = tgt_xyz
    pp = jnp.einsum('oc,bcvn->bovn', params['pp_W'], f)
    z = vec_lna(params['convc_W'], params['convc_U'], src_f).mean(-1)
    dual = jnp.einsum('oc,bcv->bov', params['fcinv_W'], z)
    h = jnp.einsum('bcvn,bdv->bndc', pp, dual)
    h = h.reshape(B, N, C_DIM * FEAT_DIM[1])
    h = h @ params['fc1_W'].T + params['fc1_b']
    mu = h.mean(axis=(0, 1))
    var = h.var(axis=(0, 1))
    h = (h - mu) / jnp.sqrt(var + 1e-5) * params['bn_g'] + params['bn_b']
    h = jnp.where(h >= 0, h, NEG * h)
    return h @ params['fc2_W'].T + params['fc2_b']

def setup_inputs(seed: int = 0):
    key = jax.random.key(seed)
    x = jax.random.normal(jax.random.fold_in(key, 1), (2, 3, 4096), jnp.float32)
    params = init_params(jax.random.fold_in(key, 2))
    return {'x': x, 'params': params}

def reference(x, params):
    return _forward(x, params)

if __name__ == "__main__":
    import jax
    _d = setup_inputs()
    print(jax.jit(kernel)(*tuple(_d.values())))

</pallas_src>

<mosaic_0001>
module attributes {stable_mosaic.version = 14 : i64} {
  func.func @body(%arg0: i32, %arg1: i32, %arg2: memref<1x256x4096xf32, #tpu.memory_space<vmem>>, %arg3: memref<1x256x16xi32, #tpu.memory_space<vmem>>) attributes {dimension_semantics = [#tpu.dimension_semantics<parallel>, #tpu.dimension_semantics<parallel>], iteration_bounds = array<i64: 2, 16>, scalar_prefetch = 0 : i64, scratch_operands = 0 : i64, tpu.core_type = #tpu.core_type<tc>, window_params = [{transform_indices = @transform_0, window_bounds = array<i64: 1, 256, 4096>}, {transform_indices = @transform_1, window_bounds = array<i64: 1, 256, 16>}]} {
    %get3A = arith.constant 0 : index
    %get3A_0 = arith.constant 0 : index
    %get3A_1 = arith.constant 0 : index
    %get3A_2 = vector.load %arg2[%get3A, %get3A_0, %get3A_1] : memref<1x256x4096xf32, #tpu.memory_space<vmem>>, vector<1x256x4096xf32>
    %get3A_3 = vector.shape_cast %get3A_2 : vector<1x256x4096xf32> to vector<256x4096xf32>
    %iota3A = tpu.iota {dimensions = array<i32: 1>} : vector<256x4096xi32>
    %reduce_max3A = arith.constant dense<0xFF800000> : vector<256xf32>
    %reduce_max3A_4 = vector.multi_reduction <maximumf>, %get3A_3, %reduce_max3A [1] : vector<256x4096xf32> to vector<256xf32>
    %broadcast_in_dim3A = vector.shape_cast %reduce_max3A_4 : vector<256xf32> to vector<256x1xf32>
    %ge3A = vector.broadcast %broadcast_in_dim3A : vector<256x1xf32> to vector<256x4096xf32>
    %ge3A_5 = arith.cmpf oge, %get3A_3, %ge3A : vector<256x4096xf32>
    %jit3A = arith.constant 4096 : i32
    %broadcast_in_dim3A_6 = vector.broadcast %jit3A : i32 to vector<256x4096xi32>
    %select_n3A = arith.select %ge3A_5, %iota3A, %broadcast_in_dim3A_6 : vector<256x4096xi1>, vector<256x4096xi32>
    %reduce_min3A = arith.constant dense<2147483647> : vector<256xi32>
    %reduce_min3A_7 = vector.multi_reduction <minsi>, %select_n3A, %reduce_min3A [1] : vector<256x4096xi32> to vector<256xi32>
    %broadcast_in_dim3A_8 = vector.shape_cast %reduce_min3A_7 : vector<256xi32> to vector<256x1xi32>
    %eq3A = vector.broadcast %broadcast_in_dim3A_8 : vector<256x1xi32> to vector<256x4096xi32>
    %eq3A_9 = arith.cmpi eq, %iota3A, %eq3A : vector<256x4096xi32>
    %jit3A_10 = arith.constant 0xFF800000 : f32
    %broadcast_in_dim3A_11 = vector.broadcast %jit3A_10 : f32 to vector<256x4096xf32>
    %select_n3A_12 = arith.select %eq3A_9, %broadcast_in_dim3A_11, %get3A_3 : vector<256x4096xi1>, vector<256x4096xf32>
    %reduce_max3A_13 = arith.constant dense<0xFF800000> : vector<256xf32>
    %reduce_max3A_14 = vector.multi_reduction <maximumf>, %select_n3A_12, %reduce_max3A_13 [1] : vector<256x4096xf32> to vector<256xf32>
    %broadcast_in_dim3A_15 = vector.shape_cast %reduce_max3A_14 : vector<256xf32> to vector<256x1xf32>
    %ge3A_16 = vector.broadcast %broadcast_in_dim3A_15 : vector<256x1xf32> to vector<256x4096xf32>
    %ge3A_17 = arith.cmpf oge, %select_n3A_12, %ge3A_16 : vector<256x4096xf32>
    %jit3A_18 = arith.constant 4096 : i32
    %broadcast_in_dim3A_19 = vector.broadcast %jit3A_18 : i32 to vector<256x4096xi32>
    %select_n3A_20 = arith.select %ge3A_17, %iota3A, %broadcast_in_dim3A_19 : vector<256x4096xi1>, vector<256x4096xi32>
    %reduce_min3A_21 = arith.constant dense<2147483647> : vector<256xi32>
    %reduce_min3A_22 = vector.multi_reduction <minsi>, %select_n3A_20, %reduce_min3A_21 [1] : vector<256x4096xi32> to vector<256xi32>
    %broadcast_in_dim3A_23 = vector.shape_cast %reduce_min3A_22 : vector<256xi32> to vector<256x1xi32>
    %eq3A_24 = vector.broadcast %broadcast_in_dim3A_23 : vector<256x1xi32> to vector<256x4096xi32>
    %eq3A_25 = arith.cmpi eq, %iota3A, %eq3A_24 : vector<256x4096xi32>
    %jit3A_26 = arith.constant 0xFF800000 : f32
    %broadcast_in_dim3A_27 = vector.broadcast %jit3A_26 : f32 to vector<256x4096xf32>
    %select_n3A_28 = arith.select %eq3A_25, %broadcast_in_dim3A_27, %select_n3A_12 : vector<256x4096xi1>, vector<256x4096xf32>
    %reduce_max3A_29 = arith.constant dense<0xFF800000> : vector<256xf32>
    %reduce_max3A_30 = vector.multi_reduction <maximumf>, %select_n3A_28, %reduce_max3A_29 [1] : vector<256x4096xf32> to vector<256xf32>
    %broadcast_in_dim3A_31 = vector.shape_cast %reduce_max3A_30 : vector<256xf32> to vector<256x1xf32>
    %ge3A_32 = vector.broadcast %broadcast_in_dim3A_31 : vector<256x1xf32> to vector<256x4096xf32>
    %ge3A_33 = arith.cmpf oge, %select_n3A_28, %ge3A_32 : vector<256x4096xf32>
    %jit3A_34 = arith.constant 4096 : i32
    %broadcast_in_dim3A_35 = vector.broadcast %jit3A_34 : i32 to vector<256x4096xi32>
    %select_n3A_36 = arith.select %ge3A_33, %iota3A, %broadcast_in_dim3A_35 : vector<256x4096xi1>, vector<256x4096xi32>
    %reduce_min3A_37 = arith.constant dense<2147483647> : vector<256xi32>
    %reduce_min3A_38 = vector.multi_reduction <minsi>, %select_n3A_36, %reduce_min3A_37 [1] : vector<256x4096xi32> to vector<256xi32>
    %broadcast_in_dim3A_39 = vector.shape_cast %reduce_min3A_38 : vector<256xi32> to vector<256x1xi32>
    %eq3A_40 = vector.broadcast %broadcast_in_dim3A_39 : vector<256x1xi32> to vector<256x4096xi32>
    %eq3A_41 = arith.cmpi eq, %iota3A, %eq3A_40 : vector<256x4096xi32>
    %jit3A_42 = arith.constant 0xFF800000 : f32
    %broadcast_in_dim3A_43 = vector.broadcast %jit3A_42 : f32 to vector<256x4096xf32>
    %select_n3A_44 = arith.select %eq3A_41, %broadcast_in_dim3A_43, %select_n3A_28 : vector<256x4096xi1>, vector<256x4096xf32>
    %reduce_max3A_45 = arith.constant dense<0xFF800000> : vector<256xf32>
    %reduce_max3A_46 = vector.multi_reduction <maximumf>, %select_n3A_44, %reduce_max3A_45 [1] : vector<256x4096xf32> to vector<256xf32>
    %broadcast_in_dim3A_47 = vector.shape_cast %reduce_max3A_46 : vector<256xf32> to vector<256x1xf32>
    %ge3A_48 = vector.broadcast %broadcast_in_dim3A_47 : vector<256x1xf32> to vector<256x4096xf32>
    %ge3A_49 = arith.cmpf oge, %select_n3A_44, %ge3A_48 : vector<256x4096xf32>
    %jit3A_50 = arith.constant 4096 : i32
    %broadcast_in_dim3A_51 = vector.broadcast %jit3A_50 : i32 to vector<256x4096xi32>
    %select_n3A_52 = arith.select %ge3A_49, %iota3A, %broadcast_in_dim3A_51 : vector<256x4096xi1>, vector<256x4096xi32>
    %reduce_min3A_53 = arith.constant dense<2147483647> : vector<256xi32>
    %reduce_min3A_54 = vector.multi_reduction <minsi>, %select_n3A_52, %reduce_min3A_53 [1] : vector<256x4096xi32> to vector<256xi32>
    %broadcast_in_dim3A_55 = vector.shape_cast %reduce_min3A_54 : vector<256xi32> to vector<256x1xi32>
    %eq3A_56 = vector.broadcast %broadcast_in_dim3A_55 : vector<256x1xi32> to vector<256x4096xi32>
    %eq3A_57 = arith.cmpi eq, %iota3A, %eq3A_56 : vector<256x4096xi32>
    %jit3A_58 = arith.constant 0xFF800000 : f32
    %broadcast_in_dim3A_59 = vector.broadcast %jit3A_58 : f32 to vector<256x4096xf32>
    %select_n3A_60 = arith.select %eq3A_57, %broadcast_in_dim3A_59, %select_n3A_44 : vector<256x4096xi1>, vector<256x4096xf32>
    %reduce_max3A_61 = arith.constant dense<0xFF800000> : vector<256xf32>
    %reduce_max3A_62 = vector.multi_reduction <maximumf>, %select_n3A_60, %reduce_max3A_61 [1] : vector<256x4096xf32> to vector<256xf32>
    %broadcast_in_dim3A_63 = vector.shape_cast %reduce_max3A_62 : vector<256xf32> to vector<256x1xf32>
    %ge3A_64 = vector.broadcast %broadcast_in_dim3A_63 : vector<256x1xf32> to vector<256x4096xf32>
    %ge3A_65 = arith.cmpf oge, %select_n3A_60, %ge3A_64 : vector<256x4096xf32>
    %jit3A_66 = arith.constant 4096 : i32
    %broadcast_in_dim3A_67 = vector.broadcast %jit3A_66 : i32 to vector<256x4096xi32>
    %select_n3A_68 = arith.select %ge3A_65, %iota3A, %broadcast_in_dim3A_67 : vector<256x4096xi1>, vector<256x4096xi32>
    %reduce_min3A_69 = arith.constant dense<2147483647> : vector<256xi32>
    %reduce_min3A_70 = vector.multi_reduction <minsi>, %select_n3A_68, %reduce_min3A_69 [1] : vector<256x4096xi32> to vector<256xi32>
    %broadcast_in_dim3A_71 = vector.shape_cast %reduce_min3A_70 : vector<256xi32> to vector<256x1xi32>
    %eq3A_72 = vector.broadcast %broadcast_in_dim3A_71 : vector<256x1xi32> to vector<256x4096xi32>
    %eq3A_73 = arith.cmpi eq, %iota3A, %eq3A_72 : vector<256x4096xi32>
    %jit3A_74 = arith.constant 0xFF800000 : f32
    %broadcast_in_dim3A_75 = vector.broadcast %jit3A_74 : f32 to vector<256x4096xf32>
    %select_n3A_76 = arith.select %eq3A_73, %broadcast_in_dim3A_75, %select_n3A_60 : vector<256x4096xi1>, vector<256x4096xf32>
    %reduce_max3A_77 = arith.constant dense<0xFF800000> : vector<256xf32>
    %reduce_max3A_78 = vector.multi_reduction <maximumf>, %select_n3A_76, %reduce_max3A_77 [1] : vector<256x4096xf32> to vector<256xf32>
    %broadcast_in_dim3A_79 = vector.shape_cast %reduce_max3A_78 : vector<256xf32> to vector<256x1xf32>
    %ge3A_80 = vector.broadcast %broadcast_in_dim3A_79 : vector<256x1xf32> to vector<256x4096xf32>
    %ge3A_81 = arith.cmpf oge, %select_n3A_76, %ge3A_80 : vector<256x4096xf32>
    %jit3A_82 = arith.constant 4096 : i32
    %broadcast_in_dim3A_83 = vector.broadcast %jit3A_82 : i32 to vector<256x4096xi32>
    %select_n3A_84 = arith.select %ge3A_81, %iota3A, %broadcast_in_dim3A_83 : vector<256x4096xi1>, vector<256x4096xi32>
    %reduce_min3A_85 = arith.constant dense<2147483647> : vector<256xi32>
    %reduce_min3A_86 = vector.multi_reduction <minsi>, %select_n3A_84, %reduce_min3A_85 [1] : vector<256x4096xi32> to vector<256xi32>
    %broadcast_in_dim3A_87 = vector.shape_cast %reduce_min3A_86 : vector<256xi32> to vector<256x1xi32>
    %eq3A_88 = vector.broadcast %broadcast_in_dim3A_87 : vector<256x1xi32> to vector<256x4096xi32>
    %eq3A_89 = arith.cmpi eq, %iota3A, %eq3A_88 : vector<256x4096xi32>
    %jit3A_90 = arith.constant 0xFF800000 : f32
    %broadcast_in_dim3A_91 = vector.broadcast %jit3A_90 : f32 to vector<256x4096xf32>
    %select_n3A_92 = arith.select %eq3A_89, %broadcast_in_dim3A_91, %select_n3A_76 : vector<256x4096xi1>, vector<256x4096xf32>
    %reduce_max3A_93 = arith.constant dense<0xFF800000> : vector<256xf32>
    %reduce_max3A_94 = vector.multi_reduction <maximumf>, %select_n3A_92, %reduce_max3A_93 [1] : vector<256x4096xf32> to vector<256xf32>
    %broadcast_in_dim3A_95 = vector.shape_cast %reduce_max3A_94 : vector<256xf32> to vector<256x1xf32>
    %ge3A_96 = vector.broadcast %broadcast_in_dim3A_95 : vector<256x1xf32> to vector<256x4096xf32>
    %ge3A_97 = arith.cmpf oge, %select_n3A_92, %ge3A_96 : vector<256x4096xf32>
    %jit3A_98 = arith.constant 4096 : i32
    %broadcast_in_dim3A_99 = vector.broadcast %jit3A_98 : i32 to vector<256x4096xi32>
    %select_n3A_100 = arith.select %ge3A_97, %iota3A, %broadcast_in_dim3A_99 : vector<256x4096xi1>, vector<256x4096xi32>
    %reduce_min3A_101 = arith.constant dense<2147483647> : vector<256xi32>
    %reduce_min3A_102 = vector.multi_reduction <minsi>, %select_n3A_100, %reduce_min3A_101 [1] : vector<256x4096xi32> to vector<256xi32>
    %broadcast_in_dim3A_103 = vector.shape_cast %reduce_min3A_102 : vector<256xi32> to vector<256x1xi32>
    %eq3A_104 = vector.broadcast %broadcast_in_dim3A_103 : vector<256x1xi32> to vector<256x4096xi32>
    %eq3A_105 = arith.cmpi eq, %iota3A, %eq3A_104 : vector<256x4096xi32>
    %jit3A_106 = arith.constant 0xFF800000 : f32
    %broadcast_in_dim3A_107 = vector.broadcast %jit3A_106 : f32 to vector<256x4096xf32>
    %select_n3A_108 = arith.select %eq3A_105, %broadcast_in_dim3A_107, %select_n3A_92 : vector<256x4096xi1>, vector<256x4096xf32>
    %reduce_max3A_109 = arith.constant dense<0xFF800000> : vector<256xf32>
    %reduce_max3A_110 = vector.multi_reduction <maximumf>, %select_n3A_108, %reduce_max3A_109 [1] : vector<256x4096xf32> to vector<256xf32>
    %broadcast_in_dim3A_111 = vector.shape_cast %reduce_max3A_110 : vector<256xf32> to vector<256x1xf32>
    %ge3A_112 = vector.broadcast %broadcast_in_dim3A_111 : vector<256x1xf32> to vector<256x4096xf32>
    %ge3A_113 = arith.cmpf oge, %select_n3A_108, %ge3A_112 : vector<256x4096xf32>
    %jit3A_114 = arith.constant 4096 : i32
    %broadcast_in_dim3A_115 = vector.broadcast %jit3A_114 : i32 to vector<256x4096xi32>
    %select_n3A_116 = arith.select %ge3A_113, %iota3A, %broadcast_in_dim3A_115 : vector<256x4096xi1>, vector<256x4096xi32>
    %reduce_min3A_117 = arith.constant dense<2147483647> : vector<256xi32>
    %reduce_min3A_118 = vector.multi_reduction <minsi>, %select_n3A_116, %reduce_min3A_117 [1] : vector<256x4096xi32> to vector<256xi32>
    %broadcast_in_dim3A_119 = vector.shape_cast %reduce_min3A_118 : vector<256xi32> to vector<256x1xi32>
    %eq3A_120 = vector.broadcast %broadcast_in_dim3A_119 : vector<256x1xi32> to vector<256x4096xi32>
    %eq3A_121 = arith.cmpi eq, %iota3A, %eq3A_120 : vector<256x4096xi32>
    %jit3A_122 = arith.constant 0xFF800000 : f32
    %broadcast_in_dim3A_123 = vector.broadcast %jit3A_122 : f32 to vector<256x4096xf32>
    %select_n3A_124 = arith.select %eq3A_121, %broadcast_in_dim3A_123, %select_n3A_108 : vector<256x4096xi1>, vector<256x4096xf32>
    %reduce_max3A_125 = arith.constant dense<0xFF800000> : vector<256xf32>
    %reduce_max3A_126 = vector.multi_reduction <maximumf>, %select_n3A_124, %reduce_max3A_125 [1] : vector<256x4096xf32> to vector<256xf32>
    %broadcast_in_dim3A_127 = vector.shape_cast %reduce_max3A_126 : vector<256xf32> to vector<256x1xf32>
    %ge3A_128 = vector.broadcast %broadcast_in_dim3A_127 : vector<256x1xf32> to vector<256x4096xf32>
    %ge3A_129 = arith.cmpf oge, %select_n3A_124, %ge3A_128 : vector<256x4096xf32>
    %jit3A_130 = arith.constant 4096 : i32
    %broadcast_in_dim3A_131 = vector.broadcast %jit3A_130 : i32 to vector<256x4096xi32>
    %select_n3A_132 = arith.select %ge3A_129, %iota3A, %broadcast_in_dim3A_131 : vector<256x4096xi1>, vector<256x4096xi32>
    %reduce_min3A_133 = arith.constant dense<2147483647> : vector<256xi32>
    %reduce_min3A_134 = vector.multi_reduction <minsi>, %select_n3A_132, %reduce_min3A_133 [1] : vector<256x4096xi32> to vector<256xi32>
    %broadcast_in_dim3A_135 = vector.shape_cast %reduce_min3A_134 : vector<256xi32> to vector<256x1xi32>
    %eq3A_136 = vector.broadcast %broadcast_in_dim3A_135 : vector<256x1xi32> to vector<256x4096xi32>
    %eq3A_137 = arith.cmpi eq, %iota3A, %eq3A_136 : vector<256x4096xi32>
    %jit3A_138 = arith.constant 0xFF800000 : f32
    %broadcast_in_dim3A_139 = vector.broadcast %jit3A_138 : f32 to vector<256x4096xf32>
    %select_n3A_140 = arith.select %eq3A_137, %broadcast_in_dim3A_139, %select_n3A_124 : vector<256x4096xi1>, vector<256x4096xf32>
    %reduce_max3A_141 = arith.constant dense<0xFF800000> : vector<256xf32>
    %reduce_max3A_142 = vector.multi_reduction <maximumf>, %select_n3A_140, %reduce_max3A_141 [1] : vector<256x4096xf32> to vector<256xf32>
    %broadcast_in_dim3A_143 = vector.shape_cast %reduce_max3A_142 : vector<256xf32> to vector<256x1xf32>
    %ge3A_144 = vector.broadcast %broadcast_in_dim3A_143 : vector<256x1xf32> to vector<256x4096xf32>
    %ge3A_145 = arith.cmpf oge, %select_n3A_140, %ge3A_144 : vector<256x4096xf32>
    %jit3A_146 = arith.constant 4096 : i32
    %broadcast_in_dim3A_147 = vector.broadcast %jit3A_146 : i32 to vector<256x4096xi32>
    %select_n3A_148 = arith.select %ge3A_145, %iota3A, %broadcast_in_dim3A_147 : vector<256x4096xi1>, vector<256x4096xi32>
    %reduce_min3A_149 = arith.constant dense<2147483647> : vector<256xi32>
    %reduce_min3A_150 = vector.multi_reduction <minsi>, %select_n3A_148, %reduce_min3A_149 [1] : vector<256x4096xi32> to vector<256xi32>
    %broadcast_in_dim3A_151 = vector.shape_cast %reduce_min3A_150 : vector<256xi32> to vector<256x1xi32>
    %eq3A_152 = vector.broadcast %broadcast_in_dim3A_151 : vector<256x1xi32> to vector<256x4096xi32>
    %eq3A_153 = arith.cmpi eq, %iota3A, %eq3A_152 : vector<256x4096xi32>
    %jit3A_154 = arith.constant 0xFF800000 : f32
    %broadcast_in_dim3A_155 = vector.broadcast %jit3A_154 : f32 to vector<256x4096xf32>
    %select_n3A_156 = arith.select %eq3A_153, %broadcast_in_dim3A_155, %select_n3A_140 : vector<256x4096xi1>, vector<256x4096xf32>
    %reduce_max3A_157 = arith.constant dense<0xFF800000> : vector<256xf32>
    %reduce_max3A_158 = vector.multi_reduction <maximumf>, %select_n3A_156, %reduce_max3A_157 [1] : vector<256x4096xf32> to vector<256xf32>
    %broadcast_in_dim3A_159 = vector.shape_cast %reduce_max3A_158 : vector<256xf32> to vector<256x1xf32>
    %ge3A_160 = vector.broadcast %broadcast_in_dim3A_159 : vector<256x1xf32> to vector<256x4096xf32>
    %ge3A_161 = arith.cmpf oge, %select_n3A_156, %ge3A_160 : vector<256x4096xf32>
    %jit3A_162 = arith.constant 4096 : i32
    %broadcast_in_dim3A_163 = vector.broadcast %jit3A_162 : i32 to vector<256x4096xi32>
    %select_n3A_164 = arith.select %ge3A_161, %iota3A, %broadcast_in_dim3A_163 : vector<256x4096xi1>, vector<256x4096xi32>
    %reduce_min3A_165 = arith.constant dense<2147483647> : vector<256xi32>
    %reduce_min3A_166 = vector.multi_reduction <minsi>, %select_n3A_164, %reduce_min3A_165 [1] : vector<256x4096xi32> to vector<256xi32>
    %broadcast_in_dim3A_167 = vector.shape_cast %reduce_min3A_166 : vector<256xi32> to vector<256x1xi32>
    %eq3A_168 = vector.broadcast %broadcast_in_dim3A_167 : vector<256x1xi32> to vector<256x4096xi32>
    %eq3A_169 = arith.cmpi eq, %iota3A, %eq3A_168 : vector<256x4096xi32>
    %jit3A_170 = arith.constant 0xFF800000 : f32
    %broadcast_in_dim3A_171 = vector.broadcast %jit3A_170 : f32 to vector<256x4096xf32>
    %select_n3A_172 = arith.select %eq3A_169, %broadcast_in_dim3A_171, %select_n3A_156 : vector<256x4096xi1>, vector<256x4096xf32>
    %reduce_max3A_173 = arith.constant dense<0xFF800000> : vector<256xf32>
    %reduce_max3A_174 = vector.multi_reduction <maximumf>, %select_n3A_172, %reduce_max3A_173 [1] : vector<256x4096xf32> to vector<256xf32>
    %broadcast_in_dim3A_175 = vector.shape_cast %reduce_max3A_174 : vector<256xf32> to vector<256x1xf32>
    %ge3A_176 = vector.broadcast %broadcast_in_dim3A_175 : vector<256x1xf32> to vector<256x4096xf32>
    %ge3A_177 = arith.cmpf oge, %select_n3A_172, %ge3A_176 : vector<256x4096xf32>
    %jit3A_178 = arith.constant 4096 : i32
    %broadcast_in_dim3A_179 = vector.broadcast %jit3A_178 : i32 to vector<256x4096xi32>
    %select_n3A_180 = arith.select %ge3A_177, %iota3A, %broadcast_in_dim3A_179 : vector<256x4096xi1>, vector<256x4096xi32>
    %reduce_min3A_181 = arith.constant dense<2147483647> : vector<256xi32>
    %reduce_min3A_182 = vector.multi_reduction <minsi>, %select_n3A_180, %reduce_min3A_181 [1] : vector<256x4096xi32> to vector<256xi32>
    %broadcast_in_dim3A_183 = vector.shape_cast %reduce_min3A_182 : vector<256xi32> to vector<256x1xi32>
    %eq3A_184 = vector.broadcast %broadcast_in_dim3A_183 : vector<256x1xi32> to vector<256x4096xi32>
    %eq3A_185 = arith.cmpi eq, %iota3A, %eq3A_184 : vector<256x4096xi32>
    %jit3A_186 = arith.constant 0xFF800000 : f32
    %broadcast_in_dim3A_187 = vector.broadcast %jit3A_186 : f32 to vector<256x4096xf32>
    %select_n3A_188 = arith.select %eq3A_185, %broadcast_in_dim3A_187, %select_n3A_172 : vector<256x4096xi1>, vector<256x4096xf32>
    %reduce_max3A_189 = arith.constant dense<0xFF800000> : vector<256xf32>
    %reduce_max3A_190 = vector.multi_reduction <maximumf>, %select_n3A_188, %reduce_max3A_189 [1] : vector<256x4096xf32> to vector<256xf32>
    %broadcast_in_dim3A_191 = vector.shape_cast %reduce_max3A_190 : vector<256xf32> to vector<256x1xf32>
    %ge3A_192 = vector.broadcast %broadcast_in_dim3A_191 : vector<256x1xf32> to vector<256x4096xf32>
    %ge3A_193 = arith.cmpf oge, %select_n3A_188, %ge3A_192 : vector<256x4096xf32>
    %jit3A_194 = arith.constant 4096 : i32
    %broadcast_in_dim3A_195 = vector.broadcast %jit3A_194 : i32 to vector<256x4096xi32>
    %select_n3A_196 = arith.select %ge3A_193, %iota3A, %broadcast_in_dim3A_195 : vector<256x4096xi1>, vector<256x4096xi32>
    %reduce_min3A_197 = arith.constant dense<2147483647> : vector<256xi32>
    %reduce_min3A_198 = vector.multi_reduction <minsi>, %select_n3A_196, %reduce_min3A_197 [1] : vector<256x4096xi32> to vector<256xi32>
    %broadcast_in_dim3A_199 = vector.shape_cast %reduce_min3A_198 : vector<256xi32> to vector<256x1xi32>
    %eq3A_200 = vector.broadcast %broadcast_in_dim3A_199 : vector<256x1xi32> to vector<256x4096xi32>
    %eq3A_201 = arith.cmpi eq, %iota3A, %eq3A_200 : vector<256x4096xi32>
    %jit3A_202 = arith.constant 0xFF800000 : f32
    %broadcast_in_dim3A_203 = vector.broadcast %jit3A_202 : f32 to vector<256x4096xf32>
    %select_n3A_204 = arith.select %eq3A_201, %broadcast_in_dim3A_203, %select_n3A_188 : vector<256x4096xi1>, vector<256x4096xf32>
    %reduce_max3A_205 = arith.constant dense<0xFF800000> : vector<256xf32>
    %reduce_max3A_206 = vector.multi_reduction <maximumf>, %select_n3A_204, %reduce_max3A_205 [1] : vector<256x4096xf32> to vector<256xf32>
    %broadcast_in_dim3A_207 = vector.shape_cast %reduce_max3A_206 : vector<256xf32> to vector<256x1xf32>
    %ge3A_208 = vector.broadcast %broadcast_in_dim3A_207 : vector<256x1xf32> to vector<256x4096xf32>
    %ge3A_209 = arith.cmpf oge, %select_n3A_204, %ge3A_208 : vector<256x4096xf32>
    %jit3A_210 = arith.constant 4096 : i32
    %broadcast_in_dim3A_211 = vector.broadcast %jit3A_210 : i32 to vector<256x4096xi32>
    %select_n3A_212 = arith.select %ge3A_209, %iota3A, %broadcast_in_dim3A_211 : vector<256x4096xi1>, vector<256x4096xi32>
    %reduce_min3A_213 = arith.constant dense<2147483647> : vector<256xi32>
    %reduce_min3A_214 = vector.multi_reduction <minsi>, %select_n3A_212, %reduce_min3A_213 [1] : vector<256x4096xi32> to vector<256xi32>
    %broadcast_in_dim3A_215 = vector.shape_cast %reduce_min3A_214 : vector<256xi32> to vector<256x1xi32>
    %eq3A_216 = vector.broadcast %broadcast_in_dim3A_215 : vector<256x1xi32> to vector<256x4096xi32>
    %eq3A_217 = arith.cmpi eq, %iota3A, %eq3A_216 : vector<256x4096xi32>
    %jit3A_218 = arith.constant 0xFF800000 : f32
    %broadcast_in_dim3A_219 = vector.broadcast %jit3A_218 : f32 to vector<256x4096xf32>
    %select_n3A_220 = arith.select %eq3A_217, %broadcast_in_dim3A_219, %select_n3A_204 : vector<256x4096xi1>, vector<256x4096xf32>
    %reduce_max3A_221 = arith.constant dense<0xFF800000> : vector<256xf32>
    %reduce_max3A_222 = vector.multi_reduction <maximumf>, %select_n3A_220, %reduce_max3A_221 [1] : vector<256x4096xf32> to vector<256xf32>
    %broadcast_in_dim3A_223 = vector.shape_cast %reduce_max3A_222 : vector<256xf32> to vector<256x1xf32>
    %ge3A_224 = vector.broadcast %broadcast_in_dim3A_223 : vector<256x1xf32> to vector<256x4096xf32>
    %ge3A_225 = arith.cmpf oge, %select_n3A_220, %ge3A_224 : vector<256x4096xf32>
    %jit3A_226 = arith.constant 4096 : i32
    %broadcast_in_dim3A_227 = vector.broadcast %jit3A_226 : i32 to vector<256x4096xi32>
    %select_n3A_228 = arith.select %ge3A_225, %iota3A, %broadcast_in_dim3A_227 : vector<256x4096xi1>, vector<256x4096xi32>
    %reduce_min3A_229 = arith.constant dense<2147483647> : vector<256xi32>
    %reduce_min3A_230 = vector.multi_reduction <minsi>, %select_n3A_228, %reduce_min3A_229 [1] : vector<256x4096xi32> to vector<256xi32>
    %broadcast_in_dim3A_231 = vector.shape_cast %reduce_min3A_230 : vector<256xi32> to vector<256x1xi32>
    %eq3A_232 = vector.broadcast %broadcast_in_dim3A_231 : vector<256x1xi32> to vector<256x4096xi32>
    %eq3A_233 = arith.cmpi eq, %iota3A, %eq3A_232 : vector<256x4096xi32>
    %jit3A_234 = arith.constant 0xFF800000 : f32
    %broadcast_in_dim3A_235 = vector.broadcast %jit3A_234 : f32 to vector<256x4096xf32>
    %select_n3A_236 = arith.select %eq3A_233, %broadcast_in_dim3A_235, %select_n3A_220 : vector<256x4096xi1>, vector<256x4096xf32>
    %reduce_max3A_237 = arith.constant dense<0xFF800000> : vector<256xf32>
    %reduce_max3A_238 = vector.multi_reduction <maximumf>, %select_n3A_236, %reduce_max3A_237 [1] : vector<256x4096xf32> to vector<256xf32>
    %broadcast_in_dim3A_239 = vector.shape_cast %reduce_max3A_238 : vector<256xf32> to vector<256x1xf32>
    %ge3A_240 = vector.broadcast %broadcast_in_dim3A_239 : vector<256x1xf32> to vector<256x4096xf32>
    %ge3A_241 = arith.cmpf oge, %select_n3A_236, %ge3A_240 : vector<256x4096xf32>
    %jit3A_242 = arith.constant 4096 : i32
    %broadcast_in_dim3A_243 = vector.broadcast %jit3A_242 : i32 to vector<256x4096xi32>
    %select_n3A_244 = arith.select %ge3A_241, %iota3A, %broadcast_in_dim3A_243 : vector<256x4096xi1>, vector<256x4096xi32>
    %reduce_min3A_245 = arith.constant dense<2147483647> : vector<256xi32>
    %reduce_min3A_246 = vector.multi_reduction <minsi>, %select_n3A_244, %reduce_min3A_245 [1] : vector<256x4096xi32> to vector<256xi32>
    %broadcast_in_dim3A_247 = vector.shape_cast %reduce_min3A_246 : vector<256xi32> to vector<256x1xi32>
    %concatenate3A = tpu.concatenate %broadcast_in_dim3A_8, %broadcast_in_dim3A_23, %broadcast_in_dim3A_39, %broadcast_in_dim3A_55, %broadcast_in_dim3A_71, %broadcast_in_dim3A_87, %broadcast_in_dim3A_103, %broadcast_in_dim3A_119, %broadcast_in_dim3A_135, %broadcast_in_dim3A_151, %broadcast_in_dim3A_167, %broadcast_in_dim3A_183, %broadcast_in_dim3A_199, %broadcast_in_dim3A_215, %broadcast_in_dim3A_231, %broadcast_in_dim3A_247 in 1 : vector<256x1xi32>, vector<256x1xi32>, vector<256x1xi32>, vector<256x1xi32>, vector<256x1xi32>, vector<256x1xi32>, vector<256x1xi32>, vector<256x1xi32>, vector<256x1xi32>, vector<256x1xi32>, vector<256x1xi32>, vector<256x1xi32>, vector<256x1xi32>, vector<256x1xi32>, vector<256x1xi32>, vector<256x1xi32> -> vector<256x16xi32>
    %swap3A = arith.constant 0 : index
    %swap3A_248 = arith.constant 0 : index
    %swap3A_249 = arith.constant 0 : index
    %swap3A_250 = vector.load %arg3[%swap3A, %swap3A_248, %swap3A_249] : memref<1x256x16xi32, #tpu.memory_space<vmem>>, vector<1x256x16xi32>
    %swap3A_251 = vector.shape_cast %swap3A_250 : vector<1x256x16xi32> to vector<256x16xi32>
    %swap3A_252 = vector.shape_cast %concatenate3A : vector<256x16xi32> to vector<1x256x16xi32>
    tpu.vector_store %arg3[%swap3A, %swap3A_248, %swap3A_249], %swap3A_252 {strides = array<i32>} : memref<1x256x16xi32, #tpu.memory_space<vmem>>, vector<1x256x16xi32>,
    return
  }
  func.func @transform_0(%arg0: i32, %arg1: i32) -> (i32, i32, i32) {
    %c0_i32 = arith.constant 0 : i32
    %c0_i32_0 = arith.constant 0 : i32
    return %arg0, %arg1, %c0_i32 : i32, i32, i32
  }
  func.func @transform_1(%arg0: i32, %arg1: i32) -> (i32, i32, i32) {
    %c0_i32 = arith.constant 0 : i32
    %c0_i32_0 = arith.constant 0 : i32
    return %arg0, %arg1, %c0_i32 : i32, i32, i32
  }
}

module attributes {stable_mosaic.version = 14 : i64} {
  func.func @body(%arg0: i32, %arg1: memref<1x3x8x512xf32, #tpu.memory_space<vmem>>, %arg2: memref<1x1x1024xi32, #tpu.memory_space<vmem>>) attributes {dimension_semantics = [#tpu.dimension_semantics<arbitrary>], iteration_bounds = array<i64: 2>, scalar_prefetch = 0 : i64, scratch_operands = 0 : i64, tpu.core_type = #tpu.core_type<tc>, window_params = [{transform_indices = @transform_0, window_bounds = array<i64: 1, 3, 8, 512>}, {transform_indices = @transform_1, window_bounds = array<i64: 1, 1, 1024>}]} {
    %get3A = arith.constant 0 : index
    %get3A_0 = arith.constant 0 : index
    %get3A_1 = arith.constant 0 : index
    %get3A_2 = arith.constant 0 : index
    %get3A_3 = vector.load %arg1[%get3A, %get3A_0, %get3A_1, %get3A_2] : memref<1x3x8x512xf32, #tpu.memory_space<vmem>>, vector<1x1x8x512xf32>
    %get3A_4 = vector.shape_cast %get3A_3 : vector<1x1x8x512xf32> to vector<8x512xf32>
    %get3A_5 = arith.constant 0 : index
    %get3A_6 = arith.constant 1 : index
    %get3A_7 = arith.constant 0 : index
    %get3A_8 = arith.constant 0 : index
    %get3A_9 = vector.load %arg1[%get3A_5, %get3A_6, %get3A_7, %get3A_8] : memref<1x3x8x512xf32, #tpu.memory_space<vmem>>, vector<1x1x8x512xf32>
    %get3A_10 = vector.shape_cast %get3A_9 : vector<1x1x8x512xf32> to vector<8x512xf32>
    %get3A_11 = arith.constant 0 : index
    %get3A_12 = arith.constant 2 : index
    %get3A_13 = arith.constant 0 : index
    %get3A_14 = arith.constant 0 : index
    %get3A_15 = vector.load %arg1[%get3A_11, %get3A_12, %get3A_13, %get3A_14] : memref<1x3x8x512xf32, #tpu.memory_space<vmem>>, vector<1x1x8x512xf32>
    %get3A_16 = vector.shape_cast %get3A_15 : vector<1x1x8x512xf32> to vector<8x512xf32>
    %iota3A = tpu.iota {dimensions = array<i32: 0>} : vector<8x512xi32>
    %mul3A = arith.constant 512 : i32
    %mul3A_17 = vector.broadcast %mul3A : i32 to vector<8x512xi32>
    %mul3A_18 = arith.muli %iota3A, %mul3A_17 : vector<8x512xi32>
    %iota3A_19 = tpu.iota {dimensions = array<i32: 1>} : vector<8x512xi32>
    %add3A = arith.addi %mul3A_18, %iota3A_19 : vector<8x512xi32>
    %iota3A_20 = tpu.iota {dimensions = array<i32: 1>} : vector<1x1024xi32>
    %get3A_21 = arith.constant 0 : index
    %get3A_22 = arith.constant 0 : index
    %get3A_23 = arith.constant 0 : index
    %get3A_24 = arith.constant 0 : index
    %get3A_25 = vector.load %arg1[%get3A_21, %get3A_22, %get3A_23, %get3A_24] : memref<1x3x8x512xf32, #tpu.memory_space<vmem>>, vector<1x1x1x1xf32>
    %get3A_26 = vector.extract %get3A_25[0, 0, 0, 0] : f32 from vector<1x1x1x1xf32>
    %get3A_27 = arith.constant 0 : index
    %get3A_28 = arith.constant 1 : index
    %get3A_29 = arith.constant 0 : index
    %get3A_30 = arith.constant 0 : index
    %get3A_31 = vector.load %arg1[%get3A_27, %get3A_28, %get3A_29, %get3A_30] : memref<1x3x8x512xf32, #tpu.memory_space<vmem>>, vector<1x1x1x1xf32>
    %get3A_32 = vector.extract %get3A_31[0, 0, 0, 0] : f32 from vector<1x1x1x1xf32>
    %get3A_33 = arith.constant 0 : index
    %get3A_34 = arith.constant 2 : index
    %get3A_35 = arith.constant 0 : index
    %get3A_36 = arith.constant 0 : index
    %get3A_37 = vector.load %arg1[%get3A_33, %get3A_34, %get3A_35, %get3A_36] : memref<1x3x8x512xf32, #tpu.memory_space<vmem>>, vector<1x1x1x1xf32>
    %get3A_38 = vector.extract %get3A_37[0, 0, 0, 0] : f32 from vector<1x1x1x1xf32>
    %broadcast_in_dim3A = arith.constant 1.000000e+10 : f32
    %broadcast_in_dim3A_39 = vector.broadcast %broadcast_in_dim3A : f32 to vector<8x512xf32>
    %broadcast_in_dim3A_40 = arith.constant 0 : i32
    %broadcast_in_dim3A_41 = vector.broadcast %broadcast_in_dim3A_40 : i32 to vector<1x1024xi32>
    %scan3A = arith.constant 1 : i32
    %scan3A_42 = arith.constant 1023 : i32
    %scan3A_43 = arith.addi %scan3A, %scan3A_42 : i32
    %scan3A_44 = arith.constant 1 : i32
    %scan3A_45:5 = scf.for %scan3A_52 = %scan3A to %scan3A_43 step %scan3A_44 iter_args(%scan3A_53 = %broadcast_in_dim3A_39, %scan3A_54 = %broadcast_in_dim3A_41, %scan3A_55 = %get3A_26, %scan3A_56 = %get3A_32, %scan3A_57 = %get3A_38) -> (vector<8x512xf32>, vector<1x1024xi32>, f32, f32, f32)  : i32 {
      %sub3A = vector.broadcast %scan3A_55 : f32 to vector<8x512xf32>
      %sub3A_58 = arith.subf %get3A_4, %sub3A : vector<8x512xf32>
      %integer_pow3A = arith.mulf %sub3A_58, %sub3A_58 : vector<8x512xf32>
      %sub3A_59 = vector.broadcast %scan3A_56 : f32 to vector<8x512xf32>
      %sub3A_60 = arith.subf %get3A_10, %sub3A_59 : vector<8x512xf32>
      %integer_pow3A_61 = arith.mulf %sub3A_60, %sub3A_60 : vector<8x512xf32>
      %add3A_62 = arith.addf %integer_pow3A, %integer_pow3A_61 : vector<8x512xf32>
      %sub3A_63 = vector.broadcast %scan3A_57 : f32 to vector<8x512xf32>
      %sub3A_64 = arith.subf %get3A_16, %sub3A_63 : vector<8x512xf32>
      %integer_pow3A_65 = arith.mulf %sub3A_64, %sub3A_64 : vector<8x512xf32>
      %add3A_66 = arith.addf %add3A_62, %integer_pow3A_65 : vector<8x512xf32>
      %min3A = arith.minimumf %scan3A_53, %add3A_66 : vector<8x512xf32>
      %reduce_max3A = vector.shape_cast %min3A : vector<8x512xf32> to vector<1x8x512xf32>
      %reduce_max3A_67 = arith.constant dense<0xFF800000> : vector<1xf32>
      %reduce_max3A_68 = vector.multi_reduction <maximumf>, %reduce_max3A, %reduce_max3A_67 [1, 2] : vector<1x8x512xf32> to vector<1xf32>
      %reduce_max3A_69 = vector.shape_cast %reduce_max3A_68 : vector<1xf32> to vector<1x1x1xf32>
      %reduce_max3A_70 = vector.extract %reduce_max3A_69[0, 0, 0] : f32 from vector<1x1x1xf32>
      %ge3A = vector.broadcast %reduce_max3A_70 : f32 to vector<8x512xf32>
      %ge3A_71 = arith.cmpf oge, %min3A, %ge3A : vector<8x512xf32>
      %jit3A = arith.constant 4096 : i32
      %broadcast_in_dim3A_72 = vector.broadcast %jit3A : i32 to vector<8x512xi32>
      %select_n3A = arith.select %ge3A_71, %add3A, %broadcast_in_dim3A_72 : vector<8x512xi1>, vector<8x512xi32>
      %reduce_min3A = vector.shape_cast %select_n3A : vector<8x512xi32> to vector<1x8x512xi32>
      %reduce_min3A_73 = arith.constant dense<2147483647> : vector<1xi32>
      %reduce_min3A_74 = vector.multi_reduction <minsi>, %reduce_min3A, %reduce_min3A_73 [1, 2] : vector<1x8x512xi32> to vector<1xi32>
      %reduce_min3A_75 = vector.shape_cast %reduce_min3A_74 : vector<1xi32> to vector<1x1x1xi32>
      %reduce_min3A_76 = vector.extract %reduce_min3A_75[0, 0, 0] : i32 from vector<1x1x1xi32>
      %eq3A = vector.broadcast %scan3A_52 : i32 to vector<1x1024xi32>
      %eq3A_77 = arith.cmpi eq, %iota3A_20, %eq3A : vector<1x1024xi32>
      %broadcast_in_dim3A_78 = vector.broadcast %reduce_min3A_76 : i32 to vector<1x1024xi32>
      %select_n3A_79 = arith.select %eq3A_77, %broadcast_in_dim3A_78, %scan3A_54 : vector<1x1024xi1>, vector<1x1024xi32>
      %eq3A_80 = vector.broadcast %reduce_min3A_76 : i32 to vector<8x512xi32>
      %eq3A_81 = arith.cmpi eq, %add3A, %eq3A_80 : vector<8x512xi32>
      %jit3A_82 = arith.constant 0.000000e+00 : f32
      %broadcast_in_dim3A_83 = vector.broadcast %jit3A_82 : f32 to vector<8x512xf32>
      %select_n3A_84 = arith.select %eq3A_81, %get3A_4, %broadcast_in_dim3A_83 : vector<8x512xi1>, vector<8x512xf32>
      %reduce_sum3A = vector.shape_cast %select_n3A_84 : vector<8x512xf32> to vector<1x8x512xf32>
      %reduce_sum3A_85 = arith.constant dense<0.000000e+00> : vector<1xf32>
      %reduce_sum3A_86 = vector.multi_reduction <add>, %reduce_sum3A, %reduce_sum3A_85 [1, 2] : vector<1x8x512xf32> to vector<1xf32>
      %reduce_sum3A_87 = vector.shape_cast %reduce_sum3A_86 : vector<1xf32> to vector<1x1x1xf32>
      %reduce_sum3A_88 = vector.extract %reduce_sum3A_87[0, 0, 0] : f32 from vector<1x1x1xf32>
      %jit3A_89 = arith.constant 0.000000e+00 : f32
      %broadcast_in_dim3A_90 = vector.broadcast %jit3A_89 : f32 to vector<8x512xf32>
      %select_n3A_91 = arith.select %eq3A_81, %get3A_10, %broadcast_in_dim3A_90 : vector<8x512xi1>, vector<8x512xf32>
      %reduce_sum3A_92 = vector.shape_cast %select_n3A_91 : vector<8x512xf32> to vector<1x8x512xf32>
      %reduce_sum3A_93 = arith.constant dense<0.000000e+00> : vector<1xf32>
      %reduce_sum3A_94 = vector.multi_reduction <add>, %reduce_sum3A_92, %reduce_sum3A_93 [1, 2] : vector<1x8x512xf32> to vector<1xf32>
      %reduce_sum3A_95 = vector.shape_cast %reduce_sum3A_94 : vector<1xf32> to vector<1x1x1xf32>
      %reduce_sum3A_96 = vector.extract %reduce_sum3A_95[0, 0, 0] : f32 from vector<1x1x1xf32>
      %jit3A_97 = arith.constant 0.000000e+00 : f32
      %broadcast_in_dim3A_98 = vector.broadcast %jit3A_97 : f32 to vector<8x512xf32>
      %select_n3A_99 = arith.select %eq3A_81, %get3A_16, %broadcast_in_dim3A_98 : vector<8x512xi1>, vector<8x512xf32>
      %reduce_sum3A_100 = vector.shape_cast %select_n3A_99 : vector<8x512xf32> to vector<1x8x512xf32>
      %reduce_sum3A_101 = arith.constant dense<0.000000e+00> : vector<1xf32>
      %reduce_sum3A_102 = vector.multi_reduction <add>, %reduce_sum3A_100, %reduce_sum3A_101 [1, 2] : vector<1x8x512xf32> to vector<1xf32>
      %reduce_sum3A_103 = vector.shape_cast %reduce_sum3A_102 : vector<1xf32> to vector<1x1x1xf32>
      %reduce_sum3A_104 = vector.extract %reduce_sum3A_103[0, 0, 0] : f32 from vector<1x1x1xf32>
      scf.yield %min3A, %select_n3A_79, %reduce_sum3A_88, %reduce_sum3A_96, %reduce_sum3A_104 : vector<8x512xf32>, vector<1x1024xi32>, f32, f32, f32
    }
    %scan3A_46 = arith.constant 1023 : i32
    %swap3A = arith.constant 0 : index
    %swap3A_47 = arith.constant 0 : index
    %swap3A_48 = arith.constant 0 : index
    %swap3A_49 = vector.load %arg2[%swap3A, %swap3A_47, %swap3A_48] : memref<1x1x1024xi32, #tpu.memory_space<vmem>>, vector<1x1x1024xi32>
    %swap3A_50 = vector.shape_cast %swap3A_49 : vector<1x1x1024xi32> to vector<1x1024xi32>
    %swap3A_51 = vector.shape_cast %scan3A_45#1 : vector<1x1024xi32> to vector<1x1x1024xi32>
    tpu.vector_store %arg2[%swap3A, %swap3A_47, %swap3A_48], %swap3A_51 {strides = array<i32>} : memref<1x1x1024xi32, #tpu.memory_space<vmem>>, vector<1x1x1024xi32>,
    return
  }
  func.func @transform_0(%arg0: i32) -> (i32, i32, i32, i32) {
    %c0_i32 = arith.constant 0 : i32
    %c0_i32_0 = arith.constant 0 : i32
    %c0_i32_1 = arith.constant 0 : i32
    %c0_i32_2 = arith.constant 0 : i32
    return %arg0, %c0_i32, %c0_i32_0, %c0_i32_1 : i32, i32, i32, i32
  }
  func.func @transform_1(%arg0: i32) -> (i32, i32, i32) {
    %c0_i32 = arith.constant 0 : i32
    %c0_i32_0 = arith.constant 0 : i32
    %c0_i32_1 = arith.constant 0 : i32
    return %arg0, %c0_i32, %c0_i32_0 : i32, i32, i32
  }
}

module attributes {stable_mosaic.version = 14 : i64} {
  func.func @body(%arg0: i32, %arg1: memref<1x3x8x128xf32, #tpu.memory_space<vmem>>, %arg2: memref<1x1x256xi32, #tpu.memory_space<vmem>>) attributes {dimension_semantics = [#tpu.dimension_semantics<arbitrary>], iteration_bounds = array<i64: 2>, scalar_prefetch = 0 : i64, scratch_operands = 0 : i64, tpu.core_type = #tpu.core_type<tc>, window_params = [{transform_indices = @transform_0, window_bounds = array<i64: 1, 3, 8, 128>}, {transform_indices = @transform_1, window_bounds = array<i64: 1, 1, 256>}]} {
    %get3A = arith.constant 0 : index
    %get3A_0 = arith.constant 0 : index
    %get3A_1 = arith.constant 0 : index
    %get3A_2 = arith.constant 0 : index
    %get3A_3 = vector.load %arg1[%get3A, %get3A_0, %get3A_1, %get3A_2] : memref<1x3x8x128xf32, #tpu.memory_space<vmem>>, vector<1x1x8x128xf32>
    %get3A_4 = vector.shape_cast %get3A_3 : vector<1x1x8x128xf32> to vector<8x128xf32>
    %get3A_5 = arith.constant 0 : index
    %get3A_6 = arith.constant 1 : index
    %get3A_7 = arith.constant 0 : index
    %get3A_8 = arith.constant 0 : index
    %get3A_9 = vector.load %arg1[%get3A_5, %get3A_6, %get3A_7, %get3A_8] : memref<1x3x8x128xf32, #tpu.memory_space<vmem>>, vector<1x1x8x128xf32>
    %get3A_10 = vector.shape_cast %get3A_9 : vector<1x1x8x128xf32> to vector<8x128xf32>
    %get3A_11 = arith.constant 0 : index
    %get3A_12 = arith.constant 2 : index
    %get3A_13 = arith.constant 0 : index
    %get3A_14 = arith.constant 0 : index
    %get3A_15 = vector.load %arg1[%get3A_11, %get3A_12, %get3A_13, %get3A_14] : memref<1x3x8x128xf32, #tpu.memory_space<vmem>>, vector<1x1x8x128xf32>
    %get3A_16 = vector.shape_cast %get3A_15 : vector<1x1x8x128xf32> to vector<8x128xf32>
    %iota3A = tpu.iota {dimensions = array<i32: 0>} : vector<8x128xi32>
    %mul3A = arith.constant 128 : i32
    %mul3A_17 = vector.broadcast %mul3A : i32 to vector<8x128xi32>
    %mul3A_18 = arith.muli %iota3A, %mul3A_17 : vector<8x128xi32>
    %iota3A_19 = tpu.iota {dimensions = array<i32: 1>} : vector<8x128xi32>
    %add3A = arith.addi %mul3A_18, %iota3A_19 : vector<8x128xi32>
    %iota3A_20 = tpu.iota {dimensions = array<i32: 1>} : vector<1x256xi32>
    %get3A_21 = arith.constant 0 : index
    %get3A_22 = arith.constant 0 : index
    %get3A_23 = arith.constant 0 : index
    %get3A_24 = arith.constant 0 : index
    %get3A_25 = vector.load %arg1[%get3A_21, %get3A_22, %get3A_23, %get3A_24] : memref<1x3x8x128xf32, #tpu.memory_space<vmem>>, vector<1x1x1x1xf32>
    %get3A_26 = vector.extract %get3A_25[0, 0, 0, 0] : f32 from vector<1x1x1x1xf32>
    %get3A_27 = arith.constant 0 : index
    %get3A_28 = arith.constant 1 : index
    %get3A_29 = arith.constant 0 : index
    %get3A_30 = arith.constant 0 : index
    %get3A_31 = vector.load %arg1[%get3A_27, %get3A_28, %get3A_29, %get3A_30] : memref<1x3x8x128xf32, #tpu.memory_space<vmem>>, vector<1x1x1x1xf32>
    %get3A_32 = vector.extract %get3A_31[0, 0, 0, 0] : f32 from vector<1x1x1x1xf32>
    %get3A_33 = arith.constant 0 : index
    %get3A_34 = arith.constant 2 : index
    %get3A_35 = arith.constant 0 : index
    %get3A_36 = arith.constant 0 : index
    %get3A_37 = vector.load %arg1[%get3A_33, %get3A_34, %get3A_35, %get3A_36] : memref<1x3x8x128xf32, #tpu.memory_space<vmem>>, vector<1x1x1x1xf32>
    %get3A_38 = vector.extract %get3A_37[0, 0, 0, 0] : f32 from vector<1x1x1x1xf32>
    %broadcast_in_dim3A = arith.constant 1.000000e+10 : f32
    %broadcast_in_dim3A_39 = vector.broadcast %broadcast_in_dim3A : f32 to vector<8x128xf32>
    %broadcast_in_dim3A_40 = arith.constant 0 : i32
    %broadcast_in_dim3A_41 = vector.broadcast %broadcast_in_dim3A_40 : i32 to vector<1x256xi32>
    %scan3A = arith.constant 1 : i32
    %scan3A_42 = arith.constant 255 : i32
    %scan3A_43 = arith.addi %scan3A, %scan3A_42 : i32
    %scan3A_44 = arith.constant 1 : i32
    %scan3A_45:5 = scf.for %scan3A_52 = %scan3A to %scan3A_43 step %scan3A_44 iter_args(%scan3A_53 = %broadcast_in_dim3A_39, %scan3A_54 = %broadcast_in_dim3A_41, %scan3A_55 = %get3A_26, %scan3A_56 = %get3A_32, %scan3A_57 = %get3A_38) -> (vector<8x128xf32>, vector<1x256xi32>, f32, f32, f32)  : i32 {
      %sub3A = vector.broadcast %scan3A_55 : f32 to vector<8x128xf32>
      %sub3A_58 = arith.subf %get3A_4, %sub3A : vector<8x128xf32>
      %integer_pow3A = arith.mulf %sub3A_58, %sub3A_58 : vector<8x128xf32>
      %sub3A_59 = vector.broadcast %scan3A_56 : f32 to vector<8x128xf32>
      %sub3A_60 = arith.subf %get3A_10, %sub3A_59 : vector<8x128xf32>
      %integer_pow3A_61 = arith.mulf %sub3A_60, %sub3A_60 : vector<8x128xf32>
      %add3A_62 = arith.addf %integer_pow3A, %integer_pow3A_61 : vector<8x128xf32>
      %sub3A_63 = vector.broadcast %scan3A_57 : f32 to vector<8x128xf32>
      %sub3A_64 = arith.subf %get3A_16, %sub3A_63 : vector<8x128xf32>
      %integer_pow3A_65 = arith.mulf %sub3A_64, %sub3A_64 : vector<8x128xf32>
      %add3A_66 = arith.addf %add3A_62, %integer_pow3A_65 : vector<8x128xf32>
      %min3A = arith.minimumf %scan3A_53, %add3A_66 : vector<8x128xf32>
      %reduce_max3A = vector.shape_cast %min3A : vector<8x128xf32> to vector<1x8x128xf32>
      %reduce_max3A_67 = arith.constant dense<0xFF800000> : vector<1xf32>
      %reduce_max3A_68 = vector.multi_reduction <maximumf>, %reduce_max3A, %reduce_max3A_67 [1, 2] : vector<1x8x128xf32> to vector<1xf32>
      %reduce_max3A_69 = vector.shape_cast %reduce_max3A_68 : vector<1xf32> to vector<1x1x1xf32>
      %reduce_max3A_70 = vector.extract %reduce_max3A_69[0, 0, 0] : f32 from vector<1x1x1xf32>
      %ge3A = vector.broadcast %reduce_max3A_70 : f32 to vector<8x128xf32>
      %ge3A_71 = arith.cmpf oge, %min3A, %ge3A : vector<8x128xf32>
      %jit3A = arith.constant 1024 : i32
      %broadcast_in_dim3A_72 = vector.broadcast %jit3A : i32 to vector<8x128xi32>
      %select_n3A = arith.select %ge3A_71, %add3A, %broadcast_in_dim3A_72 : vector<8x128xi1>, vector<8x128xi32>
      %reduce_min3A = vector.shape_cast %select_n3A : vector<8x128xi32> to vector<1x8x128xi32>
      %reduce_min3A_73 = arith.constant dense<2147483647> : vector<1xi32>
      %reduce_min3A_74 = vector.multi_reduction <minsi>, %reduce_min3A, %reduce_min3A_73 [1, 2] : vector<1x8x128xi32> to vector<1xi32>
      %reduce_min3A_75 = vector.shape_cast %reduce_min3A_74 : vector<1xi32> to vector<1x1x1xi32>
      %reduce_min3A_76 = vector.extract %reduce_min3A_75[0, 0, 0] : i32 from vector<1x1x1xi32>
      %eq3A = vector.broadcast %scan3A_52 : i32 to vector<1x256xi32>
      %eq3A_77 = arith.cmpi eq, %iota3A_20, %eq3A : vector<1x256xi32>
      %broadcast_in_dim3A_78 = vector.broadcast %reduce_min3A_76 : i32 to vector<1x256xi32>
      %select_n3A_79 = arith.select %eq3A_77, %broadcast_in_dim3A_78, %scan3A_54 : vector<1x256xi1>, vector<1x256xi32>
      %eq3A_80 = vector.broadcast %reduce_min3A_76 : i32 to vector<8x128xi32>
      %eq3A_81 = arith.cmpi eq, %add3A, %eq3A_80 : vector<8x128xi32>
      %jit3A_82 = arith.constant 0.000000e+00 : f32
      %broadcast_in_dim3A_83 = vector.broadcast %jit3A_82 : f32 to vector<8x128xf32>
      %select_n3A_84 = arith.select %eq3A_81, %get3A_4, %broadcast_in_dim3A_83 : vector<8x128xi1>, vector<8x128xf32>
      %reduce_sum3A = vector.shape_cast %select_n3A_84 : vector<8x128xf32> to vector<1x8x128xf32>
      %reduce_sum3A_85 = arith.constant dense<0.000000e+00> : vector<1xf32>
      %reduce_sum3A_86 = vector.multi_reduction <add>, %reduce_sum3A, %reduce_sum3A_85 [1, 2] : vector<1x8x128xf32> to vector<1xf32>
      %reduce_sum3A_87 = vector.shape_cast %reduce_sum3A_86 : vector<1xf32> to vector<1x1x1xf32>
      %reduce_sum3A_88 = vector.extract %reduce_sum3A_87[0, 0, 0] : f32 from vector<1x1x1xf32>
      %jit3A_89 = arith.constant 0.000000e+00 : f32
      %broadcast_in_dim3A_90 = vector.broadcast %jit3A_89 : f32 to vector<8x128xf32>
      %select_n3A_91 = arith.select %eq3A_81, %get3A_10, %broadcast_in_dim3A_90 : vector<8x128xi1>, vector<8x128xf32>
      %reduce_sum3A_92 = vector.shape_cast %select_n3A_91 : vector<8x128xf32> to vector<1x8x128xf32>
      %reduce_sum3A_93 = arith.constant dense<0.000000e+00> : vector<1xf32>
      %reduce_sum3A_94 = vector.multi_reduction <add>, %reduce_sum3A_92, %reduce_sum3A_93 [1, 2] : vector<1x8x128xf32> to vector<1xf32>
      %reduce_sum3A_95 = vector.shape_cast %reduce_sum3A_94 : vector<1xf32> to vector<1x1x1xf32>
      %reduce_sum3A_96 = vector.extract %reduce_sum3A_95[0, 0, 0] : f32 from vector<1x1x1xf32>
      %jit3A_97 = arith.constant 0.000000e+00 : f32
      %broadcast_in_dim3A_98 = vector.broadcast %jit3A_97 : f32 to vector<8x128xf32>
      %select_n3A_99 = arith.select %eq3A_81, %get3A_16, %broadcast_in_dim3A_98 : vector<8x128xi1>, vector<8x128xf32>
      %reduce_sum3A_100 = vector.shape_cast %select_n3A_99 : vector<8x128xf32> to vector<1x8x128xf32>
      %reduce_sum3A_101 = arith.constant dense<0.000000e+00> : vector<1xf32>
      %reduce_sum3A_102 = vector.multi_reduction <add>, %reduce_sum3A_100, %reduce_sum3A_101 [1, 2] : vector<1x8x128xf32> to vector<1xf32>
      %reduce_sum3A_103 = vector.shape_cast %reduce_sum3A_102 : vector<1xf32> to vector<1x1x1xf32>
      %reduce_sum3A_104 = vector.extract %reduce_sum3A_103[0, 0, 0] : f32 from vector<1x1x1xf32>
      scf.yield %min3A, %select_n3A_79, %reduce_sum3A_88, %reduce_sum3A_96, %reduce_sum3A_104 : vector<8x128xf32>, vector<1x256xi32>, f32, f32, f32
    }
    %scan3A_46 = arith.constant 255 : i32
    %swap3A = arith.constant 0 : index
    %swap3A_47 = arith.constant 0 : index
    %swap3A_48 = arith.constant 0 : index
    %swap3A_49 = vector.load %arg2[%swap3A, %swap3A_47, %swap3A_48] : memref<1x1x256xi32, #tpu.memory_space<vmem>>, vector<1x1x256xi32>
    %swap3A_50 = vector.shape_cast %swap3A_49 : vector<1x1x256xi32> to vector<1x256xi32>
    %swap3A_51 = vector.shape_cast %scan3A_45#1 : vector<1x256xi32> to vector<1x1x256xi32>
    tpu.vector_store %arg2[%swap3A, %swap3A_47, %swap3A_48], %swap3A_51 {strides = array<i32>} : memref<1x1x256xi32, #tpu.memory_space<vmem>>, vector<1x1x256xi32>,
    return
  }
  func.func @transform_0(%arg0: i32) -> (i32, i32, i32, i32) {
    %c0_i32 = arith.constant 0 : i32
    %c0_i32_0 = arith.constant 0 : i32
    %c0_i32_1 = arith.constant 0 : i32
    %c0_i32_2 = arith.constant 0 : i32
    return %arg0, %c0_i32, %c0_i32_0, %c0_i32_1 : i32, i32, i32, i32
  }
  func.func @transform_1(%arg0: i32) -> (i32, i32, i32) {
    %c0_i32 = arith.constant 0 : i32
    %c0_i32_0 = arith.constant 0 : i32
    %c0_i32_1 = arith.constant 0 : i32
    return %arg0, %c0_i32, %c0_i32_0 : i32, i32, i32
  }
}

module attributes {stable_mosaic.version = 14 : i64} {
  func.func @body(%arg0: i32, %arg1: i32, %arg2: memref<1x256x1024xf32, #tpu.memory_space<vmem>>, %arg3: memref<1x256x1xi32, #tpu.memory_space<vmem>>) attributes {dimension_semantics = [#tpu.dimension_semantics<parallel>, #tpu.dimension_semantics<parallel>], iteration_bounds = array<i64: 2, 16>, scalar_prefetch = 0 : i64, scratch_operands = 0 : i64, tpu.core_type = #tpu.core_type<tc>, window_params = [{transform_indices = @transform_0, window_bounds = array<i64: 1, 256, 1024>}, {transform_indices = @transform_1, window_bounds = array<i64: 1, 256, 1>}]} {
    %get3A = arith.constant 0 : index
    %get3A_0 = arith.constant 0 : index
    %get3A_1 = arith.constant 0 : index
    %get3A_2 = vector.load %arg2[%get3A, %get3A_0, %get3A_1] : memref<1x256x1024xf32, #tpu.memory_space<vmem>>, vector<1x256x1024xf32>
    %get3A_3 = vector.shape_cast %get3A_2 : vector<1x256x1024xf32> to vector<256x1024xf32>
    %iota3A = tpu.iota {dimensions = array<i32: 1>} : vector<256x1024xi32>
    %reduce_max3A = arith.constant dense<0xFF800000> : vector<256xf32>
    %reduce_max3A_4 = vector.multi_reduction <maximumf>, %get3A_3, %reduce_max3A [1] : vector<256x1024xf32> to vector<256xf32>
    %broadcast_in_dim3A = vector.shape_cast %reduce_max3A_4 : vector<256xf32> to vector<256x1xf32>
    %ge3A = vector.broadcast %broadcast_in_dim3A : vector<256x1xf32> to vector<256x1024xf32>
    %ge3A_5 = arith.cmpf oge, %get3A_3, %ge3A : vector<256x1024xf32>
    %jit3A = arith.constant 1024 : i32
    %broadcast_in_dim3A_6 = vector.broadcast %jit3A : i32 to vector<256x1024xi32>
    %select_n3A = arith.select %ge3A_5, %iota3A, %broadcast_in_dim3A_6 : vector<256x1024xi1>, vector<256x1024xi32>
    %reduce_min3A = arith.constant dense<2147483647> : vector<256xi32>
    %reduce_min3A_7 = vector.multi_reduction <minsi>, %select_n3A, %reduce_min3A [1] : vector<256x1024xi32> to vector<256xi32>
    %broadcast_in_dim3A_8 = vector.shape_cast %reduce_min3A_7 : vector<256xi32> to vector<256x1xi32>
    %swap3A = arith.constant 0 : index
    %swap3A_9 = arith.constant 0 : index
    %swap3A_10 = arith.constant 0 : index
    %swap3A_11 = vector.load %arg3[%swap3A, %swap3A_9, %swap3A_10] : memref<1x256x1xi32, #tpu.memory_space<vmem>>, vector<1x256x1xi32>
    %swap3A_12 = vector.shape_cast %swap3A_11 : vector<1x256x1xi32> to vector<256x1xi32>
    %swap3A_13 = vector.shape_cast %broadcast_in_dim3A_8 : vector<256x1xi32> to vector<1x256x1xi32>
    tpu.vector_store %arg3[%swap3A, %swap3A_9, %swap3A_10], %swap3A_13 {strides = array<i32>} : memref<1x256x1xi32, #tpu.memory_space<vmem>>, vector<1x256x1xi32>,
    return
  }
  func.func @transform_0(%arg0: i32, %arg1: i32) -> (i32, i32, i32) {
    %c0_i32 = arith.constant 0 : i32
    %c0_i32_0 = arith.constant 0 : i32
    return %arg0, %arg1, %c0_i32 : i32, i32, i32
  }
  func.func @transform_1(%arg0: i32, %arg1: i32) -> (i32, i32, i32) {
    %c0_i32 = arith.constant 0 : i32
    %c0_i32_0 = arith.constant 0 : i32
    return %arg0, %arg1, %c0_i32 : i32, i32, i32
  }
}

module attributes {stable_mosaic.version = 14 : i64} {
  func.func @body(%arg0: i32, %arg1: memref<1x3x8x32xf32, #tpu.memory_space<vmem>>, %arg2: memref<1x1x64xi32, #tpu.memory_space<vmem>>) attributes {dimension_semantics = [#tpu.dimension_semantics<arbitrary>], iteration_bounds = array<i64: 2>, scalar_prefetch = 0 : i64, scratch_operands = 0 : i64, tpu.core_type = #tpu.core_type<tc>, window_params = [{transform_indices = @transform_0, window_bounds = array<i64: 1, 3, 8, 32>}, {transform_indices = @transform_1, window_bounds = array<i64: 1, 1, 64>}]} {
    %get3A = arith.constant 0 : index
    %get3A_0 = arith.constant 0 : index
    %get3A_1 = arith.constant 0 : index
    %get3A_2 = arith.constant 0 : index
    %get3A_3 = vector.load %arg1[%get3A, %get3A_0, %get3A_1, %get3A_2] : memref<1x3x8x32xf32, #tpu.memory_space<vmem>>, vector<1x1x8x32xf32>
    %get3A_4 = vector.shape_cast %get3A_3 : vector<1x1x8x32xf32> to vector<8x32xf32>
    %get3A_5 = arith.constant 0 : index
    %get3A_6 = arith.constant 1 : index
    %get3A_7 = arith.constant 0 : index
    %get3A_8 = arith.constant 0 : index
    %get3A_9 = vector.load %arg1[%get3A_5, %get3A_6, %get3A_7, %get3A_8] : memref<1x3x8x32xf32, #tpu.memory_space<vmem>>, vector<1x1x8x32xf32>
    %get3A_10 = vector.shape_cast %get3A_9 : vector<1x1x8x32xf32> to vector<8x32xf32>
    %get3A_11 = arith.constant 0 : index
    %get3A_12 = arith.constant 2 : index
    %get3A_13 = arith.constant 0 : index
    %get3A_14 = arith.constant 0 : index
    %get3A_15 = vector.load %arg1[%get3A_11, %get3A_12, %get3A_13, %get3A_14] : memref<1x3x8x32xf32, #tpu.memory_space<vmem>>, vector<1x1x8x32xf32>
    %get3A_16 = vector.shape_cast %get3A_15 : vector<1x1x8x32xf32> to vector<8x32xf32>
    %iota3A = tpu.iota {dimensions = array<i32: 0>} : vector<8x32xi32>
    %mul3A = arith.constant 32 : i32
    %mul3A_17 = vector.broadcast %mul3A : i32 to vector<8x32xi32>
    %mul3A_18 = arith.muli %iota3A, %mul3A_17 : vector<8x32xi32>
    %iota3A_19 = tpu.iota {dimensions = array<i32: 1>} : vector<8x32xi32>
    %add3A = arith.addi %mul3A_18, %iota3A_19 : vector<8x32xi32>
    %iota3A_20 = tpu.iota {dimensions = array<i32: 1>} : vector<1x64xi32>
    %get3A_21 = arith.constant 0 : index
    %get3A_22 = arith.constant 0 : index
    %get3A_23 = arith.constant 0 : index
    %get3A_24 = arith.constant 0 : index
    %get3A_25 = vector.load %arg1[%get3A_21, %get3A_22, %get3A_23, %get3A_24] : memref<1x3x8x32xf32, #tpu.memory_space<vmem>>, vector<1x1x1x1xf32>
    %get3A_26 = vector.extract %get3A_25[0, 0, 0, 0] : f32 from vector<1x1x1x1xf32>
    %get3A_27 = arith.constant 0 : index
    %get3A_28 = arith.constant 1 : index
    %get3A_29 = arith.constant 0 : index
    %get3A_30 = arith.constant 0 : index
    %get3A_31 = vector.load %arg1[%get3A_27, %get3A_28, %get3A_29, %get3A_30] : memref<1x3x8x32xf32, #tpu.memory_space<vmem>>, vector<1x1x1x1xf32>
    %get3A_32 = vector.extract %get3A_31[0, 0, 0, 0] : f32 from vector<1x1x1x1xf32>
    %get3A_33 = arith.constant 0 : index
    %get3A_34 = arith.constant 2 : index
    %get3A_35 = arith.constant 0 : index
    %get3A_36 = arith.constant 0 : index
    %get3A_37 = vector.load %arg1[%get3A_33, %get3A_34, %get3A_35, %get3A_36] : memref<1x3x8x32xf32, #tpu.memory_space<vmem>>, vector<1x1x1x1xf32>
    %get3A_38 = vector.extract %get3A_37[0, 0, 0, 0] : f32 from vector<1x1x1x1xf32>
    %broadcast_in_dim3A = arith.constant 1.000000e+10 : f32
    %broadcast_in_dim3A_39 = vector.broadcast %broadcast_in_dim3A : f32 to vector<8x32xf32>
    %broadcast_in_dim3A_40 = arith.constant 0 : i32
    %broadcast_in_dim3A_41 = vector.broadcast %broadcast_in_dim3A_40 : i32 to vector<1x64xi32>
    %scan3A = arith.constant 1 : i32
    %scan3A_42 = arith.constant 63 : i32
    %scan3A_43 = arith.addi %scan3A, %scan3A_42 : i32
    %scan3A_44 = arith.constant 1 : i32
    %scan3A_45:5 = scf.for %scan3A_52 = %scan3A to %scan3A_43 step %scan3A_44 iter_args(%scan3A_53 = %broadcast_in_dim3A_39, %scan3A_54 = %broadcast_in_dim3A_41, %scan3A_55 = %get3A_26, %scan3A_56 = %get3A_32, %scan3A_57 = %get3A_38) -> (vector<8x32xf32>, vector<1x64xi32>, f32, f32, f32)  : i32 {
      %sub3A = vector.broadcast %scan3A_55 : f32 to vector<8x32xf32>
      %sub3A_58 = arith.subf %get3A_4, %sub3A : vector<8x32xf32>
      %integer_pow3A = arith.mulf %sub3A_58, %sub3A_58 : vector<8x32xf32>
      %sub3A_59 = vector.broadcast %scan3A_56 : f32 to vector<8x32xf32>
      %sub3A_60 = arith.subf %get3A_10, %sub3A_59 : vector<8x32xf32>
      %integer_pow3A_61 = arith.mulf %sub3A_60, %sub3A_60 : vector<8x32xf32>
      %add3A_62 = arith.addf %integer_pow3A, %integer_pow3A_61 : vector<8x32xf32>
      %sub3A_63 = vector.broadcast %scan3A_57 : f32 to vector<8x32xf32>
      %sub3A_64 = arith.subf %get3A_16, %sub3A_63 : vector<8x32xf32>
      %integer_pow3A_65 = arith.mulf %sub3A_64, %sub3A_64 : vector<8x32xf32>
      %add3A_66 = arith.addf %add3A_62, %integer_pow3A_65 : vector<8x32xf32>
      %min3A = arith.minimumf %scan3A_53, %add3A_66 : vector<8x32xf32>
      %reduce_max3A = vector.shape_cast %min3A : vector<8x32xf32> to vector<1x8x32xf32>
      %reduce_max3A_67 = arith.constant dense<0xFF800000> : vector<1xf32>
      %reduce_max3A_68 = vector.multi_reduction <maximumf>, %reduce_max3A, %reduce_max3A_67 [1, 2] : vector<1x8x32xf32> to vector<1xf32>
      %reduce_max3A_69 = vector.shape_cast %reduce_max3A_68 : vector<1xf32> to vector<1x1x1xf32>
      %reduce_max3A_70 = vector.extract %reduce_max3A_69[0, 0, 0] : f32 from vector<1x1x1xf32>
      %ge3A = vector.broadcast %reduce_max3A_70 : f32 to vector<8x32xf32>
      %ge3A_71 = arith.cmpf oge, %min3A, %ge3A : vector<8x32xf32>
      %jit3A = arith.constant 256 : i32
      %broadcast_in_dim3A_72 = vector.broadcast %jit3A : i32 to vector<8x32xi32>
      %select_n3A = arith.select %ge3A_71, %add3A, %broadcast_in_dim3A_72 : vector<8x32xi1>, vector<8x32xi32>
      %reduce_min3A = vector.shape_cast %select_n3A : vector<8x32xi32> to vector<1x8x32xi32>
      %reduce_min3A_73 = arith.constant dense<2147483647> : vector<1xi32>
      %reduce_min3A_74 = vector.multi_reduction <minsi>, %reduce_min3A, %reduce_min3A_73 [1, 2] : vector<1x8x32xi32> to vector<1xi32>
      %reduce_min3A_75 = vector.shape_cast %reduce_min3A_74 : vector<1xi32> to vector<1x1x1xi32>
      %reduce_min3A_76 = vector.extract %reduce_min3A_75[0, 0, 0] : i32 from vector<1x1x1xi32>
      %eq3A = vector.broadcast %scan3A_52 : i32 to vector<1x64xi32>
      %eq3A_77 = arith.cmpi eq, %iota3A_20, %eq3A : vector<1x64xi32>
      %broadcast_in_dim3A_78 = vector.broadcast %reduce_min3A_76 : i32 to vector<1x64xi32>
      %select_n3A_79 = arith.select %eq3A_77, %broadcast_in_dim3A_78, %scan3A_54 : vector<1x64xi1>, vector<1x64xi32>
      %eq3A_80 = vector.broadcast %reduce_min3A_76 : i32 to vector<8x32xi32>
      %eq3A_81 = arith.cmpi eq, %add3A, %eq3A_80 : vector<8x32xi32>
      %jit3A_82 = arith.constant 0.000000e+00 : f32
      %broadcast_in_dim3A_83 = vector.broadcast %jit3A_82 : f32 to vector<8x32xf32>
      %select_n3A_84 = arith.select %eq3A_81, %get3A_4, %broadcast_in_dim3A_83 : vector<8x32xi1>, vector<8x32xf32>
      %reduce_sum3A = vector.shape_cast %select_n3A_84 : vector<8x32xf32> to vector<1x8x32xf32>
      %reduce_sum3A_85 = arith.constant dense<0.000000e+00> : vector<1xf32>
      %reduce_sum3A_86 = vector.multi_reduction <add>, %reduce_sum3A, %reduce_sum3A_85 [1, 2] : vector<1x8x32xf32> to vector<1xf32>
      %reduce_sum3A_87 = vector.shape_cast %reduce_sum3A_86 : vector<1xf32> to vector<1x1x1xf32>
      %reduce_sum3A_88 = vector.extract %reduce_sum3A_87[0, 0, 0] : f32 from vector<1x1x1xf32>
      %jit3A_89 = arith.constant 0.000000e+00 : f32
      %broadcast_in_dim3A_90 = vector.broadcast %jit3A_89 : f32 to vector<8x32xf32>
      %select_n3A_91 = arith.select %eq3A_81, %get3A_10, %broadcast_in_dim3A_90 : vector<8x32xi1>, vector<8x32xf32>
      %reduce_sum3A_92 = vector.shape_cast %select_n3A_91 : vector<8x32xf32> to vector<1x8x32xf32>
      %reduce_sum3A_93 = arith.constant dense<0.000000e+00> : vector<1xf32>
      %reduce_sum3A_94 = vector.multi_reduction <add>, %reduce_sum3A_92, %reduce_sum3A_93 [1, 2] : vector<1x8x32xf32> to vector<1xf32>
      %reduce_sum3A_95 = vector.shape_cast %reduce_sum3A_94 : vector<1xf32> to vector<1x1x1xf32>
      %reduce_sum3A_96 = vector.extract %reduce_sum3A_95[0, 0, 0] : f32 from vector<1x1x1xf32>
      %jit3A_97 = arith.constant 0.000000e+00 : f32
      %broadcast_in_dim3A_98 = vector.broadcast %jit3A_97 : f32 to vector<8x32xf32>
      %select_n3A_99 = arith.select %eq3A_81, %get3A_16, %broadcast_in_dim3A_98 : vector<8x32xi1>, vector<8x32xf32>
      %reduce_sum3A_100 = vector.shape_cast %select_n3A_99 : vector<8x32xf32> to vector<1x8x32xf32>
      %reduce_sum3A_101 = arith.constant dense<0.000000e+00> : vector<1xf32>
      %reduce_sum3A_102 = vector.multi_reduction <add>, %reduce_sum3A_100, %reduce_sum3A_101 [1, 2] : vector<1x8x32xf32> to vector<1xf32>
      %reduce_sum3A_103 = vector.shape_cast %reduce_sum3A_102 : vector<1xf32> to vector<1x1x1xf32>
      %reduce_sum3A_104 = vector.extract %reduce_sum3A_103[0, 0, 0] : f32 from vector<1x1x1xf32>
      scf.yield %min3A, %select_n3A_79, %reduce_sum3A_88, %reduce_sum3A_96, %reduce_sum3A_104 : vector<8x32xf32>, vector<1x64xi32>, f32, f32, f32
    }
    %scan3A_46 = arith.constant 63 : i32
    %swap3A = arith.constant 0 : index
    %swap3A_47 = arith.constant 0 : index
    %swap3A_48 = arith.constant 0 : index
    %swap3A_49 = vector.load %arg2[%swap3A, %swap3A_47, %swap3A_48] : memref<1x1x64xi32, #tpu.memory_space<vmem>>, vector<1x1x64xi32>
    %swap3A_50 = vector.shape_cast %swap3A_49 : vector<1x1x64xi32> to vector<1x64xi32>
    %swap3A_51 = vector.shape_cast %scan3A_45#1 : vector<1x64xi32> to vector<1x1x64xi32>
    tpu.vector_store %arg2[%swap3A, %swap3A_47, %swap3A_48], %swap3A_51 {strides = array<i32>} : memref<1x1x64xi32, #tpu.memory_space<vmem>>, vector<1x1x64xi32>,
    return
  }
  func.func @transform_0(%arg0: i32) -> (i32, i32, i32, i32) {
    %c0_i32 = arith.constant 0 : i32
    %c0_i32_0 = arith.constant 0 : i32
    %c0_i32_1 = arith.constant 0 : i32
    %c0_i32_2 = arith.constant 0 : i32
    return %arg0, %c0_i32, %c0_i32_0, %c0_i32_1 : i32, i32, i32, i32
  }
  func.func @transform_1(%arg0: i32) -> (i32, i32, i32) {
    %c0_i32 = arith.constant 0 : i32
    %c0_i32_0 = arith.constant 0 : i32
    %c0_i32_1 = arith.constant 0 : i32
    return %arg0, %c0_i32, %c0_i32_0 : i32, i32, i32
  }
}

module attributes {stable_mosaic.version = 14 : i64} {
  func.func @body(%arg0: i32, %arg1: i32, %arg2: memref<1x256x64xf32, #tpu.memory_space<vmem>>, %arg3: memref<1x256x1xi32, #tpu.memory_space<vmem>>) attributes {dimension_semantics = [#tpu.dimension_semantics<parallel>, #tpu.dimension_semantics<parallel>], iteration_bounds = array<i64: 2, 1>, scalar_prefetch = 0 : i64, scratch_operands = 0 : i64, tpu.core_type = #tpu.core_type<tc>, window_params = [{transform_indices = @transform_0, window_bounds = array<i64: 1, 256, 64>}, {transform_indices = @transform_1, window_bounds = array<i64: 1, 256, 1>}]} {
    %get3A = arith.constant 0 : index
    %get3A_0 = arith.constant 0 : index
    %get3A_1 = arith.constant 0 : index
    %get3A_2 = vector.load %arg2[%get3A, %get3A_0, %get3A_1] : memref<1x256x64xf32, #tpu.memory_space<vmem>>, vector<1x256x64xf32>
    %get3A_3 = vector.shape_cast %get3A_2 : vector<1x256x64xf32> to vector<256x64xf32>
    %iota3A = tpu.iota {dimensions = array<i32: 1>} : vector<256x64xi32>
    %reduce_max3A = arith.constant dense<0xFF800000> : vector<256xf32>
    %reduce_max3A_4 = vector.multi_reduction <maximumf>, %get3A_3, %reduce_max3A [1] : vector<256x64xf32> to vector<256xf32>
    %broadcast_in_dim3A = vector.shape_cast %reduce_max3A_4 : vector<256xf32> to vector<256x1xf32>
    %ge3A = vector.broadcast %broadcast_in_dim3A : vector<256x1xf32> to vector<256x64xf32>
    %ge3A_5 = arith.cmpf oge, %get3A_3, %ge3A : vector<256x64xf32>
    %jit3A = arith.constant 64 : i32
    %broadcast_in_dim3A_6 = vector.broadcast %jit3A : i32 to vector<256x64xi32>
    %select_n3A = arith.select %ge3A_5, %iota3A, %broadcast_in_dim3A_6 : vector<256x64xi1>, vector<256x64xi32>
    %reduce_min3A = arith.constant dense<2147483647> : vector<256xi32>
    %reduce_min3A_7 = vector.multi_reduction <minsi>, %select_n3A, %reduce_min3A [1] : vector<256x64xi32> to vector<256xi32>
    %broadcast_in_dim3A_8 = vector.shape_cast %reduce_min3A_7 : vector<256xi32> to vector<256x1xi32>
    %swap3A = arith.constant 0 : index
    %swap3A_9 = arith.constant 0 : index
    %swap3A_10 = arith.constant 0 : index
    %swap3A_11 = vector.load %arg3[%swap3A, %swap3A_9, %swap3A_10] : memref<1x256x1xi32, #tpu.memory_space<vmem>>, vector<1x256x1xi32>
    %swap3A_12 = vector.shape_cast %swap3A_11 : vector<1x256x1xi32> to vector<256x1xi32>
    %swap3A_13 = vector.shape_cast %broadcast_in_dim3A_8 : vector<256x1xi32> to vector<1x256x1xi32>
    tpu.vector_store %arg3[%swap3A, %swap3A_9, %swap3A_10], %swap3A_13 {strides = array<i32>} : memref<1x256x1xi32, #tpu.memory_space<vmem>>, vector<1x256x1xi32>,
    return
  }
  func.func @transform_0(%arg0: i32, %arg1: i32) -> (i32, i32, i32) {
    %c0_i32 = arith.constant 0 : i32
    %c0_i32_0 = arith.constant 0 : i32
    return %arg0, %arg1, %c0_i32 : i32, i32, i32
  }
  func.func @transform_1(%arg0: i32, %arg1: i32) -> (i32, i32, i32) {
    %c0_i32 = arith.constant 0 : i32
    %c0_i32_0 = arith.constant 0 : i32
    return %arg0, %arg1, %c0_i32 : i32, i32, i32
  }
}

module attributes {stable_mosaic.version = 14 : i64} {
  func.func @body(%arg0: i32, %arg1: i32, %arg2: memref<1x256x256xf32, #tpu.memory_space<vmem>>, %arg3: memref<1x256x1xi32, #tpu.memory_space<vmem>>) attributes {dimension_semantics = [#tpu.dimension_semantics<parallel>, #tpu.dimension_semantics<parallel>], iteration_bounds = array<i64: 2, 4>, scalar_prefetch = 0 : i64, scratch_operands = 0 : i64, tpu.core_type = #tpu.core_type<tc>, window_params = [{transform_indices = @transform_0, window_bounds = array<i64: 1, 256, 256>}, {transform_indices = @transform_1, window_bounds = array<i64: 1, 256, 1>}]} {
    %get3A = arith.constant 0 : index
    %get3A_0 = arith.constant 0 : index
    %get3A_1 = arith.constant 0 : index
    %get3A_2 = vector.load %arg2[%get3A, %get3A_0, %get3A_1] : memref<1x256x256xf32, #tpu.memory_space<vmem>>, vector<1x256x256xf32>
    %get3A_3 = vector.shape_cast %get3A_2 : vector<1x256x256xf32> to vector<256x256xf32>
    %iota3A = tpu.iota {dimensions = array<i32: 1>} : vector<256x256xi32>
    %reduce_max3A = arith.constant dense<0xFF800000> : vector<256xf32>
    %reduce_max3A_4 = vector.multi_reduction <maximumf>, %get3A_3, %reduce_max3A [1] : vector<256x256xf32> to vector<256xf32>
    %broadcast_in_dim3A = vector.shape_cast %reduce_max3A_4 : vector<256xf32> to vector<256x1xf32>
    %ge3A = vector.broadcast %broadcast_in_dim3A : vector<256x1xf32> to vector<256x256xf32>
    %ge3A_5 = arith.cmpf oge, %get3A_3, %ge3A : vector<256x256xf32>
    %jit3A = arith.constant 256 : i32
    %broadcast_in_dim3A_6 = vector.broadcast %jit3A : i32 to vector<256x256xi32>
    %select_n3A = arith.select %ge3A_5, %iota3A, %broadcast_in_dim3A_6 : vector<256x256xi1>, vector<256x256xi32>
    %reduce_min3A = arith.constant dense<2147483647> : vector<256xi32>
    %reduce_min3A_7 = vector.multi_reduction <minsi>, %select_n3A, %reduce_min3A [1] : vector<256x256xi32> to vector<256xi32>
    %broadcast_in_dim3A_8 = vector.shape_cast %reduce_min3A_7 : vector<256xi32> to vector<256x1xi32>
    %swap3A = arith.constant 0 : index
    %swap3A_9 = arith.constant 0 : index
    %swap3A_10 = arith.constant 0 : index
    %swap3A_11 = vector.load %arg3[%swap3A, %swap3A_9, %swap3A_10] : memref<1x256x1xi32, #tpu.memory_space<vmem>>, vector<1x256x1xi32>
    %swap3A_12 = vector.shape_cast %swap3A_11 : vector<1x256x1xi32> to vector<256x1xi32>
    %swap3A_13 = vector.shape_cast %broadcast_in_dim3A_8 : vector<256x1xi32> to vector<1x256x1xi32>
    tpu.vector_store %arg3[%swap3A, %swap3A_9, %swap3A_10], %swap3A_13 {strides = array<i32>} : memref<1x256x1xi32, #tpu.memory_space<vmem>>, vector<1x256x1xi32>,
    return
  }
  func.func @transform_0(%arg0: i32, %arg1: i32) -> (i32, i32, i32) {
    %c0_i32 = arith.constant 0 : i32
    %c0_i32_0 = arith.constant 0 : i32
    return %arg0, %arg1, %c0_i32 : i32, i32, i32
  }
  func.func @transform_1(%arg0: i32, %arg1: i32) -> (i32, i32, i32) {
    %c0_i32 = arith.constant 0 : i32
    %c0_i32_0 = arith.constant 0 : i32
    return %arg0, %arg1, %c0_i32 : i32, i32, i32
  }
}

module attributes {stable_mosaic.version = 14 : i64} {
  func.func @body(%arg0: i32, %arg1: i32, %arg2: memref<1x256x4096xf32, #tpu.memory_space<vmem>>, %arg3: memref<1x256x16xi32, #tpu.memory_space<vmem>>) attributes {dimension_semantics = [#tpu.dimension_semantics<parallel>, #tpu.dimension_semantics<parallel>], iteration_bounds = array<i64: 2, 4>, scalar_prefetch = 0 : i64, scratch_operands = 0 : i64, tpu.core_type = #tpu.core_type<tc>, window_params = [{transform_indices = @transform_0, window_bounds = array<i64: 1, 256, 4096>}, {transform_indices = @transform_1, window_bounds = array<i64: 1, 256, 16>}]} {
    %get3A = arith.constant 0 : index
    %get3A_0 = arith.constant 0 : index
    %get3A_1 = arith.constant 0 : index
    %get3A_2 = vector.load %arg2[%get3A, %get3A_0, %get3A_1] : memref<1x256x4096xf32, #tpu.memory_space<vmem>>, vector<1x256x4096xf32>
    %get3A_3 = vector.shape_cast %get3A_2 : vector<1x256x4096xf32> to vector<256x4096xf32>
    %iota3A = tpu.iota {dimensions = array<i32: 1>} : vector<256x4096xi32>
    %reduce_max3A = arith.constant dense<0xFF800000> : vector<256xf32>
    %reduce_max3A_4 = vector.multi_reduction <maximumf>, %get3A_3, %reduce_max3A [1] : vector<256x4096xf32> to vector<256xf32>
    %broadcast_in_dim3A = vector.shape_cast %reduce_max3A_4 : vector<256xf32> to vector<256x1xf32>
    %ge3A = vector.broadcast %broadcast_in_dim3A : vector<256x1xf32> to vector<256x4096xf32>
    %ge3A_5 = arith.cmpf oge, %get3A_3, %ge3A : vector<256x4096xf32>
    %jit3A = arith.constant 4096 : i32
    %broadcast_in_dim3A_6 = vector.broadcast %jit3A : i32 to vector<256x4096xi32>
    %select_n3A = arith.select %ge3A_5, %iota3A, %broadcast_in_dim3A_6 : vector<256x4096xi1>, vector<256x4096xi32>
    %reduce_min3A = arith.constant dense<2147483647> : vector<256xi32>
    %reduce_min3A_7 = vector.multi_reduction <minsi>, %select_n3A, %reduce_min3A [1] : vector<256x4096xi32> to vector<256xi32>
    %broadcast_in_dim3A_8 = vector.shape_cast %reduce_min3A_7 : vector<256xi32> to vector<256x1xi32>
    %eq3A = vector.broadcast %broadcast_in_dim3A_8 : vector<256x1xi32> to vector<256x4096xi32>
    %eq3A_9 = arith.cmpi eq, %iota3A, %eq3A : vector<256x4096xi32>
    %jit3A_10 = arith.constant 0xFF800000 : f32
    %broadcast_in_dim3A_11 = vector.broadcast %jit3A_10 : f32 to vector<256x4096xf32>
    %select_n3A_12 = arith.select %eq3A_9, %broadcast_in_dim3A_11, %get3A_3 : vector<256x4096xi1>, vector<256x4096xf32>
    %reduce_max3A_13 = arith.constant dense<0xFF800000> : vector<256xf32>
    %reduce_max3A_14 = vector.multi_reduction <maximumf>, %select_n3A_12, %reduce_max3A_13 [1] : vector<256x4096xf32> to vector<256xf32>
    %broadcast_in_dim3A_15 = vector.shape_cast %reduce_max3A_14 : vector<256xf32> to vector<256x1xf32>
    %ge3A_16 = vector.broadcast %broadcast_in_dim3A_15 : vector<256x1xf32> to vector<256x4096xf32>
    %ge3A_17 = arith.cmpf oge, %select_n3A_12, %ge3A_16 : vector<256x4096xf32>
    %jit3A_18 = arith.constant 4096 : i32
    %broadcast_in_dim3A_19 = vector.broadcast %jit3A_18 : i32 to vector<256x4096xi32>
    %select_n3A_20 = arith.select %ge3A_17, %iota3A, %broadcast_in_dim3A_19 : vector<256x4096xi1>, vector<256x4096xi32>
    %reduce_min3A_21 = arith.constant dense<2147483647> : vector<256xi32>
    %reduce_min3A_22 = vector.multi_reduction <minsi>, %select_n3A_20, %reduce_min3A_21 [1] : vector<256x4096xi32> to vector<256xi32>
    %broadcast_in_dim3A_23 = vector.shape_cast %reduce_min3A_22 : vector<256xi32> to vector<256x1xi32>
    %eq3A_24 = vector.broadcast %broadcast_in_dim3A_23 : vector<256x1xi32> to vector<256x4096xi32>
    %eq3A_25 = arith.cmpi eq, %iota3A, %eq3A_24 : vector<256x4096xi32>
    %jit3A_26 = arith.constant 0xFF800000 : f32
    %broadcast_in_dim3A_27 = vector.broadcast %jit3A_26 : f32 to vector<256x4096xf32>
    %select_n3A_28 = arith.select %eq3A_25, %broadcast_in_dim3A_27, %select_n3A_12 : vector<256x4096xi1>, vector<256x4096xf32>
    %reduce_max3A_29 = arith.constant dense<0xFF800000> : vector<256xf32>
    %reduce_max3A_30 = vector.multi_reduction <maximumf>, %select_n3A_28, %reduce_max3A_29 [1] : vector<256x4096xf32> to vector<256xf32>
    %broadcast_in_dim3A_31 = vector.shape_cast %reduce_max3A_30 : vector<256xf32> to vector<256x1xf32>
    %ge3A_32 = vector.broadcast %broadcast_in_dim3A_31 : vector<256x1xf32> to vector<256x4096xf32>
    %ge3A_33 = arith.cmpf oge, %select_n3A_28, %ge3A_32 : vector<256x4096xf32>
    %jit3A_34 = arith.constant 4096 : i32
    %broadcast_in_dim3A_35 = vector.broadcast %jit3A_34 : i32 to vector<256x4096xi32>
    %select_n3A_36 = arith.select %ge3A_33, %iota3A, %broadcast_in_dim3A_35 : vector<256x4096xi1>, vector<256x4096xi32>
    %reduce_min3A_37 = arith.constant dense<2147483647> : vector<256xi32>
    %reduce_min3A_38 = vector.multi_reduction <minsi>, %select_n3A_36, %reduce_min3A_37 [1] : vector<256x4096xi32> to vector<256xi32>
    %broadcast_in_dim3A_39 = vector.shape_cast %reduce_min3A_38 : vector<256xi32> to vector<256x1xi32>
    %eq3A_40 = vector.broadcast %broadcast_in_dim3A_39 : vector<256x1xi32> to vector<256x4096xi32>
    %eq3A_41 = arith.cmpi eq, %iota3A, %eq3A_40 : vector<256x4096xi32>
    %jit3A_42 = arith.constant 0xFF800000 : f32
    %broadcast_in_dim3A_43 = vector.broadcast %jit3A_42 : f32 to vector<256x4096xf32>
    %select_n3A_44 = arith.select %eq3A_41, %broadcast_in_dim3A_43, %select_n3A_28 : vector<256x4096xi1>, vector<256x4096xf32>
    %reduce_max3A_45 = arith.constant dense<0xFF800000> : vector<256xf32>
    %reduce_max3A_46 = vector.multi_reduction <maximumf>, %select_n3A_44, %reduce_max3A_45 [1] : vector<256x4096xf32> to vector<256xf32>
    %broadcast_in_dim3A_47 = vector.shape_cast %reduce_max3A_46 : vector<256xf32> to vector<256x1xf32>
    %ge3A_48 = vector.broadcast %broadcast_in_dim3A_47 : vector<256x1xf32> to vector<256x4096xf32>
    %ge3A_49 = arith.cmpf oge, %select_n3A_44, %ge3A_48 : vector<256x4096xf32>
    %jit3A_50 = arith.constant 4096 : i32
    %broadcast_in_dim3A_51 = vector.broadcast %jit3A_50 : i32 to vector<256x4096xi32>
    %select_n3A_52 = arith.select %ge3A_49, %iota3A, %broadcast_in_dim3A_51 : vector<256x4096xi1>, vector<256x4096xi32>
    %reduce_min3A_53 = arith.constant dense<2147483647> : vector<256xi32>
    %reduce_min3A_54 = vector.multi_reduction <minsi>, %select_n3A_52, %reduce_min3A_53 [1] : vector<256x4096xi32> to vector<256xi32>
    %broadcast_in_dim3A_55 = vector.shape_cast %reduce_min3A_54 : vector<256xi32> to vector<256x1xi32>
    %eq3A_56 = vector.broadcast %broadcast_in_dim3A_55 : vector<256x1xi32> to vector<256x4096xi32>
    %eq3A_57 = arith.cmpi eq, %iota3A, %eq3A_56 : vector<256x4096xi32>
    %jit3A_58 = arith.constant 0xFF800000 : f32
    %broadcast_in_dim3A_59 = vector.broadcast %jit3A_58 : f32 to vector<256x4096xf32>
    %select_n3A_60 = arith.select %eq3A_57, %broadcast_in_dim3A_59, %select_n3A_44 : vector<256x4096xi1>, vector<256x4096xf32>
    %reduce_max3A_61 = arith.constant dense<0xFF800000> : vector<256xf32>
    %reduce_max3A_62 = vector.multi_reduction <maximumf>, %select_n3A_60, %reduce_max3A_61 [1] : vector<256x4096xf32> to vector<256xf32>
    %broadcast_in_dim3A_63 = vector.shape_cast %reduce_max3A_62 : vector<256xf32> to vector<256x1xf32>
    %ge3A_64 = vector.broadcast %broadcast_in_dim3A_63 : vector<256x1xf32> to vector<256x4096xf32>
    %ge3A_65 = arith.cmpf oge, %select_n3A_60, %ge3A_64 : vector<256x4096xf32>
    %jit3A_66 = arith.constant 4096 : i32
    %broadcast_in_dim3A_67 = vector.broadcast %jit3A_66 : i32 to vector<256x4096xi32>
    %select_n3A_68 = arith.select %ge3A_65, %iota3A, %broadcast_in_dim3A_67 : vector<256x4096xi1>, vector<256x4096xi32>
    %reduce_min3A_69 = arith.constant dense<2147483647> : vector<256xi32>
    %reduce_min3A_70 = vector.multi_reduction <minsi>, %select_n3A_68, %reduce_min3A_69 [1] : vector<256x4096xi32> to vector<256xi32>
    %broadcast_in_dim3A_71 = vector.shape_cast %reduce_min3A_70 : vector<256xi32> to vector<256x1xi32>
    %eq3A_72 = vector.broadcast %broadcast_in_dim3A_71 : vector<256x1xi32> to vector<256x4096xi32>
    %eq3A_73 = arith.cmpi eq, %iota3A, %eq3A_72 : vector<256x4096xi32>
    %jit3A_74 = arith.constant 0xFF800000 : f32
    %broadcast_in_dim3A_75 = vector.broadcast %jit3A_74 : f32 to vector<256x4096xf32>
    %select_n3A_76 = arith.select %eq3A_73, %broadcast_in_dim3A_75, %select_n3A_60 : vector<256x4096xi1>, vector<256x4096xf32>
    %reduce_max3A_77 = arith.constant dense<0xFF800000> : vector<256xf32>
    %reduce_max3A_78 = vector.multi_reduction <maximumf>, %select_n3A_76, %reduce_max3A_77 [1] : vector<256x4096xf32> to vector<256xf32>
    %broadcast_in_dim3A_79 = vector.shape_cast %reduce_max3A_78 : vector<256xf32> to vector<256x1xf32>
    %ge3A_80 = vector.broadcast %broadcast_in_dim3A_79 : vector<256x1xf32> to vector<256x4096xf32>
    %ge3A_81 = arith.cmpf oge, %select_n3A_76, %ge3A_80 : vector<256x4096xf32>
    %jit3A_82 = arith.constant 4096 : i32
    %broadcast_in_dim3A_83 = vector.broadcast %jit3A_82 : i32 to vector<256x4096xi32>
    %select_n3A_84 = arith.select %ge3A_81, %iota3A, %broadcast_in_dim3A_83 : vector<256x4096xi1>, vector<256x4096xi32>
    %reduce_min3A_85 = arith.constant dense<2147483647> : vector<256xi32>
    %reduce_min3A_86 = vector.multi_reduction <minsi>, %select_n3A_84, %reduce_min3A_85 [1] : vector<256x4096xi32> to vector<256xi32>
    %broadcast_in_dim3A_87 = vector.shape_cast %reduce_min3A_86 : vector<256xi32> to vector<256x1xi32>
    %eq3A_88 = vector.broadcast %broadcast_in_dim3A_87 : vector<256x1xi32> to vector<256x4096xi32>
    %eq3A_89 = arith.cmpi eq, %iota3A, %eq3A_88 : vector<256x4096xi32>
    %jit3A_90 = arith.constant 0xFF800000 : f32
    %broadcast_in_dim3A_91 = vector.broadcast %jit3A_90 : f32 to vector<256x4096xf32>
    %select_n3A_92 = arith.select %eq3A_89, %broadcast_in_dim3A_91, %select_n3A_76 : vector<256x4096xi1>, vector<256x4096xf32>
    %reduce_max3A_93 = arith.constant dense<0xFF800000> : vector<256xf32>
    %reduce_max3A_94 = vector.multi_reduction <maximumf>, %select_n3A_92, %reduce_max3A_93 [1] : vector<256x4096xf32> to vector<256xf32>
    %broadcast_in_dim3A_95 = vector.shape_cast %reduce_max3A_94 : vector<256xf32> to vector<256x1xf32>
    %ge3A_96 = vector.broadcast %broadcast_in_dim3A_95 : vector<256x1xf32> to vector<256x4096xf32>
    %ge3A_97 = arith.cmpf oge, %select_n3A_92, %ge3A_96 : vector<256x4096xf32>
    %jit3A_98 = arith.constant 4096 : i32
    %broadcast_in_dim3A_99 = vector.broadcast %jit3A_98 : i32 to vector<256x4096xi32>
    %select_n3A_100 = arith.select %ge3A_97, %iota3A, %broadcast_in_dim3A_99 : vector<256x4096xi1>, vector<256x4096xi32>
    %reduce_min3A_101 = arith.constant dense<2147483647> : vector<256xi32>
    %reduce_min3A_102 = vector.multi_reduction <minsi>, %select_n3A_100, %reduce_min3A_101 [1] : vector<256x4096xi32> to vector<256xi32>
    %broadcast_in_dim3A_103 = vector.shape_cast %reduce_min3A_102 : vector<256xi32> to vector<256x1xi32>
    %eq3A_104 = vector.broadcast %broadcast_in_dim3A_103 : vector<256x1xi32> to vector<256x4096xi32>
    %eq3A_105 = arith.cmpi eq, %iota3A, %eq3A_104 : vector<256x4096xi32>
    %jit3A_106 = arith.constant 0xFF800000 : f32
    %broadcast_in_dim3A_107 = vector.broadcast %jit3A_106 : f32 to vector<256x4096xf32>
    %select_n3A_108 = arith.select %eq3A_105, %broadcast_in_dim3A_107, %select_n3A_92 : vector<256x4096xi1>, vector<256x4096xf32>
    %reduce_max3A_109 = arith.constant dense<0xFF800000> : vector<256xf32>
    %reduce_max3A_110 = vector.multi_reduction <maximumf>, %select_n3A_108, %reduce_max3A_109 [1] : vector<256x4096xf32> to vector<256xf32>
    %broadcast_in_dim3A_111 = vector.shape_cast %reduce_max3A_110 : vector<256xf32> to vector<256x1xf32>
    %ge3A_112 = vector.broadcast %broadcast_in_dim3A_111 : vector<256x1xf32> to vector<256x4096xf32>
    %ge3A_113 = arith.cmpf oge, %select_n3A_108, %ge3A_112 : vector<256x4096xf32>
    %jit3A_114 = arith.constant 4096 : i32
    %broadcast_in_dim3A_115 = vector.broadcast %jit3A_114 : i32 to vector<256x4096xi32>
    %select_n3A_116 = arith.select %ge3A_113, %iota3A, %broadcast_in_dim3A_115 : vector<256x4096xi1>, vector<256x4096xi32>
    %reduce_min3A_117 = arith.constant dense<2147483647> : vector<256xi32>
    %reduce_min3A_118 = vector.multi_reduction <minsi>, %select_n3A_116, %reduce_min3A_117 [1] : vector<256x4096xi32> to vector<256xi32>
    %broadcast_in_dim3A_119 = vector.shape_cast %reduce_min3A_118 : vector<256xi32> to vector<256x1xi32>
    %eq3A_120 = vector.broadcast %broadcast_in_dim3A_119 : vector<256x1xi32> to vector<256x4096xi32>
    %eq3A_121 = arith.cmpi eq, %iota3A, %eq3A_120 : vector<256x4096xi32>
    %jit3A_122 = arith.constant 0xFF800000 : f32
    %broadcast_in_dim3A_123 = vector.broadcast %jit3A_122 : f32 to vector<256x4096xf32>
    %select_n3A_124 = arith.select %eq3A_121, %broadcast_in_dim3A_123, %select_n3A_108 : vector<256x4096xi1>, vector<256x4096xf32>
    %reduce_max3A_125 = arith.constant dense<0xFF800000> : vector<256xf32>
    %reduce_max3A_126 = vector.multi_reduction <maximumf>, %select_n3A_124, %reduce_max3A_125 [1] : vector<256x4096xf32> to vector<256xf32>
    %broadcast_in_dim3A_127 = vector.shape_cast %reduce_max3A_126 : vector<256xf32> to vector<256x1xf32>
    %ge3A_128 = vector.broadcast %broadcast_in_dim3A_127 : vector<256x1xf32> to vector<256x4096xf32>
    %ge3A_129 = arith.cmpf oge, %select_n3A_124, %ge3A_128 : vector<256x4096xf32>
    %jit3A_130 = arith.constant 4096 : i32
    %broadcast_in_dim3A_131 = vector.broadcast %jit3A_130 : i32 to vector<256x4096xi32>
    %select_n3A_132 = arith.select %ge3A_129, %iota3A, %broadcast_in_dim3A_131 : vector<256x4096xi1>, vector<256x4096xi32>
    %reduce_min3A_133 = arith.constant dense<2147483647> : vector<256xi32>
    %reduce_min3A_134 = vector.multi_reduction <minsi>, %select_n3A_132, %reduce_min3A_133 [1] : vector<256x4096xi32> to vector<256xi32>
    %broadcast_in_dim3A_135 = vector.shape_cast %reduce_min3A_134 : vector<256xi32> to vector<256x1xi32>
    %eq3A_136 = vector.broadcast %broadcast_in_dim3A_135 : vector<256x1xi32> to vector<256x4096xi32>
    %eq3A_137 = arith.cmpi eq, %iota3A, %eq3A_136 : vector<256x4096xi32>
    %jit3A_138 = arith.constant 0xFF800000 : f32
    %broadcast_in_dim3A_139 = vector.broadcast %jit3A_138 : f32 to vector<256x4096xf32>
    %select_n3A_140 = arith.select %eq3A_137, %broadcast_in_dim3A_139, %select_n3A_124 : vector<256x4096xi1>, vector<256x4096xf32>
    %reduce_max3A_141 = arith.constant dense<0xFF800000> : vector<256xf32>
    %reduce_max3A_142 = vector.multi_reduction <maximumf>, %select_n3A_140, %reduce_max3A_141 [1] : vector<256x4096xf32> to vector<256xf32>
    %broadcast_in_dim3A_143 = vector.shape_cast %reduce_max3A_142 : vector<256xf32> to vector<256x1xf32>
    %ge3A_144 = vector.broadcast %broadcast_in_dim3A_143 : vector<256x1xf32> to vector<256x4096xf32>
    %ge3A_145 = arith.cmpf oge, %select_n3A_140, %ge3A_144 : vector<256x4096xf32>
    %jit3A_146 = arith.constant 4096 : i32
    %broadcast_in_dim3A_147 = vector.broadcast %jit3A_146 : i32 to vector<256x4096xi32>
    %select_n3A_148 = arith.select %ge3A_145, %iota3A, %broadcast_in_dim3A_147 : vector<256x4096xi1>, vector<256x4096xi32>
    %reduce_min3A_149 = arith.constant dense<2147483647> : vector<256xi32>
    %reduce_min3A_150 = vector.multi_reduction <minsi>, %select_n3A_148, %reduce_min3A_149 [1] : vector<256x4096xi32> to vector<256xi32>
    %broadcast_in_dim3A_151 = vector.shape_cast %reduce_min3A_150 : vector<256xi32> to vector<256x1xi32>
    %eq3A_152 = vector.broadcast %broadcast_in_dim3A_151 : vector<256x1xi32> to vector<256x4096xi32>
    %eq3A_153 = arith.cmpi eq, %iota3A, %eq3A_152 : vector<256x4096xi32>
    %jit3A_154 = arith.constant 0xFF800000 : f32
    %broadcast_in_dim3A_155 = vector.broadcast %jit3A_154 : f32 to vector<256x4096xf32>
    %select_n3A_156 = arith.select %eq3A_153, %broadcast_in_dim3A_155, %select_n3A_140 : vector<256x4096xi1>, vector<256x4096xf32>
    %reduce_max3A_157 = arith.constant dense<0xFF800000> : vector<256xf32>
    %reduce_max3A_158 = vector.multi_reduction <maximumf>, %select_n3A_156, %reduce_max3A_157 [1] : vector<256x4096xf32> to vector<256xf32>
    %broadcast_in_dim3A_159 = vector.shape_cast %reduce_max3A_158 : vector<256xf32> to vector<256x1xf32>
    %ge3A_160 = vector.broadcast %broadcast_in_dim3A_159 : vector<256x1xf32> to vector<256x4096xf32>
    %ge3A_161 = arith.cmpf oge, %select_n3A_156, %ge3A_160 : vector<256x4096xf32>
    %jit3A_162 = arith.constant 4096 : i32
    %broadcast_in_dim3A_163 = vector.broadcast %jit3A_162 : i32 to vector<256x4096xi32>
    %select_n3A_164 = arith.select %ge3A_161, %iota3A, %broadcast_in_dim3A_163 : vector<256x4096xi1>, vector<256x4096xi32>
    %reduce_min3A_165 = arith.constant dense<2147483647> : vector<256xi32>
    %reduce_min3A_166 = vector.multi_reduction <minsi>, %select_n3A_164, %reduce_min3A_165 [1] : vector<256x4096xi32> to vector<256xi32>
    %broadcast_in_dim3A_167 = vector.shape_cast %reduce_min3A_166 : vector<256xi32> to vector<256x1xi32>
    %eq3A_168 = vector.broadcast %broadcast_in_dim3A_167 : vector<256x1xi32> to vector<256x4096xi32>
    %eq3A_169 = arith.cmpi eq, %iota3A, %eq3A_168 : vector<256x4096xi32>
    %jit3A_170 = arith.constant 0xFF800000 : f32
    %broadcast_in_dim3A_171 = vector.broadcast %jit3A_170 : f32 to vector<256x4096xf32>
    %select_n3A_172 = arith.select %eq3A_169, %broadcast_in_dim3A_171, %select_n3A_156 : vector<256x4096xi1>, vector<256x4096xf32>
    %reduce_max3A_173 = arith.constant dense<0xFF800000> : vector<256xf32>
    %reduce_max3A_174 = vector.multi_reduction <maximumf>, %select_n3A_172, %reduce_max3A_173 [1] : vector<256x4096xf32> to vector<256xf32>
    %broadcast_in_dim3A_175 = vector.shape_cast %reduce_max3A_174 : vector<256xf32> to vector<256x1xf32>
    %ge3A_176 = vector.broadcast %broadcast_in_dim3A_175 : vector<256x1xf32> to vector<256x4096xf32>
    %ge3A_177 = arith.cmpf oge, %select_n3A_172, %ge3A_176 : vector<256x4096xf32>
    %jit3A_178 = arith.constant 4096 : i32
    %broadcast_in_dim3A_179 = vector.broadcast %jit3A_178 : i32 to vector<256x4096xi32>
    %select_n3A_180 = arith.select %ge3A_177, %iota3A, %broadcast_in_dim3A_179 : vector<256x4096xi1>, vector<256x4096xi32>
    %reduce_min3A_181 = arith.constant dense<2147483647> : vector<256xi32>
    %reduce_min3A_182 = vector.multi_reduction <minsi>, %select_n3A_180, %reduce_min3A_181 [1] : vector<256x4096xi32> to vector<256xi32>
    %broadcast_in_dim3A_183 = vector.shape_cast %reduce_min3A_182 : vector<256xi32> to vector<256x1xi32>
    %eq3A_184 = vector.broadcast %broadcast_in_dim3A_183 : vector<256x1xi32> to vector<256x4096xi32>
    %eq3A_185 = arith.cmpi eq, %iota3A, %eq3A_184 : vector<256x4096xi32>
    %jit3A_186 = arith.constant 0xFF800000 : f32
    %broadcast_in_dim3A_187 = vector.broadcast %jit3A_186 : f32 to vector<256x4096xf32>
    %select_n3A_188 = arith.select %eq3A_185, %broadcast_in_dim3A_187, %select_n3A_172 : vector<256x4096xi1>, vector<256x4096xf32>
    %reduce_max3A_189 = arith.constant dense<0xFF800000> : vector<256xf32>
    %reduce_max3A_190 = vector.multi_reduction <maximumf>, %select_n3A_188, %reduce_max3A_189 [1] : vector<256x4096xf32> to vector<256xf32>
    %broadcast_in_dim3A_191 = vector.shape_cast %reduce_max3A_190 : vector<256xf32> to vector<256x1xf32>
    %ge3A_192 = vector.broadcast %broadcast_in_dim3A_191 : vector<256x1xf32> to vector<256x4096xf32>
    %ge3A_193 = arith.cmpf oge, %select_n3A_188, %ge3A_192 : vector<256x4096xf32>
    %jit3A_194 = arith.constant 4096 : i32
    %broadcast_in_dim3A_195 = vector.broadcast %jit3A_194 : i32 to vector<256x4096xi32>
    %select_n3A_196 = arith.select %ge3A_193, %iota3A, %broadcast_in_dim3A_195 : vector<256x4096xi1>, vector<256x4096xi32>
    %reduce_min3A_197 = arith.constant dense<2147483647> : vector<256xi32>
    %reduce_min3A_198 = vector.multi_reduction <minsi>, %select_n3A_196, %reduce_min3A_197 [1] : vector<256x4096xi32> to vector<256xi32>
    %broadcast_in_dim3A_199 = vector.shape_cast %reduce_min3A_198 : vector<256xi32> to vector<256x1xi32>
    %eq3A_200 = vector.broadcast %broadcast_in_dim3A_199 : vector<256x1xi32> to vector<256x4096xi32>
    %eq3A_201 = arith.cmpi eq, %iota3A, %eq3A_200 : vector<256x4096xi32>
    %jit3A_202 = arith.constant 0xFF800000 : f32
    %broadcast_in_dim3A_203 = vector.broadcast %jit3A_202 : f32 to vector<256x4096xf32>
    %select_n3A_204 = arith.select %eq3A_201, %broadcast_in_dim3A_203, %select_n3A_188 : vector<256x4096xi1>, vector<256x4096xf32>
    %reduce_max3A_205 = arith.constant dense<0xFF800000> : vector<256xf32>
    %reduce_max3A_206 = vector.multi_reduction <maximumf>, %select_n3A_204, %reduce_max3A_205 [1] : vector<256x4096xf32> to vector<256xf32>
    %broadcast_in_dim3A_207 = vector.shape_cast %reduce_max3A_206 : vector<256xf32> to vector<256x1xf32>
    %ge3A_208 = vector.broadcast %broadcast_in_dim3A_207 : vector<256x1xf32> to vector<256x4096xf32>
    %ge3A_209 = arith.cmpf oge, %select_n3A_204, %ge3A_208 : vector<256x4096xf32>
    %jit3A_210 = arith.constant 4096 : i32
    %broadcast_in_dim3A_211 = vector.broadcast %jit3A_210 : i32 to vector<256x4096xi32>
    %select_n3A_212 = arith.select %ge3A_209, %iota3A, %broadcast_in_dim3A_211 : vector<256x4096xi1>, vector<256x4096xi32>
    %reduce_min3A_213 = arith.constant dense<2147483647> : vector<256xi32>
    %reduce_min3A_214 = vector.multi_reduction <minsi>, %select_n3A_212, %reduce_min3A_213 [1] : vector<256x4096xi32> to vector<256xi32>
    %broadcast_in_dim3A_215 = vector.shape_cast %reduce_min3A_214 : vector<256xi32> to vector<256x1xi32>
    %eq3A_216 = vector.broadcast %broadcast_in_dim3A_215 : vector<256x1xi32> to vector<256x4096xi32>
    %eq3A_217 = arith.cmpi eq, %iota3A, %eq3A_216 : vector<256x4096xi32>
    %jit3A_218 = arith.constant 0xFF800000 : f32
    %broadcast_in_dim3A_219 = vector.broadcast %jit3A_218 : f32 to vector<256x4096xf32>
    %select_n3A_220 = arith.select %eq3A_217, %broadcast_in_dim3A_219, %select_n3A_204 : vector<256x4096xi1>, vector<256x4096xf32>
    %reduce_max3A_221 = arith.constant dense<0xFF800000> : vector<256xf32>
    %reduce_max3A_222 = vector.multi_reduction <maximumf>, %select_n3A_220, %reduce_max3A_221 [1] : vector<256x4096xf32> to vector<256xf32>
    %broadcast_in_dim3A_223 = vector.shape_cast %reduce_max3A_222 : vector<256xf32> to vector<256x1xf32>
    %ge3A_224 = vector.broadcast %broadcast_in_dim3A_223 : vector<256x1xf32> to vector<256x4096xf32>
    %ge3A_225 = arith.cmpf oge, %select_n3A_220, %ge3A_224 : vector<256x4096xf32>
    %jit3A_226 = arith.constant 4096 : i32
    %broadcast_in_dim3A_227 = vector.broadcast %jit3A_226 : i32 to vector<256x4096xi32>
    %select_n3A_228 = arith.select %ge3A_225, %iota3A, %broadcast_in_dim3A_227 : vector<256x4096xi1>, vector<256x4096xi32>
    %reduce_min3A_229 = arith.constant dense<2147483647> : vector<256xi32>
    %reduce_min3A_230 = vector.multi_reduction <minsi>, %select_n3A_228, %reduce_min3A_229 [1] : vector<256x4096xi32> to vector<256xi32>
    %broadcast_in_dim3A_231 = vector.shape_cast %reduce_min3A_230 : vector<256xi32> to vector<256x1xi32>
    %eq3A_232 = vector.broadcast %broadcast_in_dim3A_231 : vector<256x1xi32> to vector<256x4096xi32>
    %eq3A_233 = arith.cmpi eq, %iota3A, %eq3A_232 : vector<256x4096xi32>
    %jit3A_234 = arith.constant 0xFF800000 : f32
    %broadcast_in_dim3A_235 = vector.broadcast %jit3A_234 : f32 to vector<256x4096xf32>
    %select_n3A_236 = arith.select %eq3A_233, %broadcast_in_dim3A_235, %select_n3A_220 : vector<256x4096xi1>, vector<256x4096xf32>
    %reduce_max3A_237 = arith.constant dense<0xFF800000> : vector<256xf32>
    %reduce_max3A_238 = vector.multi_reduction <maximumf>, %select_n3A_236, %reduce_max3A_237 [1] : vector<256x4096xf32> to vector<256xf32>
    %broadcast_in_dim3A_239 = vector.shape_cast %reduce_max3A_238 : vector<256xf32> to vector<256x1xf32>
    %ge3A_240 = vector.broadcast %broadcast_in_dim3A_239 : vector<256x1xf32> to vector<256x4096xf32>
    %ge3A_241 = arith.cmpf oge, %select_n3A_236, %ge3A_240 : vector<256x4096xf32>
    %jit3A_242 = arith.constant 4096 : i32
    %broadcast_in_dim3A_243 = vector.broadcast %jit3A_242 : i32 to vector<256x4096xi32>
    %select_n3A_244 = arith.select %ge3A_241, %iota3A, %broadcast_in_dim3A_243 : vector<256x4096xi1>, vector<256x4096xi32>
    %reduce_min3A_245 = arith.constant dense<2147483647> : vector<256xi32>
    %reduce_min3A_246 = vector.multi_reduction <minsi>, %select_n3A_244, %reduce_min3A_245 [1] : vector<256x4096xi32> to vector<256xi32>
    %broadcast_in_dim3A_247 = vector.shape_cast %reduce_min3A_246 : vector<256xi32> to vector<256x1xi32>
    %concatenate3A = tpu.concatenate %broadcast_in_dim3A_8, %broadcast_in_dim3A_23, %broadcast_in_dim3A_39, %broadcast_in_dim3A_55, %broadcast_in_dim3A_71, %broadcast_in_dim3A_87, %broadcast_in_dim3A_103, %broadcast_in_dim3A_119, %broadcast_in_dim3A_135, %broadcast_in_dim3A_151, %broadcast_in_dim3A_167, %broadcast_in_dim3A_183, %broadcast_in_dim3A_199, %broadcast_in_dim3A_215, %broadcast_in_dim3A_231, %broadcast_in_dim3A_247 in 1 : vector<256x1xi32>, vector<256x1xi32>, vector<256x1xi32>, vector<256x1xi32>, vector<256x1xi32>, vector<256x1xi32>, vector<256x1xi32>, vector<256x1xi32>, vector<256x1xi32>, vector<256x1xi32>, vector<256x1xi32>, vector<256x1xi32>, vector<256x1xi32>, vector<256x1xi32>, vector<256x1xi32>, vector<256x1xi32> -> vector<256x16xi32>
    %swap3A = arith.constant 0 : index
    %swap3A_248 = arith.constant 0 : index
    %swap3A_249 = arith.constant 0 : index
    %swap3A_250 = vector.load %arg3[%swap3A, %swap3A_248, %swap3A_249] : memref<1x256x16xi32, #tpu.memory_space<vmem>>, vector<1x256x16xi32>
    %swap3A_251 = vector.shape_cast %swap3A_250 : vector<1x256x16xi32> to vector<256x16xi32>
    %swap3A_252 = vector.shape_cast %concatenate3A : vector<256x16xi32> to vector<1x256x16xi32>
    tpu.vector_store %arg3[%swap3A, %swap3A_248, %swap3A_249], %swap3A_252 {strides = array<i32>} : memref<1x256x16xi32, #tpu.memory_space<vmem>>, vector<1x256x16xi32>,
    return
  }
  func.func @transform_0(%arg0: i32, %arg1: i32) -> (i32, i32, i32) {
    %c0_i32 = arith.constant 0 : i32
    %c0_i32_0 = arith.constant 0 : i32
    return %arg0, %arg1, %c0_i32 : i32, i32, i32
  }
  func.func @transform_1(%arg0: i32, %arg1: i32) -> (i32, i32, i32) {
    %c0_i32 = arith.constant 0 : i32
    %c0_i32_0 = arith.constant 0 : i32
    return %arg0, %arg1, %c0_i32 : i32, i32, i32
  }
}

module attributes {stable_mosaic.version = 14 : i64} {
  func.func @body(%arg0: i32, %arg1: i32, %arg2: memref<1x256x1024xf32, #tpu.memory_space<vmem>>, %arg3: memref<1x256x16xi32, #tpu.memory_space<vmem>>) attributes {dimension_semantics = [#tpu.dimension_semantics<parallel>, #tpu.dimension_semantics<parallel>], iteration_bounds = array<i64: 2, 4>, scalar_prefetch = 0 : i64, scratch_operands = 0 : i64, tpu.core_type = #tpu.core_type<tc>, window_params = [{transform_indices = @transform_0, window_bounds = array<i64: 1, 256, 1024>}, {transform_indices = @transform_1, window_bounds = array<i64: 1, 256, 16>}]} {
    %get3A = arith.constant 0 : index
    %get3A_0 = arith.constant 0 : index
    %get3A_1 = arith.constant 0 : index
    %get3A_2 = vector.load %arg2[%get3A, %get3A_0, %get3A_1] : memref<1x256x1024xf32, #tpu.memory_space<vmem>>, vector<1x256x1024xf32>
    %get3A_3 = vector.shape_cast %get3A_2 : vector<1x256x1024xf32> to vector<256x1024xf32>
    %iota3A = tpu.iota {dimensions = array<i32: 1>} : vector<256x1024xi32>
    %reduce_max3A = arith.constant dense<0xFF800000> : vector<256xf32>
    %reduce_max3A_4 = vector.multi_reduction <maximumf>, %get3A_3, %reduce_max3A [1] : vector<256x1024xf32> to vector<256xf32>
    %broadcast_in_dim3A = vector.shape_cast %reduce_max3A_4 : vector<256xf32> to vector<256x1xf32>
    %ge3A = vector.broadcast %broadcast_in_dim3A : vector<256x1xf32> to vector<256x1024xf32>
    %ge3A_5 = arith.cmpf oge, %get3A_3, %ge3A : vector<256x1024xf32>
    %jit3A = arith.constant 1024 : i32
    %broadcast_in_dim3A_6 = vector.broadcast %jit3A : i32 to vector<256x1024xi32>
    %select_n3A = arith.select %ge3A_5, %iota3A, %broadcast_in_dim3A_6 : vector<256x1024xi1>, vector<256x1024xi32>
    %reduce_min3A = arith.constant dense<2147483647> : vector<256xi32>
    %reduce_min3A_7 = vector.multi_reduction <minsi>, %select_n3A, %reduce_min3A [1] : vector<256x1024xi32> to vector<256xi32>
    %broadcast_in_dim3A_8 = vector.shape_cast %reduce_min3A_7 : vector<256xi32> to vector<256x1xi32>
    %eq3A = vector.broadcast %broadcast_in_dim3A_8 : vector<256x1xi32> to vector<256x1024xi32>
    %eq3A_9 = arith.cmpi eq, %iota3A, %eq3A : vector<256x1024xi32>
    %jit3A_10 = arith.constant 0xFF800000 : f32
    %broadcast_in_dim3A_11 = vector.broadcast %jit3A_10 : f32 to vector<256x1024xf32>
    %select_n3A_12 = arith.select %eq3A_9, %broadcast_in_dim3A_11, %get3A_3 : vector<256x1024xi1>, vector<256x1024xf32>
    %reduce_max3A_13 = arith.constant dense<0xFF800000> : vector<256xf32>
    %reduce_max3A_14 = vector.multi_reduction <maximumf>, %select_n3A_12, %reduce_max3A_13 [1] : vector<256x1024xf32> to vector<256xf32>
    %broadcast_in_dim3A_15 = vector.shape_cast %reduce_max3A_14 : vector<256xf32> to vector<256x1xf32>
    %ge3A_16 = vector.broadcast %broadcast_in_dim3A_15 : vector<256x1xf32> to vector<256x1024xf32>
    %ge3A_17 = arith.cmpf oge, %select_n3A_12, %ge3A_16 : vector<256x1024xf32>
    %jit3A_18 = arith.constant 1024 : i32
    %broadcast_in_dim3A_19 = vector.broadcast %jit3A_18 : i32 to vector<256x1024xi32>
    %select_n3A_20 = arith.select %ge3A_17, %iota3A, %broadcast_in_dim3A_19 : vector<256x1024xi1>, vector<256x1024xi32>
    %reduce_min3A_21 = arith.constant dense<2147483647> : vector<256xi32>
    %reduce_min3A_22 = vector.multi_reduction <minsi>, %select_n3A_20, %reduce_min3A_21 [1] : vector<256x1024xi32> to vector<256xi32>
    %broadcast_in_dim3A_23 = vector.shape_cast %reduce_min3A_22 : vector<256xi32> to vector<256x1xi32>
    %eq3A_24 = vector.broadcast %broadcast_in_dim3A_23 : vector<256x1xi32> to vector<256x1024xi32>
    %eq3A_25 = arith.cmpi eq, %iota3A, %eq3A_24 : vector<256x1024xi32>
    %jit3A_26 = arith.constant 0xFF800000 : f32
    %broadcast_in_dim3A_27 = vector.broadcast %jit3A_26 : f32 to vector<256x1024xf32>
    %select_n3A_28 = arith.select %eq3A_25, %broadcast_in_dim3A_27, %select_n3A_12 : vector<256x1024xi1>, vector<256x1024xf32>
    %reduce_max3A_29 = arith.constant dense<0xFF800000> : vector<256xf32>
    %reduce_max3A_30 = vector.multi_reduction <maximumf>, %select_n3A_28, %reduce_max3A_29 [1] : vector<256x1024xf32> to vector<256xf32>
    %broadcast_in_dim3A_31 = vector.shape_cast %reduce_max3A_30 : vector<256xf32> to vector<256x1xf32>
    %ge3A_32 = vector.broadcast %broadcast_in_dim3A_31 : vector<256x1xf32> to vector<256x1024xf32>
    %ge3A_33 = arith.cmpf oge, %select_n3A_28, %ge3A_32 : vector<256x1024xf32>
    %jit3A_34 = arith.constant 1024 : i32
    %broadcast_in_dim3A_35 = vector.broadcast %jit3A_34 : i32 to vector<256x1024xi32>
    %select_n3A_36 = arith.select %ge3A_33, %iota3A, %broadcast_in_dim3A_35 : vector<256x1024xi1>, vector<256x1024xi32>
    %reduce_min3A_37 = arith.constant dense<2147483647> : vector<256xi32>
    %reduce_min3A_38 = vector.multi_reduction <minsi>, %select_n3A_36, %reduce_min3A_37 [1] : vector<256x1024xi32> to vector<256xi32>
    %broadcast_in_dim3A_39 = vector.shape_cast %reduce_min3A_38 : vector<256xi32> to vector<256x1xi32>
    %eq3A_40 = vector.broadcast %broadcast_in_dim3A_39 : vector<256x1xi32> to vector<256x1024xi32>
    %eq3A_41 = arith.cmpi eq, %iota3A, %eq3A_40 : vector<256x1024xi32>
    %jit3A_42 = arith.constant 0xFF800000 : f32
    %broadcast_in_dim3A_43 = vector.broadcast %jit3A_42 : f32 to vector<256x1024xf32>
    %select_n3A_44 = arith.select %eq3A_41, %broadcast_in_dim3A_43, %select_n3A_28 : vector<256x1024xi1>, vector<256x1024xf32>
    %reduce_max3A_45 = arith.constant dense<0xFF800000> : vector<256xf32>
    %reduce_max3A_46 = vector.multi_reduction <maximumf>, %select_n3A_44, %reduce_max3A_45 [1] : vector<256x1024xf32> to vector<256xf32>
    %broadcast_in_dim3A_47 = vector.shape_cast %reduce_max3A_46 : vector<256xf32> to vector<256x1xf32>
    %ge3A_48 = vector.broadcast %broadcast_in_dim3A_47 : vector<256x1xf32> to vector<256x1024xf32>
    %ge3A_49 = arith.cmpf oge, %select_n3A_44, %ge3A_48 : vector<256x1024xf32>
    %jit3A_50 = arith.constant 1024 : i32
    %broadcast_in_dim3A_51 = vector.broadcast %jit3A_50 : i32 to vector<256x1024xi32>
    %select_n3A_52 = arith.select %ge3A_49, %iota3A, %broadcast_in_dim3A_51 : vector<256x1024xi1>, vector<256x1024xi32>
    %reduce_min3A_53 = arith.constant dense<2147483647> : vector<256xi32>
    %reduce_min3A_54 = vector.multi_reduction <minsi>, %select_n3A_52, %reduce_min3A_53 [1] : vector<256x1024xi32> to vector<256xi32>
    %broadcast_in_dim3A_55 = vector.shape_cast %reduce_min3A_54 : vector<256xi32> to vector<256x1xi32>
    %eq3A_56 = vector.broadcast %broadcast_in_dim3A_55 : vector<256x1xi32> to vector<256x1024xi32>
    %eq3A_57 = arith.cmpi eq, %iota3A, %eq3A_56 : vector<256x1024xi32>
    %jit3A_58 = arith.constant 0xFF800000 : f32
    %broadcast_in_dim3A_59 = vector.broadcast %jit3A_58 : f32 to vector<256x1024xf32>
    %select_n3A_60 = arith.select %eq3A_57, %broadcast_in_dim3A_59, %select_n3A_44 : vector<256x1024xi1>, vector<256x1024xf32>
    %reduce_max3A_61 = arith.constant dense<0xFF800000> : vector<256xf32>
    %reduce_max3A_62 = vector.multi_reduction <maximumf>, %select_n3A_60, %reduce_max3A_61 [1] : vector<256x1024xf32> to vector<256xf32>
    %broadcast_in_dim3A_63 = vector.shape_cast %reduce_max3A_62 : vector<256xf32> to vector<256x1xf32>
    %ge3A_64 = vector.broadcast %broadcast_in_dim3A_63 : vector<256x1xf32> to vector<256x1024xf32>
    %ge3A_65 = arith.cmpf oge, %select_n3A_60, %ge3A_64 : vector<256x1024xf32>
    %jit3A_66 = arith.constant 1024 : i32
    %broadcast_in_dim3A_67 = vector.broadcast %jit3A_66 : i32 to vector<256x1024xi32>
    %select_n3A_68 = arith.select %ge3A_65, %iota3A, %broadcast_in_dim3A_67 : vector<256x1024xi1>, vector<256x1024xi32>
    %reduce_min3A_69 = arith.constant dense<2147483647> : vector<256xi32>
    %reduce_min3A_70 = vector.multi_reduction <minsi>, %select_n3A_68, %reduce_min3A_69 [1] : vector<256x1024xi32> to vector<256xi32>
    %broadcast_in_dim3A_71 = vector.shape_cast %reduce_min3A_70 : vector<256xi32> to vector<256x1xi32>
    %eq3A_72 = vector.broadcast %broadcast_in_dim3A_71 : vector<256x1xi32> to vector<256x1024xi32>
    %eq3A_73 = arith.cmpi eq, %iota3A, %eq3A_72 : vector<256x1024xi32>
    %jit3A_74 = arith.constant 0xFF800000 : f32
    %broadcast_in_dim3A_75 = vector.broadcast %jit3A_74 : f32 to vector<256x1024xf32>
    %select_n3A_76 = arith.select %eq3A_73, %broadcast_in_dim3A_75, %select_n3A_60 : vector<256x1024xi1>, vector<256x1024xf32>
    %reduce_max3A_77 = arith.constant dense<0xFF800000> : vector<256xf32>
    %reduce_max3A_78 = vector.multi_reduction <maximumf>, %select_n3A_76, %reduce_max3A_77 [1] : vector<256x1024xf32> to vector<256xf32>
    %broadcast_in_dim3A_79 = vector.shape_cast %reduce_max3A_78 : vector<256xf32> to vector<256x1xf32>
    %ge3A_80 = vector.broadcast %broadcast_in_dim3A_79 : vector<256x1xf32> to vector<256x1024xf32>
    %ge3A_81 = arith.cmpf oge, %select_n3A_76, %ge3A_80 : vector<256x1024xf32>
    %jit3A_82 = arith.constant 1024 : i32
    %broadcast_in_dim3A_83 = vector.broadcast %jit3A_82 : i32 to vector<256x1024xi32>
    %select_n3A_84 = arith.select %ge3A_81, %iota3A, %broadcast_in_dim3A_83 : vector<256x1024xi1>, vector<256x1024xi32>
    %reduce_min3A_85 = arith.constant dense<2147483647> : vector<256xi32>
    %reduce_min3A_86 = vector.multi_reduction <minsi>, %select_n3A_84, %reduce_min3A_85 [1] : vector<256x1024xi32> to vector<256xi32>
    %broadcast_in_dim3A_87 = vector.shape_cast %reduce_min3A_86 : vector<256xi32> to vector<256x1xi32>
    %eq3A_88 = vector.broadcast %broadcast_in_dim3A_87 : vector<256x1xi32> to vector<256x1024xi32>
    %eq3A_89 = arith.cmpi eq, %iota3A, %eq3A_88 : vector<256x1024xi32>
    %jit3A_90 = arith.constant 0xFF800000 : f32
    %broadcast_in_dim3A_91 = vector.broadcast %jit3A_90 : f32 to vector<256x1024xf32>
    %select_n3A_92 = arith.select %eq3A_89, %broadcast_in_dim3A_91, %select_n3A_76 : vector<256x1024xi1>, vector<256x1024xf32>
    %reduce_max3A_93 = arith.constant dense<0xFF800000> : vector<256xf32>
    %reduce_max3A_94 = vector.multi_reduction <maximumf>, %select_n3A_92, %reduce_max3A_93 [1] : vector<256x1024xf32> to vector<256xf32>
    %broadcast_in_dim3A_95 = vector.shape_cast %reduce_max3A_94 : vector<256xf32> to vector<256x1xf32>
    %ge3A_96 = vector.broadcast %broadcast_in_dim3A_95 : vector<256x1xf32> to vector<256x1024xf32>
    %ge3A_97 = arith.cmpf oge, %select_n3A_92, %ge3A_96 : vector<256x1024xf32>
    %jit3A_98 = arith.constant 1024 : i32
    %broadcast_in_dim3A_99 = vector.broadcast %jit3A_98 : i32 to vector<256x1024xi32>
    %select_n3A_100 = arith.select %ge3A_97, %iota3A, %broadcast_in_dim3A_99 : vector<256x1024xi1>, vector<256x1024xi32>
    %reduce_min3A_101 = arith.constant dense<2147483647> : vector<256xi32>
    %reduce_min3A_102 = vector.multi_reduction <minsi>, %select_n3A_100, %reduce_min3A_101 [1] : vector<256x1024xi32> to vector<256xi32>
    %broadcast_in_dim3A_103 = vector.shape_cast %reduce_min3A_102 : vector<256xi32> to vector<256x1xi32>
    %eq3A_104 = vector.broadcast %broadcast_in_dim3A_103 : vector<256x1xi32> to vector<256x1024xi32>
    %eq3A_105 = arith.cmpi eq, %iota3A, %eq3A_104 : vector<256x1024xi32>
    %jit3A_106 = arith.constant 0xFF800000 : f32
    %broadcast_in_dim3A_107 = vector.broadcast %jit3A_106 : f32 to vector<256x1024xf32>
    %select_n3A_108 = arith.select %eq3A_105, %broadcast_in_dim3A_107, %select_n3A_92 : vector<256x1024xi1>, vector<256x1024xf32>
    %reduce_max3A_109 = arith.constant dense<0xFF800000> : vector<256xf32>
    %reduce_max3A_110 = vector.multi_reduction <maximumf>, %select_n3A_108, %reduce_max3A_109 [1] : vector<256x1024xf32> to vector<256xf32>
    %broadcast_in_dim3A_111 = vector.shape_cast %reduce_max3A_110 : vector<256xf32> to vector<256x1xf32>
    %ge3A_112 = vector.broadcast %broadcast_in_dim3A_111 : vector<256x1xf32> to vector<256x1024xf32>
    %ge3A_113 = arith.cmpf oge, %select_n3A_108, %ge3A_112 : vector<256x1024xf32>
    %jit3A_114 = arith.constant 1024 : i32
    %broadcast_in_dim3A_115 = vector.broadcast %jit3A_114 : i32 to vector<256x1024xi32>
    %select_n3A_116 = arith.select %ge3A_113, %iota3A, %broadcast_in_dim3A_115 : vector<256x1024xi1>, vector<256x1024xi32>
    %reduce_min3A_117 = arith.constant dense<2147483647> : vector<256xi32>
    %reduce_min3A_118 = vector.multi_reduction <minsi>, %select_n3A_116, %reduce_min3A_117 [1] : vector<256x1024xi32> to vector<256xi32>
    %broadcast_in_dim3A_119 = vector.shape_cast %reduce_min3A_118 : vector<256xi32> to vector<256x1xi32>
    %eq3A_120 = vector.broadcast %broadcast_in_dim3A_119 : vector<256x1xi32> to vector<256x1024xi32>
    %eq3A_121 = arith.cmpi eq, %iota3A, %eq3A_120 : vector<256x1024xi32>
    %jit3A_122 = arith.constant 0xFF800000 : f32
    %broadcast_in_dim3A_123 = vector.broadcast %jit3A_122 : f32 to vector<256x1024xf32>
    %select_n3A_124 = arith.select %eq3A_121, %broadcast_in_dim3A_123, %select_n3A_108 : vector<256x1024xi1>, vector<256x1024xf32>
    %reduce_max3A_125 = arith.constant dense<0xFF800000> : vector<256xf32>
    %reduce_max3A_126 = vector.multi_reduction <maximumf>, %select_n3A_124, %reduce_max3A_125 [1] : vector<256x1024xf32> to vector<256xf32>
    %broadcast_in_dim3A_127 = vector.shape_cast %reduce_max3A_126 : vector<256xf32> to vector<256x1xf32>
    %ge3A_128 = vector.broadcast %broadcast_in_dim3A_127 : vector<256x1xf32> to vector<256x1024xf32>
    %ge3A_129 = arith.cmpf oge, %select_n3A_124, %ge3A_128 : vector<256x1024xf32>
    %jit3A_130 = arith.constant 1024 : i32
    %broadcast_in_dim3A_131 = vector.broadcast %jit3A_130 : i32 to vector<256x1024xi32>
    %select_n3A_132 = arith.select %ge3A_129, %iota3A, %broadcast_in_dim3A_131 : vector<256x1024xi1>, vector<256x1024xi32>
    %reduce_min3A_133 = arith.constant dense<2147483647> : vector<256xi32>
    %reduce_min3A_134 = vector.multi_reduction <minsi>, %select_n3A_132, %reduce_min3A_133 [1] : vector<256x1024xi32> to vector<256xi32>
    %broadcast_in_dim3A_135 = vector.shape_cast %reduce_min3A_134 : vector<256xi32> to vector<256x1xi32>
    %eq3A_136 = vector.broadcast %broadcast_in_dim3A_135 : vector<256x1xi32> to vector<256x1024xi32>
    %eq3A_137 = arith.cmpi eq, %iota3A, %eq3A_136 : vector<256x1024xi32>
    %jit3A_138 = arith.constant 0xFF800000 : f32
    %broadcast_in_dim3A_139 = vector.broadcast %jit3A_138 : f32 to vector<256x1024xf32>
    %select_n3A_140 = arith.select %eq3A_137, %broadcast_in_dim3A_139, %select_n3A_124 : vector<256x1024xi1>, vector<256x1024xf32>
    %reduce_max3A_141 = arith.constant dense<0xFF800000> : vector<256xf32>
    %reduce_max3A_142 = vector.multi_reduction <maximumf>, %select_n3A_140, %reduce_max3A_141 [1] : vector<256x1024xf32> to vector<256xf32>
    %broadcast_in_dim3A_143 = vector.shape_cast %reduce_max3A_142 : vector<256xf32> to vector<256x1xf32>
    %ge3A_144 = vector.broadcast %broadcast_in_dim3A_143 : vector<256x1xf32> to vector<256x1024xf32>
    %ge3A_145 = arith.cmpf oge, %select_n3A_140, %ge3A_144 : vector<256x1024xf32>
    %jit3A_146 = arith.constant 1024 : i32
    %broadcast_in_dim3A_147 = vector.broadcast %jit3A_146 : i32 to vector<256x1024xi32>
    %select_n3A_148 = arith.select %ge3A_145, %iota3A, %broadcast_in_dim3A_147 : vector<256x1024xi1>, vector<256x1024xi32>
    %reduce_min3A_149 = arith.constant dense<2147483647> : vector<256xi32>
    %reduce_min3A_150 = vector.multi_reduction <minsi>, %select_n3A_148, %reduce_min3A_149 [1] : vector<256x1024xi32> to vector<256xi32>
    %broadcast_in_dim3A_151 = vector.shape_cast %reduce_min3A_150 : vector<256xi32> to vector<256x1xi32>
    %eq3A_152 = vector.broadcast %broadcast_in_dim3A_151 : vector<256x1xi32> to vector<256x1024xi32>
    %eq3A_153 = arith.cmpi eq, %iota3A, %eq3A_152 : vector<256x1024xi32>
    %jit3A_154 = arith.constant 0xFF800000 : f32
    %broadcast_in_dim3A_155 = vector.broadcast %jit3A_154 : f32 to vector<256x1024xf32>
    %select_n3A_156 = arith.select %eq3A_153, %broadcast_in_dim3A_155, %select_n3A_140 : vector<256x1024xi1>, vector<256x1024xf32>
    %reduce_max3A_157 = arith.constant dense<0xFF800000> : vector<256xf32>
    %reduce_max3A_158 = vector.multi_reduction <maximumf>, %select_n3A_156, %reduce_max3A_157 [1] : vector<256x1024xf32> to vector<256xf32>
    %broadcast_in_dim3A_159 = vector.shape_cast %reduce_max3A_158 : vector<256xf32> to vector<256x1xf32>
    %ge3A_160 = vector.broadcast %broadcast_in_dim3A_159 : vector<256x1xf32> to vector<256x1024xf32>
    %ge3A_161 = arith.cmpf oge, %select_n3A_156, %ge3A_160 : vector<256x1024xf32>
    %jit3A_162 = arith.constant 1024 : i32
    %broadcast_in_dim3A_163 = vector.broadcast %jit3A_162 : i32 to vector<256x1024xi32>
    %select_n3A_164 = arith.select %ge3A_161, %iota3A, %broadcast_in_dim3A_163 : vector<256x1024xi1>, vector<256x1024xi32>
    %reduce_min3A_165 = arith.constant dense<2147483647> : vector<256xi32>
    %reduce_min3A_166 = vector.multi_reduction <minsi>, %select_n3A_164, %reduce_min3A_165 [1] : vector<256x1024xi32> to vector<256xi32>
    %broadcast_in_dim3A_167 = vector.shape_cast %reduce_min3A_166 : vector<256xi32> to vector<256x1xi32>
    %eq3A_168 = vector.broadcast %broadcast_in_dim3A_167 : vector<256x1xi32> to vector<256x1024xi32>
    %eq3A_169 = arith.cmpi eq, %iota3A, %eq3A_168 : vector<256x1024xi32>
    %jit3A_170 = arith.constant 0xFF800000 : f32
    %broadcast_in_dim3A_171 = vector.broadcast %jit3A_170 : f32 to vector<256x1024xf32>
    %select_n3A_172 = arith.select %eq3A_169, %broadcast_in_dim3A_171, %select_n3A_156 : vector<256x1024xi1>, vector<256x1024xf32>
    %reduce_max3A_173 = arith.constant dense<0xFF800000> : vector<256xf32>
    %reduce_max3A_174 = vector.multi_reduction <maximumf>, %select_n3A_172, %reduce_max3A_173 [1] : vector<256x1024xf32> to vector<256xf32>
    %broadcast_in_dim3A_175 = vector.shape_cast %reduce_max3A_174 : vector<256xf32> to vector<256x1xf32>
    %ge3A_176 = vector.broadcast %broadcast_in_dim3A_175 : vector<256x1xf32> to vector<256x1024xf32>
    %ge3A_177 = arith.cmpf oge, %select_n3A_172, %ge3A_176 : vector<256x1024xf32>
    %jit3A_178 = arith.constant 1024 : i32
    %broadcast_in_dim3A_179 = vector.broadcast %jit3A_178 : i32 to vector<256x1024xi32>
    %select_n3A_180 = arith.select %ge3A_177, %iota3A, %broadcast_in_dim3A_179 : vector<256x1024xi1>, vector<256x1024xi32>
    %reduce_min3A_181 = arith.constant dense<2147483647> : vector<256xi32>
    %reduce_min3A_182 = vector.multi_reduction <minsi>, %select_n3A_180, %reduce_min3A_181 [1] : vector<256x1024xi32> to vector<256xi32>
    %broadcast_in_dim3A_183 = vector.shape_cast %reduce_min3A_182 : vector<256xi32> to vector<256x1xi32>
    %eq3A_184 = vector.broadcast %broadcast_in_dim3A_183 : vector<256x1xi32> to vector<256x1024xi32>
    %eq3A_185 = arith.cmpi eq, %iota3A, %eq3A_184 : vector<256x1024xi32>
    %jit3A_186 = arith.constant 0xFF800000 : f32
    %broadcast_in_dim3A_187 = vector.broadcast %jit3A_186 : f32 to vector<256x1024xf32>
    %select_n3A_188 = arith.select %eq3A_185, %broadcast_in_dim3A_187, %select_n3A_172 : vector<256x1024xi1>, vector<256x1024xf32>
    %reduce_max3A_189 = arith.constant dense<0xFF800000> : vector<256xf32>
    %reduce_max3A_190 = vector.multi_reduction <maximumf>, %select_n3A_188, %reduce_max3A_189 [1] : vector<256x1024xf32> to vector<256xf32>
    %broadcast_in_dim3A_191 = vector.shape_cast %reduce_max3A_190 : vector<256xf32> to vector<256x1xf32>
    %ge3A_192 = vector.broadcast %broadcast_in_dim3A_191 : vector<256x1xf32> to vector<256x1024xf32>
    %ge3A_193 = arith.cmpf oge, %select_n3A_188, %ge3A_192 : vector<256x1024xf32>
    %jit3A_194 = arith.constant 1024 : i32
    %broadcast_in_dim3A_195 = vector.broadcast %jit3A_194 : i32 to vector<256x1024xi32>
    %select_n3A_196 = arith.select %ge3A_193, %iota3A, %broadcast_in_dim3A_195 : vector<256x1024xi1>, vector<256x1024xi32>
    %reduce_min3A_197 = arith.constant dense<2147483647> : vector<256xi32>
    %reduce_min3A_198 = vector.multi_reduction <minsi>, %select_n3A_196, %reduce_min3A_197 [1] : vector<256x1024xi32> to vector<256xi32>
    %broadcast_in_dim3A_199 = vector.shape_cast %reduce_min3A_198 : vector<256xi32> to vector<256x1xi32>
    %eq3A_200 = vector.broadcast %broadcast_in_dim3A_199 : vector<256x1xi32> to vector<256x1024xi32>
    %eq3A_201 = arith.cmpi eq, %iota3A, %eq3A_200 : vector<256x1024xi32>
    %jit3A_202 = arith.constant 0xFF800000 : f32
    %broadcast_in_dim3A_203 = vector.broadcast %jit3A_202 : f32 to vector<256x1024xf32>
    %select_n3A_204 = arith.select %eq3A_201, %broadcast_in_dim3A_203, %select_n3A_188 : vector<256x1024xi1>, vector<256x1024xf32>
    %reduce_max3A_205 = arith.constant dense<0xFF800000> : vector<256xf32>
    %reduce_max3A_206 = vector.multi_reduction <maximumf>, %select_n3A_204, %reduce_max3A_205 [1] : vector<256x1024xf32> to vector<256xf32>
    %broadcast_in_dim3A_207 = vector.shape_cast %reduce_max3A_206 : vector<256xf32> to vector<256x1xf32>
    %ge3A_208 = vector.broadcast %broadcast_in_dim3A_207 : vector<256x1xf32> to vector<256x1024xf32>
    %ge3A_209 = arith.cmpf oge, %select_n3A_204, %ge3A_208 : vector<256x1024xf32>
    %jit3A_210 = arith.constant 1024 : i32
    %broadcast_in_dim3A_211 = vector.broadcast %jit3A_210 : i32 to vector<256x1024xi32>
    %select_n3A_212 = arith.select %ge3A_209, %iota3A, %broadcast_in_dim3A_211 : vector<256x1024xi1>, vector<256x1024xi32>
    %reduce_min3A_213 = arith.constant dense<2147483647> : vector<256xi32>
    %reduce_min3A_214 = vector.multi_reduction <minsi>, %select_n3A_212, %reduce_min3A_213 [1] : vector<256x1024xi32> to vector<256xi32>
    %broadcast_in_dim3A_215 = vector.shape_cast %reduce_min3A_214 : vector<256xi32> to vector<256x1xi32>
    %eq3A_216 = vector.broadcast %broadcast_in_dim3A_215 : vector<256x1xi32> to vector<256x1024xi32>
    %eq3A_217 = arith.cmpi eq, %iota3A, %eq3A_216 : vector<256x1024xi32>
    %jit3A_218 = arith.constant 0xFF800000 : f32
    %broadcast_in_dim3A_219 = vector.broadcast %jit3A_218 : f32 to vector<256x1024xf32>
    %select_n3A_220 = arith.select %eq3A_217, %broadcast_in_dim3A_219, %select_n3A_204 : vector<256x1024xi1>, vector<256x1024xf32>
    %reduce_max3A_221 = arith.constant dense<0xFF800000> : vector<256xf32>
    %reduce_max3A_222 = vector.multi_reduction <maximumf>, %select_n3A_220, %reduce_max3A_221 [1] : vector<256x1024xf32> to vector<256xf32>
    %broadcast_in_dim3A_223 = vector.shape_cast %reduce_max3A_222 : vector<256xf32> to vector<256x1xf32>
    %ge3A_224 = vector.broadcast %broadcast_in_dim3A_223 : vector<256x1xf32> to vector<256x1024xf32>
    %ge3A_225 = arith.cmpf oge, %select_n3A_220, %ge3A_224 : vector<256x1024xf32>
    %jit3A_226 = arith.constant 1024 : i32
    %broadcast_in_dim3A_227 = vector.broadcast %jit3A_226 : i32 to vector<256x1024xi32>
    %select_n3A_228 = arith.select %ge3A_225, %iota3A, %broadcast_in_dim3A_227 : vector<256x1024xi1>, vector<256x1024xi32>
    %reduce_min3A_229 = arith.constant dense<2147483647> : vector<256xi32>
    %reduce_min3A_230 = vector.multi_reduction <minsi>, %select_n3A_228, %reduce_min3A_229 [1] : vector<256x1024xi32> to vector<256xi32>
    %broadcast_in_dim3A_231 = vector.shape_cast %reduce_min3A_230 : vector<256xi32> to vector<256x1xi32>
    %eq3A_232 = vector.broadcast %broadcast_in_dim3A_231 : vector<256x1xi32> to vector<256x1024xi32>
    %eq3A_233 = arith.cmpi eq, %iota3A, %eq3A_232 : vector<256x1024xi32>
    %jit3A_234 = arith.constant 0xFF800000 : f32
    %broadcast_in_dim3A_235 = vector.broadcast %jit3A_234 : f32 to vector<256x1024xf32>
    %select_n3A_236 = arith.select %eq3A_233, %broadcast_in_dim3A_235, %select_n3A_220 : vector<256x1024xi1>, vector<256x1024xf32>
    %reduce_max3A_237 = arith.constant dense<0xFF800000> : vector<256xf32>
    %reduce_max3A_238 = vector.multi_reduction <maximumf>, %select_n3A_236, %reduce_max3A_237 [1] : vector<256x1024xf32> to vector<256xf32>
    %broadcast_in_dim3A_239 = vector.shape_cast %reduce_max3A_238 : vector<256xf32> to vector<256x1xf32>
    %ge3A_240 = vector.broadcast %broadcast_in_dim3A_239 : vector<256x1xf32> to vector<256x1024xf32>
    %ge3A_241 = arith.cmpf oge, %select_n3A_236, %ge3A_240 : vector<256x1024xf32>
    %jit3A_242 = arith.constant 1024 : i32
    %broadcast_in_dim3A_243 = vector.broadcast %jit3A_242 : i32 to vector<256x1024xi32>
    %select_n3A_244 = arith.select %ge3A_241, %iota3A, %broadcast_in_dim3A_243 : vector<256x1024xi1>, vector<256x1024xi32>
    %reduce_min3A_245 = arith.constant dense<2147483647> : vector<256xi32>
    %reduce_min3A_246 = vector.multi_reduction <minsi>, %select_n3A_244, %reduce_min3A_245 [1] : vector<256x1024xi32> to vector<256xi32>
    %broadcast_in_dim3A_247 = vector.shape_cast %reduce_min3A_246 : vector<256xi32> to vector<256x1xi32>
    %concatenate3A = tpu.concatenate %broadcast_in_dim3A_8, %broadcast_in_dim3A_23, %broadcast_in_dim3A_39, %broadcast_in_dim3A_55, %broadcast_in_dim3A_71, %broadcast_in_dim3A_87, %broadcast_in_dim3A_103, %broadcast_in_dim3A_119, %broadcast_in_dim3A_135, %broadcast_in_dim3A_151, %broadcast_in_dim3A_167, %broadcast_in_dim3A_183, %broadcast_in_dim3A_199, %broadcast_in_dim3A_215, %broadcast_in_dim3A_231, %broadcast_in_dim3A_247 in 1 : vector<256x1xi32>, vector<256x1xi32>, vector<256x1xi32>, vector<256x1xi32>, vector<256x1xi32>, vector<256x1xi32>, vector<256x1xi32>, vector<256x1xi32>, vector<256x1xi32>, vector<256x1xi32>, vector<256x1xi32>, vector<256x1xi32>, vector<256x1xi32>, vector<256x1xi32>, vector<256x1xi32>, vector<256x1xi32> -> vector<256x16xi32>
    %swap3A = arith.constant 0 : index
    %swap3A_248 = arith.constant 0 : index
    %swap3A_249 = arith.constant 0 : index
    %swap3A_250 = vector.load %arg3[%swap3A, %swap3A_248, %swap3A_249] : memref<1x256x16xi32, #tpu.memory_space<vmem>>, vector<1x256x16xi32>
    %swap3A_251 = vector.shape_cast %swap3A_250 : vector<1x256x16xi32> to vector<256x16xi32>
    %swap3A_252 = vector.shape_cast %concatenate3A : vector<256x16xi32> to vector<1x256x16xi32>
    tpu.vector_store %arg3[%swap3A, %swap3A_248, %swap3A_249], %swap3A_252 {strides = array<i32>} : memref<1x256x16xi32, #tpu.memory_space<vmem>>, vector<1x256x16xi32>,
    return
  }
  func.func @transform_0(%arg0: i32, %arg1: i32) -> (i32, i32, i32) {
    %c0_i32 = arith.constant 0 : i32
    %c0_i32_0 = arith.constant 0 : i32
    return %arg0, %arg1, %c0_i32 : i32, i32, i32
  }
  func.func @transform_1(%arg0: i32, %arg1: i32) -> (i32, i32, i32) {
    %c0_i32 = arith.constant 0 : i32
    %c0_i32_0 = arith.constant 0 : i32
    return %arg0, %arg1, %c0_i32 : i32, i32, i32
  }
}

module attributes {stable_mosaic.version = 14 : i64} {
  func.func @body(%arg0: i32, %arg1: i32, %arg2: memref<1x256x1024xf32, #tpu.memory_space<vmem>>, %arg3: memref<1x256x16xi32, #tpu.memory_space<vmem>>) attributes {dimension_semantics = [#tpu.dimension_semantics<parallel>, #tpu.dimension_semantics<parallel>], iteration_bounds = array<i64: 2, 1>, scalar_prefetch = 0 : i64, scratch_operands = 0 : i64, tpu.core_type = #tpu.core_type<tc>, window_params = [{transform_indices = @transform_0, window_bounds = array<i64: 1, 256, 1024>}, {transform_indices = @transform_1, window_bounds = array<i64: 1, 256, 16>}]} {
    %get3A = arith.constant 0 : index
    %get3A_0 = arith.constant 0 : index
    %get3A_1 = arith.constant 0 : index
    %get3A_2 = vector.load %arg2[%get3A, %get3A_0, %get3A_1] : memref<1x256x1024xf32, #tpu.memory_space<vmem>>, vector<1x256x1024xf32>
    %get3A_3 = vector.shape_cast %get3A_2 : vector<1x256x1024xf32> to vector<256x1024xf32>
    %iota3A = tpu.iota {dimensions = array<i32: 1>} : vector<256x1024xi32>
    %reduce_max3A = arith.constant dense<0xFF800000> : vector<256xf32>
    %reduce_max3A_4 = vector.multi_reduction <maximumf>, %get3A_3, %reduce_max3A [1] : vector<256x1024xf32> to vector<256xf32>
    %broadcast_in_dim3A = vector.shape_cast %reduce_max3A_4 : vector<256xf32> to vector<256x1xf32>
    %ge3A = vector.broadcast %broadcast_in_dim3A : vector<256x1xf32> to vector<256x1024xf32>
    %ge3A_5 = arith.cmpf oge, %get3A_3, %ge3A : vector<256x1024xf32>
    %jit3A = arith.constant 1024 : i32
    %broadcast_in_dim3A_6 = vector.broadcast %jit3A : i32 to vector<256x1024xi32>
    %select_n3A = arith.select %ge3A_5, %iota3A, %broadcast_in_dim3A_6 : vector<256x1024xi1>, vector<256x1024xi32>
    %reduce_min3A = arith.constant dense<2147483647> : vector<256xi32>
    %reduce_min3A_7 = vector.multi_reduction <minsi>, %select_n3A, %reduce_min3A [1] : vector<256x1024xi32> to vector<256xi32>
    %broadcast_in_dim3A_8 = vector.shape_cast %reduce_min3A_7 : vector<256xi32> to vector<256x1xi32>
    %eq3A = vector.broadcast %broadcast_in_dim3A_8 : vector<256x1xi32> to vector<256x1024xi32>
    %eq3A_9 = arith.cmpi eq, %iota3A, %eq3A : vector<256x1024xi32>
    %jit3A_10 = arith.constant 0xFF800000 : f32
    %broadcast_in_dim3A_11 = vector.broadcast %jit3A_10 : f32 to vector<256x1024xf32>
    %select_n3A_12 = arith.select %eq3A_9, %broadcast_in_dim3A_11, %get3A_3 : vector<256x1024xi1>, vector<256x1024xf32>
    %reduce_max3A_13 = arith.constant dense<0xFF800000> : vector<256xf32>
    %reduce_max3A_14 = vector.multi_reduction <maximumf>, %select_n3A_12, %reduce_max3A_13 [1] : vector<256x1024xf32> to vector<256xf32>
    %broadcast_in_dim3A_15 = vector.shape_cast %reduce_max3A_14 : vector<256xf32> to vector<256x1xf32>
    %ge3A_16 = vector.broadcast %broadcast_in_dim3A_15 : vector<256x1xf32> to vector<256x1024xf32>
    %ge3A_17 = arith.cmpf oge, %select_n3A_12, %ge3A_16 : vector<256x1024xf32>
    %jit3A_18 = arith.constant 1024 : i32
    %broadcast_in_dim3A_19 = vector.broadcast %jit3A_18 : i32 to vector<256x1024xi32>
    %select_n3A_20 = arith.select %ge3A_17, %iota3A, %broadcast_in_dim3A_19 : vector<256x1024xi1>, vector<256x1024xi32>
    %reduce_min3A_21 = arith.constant dense<2147483647> : vector<256xi32>
    %reduce_min3A_22 = vector.multi_reduction <minsi>, %select_n3A_20, %reduce_min3A_21 [1] : vector<256x1024xi32> to vector<256xi32>
    %broadcast_in_dim3A_23 = vector.shape_cast %reduce_min3A_22 : vector<256xi32> to vector<256x1xi32>
    %eq3A_24 = vector.broadcast %broadcast_in_dim3A_23 : vector<256x1xi32> to vector<256x1024xi32>
    %eq3A_25 = arith.cmpi eq, %iota3A, %eq3A_24 : vector<256x1024xi32>
    %jit3A_26 = arith.constant 0xFF800000 : f32
    %broadcast_in_dim3A_27 = vector.broadcast %jit3A_26 : f32 to vector<256x1024xf32>
    %select_n3A_28 = arith.select %eq3A_25, %broadcast_in_dim3A_27, %select_n3A_12 : vector<256x1024xi1>, vector<256x1024xf32>
    %reduce_max3A_29 = arith.constant dense<0xFF800000> : vector<256xf32>
    %reduce_max3A_30 = vector.multi_reduction <maximumf>, %select_n3A_28, %reduce_max3A_29 [1] : vector<256x1024xf32> to vector<256xf32>
    %broadcast_in_dim3A_31 = vector.shape_cast %reduce_max3A_30 : vector<256xf32> to vector<256x1xf32>
    %ge3A_32 = vector.broadcast %broadcast_in_dim3A_31 : vector<256x1xf32> to vector<256x1024xf32>
    %ge3A_33 = arith.cmpf oge, %select_n3A_28, %ge3A_32 : vector<256x1024xf32>
    %jit3A_34 = arith.constant 1024 : i32
    %broadcast_in_dim3A_35 = vector.broadcast %jit3A_34 : i32 to vector<256x1024xi32>
    %select_n3A_36 = arith.select %ge3A_33, %iota3A, %broadcast_in_dim3A_35 : vector<256x1024xi1>, vector<256x1024xi32>
    %reduce_min3A_37 = arith.constant dense<2147483647> : vector<256xi32>
    %reduce_min3A_38 = vector.multi_reduction <minsi>, %select_n3A_36, %reduce_min3A_37 [1] : vector<256x1024xi32> to vector<256xi32>
    %broadcast_in_dim3A_39 = vector.shape_cast %reduce_min3A_38 : vector<256xi32> to vector<256x1xi32>
    %eq3A_40 = vector.broadcast %broadcast_in_dim3A_39 : vector<256x1xi32> to vector<256x1024xi32>
    %eq3A_41 = arith.cmpi eq, %iota3A, %eq3A_40 : vector<256x1024xi32>
    %jit3A_42 = arith.constant 0xFF800000 : f32
    %broadcast_in_dim3A_43 = vector.broadcast %jit3A_42 : f32 to vector<256x1024xf32>
    %select_n3A_44 = arith.select %eq3A_41, %broadcast_in_dim3A_43, %select_n3A_28 : vector<256x1024xi1>, vector<256x1024xf32>
    %reduce_max3A_45 = arith.constant dense<0xFF800000> : vector<256xf32>
    %reduce_max3A_46 = vector.multi_reduction <maximumf>, %select_n3A_44, %reduce_max3A_45 [1] : vector<256x1024xf32> to vector<256xf32>
    %broadcast_in_dim3A_47 = vector.shape_cast %reduce_max3A_46 : vector<256xf32> to vector<256x1xf32>
    %ge3A_48 = vector.broadcast %broadcast_in_dim3A_47 : vector<256x1xf32> to vector<256x1024xf32>
    %ge3A_49 = arith.cmpf oge, %select_n3A_44, %ge3A_48 : vector<256x1024xf32>
    %jit3A_50 = arith.constant 1024 : i32
    %broadcast_in_dim3A_51 = vector.broadcast %jit3A_50 : i32 to vector<256x1024xi32>
    %select_n3A_52 = arith.select %ge3A_49, %iota3A, %broadcast_in_dim3A_51 : vector<256x1024xi1>, vector<256x1024xi32>
    %reduce_min3A_53 = arith.constant dense<2147483647> : vector<256xi32>
    %reduce_min3A_54 = vector.multi_reduction <minsi>, %select_n3A_52, %reduce_min3A_53 [1] : vector<256x1024xi32> to vector<256xi32>
    %broadcast_in_dim3A_55 = vector.shape_cast %reduce_min3A_54 : vector<256xi32> to vector<256x1xi32>
    %eq3A_56 = vector.broadcast %broadcast_in_dim3A_55 : vector<256x1xi32> to vector<256x1024xi32>
    %eq3A_57 = arith.cmpi eq, %iota3A, %eq3A_56 : vector<256x1024xi32>
    %jit3A_58 = arith.constant 0xFF800000 : f32
    %broadcast_in_dim3A_59 = vector.broadcast %jit3A_58 : f32 to vector<256x1024xf32>
    %select_n3A_60 = arith.select %eq3A_57, %broadcast_in_dim3A_59, %select_n3A_44 : vector<256x1024xi1>, vector<256x1024xf32>
    %reduce_max3A_61 = arith.constant dense<0xFF800000> : vector<256xf32>
    %reduce_max3A_62 = vector.multi_reduction <maximumf>, %select_n3A_60, %reduce_max3A_61 [1] : vector<256x1024xf32> to vector<256xf32>
    %broadcast_in_dim3A_63 = vector.shape_cast %reduce_max3A_62 : vector<256xf32> to vector<256x1xf32>
    %ge3A_64 = vector.broadcast %broadcast_in_dim3A_63 : vector<256x1xf32> to vector<256x1024xf32>
    %ge3A_65 = arith.cmpf oge, %select_n3A_60, %ge3A_64 : vector<256x1024xf32>
    %jit3A_66 = arith.constant 1024 : i32
    %broadcast_in_dim3A_67 = vector.broadcast %jit3A_66 : i32 to vector<256x1024xi32>
    %select_n3A_68 = arith.select %ge3A_65, %iota3A, %broadcast_in_dim3A_67 : vector<256x1024xi1>, vector<256x1024xi32>
    %reduce_min3A_69 = arith.constant dense<2147483647> : vector<256xi32>
    %reduce_min3A_70 = vector.multi_reduction <minsi>, %select_n3A_68, %reduce_min3A_69 [1] : vector<256x1024xi32> to vector<256xi32>
    %broadcast_in_dim3A_71 = vector.shape_cast %reduce_min3A_70 : vector<256xi32> to vector<256x1xi32>
    %eq3A_72 = vector.broadcast %broadcast_in_dim3A_71 : vector<256x1xi32> to vector<256x1024xi32>
    %eq3A_73 = arith.cmpi eq, %iota3A, %eq3A_72 : vector<256x1024xi32>
    %jit3A_74 = arith.constant 0xFF800000 : f32
    %broadcast_in_dim3A_75 = vector.broadcast %jit3A_74 : f32 to vector<256x1024xf32>
    %select_n3A_76 = arith.select %eq3A_73, %broadcast_in_dim3A_75, %select_n3A_60 : vector<256x1024xi1>, vector<256x1024xf32>
    %reduce_max3A_77 = arith.constant dense<0xFF800000> : vector<256xf32>
    %reduce_max3A_78 = vector.multi_reduction <maximumf>, %select_n3A_76, %reduce_max3A_77 [1] : vector<256x1024xf32> to vector<256xf32>
    %broadcast_in_dim3A_79 = vector.shape_cast %reduce_max3A_78 : vector<256xf32> to vector<256x1xf32>
    %ge3A_80 = vector.broadcast %broadcast_in_dim3A_79 : vector<256x1xf32> to vector<256x1024xf32>
    %ge3A_81 = arith.cmpf oge, %select_n3A_76, %ge3A_80 : vector<256x1024xf32>
    %jit3A_82 = arith.constant 1024 : i32
    %broadcast_in_dim3A_83 = vector.broadcast %jit3A_82 : i32 to vector<256x1024xi32>
    %select_n3A_84 = arith.select %ge3A_81, %iota3A, %broadcast_in_dim3A_83 : vector<256x1024xi1>, vector<256x1024xi32>
    %reduce_min3A_85 = arith.constant dense<2147483647> : vector<256xi32>
    %reduce_min3A_86 = vector.multi_reduction <minsi>, %select_n3A_84, %reduce_min3A_85 [1] : vector<256x1024xi32> to vector<256xi32>
    %broadcast_in_dim3A_87 = vector.shape_cast %reduce_min3A_86 : vector<256xi32> to vector<256x1xi32>
    %eq3A_88 = vector.broadcast %broadcast_in_dim3A_87 : vector<256x1xi32> to vector<256x1024xi32>
    %eq3A_89 = arith.cmpi eq, %iota3A, %eq3A_88 : vector<256x1024xi32>
    %jit3A_90 = arith.constant 0xFF800000 : f32
    %broadcast_in_dim3A_91 = vector.broadcast %jit3A_90 : f32 to vector<256x1024xf32>
    %select_n3A_92 = arith.select %eq3A_89, %broadcast_in_dim3A_91, %select_n3A_76 : vector<256x1024xi1>, vector<256x1024xf32>
    %reduce_max3A_93 = arith.constant dense<0xFF800000> : vector<256xf32>
    %reduce_max3A_94 = vector.multi_reduction <maximumf>, %select_n3A_92, %reduce_max3A_93 [1] : vector<256x1024xf32> to vector<256xf32>
    %broadcast_in_dim3A_95 = vector.shape_cast %reduce_max3A_94 : vector<256xf32> to vector<256x1xf32>
    %ge3A_96 = vector.broadcast %broadcast_in_dim3A_95 : vector<256x1xf32> to vector<256x1024xf32>
    %ge3A_97 = arith.cmpf oge, %select_n3A_92, %ge3A_96 : vector<256x1024xf32>
    %jit3A_98 = arith.constant 1024 : i32
    %broadcast_in_dim3A_99 = vector.broadcast %jit3A_98 : i32 to vector<256x1024xi32>
    %select_n3A_100 = arith.select %ge3A_97, %iota3A, %broadcast_in_dim3A_99 : vector<256x1024xi1>, vector<256x1024xi32>
    %reduce_min3A_101 = arith.constant dense<2147483647> : vector<256xi32>
    %reduce_min3A_102 = vector.multi_reduction <minsi>, %select_n3A_100, %reduce_min3A_101 [1] : vector<256x1024xi32> to vector<256xi32>
    %broadcast_in_dim3A_103 = vector.shape_cast %reduce_min3A_102 : vector<256xi32> to vector<256x1xi32>
    %eq3A_104 = vector.broadcast %broadcast_in_dim3A_103 : vector<256x1xi32> to vector<256x1024xi32>
    %eq3A_105 = arith.cmpi eq, %iota3A, %eq3A_104 : vector<256x1024xi32>
    %jit3A_106 = arith.constant 0xFF800000 : f32
    %broadcast_in_dim3A_107 = vector.broadcast %jit3A_106 : f32 to vector<256x1024xf32>
    %select_n3A_108 = arith.select %eq3A_105, %broadcast_in_dim3A_107, %select_n3A_92 : vector<256x1024xi1>, vector<256x1024xf32>
    %reduce_max3A_109 = arith.constant dense<0xFF800000> : vector<256xf32>
    %reduce_max3A_110 = vector.multi_reduction <maximumf>, %select_n3A_108, %reduce_max3A_109 [1] : vector<256x1024xf32> to vector<256xf32>
    %broadcast_in_dim3A_111 = vector.shape_cast %reduce_max3A_110 : vector<256xf32> to vector<256x1xf32>
    %ge3A_112 = vector.broadcast %broadcast_in_dim3A_111 : vector<256x1xf32> to vector<256x1024xf32>
    %ge3A_113 = arith.cmpf oge, %select_n3A_108, %ge3A_112 : vector<256x1024xf32>
    %jit3A_114 = arith.constant 1024 : i32
    %broadcast_in_dim3A_115 = vector.broadcast %jit3A_114 : i32 to vector<256x1024xi32>
    %select_n3A_116 = arith.select %ge3A_113, %iota3A, %broadcast_in_dim3A_115 : vector<256x1024xi1>, vector<256x1024xi32>
    %reduce_min3A_117 = arith.constant dense<2147483647> : vector<256xi32>
    %reduce_min3A_118 = vector.multi_reduction <minsi>, %select_n3A_116, %reduce_min3A_117 [1] : vector<256x1024xi32> to vector<256xi32>
    %broadcast_in_dim3A_119 = vector.shape_cast %reduce_min3A_118 : vector<256xi32> to vector<256x1xi32>
    %eq3A_120 = vector.broadcast %broadcast_in_dim3A_119 : vector<256x1xi32> to vector<256x1024xi32>
    %eq3A_121 = arith.cmpi eq, %iota3A, %eq3A_120 : vector<256x1024xi32>
    %jit3A_122 = arith.constant 0xFF800000 : f32
    %broadcast_in_dim3A_123 = vector.broadcast %jit3A_122 : f32 to vector<256x1024xf32>
    %select_n3A_124 = arith.select %eq3A_121, %broadcast_in_dim3A_123, %select_n3A_108 : vector<256x1024xi1>, vector<256x1024xf32>
    %reduce_max3A_125 = arith.constant dense<0xFF800000> : vector<256xf32>
    %reduce_max3A_126 = vector.multi_reduction <maximumf>, %select_n3A_124, %reduce_max3A_125 [1] : vector<256x1024xf32> to vector<256xf32>
    %broadcast_in_dim3A_127 = vector.shape_cast %reduce_max3A_126 : vector<256xf32> to vector<256x1xf32>
    %ge3A_128 = vector.broadcast %broadcast_in_dim3A_127 : vector<256x1xf32> to vector<256x1024xf32>
    %ge3A_129 = arith.cmpf oge, %select_n3A_124, %ge3A_128 : vector<256x1024xf32>
    %jit3A_130 = arith.constant 1024 : i32
    %broadcast_in_dim3A_131 = vector.broadcast %jit3A_130 : i32 to vector<256x1024xi32>
    %select_n3A_132 = arith.select %ge3A_129, %iota3A, %broadcast_in_dim3A_131 : vector<256x1024xi1>, vector<256x1024xi32>
    %reduce_min3A_133 = arith.constant dense<2147483647> : vector<256xi32>
    %reduce_min3A_134 = vector.multi_reduction <minsi>, %select_n3A_132, %reduce_min3A_133 [1] : vector<256x1024xi32> to vector<256xi32>
    %broadcast_in_dim3A_135 = vector.shape_cast %reduce_min3A_134 : vector<256xi32> to vector<256x1xi32>
    %eq3A_136 = vector.broadcast %broadcast_in_dim3A_135 : vector<256x1xi32> to vector<256x1024xi32>
    %eq3A_137 = arith.cmpi eq, %iota3A, %eq3A_136 : vector<256x1024xi32>
    %jit3A_138 = arith.constant 0xFF800000 : f32
    %broadcast_in_dim3A_139 = vector.broadcast %jit3A_138 : f32 to vector<256x1024xf32>
    %select_n3A_140 = arith.select %eq3A_137, %broadcast_in_dim3A_139, %select_n3A_124 : vector<256x1024xi1>, vector<256x1024xf32>
    %reduce_max3A_141 = arith.constant dense<0xFF800000> : vector<256xf32>
    %reduce_max3A_142 = vector.multi_reduction <maximumf>, %select_n3A_140, %reduce_max3A_141 [1] : vector<256x1024xf32> to vector<256xf32>
    %broadcast_in_dim3A_143 = vector.shape_cast %reduce_max3A_142 : vector<256xf32> to vector<256x1xf32>
    %ge3A_144 = vector.broadcast %broadcast_in_dim3A_143 : vector<256x1xf32> to vector<256x1024xf32>
    %ge3A_145 = arith.cmpf oge, %select_n3A_140, %ge3A_144 : vector<256x1024xf32>
    %jit3A_146 = arith.constant 1024 : i32
    %broadcast_in_dim3A_147 = vector.broadcast %jit3A_146 : i32 to vector<256x1024xi32>
    %select_n3A_148 = arith.select %ge3A_145, %iota3A, %broadcast_in_dim3A_147 : vector<256x1024xi1>, vector<256x1024xi32>
    %reduce_min3A_149 = arith.constant dense<2147483647> : vector<256xi32>
    %reduce_min3A_150 = vector.multi_reduction <minsi>, %select_n3A_148, %reduce_min3A_149 [1] : vector<256x1024xi32> to vector<256xi32>
    %broadcast_in_dim3A_151 = vector.shape_cast %reduce_min3A_150 : vector<256xi32> to vector<256x1xi32>
    %eq3A_152 = vector.broadcast %broadcast_in_dim3A_151 : vector<256x1xi32> to vector<256x1024xi32>
    %eq3A_153 = arith.cmpi eq, %iota3A, %eq3A_152 : vector<256x1024xi32>
    %jit3A_154 = arith.constant 0xFF800000 : f32
    %broadcast_in_dim3A_155 = vector.broadcast %jit3A_154 : f32 to vector<256x1024xf32>
    %select_n3A_156 = arith.select %eq3A_153, %broadcast_in_dim3A_155, %select_n3A_140 : vector<256x1024xi1>, vector<256x1024xf32>
    %reduce_max3A_157 = arith.constant dense<0xFF800000> : vector<256xf32>
    %reduce_max3A_158 = vector.multi_reduction <maximumf>, %select_n3A_156, %reduce_max3A_157 [1] : vector<256x1024xf32> to vector<256xf32>
    %broadcast_in_dim3A_159 = vector.shape_cast %reduce_max3A_158 : vector<256xf32> to vector<256x1xf32>
    %ge3A_160 = vector.broadcast %broadcast_in_dim3A_159 : vector<256x1xf32> to vector<256x1024xf32>
    %ge3A_161 = arith.cmpf oge, %select_n3A_156, %ge3A_160 : vector<256x1024xf32>
    %jit3A_162 = arith.constant 1024 : i32
    %broadcast_in_dim3A_163 = vector.broadcast %jit3A_162 : i32 to vector<256x1024xi32>
    %select_n3A_164 = arith.select %ge3A_161, %iota3A, %broadcast_in_dim3A_163 : vector<256x1024xi1>, vector<256x1024xi32>
    %reduce_min3A_165 = arith.constant dense<2147483647> : vector<256xi32>
    %reduce_min3A_166 = vector.multi_reduction <minsi>, %select_n3A_164, %reduce_min3A_165 [1] : vector<256x1024xi32> to vector<256xi32>
    %broadcast_in_dim3A_167 = vector.shape_cast %reduce_min3A_166 : vector<256xi32> to vector<256x1xi32>
    %eq3A_168 = vector.broadcast %broadcast_in_dim3A_167 : vector<256x1xi32> to vector<256x1024xi32>
    %eq3A_169 = arith.cmpi eq, %iota3A, %eq3A_168 : vector<256x1024xi32>
    %jit3A_170 = arith.constant 0xFF800000 : f32
    %broadcast_in_dim3A_171 = vector.broadcast %jit3A_170 : f32 to vector<256x1024xf32>
    %select_n3A_172 = arith.select %eq3A_169, %broadcast_in_dim3A_171, %select_n3A_156 : vector<256x1024xi1>, vector<256x1024xf32>
    %reduce_max3A_173 = arith.constant dense<0xFF800000> : vector<256xf32>
    %reduce_max3A_174 = vector.multi_reduction <maximumf>, %select_n3A_172, %reduce_max3A_173 [1] : vector<256x1024xf32> to vector<256xf32>
    %broadcast_in_dim3A_175 = vector.shape_cast %reduce_max3A_174 : vector<256xf32> to vector<256x1xf32>
    %ge3A_176 = vector.broadcast %broadcast_in_dim3A_175 : vector<256x1xf32> to vector<256x1024xf32>
    %ge3A_177 = arith.cmpf oge, %select_n3A_172, %ge3A_176 : vector<256x1024xf32>
    %jit3A_178 = arith.constant 1024 : i32
    %broadcast_in_dim3A_179 = vector.broadcast %jit3A_178 : i32 to vector<256x1024xi32>
    %select_n3A_180 = arith.select %ge3A_177, %iota3A, %broadcast_in_dim3A_179 : vector<256x1024xi1>, vector<256x1024xi32>
    %reduce_min3A_181 = arith.constant dense<2147483647> : vector<256xi32>
    %reduce_min3A_182 = vector.multi_reduction <minsi>, %select_n3A_180, %reduce_min3A_181 [1] : vector<256x1024xi32> to vector<256xi32>
    %broadcast_in_dim3A_183 = vector.shape_cast %reduce_min3A_182 : vector<256xi32> to vector<256x1xi32>
    %eq3A_184 = vector.broadcast %broadcast_in_dim3A_183 : vector<256x1xi32> to vector<256x1024xi32>
    %eq3A_185 = arith.cmpi eq, %iota3A, %eq3A_184 : vector<256x1024xi32>
    %jit3A_186 = arith.constant 0xFF800000 : f32
    %broadcast_in_dim3A_187 = vector.broadcast %jit3A_186 : f32 to vector<256x1024xf32>
    %select_n3A_188 = arith.select %eq3A_185, %broadcast_in_dim3A_187, %select_n3A_172 : vector<256x1024xi1>, vector<256x1024xf32>
    %reduce_max3A_189 = arith.constant dense<0xFF800000> : vector<256xf32>
    %reduce_max3A_190 = vector.multi_reduction <maximumf>, %select_n3A_188, %reduce_max3A_189 [1] : vector<256x1024xf32> to vector<256xf32>
    %broadcast_in_dim3A_191 = vector.shape_cast %reduce_max3A_190 : vector<256xf32> to vector<256x1xf32>
    %ge3A_192 = vector.broadcast %broadcast_in_dim3A_191 : vector<256x1xf32> to vector<256x1024xf32>
    %ge3A_193 = arith.cmpf oge, %select_n3A_188, %ge3A_192 : vector<256x1024xf32>
    %jit3A_194 = arith.constant 1024 : i32
    %broadcast_in_dim3A_195 = vector.broadcast %jit3A_194 : i32 to vector<256x1024xi32>
    %select_n3A_196 = arith.select %ge3A_193, %iota3A, %broadcast_in_dim3A_195 : vector<256x1024xi1>, vector<256x1024xi32>
    %reduce_min3A_197 = arith.constant dense<2147483647> : vector<256xi32>
    %reduce_min3A_198 = vector.multi_reduction <minsi>, %select_n3A_196, %reduce_min3A_197 [1] : vector<256x1024xi32> to vector<256xi32>
    %broadcast_in_dim3A_199 = vector.shape_cast %reduce_min3A_198 : vector<256xi32> to vector<256x1xi32>
    %eq3A_200 = vector.broadcast %broadcast_in_dim3A_199 : vector<256x1xi32> to vector<256x1024xi32>
    %eq3A_201 = arith.cmpi eq, %iota3A, %eq3A_200 : vector<256x1024xi32>
    %jit3A_202 = arith.constant 0xFF800000 : f32
    %broadcast_in_dim3A_203 = vector.broadcast %jit3A_202 : f32 to vector<256x1024xf32>
    %select_n3A_204 = arith.select %eq3A_201, %broadcast_in_dim3A_203, %select_n3A_188 : vector<256x1024xi1>, vector<256x1024xf32>
    %reduce_max3A_205 = arith.constant dense<0xFF800000> : vector<256xf32>
    %reduce_max3A_206 = vector.multi_reduction <maximumf>, %select_n3A_204, %reduce_max3A_205 [1] : vector<256x1024xf32> to vector<256xf32>
    %broadcast_in_dim3A_207 = vector.shape_cast %reduce_max3A_206 : vector<256xf32> to vector<256x1xf32>
    %ge3A_208 = vector.broadcast %broadcast_in_dim3A_207 : vector<256x1xf32> to vector<256x1024xf32>
    %ge3A_209 = arith.cmpf oge, %select_n3A_204, %ge3A_208 : vector<256x1024xf32>
    %jit3A_210 = arith.constant 1024 : i32
    %broadcast_in_dim3A_211 = vector.broadcast %jit3A_210 : i32 to vector<256x1024xi32>
    %select_n3A_212 = arith.select %ge3A_209, %iota3A, %broadcast_in_dim3A_211 : vector<256x1024xi1>, vector<256x1024xi32>
    %reduce_min3A_213 = arith.constant dense<2147483647> : vector<256xi32>
    %reduce_min3A_214 = vector.multi_reduction <minsi>, %select_n3A_212, %reduce_min3A_213 [1] : vector<256x1024xi32> to vector<256xi32>
    %broadcast_in_dim3A_215 = vector.shape_cast %reduce_min3A_214 : vector<256xi32> to vector<256x1xi32>
    %eq3A_216 = vector.broadcast %broadcast_in_dim3A_215 : vector<256x1xi32> to vector<256x1024xi32>
    %eq3A_217 = arith.cmpi eq, %iota3A, %eq3A_216 : vector<256x1024xi32>
    %jit3A_218 = arith.constant 0xFF800000 : f32
    %broadcast_in_dim3A_219 = vector.broadcast %jit3A_218 : f32 to vector<256x1024xf32>
    %select_n3A_220 = arith.select %eq3A_217, %broadcast_in_dim3A_219, %select_n3A_204 : vector<256x1024xi1>, vector<256x1024xf32>
    %reduce_max3A_221 = arith.constant dense<0xFF800000> : vector<256xf32>
    %reduce_max3A_222 = vector.multi_reduction <maximumf>, %select_n3A_220, %reduce_max3A_221 [1] : vector<256x1024xf32> to vector<256xf32>
    %broadcast_in_dim3A_223 = vector.shape_cast %reduce_max3A_222 : vector<256xf32> to vector<256x1xf32>
    %ge3A_224 = vector.broadcast %broadcast_in_dim3A_223 : vector<256x1xf32> to vector<256x1024xf32>
    %ge3A_225 = arith.cmpf oge, %select_n3A_220, %ge3A_224 : vector<256x1024xf32>
    %jit3A_226 = arith.constant 1024 : i32
    %broadcast_in_dim3A_227 = vector.broadcast %jit3A_226 : i32 to vector<256x1024xi32>
    %select_n3A_228 = arith.select %ge3A_225, %iota3A, %broadcast_in_dim3A_227 : vector<256x1024xi1>, vector<256x1024xi32>
    %reduce_min3A_229 = arith.constant dense<2147483647> : vector<256xi32>
    %reduce_min3A_230 = vector.multi_reduction <minsi>, %select_n3A_228, %reduce_min3A_229 [1] : vector<256x1024xi32> to vector<256xi32>
    %broadcast_in_dim3A_231 = vector.shape_cast %reduce_min3A_230 : vector<256xi32> to vector<256x1xi32>
    %eq3A_232 = vector.broadcast %broadcast_in_dim3A_231 : vector<256x1xi32> to vector<256x1024xi32>
    %eq3A_233 = arith.cmpi eq, %iota3A, %eq3A_232 : vector<256x1024xi32>
    %jit3A_234 = arith.constant 0xFF800000 : f32
    %broadcast_in_dim3A_235 = vector.broadcast %jit3A_234 : f32 to vector<256x1024xf32>
    %select_n3A_236 = arith.select %eq3A_233, %broadcast_in_dim3A_235, %select_n3A_220 : vector<256x1024xi1>, vector<256x1024xf32>
    %reduce_max3A_237 = arith.constant dense<0xFF800000> : vector<256xf32>
    %reduce_max3A_238 = vector.multi_reduction <maximumf>, %select_n3A_236, %reduce_max3A_237 [1] : vector<256x1024xf32> to vector<256xf32>
    %broadcast_in_dim3A_239 = vector.shape_cast %reduce_max3A_238 : vector<256xf32> to vector<256x1xf32>
    %ge3A_240 = vector.broadcast %broadcast_in_dim3A_239 : vector<256x1xf32> to vector<256x1024xf32>
    %ge3A_241 = arith.cmpf oge, %select_n3A_236, %ge3A_240 : vector<256x1024xf32>
    %jit3A_242 = arith.constant 1024 : i32
    %broadcast_in_dim3A_243 = vector.broadcast %jit3A_242 : i32 to vector<256x1024xi32>
    %select_n3A_244 = arith.select %ge3A_241, %iota3A, %broadcast_in_dim3A_243 : vector<256x1024xi1>, vector<256x1024xi32>
    %reduce_min3A_245 = arith.constant dense<2147483647> : vector<256xi32>
    %reduce_min3A_246 = vector.multi_reduction <minsi>, %select_n3A_244, %reduce_min3A_245 [1] : vector<256x1024xi32> to vector<256xi32>
    %broadcast_in_dim3A_247 = vector.shape_cast %reduce_min3A_246 : vector<256xi32> to vector<256x1xi32>
    %concatenate3A = tpu.concatenate %broadcast_in_dim3A_8, %broadcast_in_dim3A_23, %broadcast_in_dim3A_39, %broadcast_in_dim3A_55, %broadcast_in_dim3A_71, %broadcast_in_dim3A_87, %broadcast_in_dim3A_103, %broadcast_in_dim3A_119, %broadcast_in_dim3A_135, %broadcast_in_dim3A_151, %broadcast_in_dim3A_167, %broadcast_in_dim3A_183, %broadcast_in_dim3A_199, %broadcast_in_dim3A_215, %broadcast_in_dim3A_231, %broadcast_in_dim3A_247 in 1 : vector<256x1xi32>, vector<256x1xi32>, vector<256x1xi32>, vector<256x1xi32>, vector<256x1xi32>, vector<256x1xi32>, vector<256x1xi32>, vector<256x1xi32>, vector<256x1xi32>, vector<256x1xi32>, vector<256x1xi32>, vector<256x1xi32>, vector<256x1xi32>, vector<256x1xi32>, vector<256x1xi32>, vector<256x1xi32> -> vector<256x16xi32>
    %swap3A = arith.constant 0 : index
    %swap3A_248 = arith.constant 0 : index
    %swap3A_249 = arith.constant 0 : index
    %swap3A_250 = vector.load %arg3[%swap3A, %swap3A_248, %swap3A_249] : memref<1x256x16xi32, #tpu.memory_space<vmem>>, vector<1x256x16xi32>
    %swap3A_251 = vector.shape_cast %swap3A_250 : vector<1x256x16xi32> to vector<256x16xi32>
    %swap3A_252 = vector.shape_cast %concatenate3A : vector<256x16xi32> to vector<1x256x16xi32>
    tpu.vector_store %arg3[%swap3A, %swap3A_248, %swap3A_249], %swap3A_252 {strides = array<i32>} : memref<1x256x16xi32, #tpu.memory_space<vmem>>, vector<1x256x16xi32>,
    return
  }
  func.func @transform_0(%arg0: i32, %arg1: i32) -> (i32, i32, i32) {
    %c0_i32 = arith.constant 0 : i32
    %c0_i32_0 = arith.constant 0 : i32
    return %arg0, %arg1, %c0_i32 : i32, i32, i32
  }
  func.func @transform_1(%arg0: i32, %arg1: i32) -> (i32, i32, i32) {
    %c0_i32 = arith.constant 0 : i32
    %c0_i32_0 = arith.constant 0 : i32
    return %arg0, %arg1, %c0_i32 : i32, i32, i32
  }
}

module attributes {stable_mosaic.version = 14 : i64} {
  func.func @body(%arg0: i32, %arg1: i32, %arg2: memref<1x256x256xf32, #tpu.memory_space<vmem>>, %arg3: memref<1x256x16xi32, #tpu.memory_space<vmem>>) attributes {dimension_semantics = [#tpu.dimension_semantics<parallel>, #tpu.dimension_semantics<parallel>], iteration_bounds = array<i64: 2, 1>, scalar_prefetch = 0 : i64, scratch_operands = 0 : i64, tpu.core_type = #tpu.core_type<tc>, window_params = [{transform_indices = @transform_0, window_bounds = array<i64: 1, 256, 256>}, {transform_indices = @transform_1, window_bounds = array<i64: 1, 256, 16>}]} {
    %get3A = arith.constant 0 : index
    %get3A_0 = arith.constant 0 : index
    %get3A_1 = arith.constant 0 : index
    %get3A_2 = vector.load %arg2[%get3A, %get3A_0, %get3A_1] : memref<1x256x256xf32, #tpu.memory_space<vmem>>, vector<1x256x256xf32>
    %get3A_3 = vector.shape_cast %get3A_2 : vector<1x256x256xf32> to vector<256x256xf32>
    %iota3A = tpu.iota {dimensions = array<i32: 1>} : vector<256x256xi32>
    %reduce_max3A = arith.constant dense<0xFF800000> : vector<256xf32>
    %reduce_max3A_4 = vector.multi_reduction <maximumf>, %get3A_3, %reduce_max3A [1] : vector<256x256xf32> to vector<256xf32>
    %broadcast_in_dim3A = vector.shape_cast %reduce_max3A_4 : vector<256xf32> to vector<256x1xf32>
    %ge3A = vector.broadcast %broadcast_in_dim3A : vector<256x1xf32> to vector<256x256xf32>
    %ge3A_5 = arith.cmpf oge, %get3A_3, %ge3A : vector<256x256xf32>
    %jit3A = arith.constant 256 : i32
    %broadcast_in_dim3A_6 = vector.broadcast %jit3A : i32 to vector<256x256xi32>
    %select_n3A = arith.select %ge3A_5, %iota3A, %broadcast_in_dim3A_6 : vector<256x256xi1>, vector<256x256xi32>
    %reduce_min3A = arith.constant dense<2147483647> : vector<256xi32>
    %reduce_min3A_7 = vector.multi_reduction <minsi>, %select_n3A, %reduce_min3A [1] : vector<256x256xi32> to vector<256xi32>
    %broadcast_in_dim3A_8 = vector.shape_cast %reduce_min3A_7 : vector<256xi32> to vector<256x1xi32>
    %eq3A = vector.broadcast %broadcast_in_dim3A_8 : vector<256x1xi32> to vector<256x256xi32>
    %eq3A_9 = arith.cmpi eq, %iota3A, %eq3A : vector<256x256xi32>
    %jit3A_10 = arith.constant 0xFF800000 : f32
    %broadcast_in_dim3A_11 = vector.broadcast %jit3A_10 : f32 to vector<256x256xf32>
    %select_n3A_12 = arith.select %eq3A_9, %broadcast_in_dim3A_11, %get3A_3 : vector<256x256xi1>, vector<256x256xf32>
    %reduce_max3A_13 = arith.constant dense<0xFF800000> : vector<256xf32>
    %reduce_max3A_14 = vector.multi_reduction <maximumf>, %select_n3A_12, %reduce_max3A_13 [1] : vector<256x256xf32> to vector<256xf32>
    %broadcast_in_dim3A_15 = vector.shape_cast %reduce_max3A_14 : vector<256xf32> to vector<256x1xf32>
    %ge3A_16 = vector.broadcast %broadcast_in_dim3A_15 : vector<256x1xf32> to vector<256x256xf32>
    %ge3A_17 = arith.cmpf oge, %select_n3A_12, %ge3A_16 : vector<256x256xf32>
    %jit3A_18 = arith.constant 256 : i32
    %broadcast_in_dim3A_19 = vector.broadcast %jit3A_18 : i32 to vector<256x256xi32>
    %select_n3A_20 = arith.select %ge3A_17, %iota3A, %broadcast_in_dim3A_19 : vector<256x256xi1>, vector<256x256xi32>
    %reduce_min3A_21 = arith.constant dense<2147483647> : vector<256xi32>
    %reduce_min3A_22 = vector.multi_reduction <minsi>, %select_n3A_20, %reduce_min3A_21 [1] : vector<256x256xi32> to vector<256xi32>
    %broadcast_in_dim3A_23 = vector.shape_cast %reduce_min3A_22 : vector<256xi32> to vector<256x1xi32>
    %eq3A_24 = vector.broadcast %broadcast_in_dim3A_23 : vector<256x1xi32> to vector<256x256xi32>
    %eq3A_25 = arith.cmpi eq, %iota3A, %eq3A_24 : vector<256x256xi32>
    %jit3A_26 = arith.constant 0xFF800000 : f32
    %broadcast_in_dim3A_27 = vector.broadcast %jit3A_26 : f32 to vector<256x256xf32>
    %select_n3A_28 = arith.select %eq3A_25, %broadcast_in_dim3A_27, %select_n3A_12 : vector<256x256xi1>, vector<256x256xf32>
    %reduce_max3A_29 = arith.constant dense<0xFF800000> : vector<256xf32>
    %reduce_max3A_30 = vector.multi_reduction <maximumf>, %select_n3A_28, %reduce_max3A_29 [1] : vector<256x256xf32> to vector<256xf32>
    %broadcast_in_dim3A_31 = vector.shape_cast %reduce_max3A_30 : vector<256xf32> to vector<256x1xf32>
    %ge3A_32 = vector.broadcast %broadcast_in_dim3A_31 : vector<256x1xf32> to vector<256x256xf32>
    %ge3A_33 = arith.cmpf oge, %select_n3A_28, %ge3A_32 : vector<256x256xf32>
    %jit3A_34 = arith.constant 256 : i32
    %broadcast_in_dim3A_35 = vector.broadcast %jit3A_34 : i32 to vector<256x256xi32>
    %select_n3A_36 = arith.select %ge3A_33, %iota3A, %broadcast_in_dim3A_35 : vector<256x256xi1>, vector<256x256xi32>
    %reduce_min3A_37 = arith.constant dense<2147483647> : vector<256xi32>
    %reduce_min3A_38 = vector.multi_reduction <minsi>, %select_n3A_36, %reduce_min3A_37 [1] : vector<256x256xi32> to vector<256xi32>
    %broadcast_in_dim3A_39 = vector.shape_cast %reduce_min3A_38 : vector<256xi32> to vector<256x1xi32>
    %eq3A_40 = vector.broadcast %broadcast_in_dim3A_39 : vector<256x1xi32> to vector<256x256xi32>
    %eq3A_41 = arith.cmpi eq, %iota3A, %eq3A_40 : vector<256x256xi32>
    %jit3A_42 = arith.constant 0xFF800000 : f32
    %broadcast_in_dim3A_43 = vector.broadcast %jit3A_42 : f32 to vector<256x256xf32>
    %select_n3A_44 = arith.select %eq3A_41, %broadcast_in_dim3A_43, %select_n3A_28 : vector<256x256xi1>, vector<256x256xf32>
    %reduce_max3A_45 = arith.constant dense<0xFF800000> : vector<256xf32>
    %reduce_max3A_46 = vector.multi_reduction <maximumf>, %select_n3A_44, %reduce_max3A_45 [1] : vector<256x256xf32> to vector<256xf32>
    %broadcast_in_dim3A_47 = vector.shape_cast %reduce_max3A_46 : vector<256xf32> to vector<256x1xf32>
    %ge3A_48 = vector.broadcast %broadcast_in_dim3A_47 : vector<256x1xf32> to vector<256x256xf32>
    %ge3A_49 = arith.cmpf oge, %select_n3A_44, %ge3A_48 : vector<256x256xf32>
    %jit3A_50 = arith.constant 256 : i32
    %broadcast_in_dim3A_51 = vector.broadcast %jit3A_50 : i32 to vector<256x256xi32>
    %select_n3A_52 = arith.select %ge3A_49, %iota3A, %broadcast_in_dim3A_51 : vector<256x256xi1>, vector<256x256xi32>
    %reduce_min3A_53 = arith.constant dense<2147483647> : vector<256xi32>
    %reduce_min3A_54 = vector.multi_reduction <minsi>, %select_n3A_52, %reduce_min3A_53 [1] : vector<256x256xi32> to vector<256xi32>
    %broadcast_in_dim3A_55 = vector.shape_cast %reduce_min3A_54 : vector<256xi32> to vector<256x1xi32>
    %eq3A_56 = vector.broadcast %broadcast_in_dim3A_55 : vector<256x1xi32> to vector<256x256xi32>
    %eq3A_57 = arith.cmpi eq, %iota3A, %eq3A_56 : vector<256x256xi32>
    %jit3A_58 = arith.constant 0xFF800000 : f32
    %broadcast_in_dim3A_59 = vector.broadcast %jit3A_58 : f32 to vector<256x256xf32>
    %select_n3A_60 = arith.select %eq3A_57, %broadcast_in_dim3A_59, %select_n3A_44 : vector<256x256xi1>, vector<256x256xf32>
    %reduce_max3A_61 = arith.constant dense<0xFF800000> : vector<256xf32>
    %reduce_max3A_62 = vector.multi_reduction <maximumf>, %select_n3A_60, %reduce_max3A_61 [1] : vector<256x256xf32> to vector<256xf32>
    %broadcast_in_dim3A_63 = vector.shape_cast %reduce_max3A_62 : vector<256xf32> to vector<256x1xf32>
    %ge3A_64 = vector.broadcast %broadcast_in_dim3A_63 : vector<256x1xf32> to vector<256x256xf32>
    %ge3A_65 = arith.cmpf oge, %select_n3A_60, %ge3A_64 : vector<256x256xf32>
    %jit3A_66 = arith.constant 256 : i32
    %broadcast_in_dim3A_67 = vector.broadcast %jit3A_66 : i32 to vector<256x256xi32>
    %select_n3A_68 = arith.select %ge3A_65, %iota3A, %broadcast_in_dim3A_67 : vector<256x256xi1>, vector<256x256xi32>
    %reduce_min3A_69 = arith.constant dense<2147483647> : vector<256xi32>
    %reduce_min3A_70 = vector.multi_reduction <minsi>, %select_n3A_68, %reduce_min3A_69 [1] : vector<256x256xi32> to vector<256xi32>
    %broadcast_in_dim3A_71 = vector.shape_cast %reduce_min3A_70 : vector<256xi32> to vector<256x1xi32>
    %eq3A_72 = vector.broadcast %broadcast_in_dim3A_71 : vector<256x1xi32> to vector<256x256xi32>
    %eq3A_73 = arith.cmpi eq, %iota3A, %eq3A_72 : vector<256x256xi32>
    %jit3A_74 = arith.constant 0xFF800000 : f32
    %broadcast_in_dim3A_75 = vector.broadcast %jit3A_74 : f32 to vector<256x256xf32>
    %select_n3A_76 = arith.select %eq3A_73, %broadcast_in_dim3A_75, %select_n3A_60 : vector<256x256xi1>, vector<256x256xf32>
    %reduce_max3A_77 = arith.constant dense<0xFF800000> : vector<256xf32>
    %reduce_max3A_78 = vector.multi_reduction <maximumf>, %select_n3A_76, %reduce_max3A_77 [1] : vector<256x256xf32> to vector<256xf32>
    %broadcast_in_dim3A_79 = vector.shape_cast %reduce_max3A_78 : vector<256xf32> to vector<256x1xf32>
    %ge3A_80 = vector.broadcast %broadcast_in_dim3A_79 : vector<256x1xf32> to vector<256x256xf32>
    %ge3A_81 = arith.cmpf oge, %select_n3A_76, %ge3A_80 : vector<256x256xf32>
    %jit3A_82 = arith.constant 256 : i32
    %broadcast_in_dim3A_83 = vector.broadcast %jit3A_82 : i32 to vector<256x256xi32>
    %select_n3A_84 = arith.select %ge3A_81, %iota3A, %broadcast_in_dim3A_83 : vector<256x256xi1>, vector<256x256xi32>
    %reduce_min3A_85 = arith.constant dense<2147483647> : vector<256xi32>
    %reduce_min3A_86 = vector.multi_reduction <minsi>, %select_n3A_84, %reduce_min3A_85 [1] : vector<256x256xi32> to vector<256xi32>
    %broadcast_in_dim3A_87 = vector.shape_cast %reduce_min3A_86 : vector<256xi32> to vector<256x1xi32>
    %eq3A_88 = vector.broadcast %broadcast_in_dim3A_87 : vector<256x1xi32> to vector<256x256xi32>
    %eq3A_89 = arith.cmpi eq, %iota3A, %eq3A_88 : vector<256x256xi32>
    %jit3A_90 = arith.constant 0xFF800000 : f32
    %broadcast_in_dim3A_91 = vector.broadcast %jit3A_90 : f32 to vector<256x256xf32>
    %select_n3A_92 = arith.select %eq3A_89, %broadcast_in_dim3A_91, %select_n3A_76 : vector<256x256xi1>, vector<256x256xf32>
    %reduce_max3A_93 = arith.constant dense<0xFF800000> : vector<256xf32>
    %reduce_max3A_94 = vector.multi_reduction <maximumf>, %select_n3A_92, %reduce_max3A_93 [1] : vector<256x256xf32> to vector<256xf32>
    %broadcast_in_dim3A_95 = vector.shape_cast %reduce_max3A_94 : vector<256xf32> to vector<256x1xf32>
    %ge3A_96 = vector.broadcast %broadcast_in_dim3A_95 : vector<256x1xf32> to vector<256x256xf32>
    %ge3A_97 = arith.cmpf oge, %select_n3A_92, %ge3A_96 : vector<256x256xf32>
    %jit3A_98 = arith.constant 256 : i32
    %broadcast_in_dim3A_99 = vector.broadcast %jit3A_98 : i32 to vector<256x256xi32>
    %select_n3A_100 = arith.select %ge3A_97, %iota3A, %broadcast_in_dim3A_99 : vector<256x256xi1>, vector<256x256xi32>
    %reduce_min3A_101 = arith.constant dense<2147483647> : vector<256xi32>
    %reduce_min3A_102 = vector.multi_reduction <minsi>, %select_n3A_100, %reduce_min3A_101 [1] : vector<256x256xi32> to vector<256xi32>
    %broadcast_in_dim3A_103 = vector.shape_cast %reduce_min3A_102 : vector<256xi32> to vector<256x1xi32>
    %eq3A_104 = vector.broadcast %broadcast_in_dim3A_103 : vector<256x1xi32> to vector<256x256xi32>
    %eq3A_105 = arith.cmpi eq, %iota3A, %eq3A_104 : vector<256x256xi32>
    %jit3A_106 = arith.constant 0xFF800000 : f32
    %broadcast_in_dim3A_107 = vector.broadcast %jit3A_106 : f32 to vector<256x256xf32>
    %select_n3A_108 = arith.select %eq3A_105, %broadcast_in_dim3A_107, %select_n3A_92 : vector<256x256xi1>, vector<256x256xf32>
    %reduce_max3A_109 = arith.constant dense<0xFF800000> : vector<256xf32>
    %reduce_max3A_110 = vector.multi_reduction <maximumf>, %select_n3A_108, %reduce_max3A_109 [1] : vector<256x256xf32> to vector<256xf32>
    %broadcast_in_dim3A_111 = vector.shape_cast %reduce_max3A_110 : vector<256xf32> to vector<256x1xf32>
    %ge3A_112 = vector.broadcast %broadcast_in_dim3A_111 : vector<256x1xf32> to vector<256x256xf32>
    %ge3A_113 = arith.cmpf oge, %select_n3A_108, %ge3A_112 : vector<256x256xf32>
    %jit3A_114 = arith.constant 256 : i32
    %broadcast_in_dim3A_115 = vector.broadcast %jit3A_114 : i32 to vector<256x256xi32>
    %select_n3A_116 = arith.select %ge3A_113, %iota3A, %broadcast_in_dim3A_115 : vector<256x256xi1>, vector<256x256xi32>
    %reduce_min3A_117 = arith.constant dense<2147483647> : vector<256xi32>
    %reduce_min3A_118 = vector.multi_reduction <minsi>, %select_n3A_116, %reduce_min3A_117 [1] : vector<256x256xi32> to vector<256xi32>
    %broadcast_in_dim3A_119 = vector.shape_cast %reduce_min3A_118 : vector<256xi32> to vector<256x1xi32>
    %eq3A_120 = vector.broadcast %broadcast_in_dim3A_119 : vector<256x1xi32> to vector<256x256xi32>
    %eq3A_121 = arith.cmpi eq, %iota3A, %eq3A_120 : vector<256x256xi32>
    %jit3A_122 = arith.constant 0xFF800000 : f32
    %broadcast_in_dim3A_123 = vector.broadcast %jit3A_122 : f32 to vector<256x256xf32>
    %select_n3A_124 = arith.select %eq3A_121, %broadcast_in_dim3A_123, %select_n3A_108 : vector<256x256xi1>, vector<256x256xf32>
    %reduce_max3A_125 = arith.constant dense<0xFF800000> : vector<256xf32>
    %reduce_max3A_126 = vector.multi_reduction <maximumf>, %select_n3A_124, %reduce_max3A_125 [1] : vector<256x256xf32> to vector<256xf32>
    %broadcast_in_dim3A_127 = vector.shape_cast %reduce_max3A_126 : vector<256xf32> to vector<256x1xf32>
    %ge3A_128 = vector.broadcast %broadcast_in_dim3A_127 : vector<256x1xf32> to vector<256x256xf32>
    %ge3A_129 = arith.cmpf oge, %select_n3A_124, %ge3A_128 : vector<256x256xf32>
    %jit3A_130 = arith.constant 256 : i32
    %broadcast_in_dim3A_131 = vector.broadcast %jit3A_130 : i32 to vector<256x256xi32>
    %select_n3A_132 = arith.select %ge3A_129, %iota3A, %broadcast_in_dim3A_131 : vector<256x256xi1>, vector<256x256xi32>
    %reduce_min3A_133 = arith.constant dense<2147483647> : vector<256xi32>
    %reduce_min3A_134 = vector.multi_reduction <minsi>, %select_n3A_132, %reduce_min3A_133 [1] : vector<256x256xi32> to vector<256xi32>
    %broadcast_in_dim3A_135 = vector.shape_cast %reduce_min3A_134 : vector<256xi32> to vector<256x1xi32>
    %eq3A_136 = vector.broadcast %broadcast_in_dim3A_135 : vector<256x1xi32> to vector<256x256xi32>
    %eq3A_137 = arith.cmpi eq, %iota3A, %eq3A_136 : vector<256x256xi32>
    %jit3A_138 = arith.constant 0xFF800000 : f32
    %broadcast_in_dim3A_139 = vector.broadcast %jit3A_138 : f32 to vector<256x256xf32>
    %select_n3A_140 = arith.select %eq3A_137, %broadcast_in_dim3A_139, %select_n3A_124 : vector<256x256xi1>, vector<256x256xf32>
    %reduce_max3A_141 = arith.constant dense<0xFF800000> : vector<256xf32>
    %reduce_max3A_142 = vector.multi_reduction <maximumf>, %select_n3A_140, %reduce_max3A_141 [1] : vector<256x256xf32> to vector<256xf32>
    %broadcast_in_dim3A_143 = vector.shape_cast %reduce_max3A_142 : vector<256xf32> to vector<256x1xf32>
    %ge3A_144 = vector.broadcast %broadcast_in_dim3A_143 : vector<256x1xf32> to vector<256x256xf32>
    %ge3A_145 = arith.cmpf oge, %select_n3A_140, %ge3A_144 : vector<256x256xf32>
    %jit3A_146 = arith.constant 256 : i32
    %broadcast_in_dim3A_147 = vector.broadcast %jit3A_146 : i32 to vector<256x256xi32>
    %select_n3A_148 = arith.select %ge3A_145, %iota3A, %broadcast_in_dim3A_147 : vector<256x256xi1>, vector<256x256xi32>
    %reduce_min3A_149 = arith.constant dense<2147483647> : vector<256xi32>
    %reduce_min3A_150 = vector.multi_reduction <minsi>, %select_n3A_148, %reduce_min3A_149 [1] : vector<256x256xi32> to vector<256xi32>
    %broadcast_in_dim3A_151 = vector.shape_cast %reduce_min3A_150 : vector<256xi32> to vector<256x1xi32>
    %eq3A_152 = vector.broadcast %broadcast_in_dim3A_151 : vector<256x1xi32> to vector<256x256xi32>
    %eq3A_153 = arith.cmpi eq, %iota3A, %eq3A_152 : vector<256x256xi32>
    %jit3A_154 = arith.constant 0xFF800000 : f32
    %broadcast_in_dim3A_155 = vector.broadcast %jit3A_154 : f32 to vector<256x256xf32>
    %select_n3A_156 = arith.select %eq3A_153, %broadcast_in_dim3A_155, %select_n3A_140 : vector<256x256xi1>, vector<256x256xf32>
    %reduce_max3A_157 = arith.constant dense<0xFF800000> : vector<256xf32>
    %reduce_max3A_158 = vector.multi_reduction <maximumf>, %select_n3A_156, %reduce_max3A_157 [1] : vector<256x256xf32> to vector<256xf32>
    %broadcast_in_dim3A_159 = vector.shape_cast %reduce_max3A_158 : vector<256xf32> to vector<256x1xf32>
    %ge3A_160 = vector.broadcast %broadcast_in_dim3A_159 : vector<256x1xf32> to vector<256x256xf32>
    %ge3A_161 = arith.cmpf oge, %select_n3A_156, %ge3A_160 : vector<256x256xf32>
    %jit3A_162 = arith.constant 256 : i32
    %broadcast_in_dim3A_163 = vector.broadcast %jit3A_162 : i32 to vector<256x256xi32>
    %select_n3A_164 = arith.select %ge3A_161, %iota3A, %broadcast_in_dim3A_163 : vector<256x256xi1>, vector<256x256xi32>
    %reduce_min3A_165 = arith.constant dense<2147483647> : vector<256xi32>
    %reduce_min3A_166 = vector.multi_reduction <minsi>, %select_n3A_164, %reduce_min3A_165 [1] : vector<256x256xi32> to vector<256xi32>
    %broadcast_in_dim3A_167 = vector.shape_cast %reduce_min3A_166 : vector<256xi32> to vector<256x1xi32>
    %eq3A_168 = vector.broadcast %broadcast_in_dim3A_167 : vector<256x1xi32> to vector<256x256xi32>
    %eq3A_169 = arith.cmpi eq, %iota3A, %eq3A_168 : vector<256x256xi32>
    %jit3A_170 = arith.constant 0xFF800000 : f32
    %broadcast_in_dim3A_171 = vector.broadcast %jit3A_170 : f32 to vector<256x256xf32>
    %select_n3A_172 = arith.select %eq3A_169, %broadcast_in_dim3A_171, %select_n3A_156 : vector<256x256xi1>, vector<256x256xf32>
    %reduce_max3A_173 = arith.constant dense<0xFF800000> : vector<256xf32>
    %reduce_max3A_174 = vector.multi_reduction <maximumf>, %select_n3A_172, %reduce_max3A_173 [1] : vector<256x256xf32> to vector<256xf32>
    %broadcast_in_dim3A_175 = vector.shape_cast %reduce_max3A_174 : vector<256xf32> to vector<256x1xf32>
    %ge3A_176 = vector.broadcast %broadcast_in_dim3A_175 : vector<256x1xf32> to vector<256x256xf32>
    %ge3A_177 = arith.cmpf oge, %select_n3A_172, %ge3A_176 : vector<256x256xf32>
    %jit3A_178 = arith.constant 256 : i32
    %broadcast_in_dim3A_179 = vector.broadcast %jit3A_178 : i32 to vector<256x256xi32>
    %select_n3A_180 = arith.select %ge3A_177, %iota3A, %broadcast_in_dim3A_179 : vector<256x256xi1>, vector<256x256xi32>
    %reduce_min3A_181 = arith.constant dense<2147483647> : vector<256xi32>
    %reduce_min3A_182 = vector.multi_reduction <minsi>, %select_n3A_180, %reduce_min3A_181 [1] : vector<256x256xi32> to vector<256xi32>
    %broadcast_in_dim3A_183 = vector.shape_cast %reduce_min3A_182 : vector<256xi32> to vector<256x1xi32>
    %eq3A_184 = vector.broadcast %broadcast_in_dim3A_183 : vector<256x1xi32> to vector<256x256xi32>
    %eq3A_185 = arith.cmpi eq, %iota3A, %eq3A_184 : vector<256x256xi32>
    %jit3A_186 = arith.constant 0xFF800000 : f32
    %broadcast_in_dim3A_187 = vector.broadcast %jit3A_186 : f32 to vector<256x256xf32>
    %select_n3A_188 = arith.select %eq3A_185, %broadcast_in_dim3A_187, %select_n3A_172 : vector<256x256xi1>, vector<256x256xf32>
    %reduce_max3A_189 = arith.constant dense<0xFF800000> : vector<256xf32>
    %reduce_max3A_190 = vector.multi_reduction <maximumf>, %select_n3A_188, %reduce_max3A_189 [1] : vector<256x256xf32> to vector<256xf32>
    %broadcast_in_dim3A_191 = vector.shape_cast %reduce_max3A_190 : vector<256xf32> to vector<256x1xf32>
    %ge3A_192 = vector.broadcast %broadcast_in_dim3A_191 : vector<256x1xf32> to vector<256x256xf32>
    %ge3A_193 = arith.cmpf oge, %select_n3A_188, %ge3A_192 : vector<256x256xf32>
    %jit3A_194 = arith.constant 256 : i32
    %broadcast_in_dim3A_195 = vector.broadcast %jit3A_194 : i32 to vector<256x256xi32>
    %select_n3A_196 = arith.select %ge3A_193, %iota3A, %broadcast_in_dim3A_195 : vector<256x256xi1>, vector<256x256xi32>
    %reduce_min3A_197 = arith.constant dense<2147483647> : vector<256xi32>
    %reduce_min3A_198 = vector.multi_reduction <minsi>, %select_n3A_196, %reduce_min3A_197 [1] : vector<256x256xi32> to vector<256xi32>
    %broadcast_in_dim3A_199 = vector.shape_cast %reduce_min3A_198 : vector<256xi32> to vector<256x1xi32>
    %eq3A_200 = vector.broadcast %broadcast_in_dim3A_199 : vector<256x1xi32> to vector<256x256xi32>
    %eq3A_201 = arith.cmpi eq, %iota3A, %eq3A_200 : vector<256x256xi32>
    %jit3A_202 = arith.constant 0xFF800000 : f32
    %broadcast_in_dim3A_203 = vector.broadcast %jit3A_202 : f32 to vector<256x256xf32>
    %select_n3A_204 = arith.select %eq3A_201, %broadcast_in_dim3A_203, %select_n3A_188 : vector<256x256xi1>, vector<256x256xf32>
    %reduce_max3A_205 = arith.constant dense<0xFF800000> : vector<256xf32>
    %reduce_max3A_206 = vector.multi_reduction <maximumf>, %select_n3A_204, %reduce_max3A_205 [1] : vector<256x256xf32> to vector<256xf32>
    %broadcast_in_dim3A_207 = vector.shape_cast %reduce_max3A_206 : vector<256xf32> to vector<256x1xf32>
    %ge3A_208 = vector.broadcast %broadcast_in_dim3A_207 : vector<256x1xf32> to vector<256x256xf32>
    %ge3A_209 = arith.cmpf oge, %select_n3A_204, %ge3A_208 : vector<256x256xf32>
    %jit3A_210 = arith.constant 256 : i32
    %broadcast_in_dim3A_211 = vector.broadcast %jit3A_210 : i32 to vector<256x256xi32>
    %select_n3A_212 = arith.select %ge3A_209, %iota3A, %broadcast_in_dim3A_211 : vector<256x256xi1>, vector<256x256xi32>
    %reduce_min3A_213 = arith.constant dense<2147483647> : vector<256xi32>
    %reduce_min3A_214 = vector.multi_reduction <minsi>, %select_n3A_212, %reduce_min3A_213 [1] : vector<256x256xi32> to vector<256xi32>
    %broadcast_in_dim3A_215 = vector.shape_cast %reduce_min3A_214 : vector<256xi32> to vector<256x1xi32>
    %eq3A_216 = vector.broadcast %broadcast_in_dim3A_215 : vector<256x1xi32> to vector<256x256xi32>
    %eq3A_217 = arith.cmpi eq, %iota3A, %eq3A_216 : vector<256x256xi32>
    %jit3A_218 = arith.constant 0xFF800000 : f32
    %broadcast_in_dim3A_219 = vector.broadcast %jit3A_218 : f32 to vector<256x256xf32>
    %select_n3A_220 = arith.select %eq3A_217, %broadcast_in_dim3A_219, %select_n3A_204 : vector<256x256xi1>, vector<256x256xf32>
    %reduce_max3A_221 = arith.constant dense<0xFF800000> : vector<256xf32>
    %reduce_max3A_222 = vector.multi_reduction <maximumf>, %select_n3A_220, %reduce_max3A_221 [1] : vector<256x256xf32> to vector<256xf32>
    %broadcast_in_dim3A_223 = vector.shape_cast %reduce_max3A_222 : vector<256xf32> to vector<256x1xf32>
    %ge3A_224 = vector.broadcast %broadcast_in_dim3A_223 : vector<256x1xf32> to vector<256x256xf32>
    %ge3A_225 = arith.cmpf oge, %select_n3A_220, %ge3A_224 : vector<256x256xf32>
    %jit3A_226 = arith.constant 256 : i32
    %broadcast_in_dim3A_227 = vector.broadcast %jit3A_226 : i32 to vector<256x256xi32>
    %select_n3A_228 = arith.select %ge3A_225, %iota3A, %broadcast_in_dim3A_227 : vector<256x256xi1>, vector<256x256xi32>
    %reduce_min3A_229 = arith.constant dense<2147483647> : vector<256xi32>
    %reduce_min3A_230 = vector.multi_reduction <minsi>, %select_n3A_228, %reduce_min3A_229 [1] : vector<256x256xi32> to vector<256xi32>
    %broadcast_in_dim3A_231 = vector.shape_cast %reduce_min3A_230 : vector<256xi32> to vector<256x1xi32>
    %eq3A_232 = vector.broadcast %broadcast_in_dim3A_231 : vector<256x1xi32> to vector<256x256xi32>
    %eq3A_233 = arith.cmpi eq, %iota3A, %eq3A_232 : vector<256x256xi32>
    %jit3A_234 = arith.constant 0xFF800000 : f32
    %broadcast_in_dim3A_235 = vector.broadcast %jit3A_234 : f32 to vector<256x256xf32>
    %select_n3A_236 = arith.select %eq3A_233, %broadcast_in_dim3A_235, %select_n3A_220 : vector<256x256xi1>, vector<256x256xf32>
    %reduce_max3A_237 = arith.constant dense<0xFF800000> : vector<256xf32>
    %reduce_max3A_238 = vector.multi_reduction <maximumf>, %select_n3A_236, %reduce_max3A_237 [1] : vector<256x256xf32> to vector<256xf32>
    %broadcast_in_dim3A_239 = vector.shape_cast %reduce_max3A_238 : vector<256xf32> to vector<256x1xf32>
    %ge3A_240 = vector.broadcast %broadcast_in_dim3A_239 : vector<256x1xf32> to vector<256x256xf32>
    %ge3A_241 = arith.cmpf oge, %select_n3A_236, %ge3A_240 : vector<256x256xf32>
    %jit3A_242 = arith.constant 256 : i32
    %broadcast_in_dim3A_243 = vector.broadcast %jit3A_242 : i32 to vector<256x256xi32>
    %select_n3A_244 = arith.select %ge3A_241, %iota3A, %broadcast_in_dim3A_243 : vector<256x256xi1>, vector<256x256xi32>
    %reduce_min3A_245 = arith.constant dense<2147483647> : vector<256xi32>
    %reduce_min3A_246 = vector.multi_reduction <minsi>, %select_n3A_244, %reduce_min3A_245 [1] : vector<256x256xi32> to vector<256xi32>
    %broadcast_in_dim3A_247 = vector.shape_cast %reduce_min3A_246 : vector<256xi32> to vector<256x1xi32>
    %concatenate3A = tpu.concatenate %broadcast_in_dim3A_8, %broadcast_in_dim3A_23, %broadcast_in_dim3A_39, %broadcast_in_dim3A_55, %broadcast_in_dim3A_71, %broadcast_in_dim3A_87, %broadcast_in_dim3A_103, %broadcast_in_dim3A_119, %broadcast_in_dim3A_135, %broadcast_in_dim3A_151, %broadcast_in_dim3A_167, %broadcast_in_dim3A_183, %broadcast_in_dim3A_199, %broadcast_in_dim3A_215, %broadcast_in_dim3A_231, %broadcast_in_dim3A_247 in 1 : vector<256x1xi32>, vector<256x1xi32>, vector<256x1xi32>, vector<256x1xi32>, vector<256x1xi32>, vector<256x1xi32>, vector<256x1xi32>, vector<256x1xi32>, vector<256x1xi32>, vector<256x1xi32>, vector<256x1xi32>, vector<256x1xi32>, vector<256x1xi32>, vector<256x1xi32>, vector<256x1xi32>, vector<256x1xi32> -> vector<256x16xi32>
    %swap3A = arith.constant 0 : index
    %swap3A_248 = arith.constant 0 : index
    %swap3A_249 = arith.constant 0 : index
    %swap3A_250 = vector.load %arg3[%swap3A, %swap3A_248, %swap3A_249] : memref<1x256x16xi32, #tpu.memory_space<vmem>>, vector<1x256x16xi32>
    %swap3A_251 = vector.shape_cast %swap3A_250 : vector<1x256x16xi32> to vector<256x16xi32>
    %swap3A_252 = vector.shape_cast %concatenate3A : vector<256x16xi32> to vector<1x256x16xi32>
    tpu.vector_store %arg3[%swap3A, %swap3A_248, %swap3A_249], %swap3A_252 {strides = array<i32>} : memref<1x256x16xi32, #tpu.memory_space<vmem>>, vector<1x256x16xi32>,
    return
  }
  func.func @transform_0(%arg0: i32, %arg1: i32) -> (i32, i32, i32) {
    %c0_i32 = arith.constant 0 : i32
    %c0_i32_0 = arith.constant 0 : i32
    return %arg0, %arg1, %c0_i32 : i32, i32, i32
  }
  func.func @transform_1(%arg0: i32, %arg1: i32) -> (i32, i32, i32) {
    %c0_i32 = arith.constant 0 : i32
    %c0_i32_0 = arith.constant 0 : i32
    return %arg0, %arg1, %c0_i32 : i32, i32, i32
  }
}

module attributes {stable_mosaic.version = 14 : i64} {
  func.func @body(%arg0: i32, %arg1: i32, %arg2: memref<1x64x256xf32, #tpu.memory_space<vmem>>, %arg3: memref<1x64x16xi32, #tpu.memory_space<vmem>>) attributes {dimension_semantics = [#tpu.dimension_semantics<parallel>, #tpu.dimension_semantics<parallel>], iteration_bounds = array<i64: 2, 1>, scalar_prefetch = 0 : i64, scratch_operands = 0 : i64, tpu.core_type = #tpu.core_type<tc>, window_params = [{transform_indices = @transform_0, window_bounds = array<i64: 1, 64, 256>}, {transform_indices = @transform_1, window_bounds = array<i64: 1, 64, 16>}]} {
    %get3A = arith.constant 0 : index
    %get3A_0 = arith.constant 0 : index
    %get3A_1 = arith.constant 0 : index
    %get3A_2 = vector.load %arg2[%get3A, %get3A_0, %get3A_1] : memref<1x64x256xf32, #tpu.memory_space<vmem>>, vector<1x64x256xf32>
    %get3A_3 = vector.shape_cast %get3A_2 : vector<1x64x256xf32> to vector<64x256xf32>
    %iota3A = tpu.iota {dimensions = array<i32: 1>} : vector<64x256xi32>
    %reduce_max3A = arith.constant dense<0xFF800000> : vector<64xf32>
    %reduce_max3A_4 = vector.multi_reduction <maximumf>, %get3A_3, %reduce_max3A [1] : vector<64x256xf32> to vector<64xf32>
    %broadcast_in_dim3A = vector.shape_cast %reduce_max3A_4 : vector<64xf32> to vector<64x1xf32>
    %ge3A = vector.broadcast %broadcast_in_dim3A : vector<64x1xf32> to vector<64x256xf32>
    %ge3A_5 = arith.cmpf oge, %get3A_3, %ge3A : vector<64x256xf32>
    %jit3A = arith.constant 256 : i32
    %broadcast_in_dim3A_6 = vector.broadcast %jit3A : i32 to vector<64x256xi32>
    %select_n3A = arith.select %ge3A_5, %iota3A, %broadcast_in_dim3A_6 : vector<64x256xi1>, vector<64x256xi32>
    %reduce_min3A = arith.constant dense<2147483647> : vector<64xi32>
    %reduce_min3A_7 = vector.multi_reduction <minsi>, %select_n3A, %reduce_min3A [1] : vector<64x256xi32> to vector<64xi32>
    %broadcast_in_dim3A_8 = vector.shape_cast %reduce_min3A_7 : vector<64xi32> to vector<64x1xi32>
    %eq3A = vector.broadcast %broadcast_in_dim3A_8 : vector<64x1xi32> to vector<64x256xi32>
    %eq3A_9 = arith.cmpi eq, %iota3A, %eq3A : vector<64x256xi32>
    %jit3A_10 = arith.constant 0xFF800000 : f32
    %broadcast_in_dim3A_11 = vector.broadcast %jit3A_10 : f32 to vector<64x256xf32>
    %select_n3A_12 = arith.select %eq3A_9, %broadcast_in_dim3A_11, %get3A_3 : vector<64x256xi1>, vector<64x256xf32>
    %reduce_max3A_13 = arith.constant dense<0xFF800000> : vector<64xf32>
    %reduce_max3A_14 = vector.multi_reduction <maximumf>, %select_n3A_12, %reduce_max3A_13 [1] : vector<64x256xf32> to vector<64xf32>
    %broadcast_in_dim3A_15 = vector.shape_cast %reduce_max3A_14 : vector<64xf32> to vector<64x1xf32>
    %ge3A_16 = vector.broadcast %broadcast_in_dim3A_15 : vector<64x1xf32> to vector<64x256xf32>
    %ge3A_17 = arith.cmpf oge, %select_n3A_12, %ge3A_16 : vector<64x256xf32>
    %jit3A_18 = arith.constant 256 : i32
    %broadcast_in_dim3A_19 = vector.broadcast %jit3A_18 : i32 to vector<64x256xi32>
    %select_n3A_20 = arith.select %ge3A_17, %iota3A, %broadcast_in_dim3A_19 : vector<64x256xi1>, vector<64x256xi32>
    %reduce_min3A_21 = arith.constant dense<2147483647> : vector<64xi32>
    %reduce_min3A_22 = vector.multi_reduction <minsi>, %select_n3A_20, %reduce_min3A_21 [1] : vector<64x256xi32> to vector<64xi32>
    %broadcast_in_dim3A_23 = vector.shape_cast %reduce_min3A_22 : vector<64xi32> to vector<64x1xi32>
    %eq3A_24 = vector.broadcast %broadcast_in_dim3A_23 : vector<64x1xi32> to vector<64x256xi32>
    %eq3A_25 = arith.cmpi eq, %iota3A, %eq3A_24 : vector<64x256xi32>
    %jit3A_26 = arith.constant 0xFF800000 : f32
    %broadcast_in_dim3A_27 = vector.broadcast %jit3A_26 : f32 to vector<64x256xf32>
    %select_n3A_28 = arith.select %eq3A_25, %broadcast_in_dim3A_27, %select_n3A_12 : vector<64x256xi1>, vector<64x256xf32>
    %reduce_max3A_29 = arith.constant dense<0xFF800000> : vector<64xf32>
    %reduce_max3A_30 = vector.multi_reduction <maximumf>, %select_n3A_28, %reduce_max3A_29 [1] : vector<64x256xf32> to vector<64xf32>
    %broadcast_in_dim3A_31 = vector.shape_cast %reduce_max3A_30 : vector<64xf32> to vector<64x1xf32>
    %ge3A_32 = vector.broadcast %broadcast_in_dim3A_31 : vector<64x1xf32> to vector<64x256xf32>
    %ge3A_33 = arith.cmpf oge, %select_n3A_28, %ge3A_32 : vector<64x256xf32>
    %jit3A_34 = arith.constant 256 : i32
    %broadcast_in_dim3A_35 = vector.broadcast %jit3A_34 : i32 to vector<64x256xi32>
    %select_n3A_36 = arith.select %ge3A_33, %iota3A, %broadcast_in_dim3A_35 : vector<64x256xi1>, vector<64x256xi32>
    %reduce_min3A_37 = arith.constant dense<2147483647> : vector<64xi32>
    %reduce_min3A_38 = vector.multi_reduction <minsi>, %select_n3A_36, %reduce_min3A_37 [1] : vector<64x256xi32> to vector<64xi32>
    %broadcast_in_dim3A_39 = vector.shape_cast %reduce_min3A_38 : vector<64xi32> to vector<64x1xi32>
    %eq3A_40 = vector.broadcast %broadcast_in_dim3A_39 : vector<64x1xi32> to vector<64x256xi32>
    %eq3A_41 = arith.cmpi eq, %iota3A, %eq3A_40 : vector<64x256xi32>
    %jit3A_42 = arith.constant 0xFF800000 : f32
    %broadcast_in_dim3A_43 = vector.broadcast %jit3A_42 : f32 to vector<64x256xf32>
    %select_n3A_44 = arith.select %eq3A_41, %broadcast_in_dim3A_43, %select_n3A_28 : vector<64x256xi1>, vector<64x256xf32>
    %reduce_max3A_45 = arith.constant dense<0xFF800000> : vector<64xf32>
    %reduce_max3A_46 = vector.multi_reduction <maximumf>, %select_n3A_44, %reduce_max3A_45 [1] : vector<64x256xf32> to vector<64xf32>
    %broadcast_in_dim3A_47 = vector.shape_cast %reduce_max3A_46 : vector<64xf32> to vector<64x1xf32>
    %ge3A_48 = vector.broadcast %broadcast_in_dim3A_47 : vector<64x1xf32> to vector<64x256xf32>
    %ge3A_49 = arith.cmpf oge, %select_n3A_44, %ge3A_48 : vector<64x256xf32>
    %jit3A_50 = arith.constant 256 : i32
    %broadcast_in_dim3A_51 = vector.broadcast %jit3A_50 : i32 to vector<64x256xi32>
    %select_n3A_52 = arith.select %ge3A_49, %iota3A, %broadcast_in_dim3A_51 : vector<64x256xi1>, vector<64x256xi32>
    %reduce_min3A_53 = arith.constant dense<2147483647> : vector<64xi32>
    %reduce_min3A_54 = vector.multi_reduction <minsi>, %select_n3A_52, %reduce_min3A_53 [1] : vector<64x256xi32> to vector<64xi32>
    %broadcast_in_dim3A_55 = vector.shape_cast %reduce_min3A_54 : vector<64xi32> to vector<64x1xi32>
    %eq3A_56 = vector.broadcast %broadcast_in_dim3A_55 : vector<64x1xi32> to vector<64x256xi32>
    %eq3A_57 = arith.cmpi eq, %iota3A, %eq3A_56 : vector<64x256xi32>
    %jit3A_58 = arith.constant 0xFF800000 : f32
    %broadcast_in_dim3A_59 = vector.broadcast %jit3A_58 : f32 to vector<64x256xf32>
    %select_n3A_60 = arith.select %eq3A_57, %broadcast_in_dim3A_59, %select_n3A_44 : vector<64x256xi1>, vector<64x256xf32>
    %reduce_max3A_61 = arith.constant dense<0xFF800000> : vector<64xf32>
    %reduce_max3A_62 = vector.multi_reduction <maximumf>, %select_n3A_60, %reduce_max3A_61 [1] : vector<64x256xf32> to vector<64xf32>
    %broadcast_in_dim3A_63 = vector.shape_cast %reduce_max3A_62 : vector<64xf32> to vector<64x1xf32>
    %ge3A_64 = vector.broadcast %broadcast_in_dim3A_63 : vector<64x1xf32> to vector<64x256xf32>
    %ge3A_65 = arith.cmpf oge, %select_n3A_60, %ge3A_64 : vector<64x256xf32>
    %jit3A_66 = arith.constant 256 : i32
    %broadcast_in_dim3A_67 = vector.broadcast %jit3A_66 : i32 to vector<64x256xi32>
    %select_n3A_68 = arith.select %ge3A_65, %iota3A, %broadcast_in_dim3A_67 : vector<64x256xi1>, vector<64x256xi32>
    %reduce_min3A_69 = arith.constant dense<2147483647> : vector<64xi32>
    %reduce_min3A_70 = vector.multi_reduction <minsi>, %select_n3A_68, %reduce_min3A_69 [1] : vector<64x256xi32> to vector<64xi32>
    %broadcast_in_dim3A_71 = vector.shape_cast %reduce_min3A_70 : vector<64xi32> to vector<64x1xi32>
    %eq3A_72 = vector.broadcast %broadcast_in_dim3A_71 : vector<64x1xi32> to vector<64x256xi32>
    %eq3A_73 = arith.cmpi eq, %iota3A, %eq3A_72 : vector<64x256xi32>
    %jit3A_74 = arith.constant 0xFF800000 : f32
    %broadcast_in_dim3A_75 = vector.broadcast %jit3A_74 : f32 to vector<64x256xf32>
    %select_n3A_76 = arith.select %eq3A_73, %broadcast_in_dim3A_75, %select_n3A_60 : vector<64x256xi1>, vector<64x256xf32>
    %reduce_max3A_77 = arith.constant dense<0xFF800000> : vector<64xf32>
    %reduce_max3A_78 = vector.multi_reduction <maximumf>, %select_n3A_76, %reduce_max3A_77 [1] : vector<64x256xf32> to vector<64xf32>
    %broadcast_in_dim3A_79 = vector.shape_cast %reduce_max3A_78 : vector<64xf32> to vector<64x1xf32>
    %ge3A_80 = vector.broadcast %broadcast_in_dim3A_79 : vector<64x1xf32> to vector<64x256xf32>
    %ge3A_81 = arith.cmpf oge, %select_n3A_76, %ge3A_80 : vector<64x256xf32>
    %jit3A_82 = arith.constant 256 : i32
    %broadcast_in_dim3A_83 = vector.broadcast %jit3A_82 : i32 to vector<64x256xi32>
    %select_n3A_84 = arith.select %ge3A_81, %iota3A, %broadcast_in_dim3A_83 : vector<64x256xi1>, vector<64x256xi32>
    %reduce_min3A_85 = arith.constant dense<2147483647> : vector<64xi32>
    %reduce_min3A_86 = vector.multi_reduction <minsi>, %select_n3A_84, %reduce_min3A_85 [1] : vector<64x256xi32> to vector<64xi32>
    %broadcast_in_dim3A_87 = vector.shape_cast %reduce_min3A_86 : vector<64xi32> to vector<64x1xi32>
    %eq3A_88 = vector.broadcast %broadcast_in_dim3A_87 : vector<64x1xi32> to vector<64x256xi32>
    %eq3A_89 = arith.cmpi eq, %iota3A, %eq3A_88 : vector<64x256xi32>
    %jit3A_90 = arith.constant 0xFF800000 : f32
    %broadcast_in_dim3A_91 = vector.broadcast %jit3A_90 : f32 to vector<64x256xf32>
    %select_n3A_92 = arith.select %eq3A_89, %broadcast_in_dim3A_91, %select_n3A_76 : vector<64x256xi1>, vector<64x256xf32>
    %reduce_max3A_93 = arith.constant dense<0xFF800000> : vector<64xf32>
    %reduce_max3A_94 = vector.multi_reduction <maximumf>, %select_n3A_92, %reduce_max3A_93 [1] : vector<64x256xf32> to vector<64xf32>
    %broadcast_in_dim3A_95 = vector.shape_cast %reduce_max3A_94 : vector<64xf32> to vector<64x1xf32>
    %ge3A_96 = vector.broadcast %broadcast_in_dim3A_95 : vector<64x1xf32> to vector<64x256xf32>
    %ge3A_97 = arith.cmpf oge, %select_n3A_92, %ge3A_96 : vector<64x256xf32>
    %jit3A_98 = arith.constant 256 : i32
    %broadcast_in_dim3A_99 = vector.broadcast %jit3A_98 : i32 to vector<64x256xi32>
    %select_n3A_100 = arith.select %ge3A_97, %iota3A, %broadcast_in_dim3A_99 : vector<64x256xi1>, vector<64x256xi32>
    %reduce_min3A_101 = arith.constant dense<2147483647> : vector<64xi32>
    %reduce_min3A_102 = vector.multi_reduction <minsi>, %select_n3A_100, %reduce_min3A_101 [1] : vector<64x256xi32> to vector<64xi32>
    %broadcast_in_dim3A_103 = vector.shape_cast %reduce_min3A_102 : vector<64xi32> to vector<64x1xi32>
    %eq3A_104 = vector.broadcast %broadcast_in_dim3A_103 : vector<64x1xi32> to vector<64x256xi32>
    %eq3A_105 = arith.cmpi eq, %iota3A, %eq3A_104 : vector<64x256xi32>
    %jit3A_106 = arith.constant 0xFF800000 : f32
    %broadcast_in_dim3A_107 = vector.broadcast %jit3A_106 : f32 to vector<64x256xf32>
    %select_n3A_108 = arith.select %eq3A_105, %broadcast_in_dim3A_107, %select_n3A_92 : vector<64x256xi1>, vector<64x256xf32>
    %reduce_max3A_109 = arith.constant dense<0xFF800000> : vector<64xf32>
    %reduce_max3A_110 = vector.multi_reduction <maximumf>, %select_n3A_108, %reduce_max3A_109 [1] : vector<64x256xf32> to vector<64xf32>
    %broadcast_in_dim3A_111 = vector.shape_cast %reduce_max3A_110 : vector<64xf32> to vector<64x1xf32>
    %ge3A_112 = vector.broadcast %broadcast_in_dim3A_111 : vector<64x1xf32> to vector<64x256xf32>
    %ge3A_113 = arith.cmpf oge, %select_n3A_108, %ge3A_112 : vector<64x256xf32>
    %jit3A_114 = arith.constant 256 : i32
    %broadcast_in_dim3A_115 = vector.broadcast %jit3A_114 : i32 to vector<64x256xi32>
    %select_n3A_116 = arith.select %ge3A_113, %iota3A, %broadcast_in_dim3A_115 : vector<64x256xi1>, vector<64x256xi32>
    %reduce_min3A_117 = arith.constant dense<2147483647> : vector<64xi32>
    %reduce_min3A_118 = vector.multi_reduction <minsi>, %select_n3A_116, %reduce_min3A_117 [1] : vector<64x256xi32> to vector<64xi32>
    %broadcast_in_dim3A_119 = vector.shape_cast %reduce_min3A_118 : vector<64xi32> to vector<64x1xi32>
    %eq3A_120 = vector.broadcast %broadcast_in_dim3A_119 : vector<64x1xi32> to vector<64x256xi32>
    %eq3A_121 = arith.cmpi eq, %iota3A, %eq3A_120 : vector<64x256xi32>
    %jit3A_122 = arith.constant 0xFF800000 : f32
    %broadcast_in_dim3A_123 = vector.broadcast %jit3A_122 : f32 to vector<64x256xf32>
    %select_n3A_124 = arith.select %eq3A_121, %broadcast_in_dim3A_123, %select_n3A_108 : vector<64x256xi1>, vector<64x256xf32>
    %reduce_max3A_125 = arith.constant dense<0xFF800000> : vector<64xf32>
    %reduce_max3A_126 = vector.multi_reduction <maximumf>, %select_n3A_124, %reduce_max3A_125 [1] : vector<64x256xf32> to vector<64xf32>
    %broadcast_in_dim3A_127 = vector.shape_cast %reduce_max3A_126 : vector<64xf32> to vector<64x1xf32>
    %ge3A_128 = vector.broadcast %broadcast_in_dim3A_127 : vector<64x1xf32> to vector<64x256xf32>
    %ge3A_129 = arith.cmpf oge, %select_n3A_124, %ge3A_128 : vector<64x256xf32>
    %jit3A_130 = arith.constant 256 : i32
    %broadcast_in_dim3A_131 = vector.broadcast %jit3A_130 : i32 to vector<64x256xi32>
    %select_n3A_132 = arith.select %ge3A_129, %iota3A, %broadcast_in_dim3A_131 : vector<64x256xi1>, vector<64x256xi32>
    %reduce_min3A_133 = arith.constant dense<2147483647> : vector<64xi32>
    %reduce_min3A_134 = vector.multi_reduction <minsi>, %select_n3A_132, %reduce_min3A_133 [1] : vector<64x256xi32> to vector<64xi32>
    %broadcast_in_dim3A_135 = vector.shape_cast %reduce_min3A_134 : vector<64xi32> to vector<64x1xi32>
    %eq3A_136 = vector.broadcast %broadcast_in_dim3A_135 : vector<64x1xi32> to vector<64x256xi32>
    %eq3A_137 = arith.cmpi eq, %iota3A, %eq3A_136 : vector<64x256xi32>
    %jit3A_138 = arith.constant 0xFF800000 : f32
    %broadcast_in_dim3A_139 = vector.broadcast %jit3A_138 : f32 to vector<64x256xf32>
    %select_n3A_140 = arith.select %eq3A_137, %broadcast_in_dim3A_139, %select_n3A_124 : vector<64x256xi1>, vector<64x256xf32>
    %reduce_max3A_141 = arith.constant dense<0xFF800000> : vector<64xf32>
    %reduce_max3A_142 = vector.multi_reduction <maximumf>, %select_n3A_140, %reduce_max3A_141 [1] : vector<64x256xf32> to vector<64xf32>
    %broadcast_in_dim3A_143 = vector.shape_cast %reduce_max3A_142 : vector<64xf32> to vector<64x1xf32>
    %ge3A_144 = vector.broadcast %broadcast_in_dim3A_143 : vector<64x1xf32> to vector<64x256xf32>
    %ge3A_145 = arith.cmpf oge, %select_n3A_140, %ge3A_144 : vector<64x256xf32>
    %jit3A_146 = arith.constant 256 : i32
    %broadcast_in_dim3A_147 = vector.broadcast %jit3A_146 : i32 to vector<64x256xi32>
    %select_n3A_148 = arith.select %ge3A_145, %iota3A, %broadcast_in_dim3A_147 : vector<64x256xi1>, vector<64x256xi32>
    %reduce_min3A_149 = arith.constant dense<2147483647> : vector<64xi32>
    %reduce_min3A_150 = vector.multi_reduction <minsi>, %select_n3A_148, %reduce_min3A_149 [1] : vector<64x256xi32> to vector<64xi32>
    %broadcast_in_dim3A_151 = vector.shape_cast %reduce_min3A_150 : vector<64xi32> to vector<64x1xi32>
    %eq3A_152 = vector.broadcast %broadcast_in_dim3A_151 : vector<64x1xi32> to vector<64x256xi32>
    %eq3A_153 = arith.cmpi eq, %iota3A, %eq3A_152 : vector<64x256xi32>
    %jit3A_154 = arith.constant 0xFF800000 : f32
    %broadcast_in_dim3A_155 = vector.broadcast %jit3A_154 : f32 to vector<64x256xf32>
    %select_n3A_156 = arith.select %eq3A_153, %broadcast_in_dim3A_155, %select_n3A_140 : vector<64x256xi1>, vector<64x256xf32>
    %reduce_max3A_157 = arith.constant dense<0xFF800000> : vector<64xf32>
    %reduce_max3A_158 = vector.multi_reduction <maximumf>, %select_n3A_156, %reduce_max3A_157 [1] : vector<64x256xf32> to vector<64xf32>
    %broadcast_in_dim3A_159 = vector.shape_cast %reduce_max3A_158 : vector<64xf32> to vector<64x1xf32>
    %ge3A_160 = vector.broadcast %broadcast_in_dim3A_159 : vector<64x1xf32> to vector<64x256xf32>
    %ge3A_161 = arith.cmpf oge, %select_n3A_156, %ge3A_160 : vector<64x256xf32>
    %jit3A_162 = arith.constant 256 : i32
    %broadcast_in_dim3A_163 = vector.broadcast %jit3A_162 : i32 to vector<64x256xi32>
    %select_n3A_164 = arith.select %ge3A_161, %iota3A, %broadcast_in_dim3A_163 : vector<64x256xi1>, vector<64x256xi32>
    %reduce_min3A_165 = arith.constant dense<2147483647> : vector<64xi32>
    %reduce_min3A_166 = vector.multi_reduction <minsi>, %select_n3A_164, %reduce_min3A_165 [1] : vector<64x256xi32> to vector<64xi32>
    %broadcast_in_dim3A_167 = vector.shape_cast %reduce_min3A_166 : vector<64xi32> to vector<64x1xi32>
    %eq3A_168 = vector.broadcast %broadcast_in_dim3A_167 : vector<64x1xi32> to vector<64x256xi32>
    %eq3A_169 = arith.cmpi eq, %iota3A, %eq3A_168 : vector<64x256xi32>
    %jit3A_170 = arith.constant 0xFF800000 : f32
    %broadcast_in_dim3A_171 = vector.broadcast %jit3A_170 : f32 to vector<64x256xf32>
    %select_n3A_172 = arith.select %eq3A_169, %broadcast_in_dim3A_171, %select_n3A_156 : vector<64x256xi1>, vector<64x256xf32>
    %reduce_max3A_173 = arith.constant dense<0xFF800000> : vector<64xf32>
    %reduce_max3A_174 = vector.multi_reduction <maximumf>, %select_n3A_172, %reduce_max3A_173 [1] : vector<64x256xf32> to vector<64xf32>
    %broadcast_in_dim3A_175 = vector.shape_cast %reduce_max3A_174 : vector<64xf32> to vector<64x1xf32>
    %ge3A_176 = vector.broadcast %broadcast_in_dim3A_175 : vector<64x1xf32> to vector<64x256xf32>
    %ge3A_177 = arith.cmpf oge, %select_n3A_172, %ge3A_176 : vector<64x256xf32>
    %jit3A_178 = arith.constant 256 : i32
    %broadcast_in_dim3A_179 = vector.broadcast %jit3A_178 : i32 to vector<64x256xi32>
    %select_n3A_180 = arith.select %ge3A_177, %iota3A, %broadcast_in_dim3A_179 : vector<64x256xi1>, vector<64x256xi32>
    %reduce_min3A_181 = arith.constant dense<2147483647> : vector<64xi32>
    %reduce_min3A_182 = vector.multi_reduction <minsi>, %select_n3A_180, %reduce_min3A_181 [1] : vector<64x256xi32> to vector<64xi32>
    %broadcast_in_dim3A_183 = vector.shape_cast %reduce_min3A_182 : vector<64xi32> to vector<64x1xi32>
    %eq3A_184 = vector.broadcast %broadcast_in_dim3A_183 : vector<64x1xi32> to vector<64x256xi32>
    %eq3A_185 = arith.cmpi eq, %iota3A, %eq3A_184 : vector<64x256xi32>
    %jit3A_186 = arith.constant 0xFF800000 : f32
    %broadcast_in_dim3A_187 = vector.broadcast %jit3A_186 : f32 to vector<64x256xf32>
    %select_n3A_188 = arith.select %eq3A_185, %broadcast_in_dim3A_187, %select_n3A_172 : vector<64x256xi1>, vector<64x256xf32>
    %reduce_max3A_189 = arith.constant dense<0xFF800000> : vector<64xf32>
    %reduce_max3A_190 = vector.multi_reduction <maximumf>, %select_n3A_188, %reduce_max3A_189 [1] : vector<64x256xf32> to vector<64xf32>
    %broadcast_in_dim3A_191 = vector.shape_cast %reduce_max3A_190 : vector<64xf32> to vector<64x1xf32>
    %ge3A_192 = vector.broadcast %broadcast_in_dim3A_191 : vector<64x1xf32> to vector<64x256xf32>
    %ge3A_193 = arith.cmpf oge, %select_n3A_188, %ge3A_192 : vector<64x256xf32>
    %jit3A_194 = arith.constant 256 : i32
    %broadcast_in_dim3A_195 = vector.broadcast %jit3A_194 : i32 to vector<64x256xi32>
    %select_n3A_196 = arith.select %ge3A_193, %iota3A, %broadcast_in_dim3A_195 : vector<64x256xi1>, vector<64x256xi32>
    %reduce_min3A_197 = arith.constant dense<2147483647> : vector<64xi32>
    %reduce_min3A_198 = vector.multi_reduction <minsi>, %select_n3A_196, %reduce_min3A_197 [1] : vector<64x256xi32> to vector<64xi32>
    %broadcast_in_dim3A_199 = vector.shape_cast %reduce_min3A_198 : vector<64xi32> to vector<64x1xi32>
    %eq3A_200 = vector.broadcast %broadcast_in_dim3A_199 : vector<64x1xi32> to vector<64x256xi32>
    %eq3A_201 = arith.cmpi eq, %iota3A, %eq3A_200 : vector<64x256xi32>
    %jit3A_202 = arith.constant 0xFF800000 : f32
    %broadcast_in_dim3A_203 = vector.broadcast %jit3A_202 : f32 to vector<64x256xf32>
    %select_n3A_204 = arith.select %eq3A_201, %broadcast_in_dim3A_203, %select_n3A_188 : vector<64x256xi1>, vector<64x256xf32>
    %reduce_max3A_205 = arith.constant dense<0xFF800000> : vector<64xf32>
    %reduce_max3A_206 = vector.multi_reduction <maximumf>, %select_n3A_204, %reduce_max3A_205 [1] : vector<64x256xf32> to vector<64xf32>
    %broadcast_in_dim3A_207 = vector.shape_cast %reduce_max3A_206 : vector<64xf32> to vector<64x1xf32>
    %ge3A_208 = vector.broadcast %broadcast_in_dim3A_207 : vector<64x1xf32> to vector<64x256xf32>
    %ge3A_209 = arith.cmpf oge, %select_n3A_204, %ge3A_208 : vector<64x256xf32>
    %jit3A_210 = arith.constant 256 : i32
    %broadcast_in_dim3A_211 = vector.broadcast %jit3A_210 : i32 to vector<64x256xi32>
    %select_n3A_212 = arith.select %ge3A_209, %iota3A, %broadcast_in_dim3A_211 : vector<64x256xi1>, vector<64x256xi32>
    %reduce_min3A_213 = arith.constant dense<2147483647> : vector<64xi32>
    %reduce_min3A_214 = vector.multi_reduction <minsi>, %select_n3A_212, %reduce_min3A_213 [1] : vector<64x256xi32> to vector<64xi32>
    %broadcast_in_dim3A_215 = vector.shape_cast %reduce_min3A_214 : vector<64xi32> to vector<64x1xi32>
    %eq3A_216 = vector.broadcast %broadcast_in_dim3A_215 : vector<64x1xi32> to vector<64x256xi32>
    %eq3A_217 = arith.cmpi eq, %iota3A, %eq3A_216 : vector<64x256xi32>
    %jit3A_218 = arith.constant 0xFF800000 : f32
    %broadcast_in_dim3A_219 = vector.broadcast %jit3A_218 : f32 to vector<64x256xf32>
    %select_n3A_220 = arith.select %eq3A_217, %broadcast_in_dim3A_219, %select_n3A_204 : vector<64x256xi1>, vector<64x256xf32>
    %reduce_max3A_221 = arith.constant dense<0xFF800000> : vector<64xf32>
    %reduce_max3A_222 = vector.multi_reduction <maximumf>, %select_n3A_220, %reduce_max3A_221 [1] : vector<64x256xf32> to vector<64xf32>
    %broadcast_in_dim3A_223 = vector.shape_cast %reduce_max3A_222 : vector<64xf32> to vector<64x1xf32>
    %ge3A_224 = vector.broadcast %broadcast_in_dim3A_223 : vector<64x1xf32> to vector<64x256xf32>
    %ge3A_225 = arith.cmpf oge, %select_n3A_220, %ge3A_224 : vector<64x256xf32>
    %jit3A_226 = arith.constant 256 : i32
    %broadcast_in_dim3A_227 = vector.broadcast %jit3A_226 : i32 to vector<64x256xi32>
    %select_n3A_228 = arith.select %ge3A_225, %iota3A, %broadcast_in_dim3A_227 : vector<64x256xi1>, vector<64x256xi32>
    %reduce_min3A_229 = arith.constant dense<2147483647> : vector<64xi32>
    %reduce_min3A_230 = vector.multi_reduction <minsi>, %select_n3A_228, %reduce_min3A_229 [1] : vector<64x256xi32> to vector<64xi32>
    %broadcast_in_dim3A_231 = vector.shape_cast %reduce_min3A_230 : vector<64xi32> to vector<64x1xi32>
    %eq3A_232 = vector.broadcast %broadcast_in_dim3A_231 : vector<64x1xi32> to vector<64x256xi32>
    %eq3A_233 = arith.cmpi eq, %iota3A, %eq3A_232 : vector<64x256xi32>
    %jit3A_234 = arith.constant 0xFF800000 : f32
    %broadcast_in_dim3A_235 = vector.broadcast %jit3A_234 : f32 to vector<64x256xf32>
    %select_n3A_236 = arith.select %eq3A_233, %broadcast_in_dim3A_235, %select_n3A_220 : vector<64x256xi1>, vector<64x256xf32>
    %reduce_max3A_237 = arith.constant dense<0xFF800000> : vector<64xf32>
    %reduce_max3A_238 = vector.multi_reduction <maximumf>, %select_n3A_236, %reduce_max3A_237 [1] : vector<64x256xf32> to vector<64xf32>
    %broadcast_in_dim3A_239 = vector.shape_cast %reduce_max3A_238 : vector<64xf32> to vector<64x1xf32>
    %ge3A_240 = vector.broadcast %broadcast_in_dim3A_239 : vector<64x1xf32> to vector<64x256xf32>
    %ge3A_241 = arith.cmpf oge, %select_n3A_236, %ge3A_240 : vector<64x256xf32>
    %jit3A_242 = arith.constant 256 : i32
    %broadcast_in_dim3A_243 = vector.broadcast %jit3A_242 : i32 to vector<64x256xi32>
    %select_n3A_244 = arith.select %ge3A_241, %iota3A, %broadcast_in_dim3A_243 : vector<64x256xi1>, vector<64x256xi32>
    %reduce_min3A_245 = arith.constant dense<2147483647> : vector<64xi32>
    %reduce_min3A_246 = vector.multi_reduction <minsi>, %select_n3A_244, %reduce_min3A_245 [1] : vector<64x256xi32> to vector<64xi32>
    %broadcast_in_dim3A_247 = vector.shape_cast %reduce_min3A_246 : vector<64xi32> to vector<64x1xi32>
    %concatenate3A = tpu.concatenate %broadcast_in_dim3A_8, %broadcast_in_dim3A_23, %broadcast_in_dim3A_39, %broadcast_in_dim3A_55, %broadcast_in_dim3A_71, %broadcast_in_dim3A_87, %broadcast_in_dim3A_103, %broadcast_in_dim3A_119, %broadcast_in_dim3A_135, %broadcast_in_dim3A_151, %broadcast_in_dim3A_167, %broadcast_in_dim3A_183, %broadcast_in_dim3A_199, %broadcast_in_dim3A_215, %broadcast_in_dim3A_231, %broadcast_in_dim3A_247 in 1 : vector<64x1xi32>, vector<64x1xi32>, vector<64x1xi32>, vector<64x1xi32>, vector<64x1xi32>, vector<64x1xi32>, vector<64x1xi32>, vector<64x1xi32>, vector<64x1xi32>, vector<64x1xi32>, vector<64x1xi32>, vector<64x1xi32>, vector<64x1xi32>, vector<64x1xi32>, vector<64x1xi32>, vector<64x1xi32> -> vector<64x16xi32>
    %swap3A = arith.constant 0 : index
    %swap3A_248 = arith.constant 0 : index
    %swap3A_249 = arith.constant 0 : index
    %swap3A_250 = vector.load %arg3[%swap3A, %swap3A_248, %swap3A_249] : memref<1x64x16xi32, #tpu.memory_space<vmem>>, vector<1x64x16xi32>
    %swap3A_251 = vector.shape_cast %swap3A_250 : vector<1x64x16xi32> to vector<64x16xi32>
    %swap3A_252 = vector.shape_cast %concatenate3A : vector<64x16xi32> to vector<1x64x16xi32>
    tpu.vector_store %arg3[%swap3A, %swap3A_248, %swap3A_249], %swap3A_252 {strides = array<i32>} : memref<1x64x16xi32, #tpu.memory_space<vmem>>, vector<1x64x16xi32>,
    return
  }
  func.func @transform_0(%arg0: i32, %arg1: i32) -> (i32, i32, i32) {
    %c0_i32 = arith.constant 0 : i32
    %c0_i32_0 = arith.constant 0 : i32
    return %arg0, %arg1, %c0_i32 : i32, i32, i32
  }
  func.func @transform_1(%arg0: i32, %arg1: i32) -> (i32, i32, i32) {
    %c0_i32 = arith.constant 0 : i32
    %c0_i32_0 = arith.constant 0 : i32
    return %arg0, %arg1, %c0_i32 : i32, i32, i32
  }
}

module attributes {stable_mosaic.version = 14 : i64} {
  func.func @body(%arg0: i32, %arg1: i32, %arg2: memref<1x64x64xf32, #tpu.memory_space<vmem>>, %arg3: memref<1x64x16xi32, #tpu.memory_space<vmem>>) attributes {dimension_semantics = [#tpu.dimension_semantics<parallel>, #tpu.dimension_semantics<parallel>], iteration_bounds = array<i64: 2, 1>, scalar_prefetch = 0 : i64, scratch_operands = 0 : i64, tpu.core_type = #tpu.core_type<tc>, window_params = [{transform_indices = @transform_0, window_bounds = array<i64: 1, 64, 64>}, {transform_indices = @transform_1, window_bounds = array<i64: 1, 64, 16>}]} {
    %get3A = arith.constant 0 : index
    %get3A_0 = arith.constant 0 : index
    %get3A_1 = arith.constant 0 : index
    %get3A_2 = vector.load %arg2[%get3A, %get3A_0, %get3A_1] : memref<1x64x64xf32, #tpu.memory_space<vmem>>, vector<1x64x64xf32>
    %get3A_3 = vector.shape_cast %get3A_2 : vector<1x64x64xf32> to vector<64x64xf32>
    %iota3A = tpu.iota {dimensions = array<i32: 1>} : vector<64x64xi32>
    %reduce_max3A = arith.constant dense<0xFF800000> : vector<64xf32>
    %reduce_max3A_4 = vector.multi_reduction <maximumf>, %get3A_3, %reduce_max3A [1] : vector<64x64xf32> to vector<64xf32>
    %broadcast_in_dim3A = vector.shape_cast %reduce_max3A_4 : vector<64xf32> to vector<64x1xf32>
    %ge3A = vector.broadcast %broadcast_in_dim3A : vector<64x1xf32> to vector<64x64xf32>
    %ge3A_5 = arith.cmpf oge, %get3A_3, %ge3A : vector<64x64xf32>
    %jit3A = arith.constant 64 : i32
    %broadcast_in_dim3A_6 = vector.broadcast %jit3A : i32 to vector<64x64xi32>
    %select_n3A = arith.select %ge3A_5, %iota3A, %broadcast_in_dim3A_6 : vector<64x64xi1>, vector<64x64xi32>
    %reduce_min3A = arith.constant dense<2147483647> : vector<64xi32>
    %reduce_min3A_7 = vector.multi_reduction <minsi>, %select_n3A, %reduce_min3A [1] : vector<64x64xi32> to vector<64xi32>
    %broadcast_in_dim3A_8 = vector.shape_cast %reduce_min3A_7 : vector<64xi32> to vector<64x1xi32>
    %eq3A = vector.broadcast %broadcast_in_dim3A_8 : vector<64x1xi32> to vector<64x64xi32>
    %eq3A_9 = arith.cmpi eq, %iota3A, %eq3A : vector<64x64xi32>
    %jit3A_10 = arith.constant 0xFF800000 : f32
    %broadcast_in_dim3A_11 = vector.broadcast %jit3A_10 : f32 to vector<64x64xf32>
    %select_n3A_12 = arith.select %eq3A_9, %broadcast_in_dim3A_11, %get3A_3 : vector<64x64xi1>, vector<64x64xf32>
    %reduce_max3A_13 = arith.constant dense<0xFF800000> : vector<64xf32>
    %reduce_max3A_14 = vector.multi_reduction <maximumf>, %select_n3A_12, %reduce_max3A_13 [1] : vector<64x64xf32> to vector<64xf32>
    %broadcast_in_dim3A_15 = vector.shape_cast %reduce_max3A_14 : vector<64xf32> to vector<64x1xf32>
    %ge3A_16 = vector.broadcast %broadcast_in_dim3A_15 : vector<64x1xf32> to vector<64x64xf32>
    %ge3A_17 = arith.cmpf oge, %select_n3A_12, %ge3A_16 : vector<64x64xf32>
    %jit3A_18 = arith.constant 64 : i32
    %broadcast_in_dim3A_19 = vector.broadcast %jit3A_18 : i32 to vector<64x64xi32>
    %select_n3A_20 = arith.select %ge3A_17, %iota3A, %broadcast_in_dim3A_19 : vector<64x64xi1>, vector<64x64xi32>
    %reduce_min3A_21 = arith.constant dense<2147483647> : vector<64xi32>
    %reduce_min3A_22 = vector.multi_reduction <minsi>, %select_n3A_20, %reduce_min3A_21 [1] : vector<64x64xi32> to vector<64xi32>
    %broadcast_in_dim3A_23 = vector.shape_cast %reduce_min3A_22 : vector<64xi32> to vector<64x1xi32>
    %eq3A_24 = vector.broadcast %broadcast_in_dim3A_23 : vector<64x1xi32> to vector<64x64xi32>
    %eq3A_25 = arith.cmpi eq, %iota3A, %eq3A_24 : vector<64x64xi32>
    %jit3A_26 = arith.constant 0xFF800000 : f32
    %broadcast_in_dim3A_27 = vector.broadcast %jit3A_26 : f32 to vector<64x64xf32>
    %select_n3A_28 = arith.select %eq3A_25, %broadcast_in_dim3A_27, %select_n3A_12 : vector<64x64xi1>, vector<64x64xf32>
    %reduce_max3A_29 = arith.constant dense<0xFF800000> : vector<64xf32>
    %reduce_max3A_30 = vector.multi_reduction <maximumf>, %select_n3A_28, %reduce_max3A_29 [1] : vector<64x64xf32> to vector<64xf32>
    %broadcast_in_dim3A_31 = vector.shape_cast %reduce_max3A_30 : vector<64xf32> to vector<64x1xf32>
    %ge3A_32 = vector.broadcast %broadcast_in_dim3A_31 : vector<64x1xf32> to vector<64x64xf32>
    %ge3A_33 = arith.cmpf oge, %select_n3A_28, %ge3A_32 : vector<64x64xf32>
    %jit3A_34 = arith.constant 64 : i32
    %broadcast_in_dim3A_35 = vector.broadcast %jit3A_34 : i32 to vector<64x64xi32>
    %select_n3A_36 = arith.select %ge3A_33, %iota3A, %broadcast_in_dim3A_35 : vector<64x64xi1>, vector<64x64xi32>
    %reduce_min3A_37 = arith.constant dense<2147483647> : vector<64xi32>
    %reduce_min3A_38 = vector.multi_reduction <minsi>, %select_n3A_36, %reduce_min3A_37 [1] : vector<64x64xi32> to vector<64xi32>
    %broadcast_in_dim3A_39 = vector.shape_cast %reduce_min3A_38 : vector<64xi32> to vector<64x1xi32>
    %eq3A_40 = vector.broadcast %broadcast_in_dim3A_39 : vector<64x1xi32> to vector<64x64xi32>
    %eq3A_41 = arith.cmpi eq, %iota3A, %eq3A_40 : vector<64x64xi32>
    %jit3A_42 = arith.constant 0xFF800000 : f32
    %broadcast_in_dim3A_43 = vector.broadcast %jit3A_42 : f32 to vector<64x64xf32>
    %select_n3A_44 = arith.select %eq3A_41, %broadcast_in_dim3A_43, %select_n3A_28 : vector<64x64xi1>, vector<64x64xf32>
    %reduce_max3A_45 = arith.constant dense<0xFF800000> : vector<64xf32>
    %reduce_max3A_46 = vector.multi_reduction <maximumf>, %select_n3A_44, %reduce_max3A_45 [1] : vector<64x64xf32> to vector<64xf32>
    %broadcast_in_dim3A_47 = vector.shape_cast %reduce_max3A_46 : vector<64xf32> to vector<64x1xf32>
    %ge3A_48 = vector.broadcast %broadcast_in_dim3A_47 : vector<64x1xf32> to vector<64x64xf32>
    %ge3A_49 = arith.cmpf oge, %select_n3A_44, %ge3A_48 : vector<64x64xf32>
    %jit3A_50 = arith.constant 64 : i32
    %broadcast_in_dim3A_51 = vector.broadcast %jit3A_50 : i32 to vector<64x64xi32>
    %select_n3A_52 = arith.select %ge3A_49, %iota3A, %broadcast_in_dim3A_51 : vector<64x64xi1>, vector<64x64xi32>
    %reduce_min3A_53 = arith.constant dense<2147483647> : vector<64xi32>
    %reduce_min3A_54 = vector.multi_reduction <minsi>, %select_n3A_52, %reduce_min3A_53 [1] : vector<64x64xi32> to vector<64xi32>
    %broadcast_in_dim3A_55 = vector.shape_cast %reduce_min3A_54 : vector<64xi32> to vector<64x1xi32>
    %eq3A_56 = vector.broadcast %broadcast_in_dim3A_55 : vector<64x1xi32> to vector<64x64xi32>
    %eq3A_57 = arith.cmpi eq, %iota3A, %eq3A_56 : vector<64x64xi32>
    %jit3A_58 = arith.constant 0xFF800000 : f32
    %broadcast_in_dim3A_59 = vector.broadcast %jit3A_58 : f32 to vector<64x64xf32>
    %select_n3A_60 = arith.select %eq3A_57, %broadcast_in_dim3A_59, %select_n3A_44 : vector<64x64xi1>, vector<64x64xf32>
    %reduce_max3A_61 = arith.constant dense<0xFF800000> : vector<64xf32>
    %reduce_max3A_62 = vector.multi_reduction <maximumf>, %select_n3A_60, %reduce_max3A_61 [1] : vector<64x64xf32> to vector<64xf32>
    %broadcast_in_dim3A_63 = vector.shape_cast %reduce_max3A_62 : vector<64xf32> to vector<64x1xf32>
    %ge3A_64 = vector.broadcast %broadcast_in_dim3A_63 : vector<64x1xf32> to vector<64x64xf32>
    %ge3A_65 = arith.cmpf oge, %select_n3A_60, %ge3A_64 : vector<64x64xf32>
    %jit3A_66 = arith.constant 64 : i32
    %broadcast_in_dim3A_67 = vector.broadcast %jit3A_66 : i32 to vector<64x64xi32>
    %select_n3A_68 = arith.select %ge3A_65, %iota3A, %broadcast_in_dim3A_67 : vector<64x64xi1>, vector<64x64xi32>
    %reduce_min3A_69 = arith.constant dense<2147483647> : vector<64xi32>
    %reduce_min3A_70 = vector.multi_reduction <minsi>, %select_n3A_68, %reduce_min3A_69 [1] : vector<64x64xi32> to vector<64xi32>
    %broadcast_in_dim3A_71 = vector.shape_cast %reduce_min3A_70 : vector<64xi32> to vector<64x1xi32>
    %eq3A_72 = vector.broadcast %broadcast_in_dim3A_71 : vector<64x1xi32> to vector<64x64xi32>
    %eq3A_73 = arith.cmpi eq, %iota3A, %eq3A_72 : vector<64x64xi32>
    %jit3A_74 = arith.constant 0xFF800000 : f32
    %broadcast_in_dim3A_75 = vector.broadcast %jit3A_74 : f32 to vector<64x64xf32>
    %select_n3A_76 = arith.select %eq3A_73, %broadcast_in_dim3A_75, %select_n3A_60 : vector<64x64xi1>, vector<64x64xf32>
    %reduce_max3A_77 = arith.constant dense<0xFF800000> : vector<64xf32>
    %reduce_max3A_78 = vector.multi_reduction <maximumf>, %select_n3A_76, %reduce_max3A_77 [1] : vector<64x64xf32> to vector<64xf32>
    %broadcast_in_dim3A_79 = vector.shape_cast %reduce_max3A_78 : vector<64xf32> to vector<64x1xf32>
    %ge3A_80 = vector.broadcast %broadcast_in_dim3A_79 : vector<64x1xf32> to vector<64x64xf32>
    %ge3A_81 = arith.cmpf oge, %select_n3A_76, %ge3A_80 : vector<64x64xf32>
    %jit3A_82 = arith.constant 64 : i32
    %broadcast_in_dim3A_83 = vector.broadcast %jit3A_82 : i32 to vector<64x64xi32>
    %select_n3A_84 = arith.select %ge3A_81, %iota3A, %broadcast_in_dim3A_83 : vector<64x64xi1>, vector<64x64xi32>
    %reduce_min3A_85 = arith.constant dense<2147483647> : vector<64xi32>
    %reduce_min3A_86 = vector.multi_reduction <minsi>, %select_n3A_84, %reduce_min3A_85 [1] : vector<64x64xi32> to vector<64xi32>
    %broadcast_in_dim3A_87 = vector.shape_cast %reduce_min3A_86 : vector<64xi32> to vector<64x1xi32>
    %eq3A_88 = vector.broadcast %broadcast_in_dim3A_87 : vector<64x1xi32> to vector<64x64xi32>
    %eq3A_89 = arith.cmpi eq, %iota3A, %eq3A_88 : vector<64x64xi32>
    %jit3A_90 = arith.constant 0xFF800000 : f32
    %broadcast_in_dim3A_91 = vector.broadcast %jit3A_90 : f32 to vector<64x64xf32>
    %select_n3A_92 = arith.select %eq3A_89, %broadcast_in_dim3A_91, %select_n3A_76 : vector<64x64xi1>, vector<64x64xf32>
    %reduce_max3A_93 = arith.constant dense<0xFF800000> : vector<64xf32>
    %reduce_max3A_94 = vector.multi_reduction <maximumf>, %select_n3A_92, %reduce_max3A_93 [1] : vector<64x64xf32> to vector<64xf32>
    %broadcast_in_dim3A_95 = vector.shape_cast %reduce_max3A_94 : vector<64xf32> to vector<64x1xf32>
    %ge3A_96 = vector.broadcast %broadcast_in_dim3A_95 : vector<64x1xf32> to vector<64x64xf32>
    %ge3A_97 = arith.cmpf oge, %select_n3A_92, %ge3A_96 : vector<64x64xf32>
    %jit3A_98 = arith.constant 64 : i32
    %broadcast_in_dim3A_99 = vector.broadcast %jit3A_98 : i32 to vector<64x64xi32>
    %select_n3A_100 = arith.select %ge3A_97, %iota3A, %broadcast_in_dim3A_99 : vector<64x64xi1>, vector<64x64xi32>
    %reduce_min3A_101 = arith.constant dense<2147483647> : vector<64xi32>
    %reduce_min3A_102 = vector.multi_reduction <minsi>, %select_n3A_100, %reduce_min3A_101 [1] : vector<64x64xi32> to vector<64xi32>
    %broadcast_in_dim3A_103 = vector.shape_cast %reduce_min3A_102 : vector<64xi32> to vector<64x1xi32>
    %eq3A_104 = vector.broadcast %broadcast_in_dim3A_103 : vector<64x1xi32> to vector<64x64xi32>
    %eq3A_105 = arith.cmpi eq, %iota3A, %eq3A_104 : vector<64x64xi32>
    %jit3A_106 = arith.constant 0xFF800000 : f32
    %broadcast_in_dim3A_107 = vector.broadcast %jit3A_106 : f32 to vector<64x64xf32>
    %select_n3A_108 = arith.select %eq3A_105, %broadcast_in_dim3A_107, %select_n3A_92 : vector<64x64xi1>, vector<64x64xf32>
    %reduce_max3A_109 = arith.constant dense<0xFF800000> : vector<64xf32>
    %reduce_max3A_110 = vector.multi_reduction <maximumf>, %select_n3A_108, %reduce_max3A_109 [1] : vector<64x64xf32> to vector<64xf32>
    %broadcast_in_dim3A_111 = vector.shape_cast %reduce_max3A_110 : vector<64xf32> to vector<64x1xf32>
    %ge3A_112 = vector.broadcast %broadcast_in_dim3A_111 : vector<64x1xf32> to vector<64x64xf32>
    %ge3A_113 = arith.cmpf oge, %select_n3A_108, %ge3A_112 : vector<64x64xf32>
    %jit3A_114 = arith.constant 64 : i32
    %broadcast_in_dim3A_115 = vector.broadcast %jit3A_114 : i32 to vector<64x64xi32>
    %select_n3A_116 = arith.select %ge3A_113, %iota3A, %broadcast_in_dim3A_115 : vector<64x64xi1>, vector<64x64xi32>
    %reduce_min3A_117 = arith.constant dense<2147483647> : vector<64xi32>
    %reduce_min3A_118 = vector.multi_reduction <minsi>, %select_n3A_116, %reduce_min3A_117 [1] : vector<64x64xi32> to vector<64xi32>
    %broadcast_in_dim3A_119 = vector.shape_cast %reduce_min3A_118 : vector<64xi32> to vector<64x1xi32>
    %eq3A_120 = vector.broadcast %broadcast_in_dim3A_119 : vector<64x1xi32> to vector<64x64xi32>
    %eq3A_121 = arith.cmpi eq, %iota3A, %eq3A_120 : vector<64x64xi32>
    %jit3A_122 = arith.constant 0xFF800000 : f32
    %broadcast_in_dim3A_123 = vector.broadcast %jit3A_122 : f32 to vector<64x64xf32>
    %select_n3A_124 = arith.select %eq3A_121, %broadcast_in_dim3A_123, %select_n3A_108 : vector<64x64xi1>, vector<64x64xf32>
    %reduce_max3A_125 = arith.constant dense<0xFF800000> : vector<64xf32>
    %reduce_max3A_126 = vector.multi_reduction <maximumf>, %select_n3A_124, %reduce_max3A_125 [1] : vector<64x64xf32> to vector<64xf32>
    %broadcast_in_dim3A_127 = vector.shape_cast %reduce_max3A_126 : vector<64xf32> to vector<64x1xf32>
    %ge3A_128 = vector.broadcast %broadcast_in_dim3A_127 : vector<64x1xf32> to vector<64x64xf32>
    %ge3A_129 = arith.cmpf oge, %select_n3A_124, %ge3A_128 : vector<64x64xf32>
    %jit3A_130 = arith.constant 64 : i32
    %broadcast_in_dim3A_131 = vector.broadcast %jit3A_130 : i32 to vector<64x64xi32>
    %select_n3A_132 = arith.select %ge3A_129, %iota3A, %broadcast_in_dim3A_131 : vector<64x64xi1>, vector<64x64xi32>
    %reduce_min3A_133 = arith.constant dense<2147483647> : vector<64xi32>
    %reduce_min3A_134 = vector.multi_reduction <minsi>, %select_n3A_132, %reduce_min3A_133 [1] : vector<64x64xi32> to vector<64xi32>
    %broadcast_in_dim3A_135 = vector.shape_cast %reduce_min3A_134 : vector<64xi32> to vector<64x1xi32>
    %eq3A_136 = vector.broadcast %broadcast_in_dim3A_135 : vector<64x1xi32> to vector<64x64xi32>
    %eq3A_137 = arith.cmpi eq, %iota3A, %eq3A_136 : vector<64x64xi32>
    %jit3A_138 = arith.constant 0xFF800000 : f32
    %broadcast_in_dim3A_139 = vector.broadcast %jit3A_138 : f32 to vector<64x64xf32>
    %select_n3A_140 = arith.select %eq3A_137, %broadcast_in_dim3A_139, %select_n3A_124 : vector<64x64xi1>, vector<64x64xf32>
    %reduce_max3A_141 = arith.constant dense<0xFF800000> : vector<64xf32>
    %reduce_max3A_142 = vector.multi_reduction <maximumf>, %select_n3A_140, %reduce_max3A_141 [1] : vector<64x64xf32> to vector<64xf32>
    %broadcast_in_dim3A_143 = vector.shape_cast %reduce_max3A_142 : vector<64xf32> to vector<64x1xf32>
    %ge3A_144 = vector.broadcast %broadcast_in_dim3A_143 : vector<64x1xf32> to vector<64x64xf32>
    %ge3A_145 = arith.cmpf oge, %select_n3A_140, %ge3A_144 : vector<64x64xf32>
    %jit3A_146 = arith.constant 64 : i32
    %broadcast_in_dim3A_147 = vector.broadcast %jit3A_146 : i32 to vector<64x64xi32>
    %select_n3A_148 = arith.select %ge3A_145, %iota3A, %broadcast_in_dim3A_147 : vector<64x64xi1>, vector<64x64xi32>
    %reduce_min3A_149 = arith.constant dense<2147483647> : vector<64xi32>
    %reduce_min3A_150 = vector.multi_reduction <minsi>, %select_n3A_148, %reduce_min3A_149 [1] : vector<64x64xi32> to vector<64xi32>
    %broadcast_in_dim3A_151 = vector.shape_cast %reduce_min3A_150 : vector<64xi32> to vector<64x1xi32>
    %eq3A_152 = vector.broadcast %broadcast_in_dim3A_151 : vector<64x1xi32> to vector<64x64xi32>
    %eq3A_153 = arith.cmpi eq, %iota3A, %eq3A_152 : vector<64x64xi32>
    %jit3A_154 = arith.constant 0xFF800000 : f32
    %broadcast_in_dim3A_155 = vector.broadcast %jit3A_154 : f32 to vector<64x64xf32>
    %select_n3A_156 = arith.select %eq3A_153, %broadcast_in_dim3A_155, %select_n3A_140 : vector<64x64xi1>, vector<64x64xf32>
    %reduce_max3A_157 = arith.constant dense<0xFF800000> : vector<64xf32>
    %reduce_max3A_158 = vector.multi_reduction <maximumf>, %select_n3A_156, %reduce_max3A_157 [1] : vector<64x64xf32> to vector<64xf32>
    %broadcast_in_dim3A_159 = vector.shape_cast %reduce_max3A_158 : vector<64xf32> to vector<64x1xf32>
    %ge3A_160 = vector.broadcast %broadcast_in_dim3A_159 : vector<64x1xf32> to vector<64x64xf32>
    %ge3A_161 = arith.cmpf oge, %select_n3A_156, %ge3A_160 : vector<64x64xf32>
    %jit3A_162 = arith.constant 64 : i32
    %broadcast_in_dim3A_163 = vector.broadcast %jit3A_162 : i32 to vector<64x64xi32>
    %select_n3A_164 = arith.select %ge3A_161, %iota3A, %broadcast_in_dim3A_163 : vector<64x64xi1>, vector<64x64xi32>
    %reduce_min3A_165 = arith.constant dense<2147483647> : vector<64xi32>
    %reduce_min3A_166 = vector.multi_reduction <minsi>, %select_n3A_164, %reduce_min3A_165 [1] : vector<64x64xi32> to vector<64xi32>
    %broadcast_in_dim3A_167 = vector.shape_cast %reduce_min3A_166 : vector<64xi32> to vector<64x1xi32>
    %eq3A_168 = vector.broadcast %broadcast_in_dim3A_167 : vector<64x1xi32> to vector<64x64xi32>
    %eq3A_169 = arith.cmpi eq, %iota3A, %eq3A_168 : vector<64x64xi32>
    %jit3A_170 = arith.constant 0xFF800000 : f32
    %broadcast_in_dim3A_171 = vector.broadcast %jit3A_170 : f32 to vector<64x64xf32>
    %select_n3A_172 = arith.select %eq3A_169, %broadcast_in_dim3A_171, %select_n3A_156 : vector<64x64xi1>, vector<64x64xf32>
    %reduce_max3A_173 = arith.constant dense<0xFF800000> : vector<64xf32>
    %reduce_max3A_174 = vector.multi_reduction <maximumf>, %select_n3A_172, %reduce_max3A_173 [1] : vector<64x64xf32> to vector<64xf32>
    %broadcast_in_dim3A_175 = vector.shape_cast %reduce_max3A_174 : vector<64xf32> to vector<64x1xf32>
    %ge3A_176 = vector.broadcast %broadcast_in_dim3A_175 : vector<64x1xf32> to vector<64x64xf32>
    %ge3A_177 = arith.cmpf oge, %select_n3A_172, %ge3A_176 : vector<64x64xf32>
    %jit3A_178 = arith.constant 64 : i32
    %broadcast_in_dim3A_179 = vector.broadcast %jit3A_178 : i32 to vector<64x64xi32>
    %select_n3A_180 = arith.select %ge3A_177, %iota3A, %broadcast_in_dim3A_179 : vector<64x64xi1>, vector<64x64xi32>
    %reduce_min3A_181 = arith.constant dense<2147483647> : vector<64xi32>
    %reduce_min3A_182 = vector.multi_reduction <minsi>, %select_n3A_180, %reduce_min3A_181 [1] : vector<64x64xi32> to vector<64xi32>
    %broadcast_in_dim3A_183 = vector.shape_cast %reduce_min3A_182 : vector<64xi32> to vector<64x1xi32>
    %eq3A_184 = vector.broadcast %broadcast_in_dim3A_183 : vector<64x1xi32> to vector<64x64xi32>
    %eq3A_185 = arith.cmpi eq, %iota3A, %eq3A_184 : vector<64x64xi32>
    %jit3A_186 = arith.constant 0xFF800000 : f32
    %broadcast_in_dim3A_187 = vector.broadcast %jit3A_186 : f32 to vector<64x64xf32>
    %select_n3A_188 = arith.select %eq3A_185, %broadcast_in_dim3A_187, %select_n3A_172 : vector<64x64xi1>, vector<64x64xf32>
    %reduce_max3A_189 = arith.constant dense<0xFF800000> : vector<64xf32>
    %reduce_max3A_190 = vector.multi_reduction <maximumf>, %select_n3A_188, %reduce_max3A_189 [1] : vector<64x64xf32> to vector<64xf32>
    %broadcast_in_dim3A_191 = vector.shape_cast %reduce_max3A_190 : vector<64xf32> to vector<64x1xf32>
    %ge3A_192 = vector.broadcast %broadcast_in_dim3A_191 : vector<64x1xf32> to vector<64x64xf32>
    %ge3A_193 = arith.cmpf oge, %select_n3A_188, %ge3A_192 : vector<64x64xf32>
    %jit3A_194 = arith.constant 64 : i32
    %broadcast_in_dim3A_195 = vector.broadcast %jit3A_194 : i32 to vector<64x64xi32>
    %select_n3A_196 = arith.select %ge3A_193, %iota3A, %broadcast_in_dim3A_195 : vector<64x64xi1>, vector<64x64xi32>
    %reduce_min3A_197 = arith.constant dense<2147483647> : vector<64xi32>
    %reduce_min3A_198 = vector.multi_reduction <minsi>, %select_n3A_196, %reduce_min3A_197 [1] : vector<64x64xi32> to vector<64xi32>
    %broadcast_in_dim3A_199 = vector.shape_cast %reduce_min3A_198 : vector<64xi32> to vector<64x1xi32>
    %eq3A_200 = vector.broadcast %broadcast_in_dim3A_199 : vector<64x1xi32> to vector<64x64xi32>
    %eq3A_201 = arith.cmpi eq, %iota3A, %eq3A_200 : vector<64x64xi32>
    %jit3A_202 = arith.constant 0xFF800000 : f32
    %broadcast_in_dim3A_203 = vector.broadcast %jit3A_202 : f32 to vector<64x64xf32>
    %select_n3A_204 = arith.select %eq3A_201, %broadcast_in_dim3A_203, %select_n3A_188 : vector<64x64xi1>, vector<64x64xf32>
    %reduce_max3A_205 = arith.constant dense<0xFF800000> : vector<64xf32>
    %reduce_max3A_206 = vector.multi_reduction <maximumf>, %select_n3A_204, %reduce_max3A_205 [1] : vector<64x64xf32> to vector<64xf32>
    %broadcast_in_dim3A_207 = vector.shape_cast %reduce_max3A_206 : vector<64xf32> to vector<64x1xf32>
    %ge3A_208 = vector.broadcast %broadcast_in_dim3A_207 : vector<64x1xf32> to vector<64x64xf32>
    %ge3A_209 = arith.cmpf oge, %select_n3A_204, %ge3A_208 : vector<64x64xf32>
    %jit3A_210 = arith.constant 64 : i32
    %broadcast_in_dim3A_211 = vector.broadcast %jit3A_210 : i32 to vector<64x64xi32>
    %select_n3A_212 = arith.select %ge3A_209, %iota3A, %broadcast_in_dim3A_211 : vector<64x64xi1>, vector<64x64xi32>
    %reduce_min3A_213 = arith.constant dense<2147483647> : vector<64xi32>
    %reduce_min3A_214 = vector.multi_reduction <minsi>, %select_n3A_212, %reduce_min3A_213 [1] : vector<64x64xi32> to vector<64xi32>
    %broadcast_in_dim3A_215 = vector.shape_cast %reduce_min3A_214 : vector<64xi32> to vector<64x1xi32>
    %eq3A_216 = vector.broadcast %broadcast_in_dim3A_215 : vector<64x1xi32> to vector<64x64xi32>
    %eq3A_217 = arith.cmpi eq, %iota3A, %eq3A_216 : vector<64x64xi32>
    %jit3A_218 = arith.constant 0xFF800000 : f32
    %broadcast_in_dim3A_219 = vector.broadcast %jit3A_218 : f32 to vector<64x64xf32>
    %select_n3A_220 = arith.select %eq3A_217, %broadcast_in_dim3A_219, %select_n3A_204 : vector<64x64xi1>, vector<64x64xf32>
    %reduce_max3A_221 = arith.constant dense<0xFF800000> : vector<64xf32>
    %reduce_max3A_222 = vector.multi_reduction <maximumf>, %select_n3A_220, %reduce_max3A_221 [1] : vector<64x64xf32> to vector<64xf32>
    %broadcast_in_dim3A_223 = vector.shape_cast %reduce_max3A_222 : vector<64xf32> to vector<64x1xf32>
    %ge3A_224 = vector.broadcast %broadcast_in_dim3A_223 : vector<64x1xf32> to vector<64x64xf32>
    %ge3A_225 = arith.cmpf oge, %select_n3A_220, %ge3A_224 : vector<64x64xf32>
    %jit3A_226 = arith.constant 64 : i32
    %broadcast_in_dim3A_227 = vector.broadcast %jit3A_226 : i32 to vector<64x64xi32>
    %select_n3A_228 = arith.select %ge3A_225, %iota3A, %broadcast_in_dim3A_227 : vector<64x64xi1>, vector<64x64xi32>
    %reduce_min3A_229 = arith.constant dense<2147483647> : vector<64xi32>
    %reduce_min3A_230 = vector.multi_reduction <minsi>, %select_n3A_228, %reduce_min3A_229 [1] : vector<64x64xi32> to vector<64xi32>
    %broadcast_in_dim3A_231 = vector.shape_cast %reduce_min3A_230 : vector<64xi32> to vector<64x1xi32>
    %eq3A_232 = vector.broadcast %broadcast_in_dim3A_231 : vector<64x1xi32> to vector<64x64xi32>
    %eq3A_233 = arith.cmpi eq, %iota3A, %eq3A_232 : vector<64x64xi32>
    %jit3A_234 = arith.constant 0xFF800000 : f32
    %broadcast_in_dim3A_235 = vector.broadcast %jit3A_234 : f32 to vector<64x64xf32>
    %select_n3A_236 = arith.select %eq3A_233, %broadcast_in_dim3A_235, %select_n3A_220 : vector<64x64xi1>, vector<64x64xf32>
    %reduce_max3A_237 = arith.constant dense<0xFF800000> : vector<64xf32>
    %reduce_max3A_238 = vector.multi_reduction <maximumf>, %select_n3A_236, %reduce_max3A_237 [1] : vector<64x64xf32> to vector<64xf32>
    %broadcast_in_dim3A_239 = vector.shape_cast %reduce_max3A_238 : vector<64xf32> to vector<64x1xf32>
    %ge3A_240 = vector.broadcast %broadcast_in_dim3A_239 : vector<64x1xf32> to vector<64x64xf32>
    %ge3A_241 = arith.cmpf oge, %select_n3A_236, %ge3A_240 : vector<64x64xf32>
    %jit3A_242 = arith.constant 64 : i32
    %broadcast_in_dim3A_243 = vector.broadcast %jit3A_242 : i32 to vector<64x64xi32>
    %select_n3A_244 = arith.select %ge3A_241, %iota3A, %broadcast_in_dim3A_243 : vector<64x64xi1>, vector<64x64xi32>
    %reduce_min3A_245 = arith.constant dense<2147483647> : vector<64xi32>
    %reduce_min3A_246 = vector.multi_reduction <minsi>, %select_n3A_244, %reduce_min3A_245 [1] : vector<64x64xi32> to vector<64xi32>
    %broadcast_in_dim3A_247 = vector.shape_cast %reduce_min3A_246 : vector<64xi32> to vector<64x1xi32>
    %concatenate3A = tpu.concatenate %broadcast_in_dim3A_8, %broadcast_in_dim3A_23, %broadcast_in_dim3A_39, %broadcast_in_dim3A_55, %broadcast_in_dim3A_71, %broadcast_in_dim3A_87, %broadcast_in_dim3A_103, %broadcast_in_dim3A_119, %broadcast_in_dim3A_135, %broadcast_in_dim3A_151, %broadcast_in_dim3A_167, %broadcast_in_dim3A_183, %broadcast_in_dim3A_199, %broadcast_in_dim3A_215, %broadcast_in_dim3A_231, %broadcast_in_dim3A_247 in 1 : vector<64x1xi32>, vector<64x1xi32>, vector<64x1xi32>, vector<64x1xi32>, vector<64x1xi32>, vector<64x1xi32>, vector<64x1xi32>, vector<64x1xi32>, vector<64x1xi32>, vector<64x1xi32>, vector<64x1xi32>, vector<64x1xi32>, vector<64x1xi32>, vector<64x1xi32>, vector<64x1xi32>, vector<64x1xi32> -> vector<64x16xi32>
    %swap3A = arith.constant 0 : index
    %swap3A_248 = arith.constant 0 : index
    %swap3A_249 = arith.constant 0 : index
    %swap3A_250 = vector.load %arg3[%swap3A, %swap3A_248, %swap3A_249] : memref<1x64x16xi32, #tpu.memory_space<vmem>>, vector<1x64x16xi32>
    %swap3A_251 = vector.shape_cast %swap3A_250 : vector<1x64x16xi32> to vector<64x16xi32>
    %swap3A_252 = vector.shape_cast %concatenate3A : vector<64x16xi32> to vector<1x64x16xi32>
    tpu.vector_store %arg3[%swap3A, %swap3A_248, %swap3A_249], %swap3A_252 {strides = array<i32>} : memref<1x64x16xi32, #tpu.memory_space<vmem>>, vector<1x64x16xi32>,
    return
  }
  func.func @transform_0(%arg0: i32, %arg1: i32) -> (i32, i32, i32) {
    %c0_i32 = arith.constant 0 : i32
    %c0_i32_0 = arith.constant 0 : i32
    return %arg0, %arg1, %c0_i32 : i32, i32, i32
  }
  func.func @transform_1(%arg0: i32, %arg1: i32) -> (i32, i32, i32) {
    %c0_i32 = arith.constant 0 : i32
    %c0_i32_0 = arith.constant 0 : i32
    return %arg0, %arg1, %c0_i32 : i32, i32, i32
  }
}

</mosaic_0001>

<sc_bundles>
// kernel: gather_offload_async_start.1
scs
__scs_entry_jumppad:
0x0: {  	(pc) =	sbr.rel $0x88, $3  }
0x1: {  	(tag) =	ssettag $0x0;
	lr =	simm.s32 $0x1  }
0x2: {  	[smem:$0x3F5A] =	sst lr;
	_ =	strace $0xD0000000  }
0x3: {  	_ = 	snop  }
0x4: {  	_ = 	snop  }
0x5: {  	_ = 	snop  }
0x6: {  	_ = 	snop  }
0x7: {  	_ = 	snop  }
__scs_overlays_trampoline_lowered:
0x8: {  	[smem:$0x3F69] =	sst s0  }
0x9: {  	[smem:$0x3F6A] =	sst s1  }
0xa: {  	[smem:$0x3F6B] =	sst s2  }
0xb: {  	[smem:$0x3F6C] =	sst s3  }
0xc: {  	[smem:$0x3F6D] =	sst s4  }
0xd: {  	[smem:$0x3F6E] =	sst s5  }
0xe: {  	[smem:$0x3F6F] =	sst s6  }
0xf: {  	[smem:$0x3F70] =	sst s7  }
0x10: {  	[smem:$0x3F71] =	sst s8  }
0x11: {  	[smem:$0x3F72] =	sst s9;
	s0 =	simm.s32 @!p0 $0x0  }
0x12: {  	s1 =	sld [smem:$0x3F58];
	s0 =	simm.s32 @p0 $0x1  }
0x13: {  	[smem:$0x3F73] =	sst s0;
	s0 =	simm.s32 @!p1 $0x0  }
0x14: {  	s2 =	sld [smem:$0x3F57];
	s0 =	simm.s32 @p1 $0x1  }
0x15: {  	[smem:$0x3F74] =	sst s0;
	s0 =	simm.s32 @!p2 $0x0  }
0x16: {  	s3 =	sld [smem:$0x3FDB];
	s0 =	simm.s32 @p2 $0x1  }
0x17: {  	s4 =	simm.s32 $0x1BF5;
	[smem:$0x3F76] =	sst s0  }
0x18: {  	s0 =	sld [smem:$0x3F59];
	_ =	swait.ge [sflag:s4], $0x0  }
0x19: {  	s7 =	sld [smem:$0x3F5A]  }
0x1a: {  	s8 =	sadd.s32 $0xFFFFE003, lr  }
0x1b: {  	s9 =	sadd.s32 $0xFFFFFEF7, lr;
	s5 =	simm.s32 $0xFFFFFFFF;
	p2 =	slt.u32 s8, $0xFFFFF086  }
0x1c: {  	p1 =	slt.u32 s9, $0xF7A;
	s5 =	simm.s32 @!p2 $0x0  }
0x1d: {  	s5 =	simm.s32 @p1 $0x1;
	p0 =	seq.s32 s7, s2  }
0x1e: {  	s7 =	smul.u32 @!p0 $0xF7A, s2;
	p2 =	seq.s32 @!p0 s5, $0x0  }
0x1f: {  	s9 =	smul.u32 $0xF7A, s1;
	s8 =	simm.s32 @!p0 $0x1BF5;
	p2 =	por !p2, p0  }
0x20: {  	[sflag:s8] =	ssyncset.s32 @!p0 $0xFFFFF086;
	s6 =	sadd.s32 @!p0 s3, s7;
	s7 =	simm.s32 @!p0 $0x108  }
0x21: {  	s3 =	sadd.s32 s3, s9;
	s6 =	sadd.s32 @!p0 $0x88, s6;
	s7 =	simm.s32 @p2 $0x1082  }
0x22: {  	[simem:s7], [sflag:s8] =	dma.local @!p0 [hbm:s6], $0xF7A  }
0x23: {  	s9 =	sor.u32 $0xD0000000, s2;
	s6 =	simm.s32 $0x108;
	_ =	swait.ge @!p0 [sflag:s8], $0x0  }
0x24: {  	s3 =	sadd.s32 $0x88, s3;
	s6 =	simm.s32 @!p1 $0x1082;
	[sflag:s4] =	ssyncset.s32 $0xFFFFF086  }
0x25: {  	[simem:s6], [sflag:s4] =	dma.local [hbm:s3], $0xF7A  }
0x26: {  	[smem:$0x3F5A] =	sst s1;
	(tag) =	ssettag s2;
	_ =	strace s9  }
0x27: {  	s1 =	sld [smem:$0x3F6A]  }
0x28: {  	s2 =	sld [smem:$0x3F6B]  }
0x29: {  	s4 =	sld [smem:$0x3F6D]  }
0x2a: {  	p0 =	seq.s32 s5, $0x0;
	s5 =	sld [smem:$0x3F6E]  }
0x2b: {  	s6 =	sld [smem:$0x3F6F]  }
0x2c: {  	s7 =	sld [smem:$0x3F70]  }
0x2d: {  	s3 =	simm.s32 $0x108;
	s8 =	sld [smem:$0x3F71]  }
0x2e: {  	s3 =	simm.s32 @!p0 $0x1082;
	s9 =	sld [smem:$0x3F72]  }
0x2f: {  	lr =	sadd.s32 s0, s3;
	s0 =	sld [smem:$0x3F69]  }
0x30: {  	s3 =	sld [smem:$0x3F6C]  }
0x31: {  	[smem:$0x3F75] =	sst s10  }
0x32: {  	s10 =	sld [smem:$0x3F73];
	_ =	sdelay $0x3  }
0x33: {  	p0 =	seq.s32 s10, $0x1;
	s10 =	sld [smem:$0x3F75];
	_ =	sdelay $0x3  }
0x34: {  	[smem:$0x3F75] =	sst s10  }
0x35: {  	s10 =	sld [smem:$0x3F74];
	_ =	sdelay $0x3  }
0x36: {  	p1 =	seq.s32 s10, $0x1;
	s10 =	sld [smem:$0x3F75];
	_ =	sdelay $0x3  }
0x37: {  	[smem:$0x3F75] =	sst s10  }
0x38: {  	s10 =	sld [smem:$0x3F76]  }
0x39: {  	_ = 	snop;
	(pc) =	sbr.ind lr, $3  }
0x3a: {  	_ = 	snop  }
0x3b: {  	_ = 	snop  }
0x3c: {  	p2 =	seq.s32 s10, $0x1;
	s10 =	sld [smem:$0x3F75]  }
0x3d: {  	_ =	shalt  }
0x3e: {  	_ =	shalt  }
0x3f: {  	_ =	shalt  }
0x40: {  	_ =	shalt  }
0x41: {  	_ =	shalt  }
0x42: {  	_ =	shalt  }
0x43: {  	_ =	shalt  }
0x44: {  	_ =	shalt  }
0x45: {  	_ =	shalt  }
0x46: {  	_ =	shalt  }
0x47: {  	_ =	shalt  }
0x48: {  	_ =	shalt  }
0x49: {  	_ =	shalt  }
0x4a: {  	_ =	shalt  }
0x4b: {  	_ =	shalt  }
0x4c: {  	_ =	shalt  }
0x4d: {  	_ =	shalt  }
0x4e: {  	_ =	shalt  }
0x4f: {  	_ =	shalt  }
0x50: {  	_ =	shalt  }
0x51: {  	_ =	shalt  }
0x52: {  	_ =	shalt  }
0x53: {  	_ =	shalt  }
0x54: {  	_ =	shalt  }
0x55: {  	_ =	shalt  }
0x56: {  	_ =	shalt  }
0x57: {  	_ =	shalt  }
0x58: {  	_ =	shalt  }
0x59: {  	_ =	shalt  }
0x5a: {  	_ =	shalt  }
0x5b: {  	_ =	shalt  }
0x5c: {  	_ =	shalt  }
0x5d: {  	_ =	shalt  }
0x5e: {  	_ =	shalt  }
0x5f: {  	_ =	shalt  }
0x60: {  	_ =	shalt  }
0x61: {  	_ =	shalt  }
0x62: {  	_ =	shalt  }
0x63: {  	_ =	shalt  }
0x64: {  	_ =	shalt  }
0x65: {  	_ =	shalt  }
0x66: {  	_ =	shalt  }
0x67: {  	_ =	shalt  }
0x68: {  	_ =	shalt  }
0x69: {  	_ =	shalt  }
0x6a: {  	_ =	shalt  }
0x6b: {  	_ =	shalt  }
0x6c: {  	_ =	shalt  }
0x6d: {  	_ =	shalt  }
0x6e: {  	_ =	shalt  }
0x6f: {  	_ =	shalt  }
0x70: {  	_ =	shalt  }
0x71: {  	_ =	shalt  }
0x72: {  	_ =	shalt  }
0x73: {  	_ =	shalt  }
0x74: {  	_ =	shalt  }
0x75: {  	_ =	shalt  }
0x76: {  	_ =	shalt  }
0x77: {  	_ =	shalt  }
0x78: {  	_ =	shalt  }
0x79: {  	_ =	shalt  }
0x7a: {  	_ =	shalt  }
0x7b: {  	_ =	shalt  }
0x7c: {  	_ =	shalt  }
0x7d: {  	_ =	shalt  }
0x7e: {  	_ =	shalt  }
0x7f: {  	_ =	shalt  }
0x80: {  	_ =	shalt  }
0x81: {  	_ =	shalt  }
0x82: {  	_ =	shalt  }
0x83: {  	_ =	shalt  }
0x84: {  	_ =	shalt  }
0x85: {  	_ =	shalt  }
0x86: {  	_ =	shalt  }
0x87: {  	_ =	shalt  }
.Lfunc_end0:
.L_simem_size_0:
called_computation.4_lowered:
.L_overlay_start_0:
0x88: {  	s2 =	sld [smem:$0x3FD9]  }
0x89: {  	s3 =	sld [smem:$0x3FFE];
	_ =	sdelay $0x1  }
0x8a: {  	s1 =	srdreg.scid  }
0x8b: {  	s0 =	sand.u32 $0x1, s1  }
0x8c: {  	s16 =	sshll.u32 s0, $0xA;
	s2 =	sadd.s32 s3, s2  }
0x8d: {  	s2 =	sadd.s32 s2, s16  }
0x8e: {  	[smem:$0x3F81] =	sst s2  }
0x8f: {  	_ = 	snop  }
0x90: {  	(tm) =	ssettm $0x1  }
0x91: {  	s17 =	sld [smem:$0x3FFB];
	_ =	sdelay $0x3  }
0x92: {  	_ =	strace s17  }
0x93: {  	s2 =	sld [smem:$0x3FFC];
	_ =	sdelay $0x3  }
0x94: {  	_ =	strace s2  }
0x95: {  	s2 =	sld [smem:$0x3FFD];
	_ =	sdelay $0x3  }
0x96: {  	_ =	strace s2  }
0x97: {  	_ =	strace $0x8FFFFFFF  }
0x98: {  	s18 =	sld [smem:$0x3FDB];
	_ =	sdelay $0x1  }
0x99: {  	s19 =	simm.s32 $_scs_section_size  }
0x9a: {  	s4 =	simm.s32 $_size__tile_overlayer_lowered;
	s5 =	simm.s32 $_tile_overlayer_lowered  }
0x9b: {  	s22 =	simm.s32 $0x1BFF;
	s21 =	sshll.u32 s5, $0x1;
	s2 =	sadd.s32 s19, s18  }
0x9c: {  	s6 =	simm.s32 $0x0;
	s20 =	sshll.u32 s4, $0x1;
	s4 =	sadd.s32 s21, s2  }
0x9d: {  	[timem:s6], [sflag:s22] =	dma.local [hbm:s4], s20  }
0x9e: {  	_ =	swait.ge [sflag:s22], s20  }
0x9f: {  	s3 =	ssub.s32 $0x0, s20;
	[sflag:s22] =	ssyncset.done $0x0  }
0xa0: {  	[sflag:s22] =	ssyncadd.s32 s3;
	_ =	sdelay $0x1  }
0xa1: {  	s23 =	simm.s32 $0x1B8B  }
0xa2: {  	_ =	swait.ge [sflag:s23], $0x1  }
0xa3: {  	[sflag:s23] =	ssyncset.done $0x0  }
0xa4: {  	s25 =	simm.s32 $0x1B8E;
	s24 =	sld [smem:$0x3FFE];
	[sflag:s23] =	ssyncadd.s32 $0xFFFFFFFF  }
0xa5: {  	s26 =	simm.s32 $execute0_lowered;
	[smem:$0x3FD2] =	sst s25  }
0xa6: {  	s4 =	sshll.u32 s26, $0x1;
	_ =	strace $0x80000046;
	[dreg:$0x1] =	wrdreg $0xFFFFFFFF  }
0xa7: {  	s28 =	simm.s32 $_size_execute0_lowered;
	s2 =	sadd.s32 s2, s4;
	[dreg:$0x0] =	wrdreg $0x0  }
0xa8: {  	s4 =	sshll.u32 s28, $0x1;
	[dreg:$0x2] =	wrdreg s2  }
0xa9: {  	[dreg:$0x3] =	wrdreg s4  }
0xaa: {  	[dreg:$0x4] =	wrdreg $0xC0  }
0xab: {  	_ =	task [dreg:s6], $0x5FFFF  }
0xac: {  	[dreg:$0x1] =	wrdreg $0xFFFFFFFF  }
0xad: {  	[dreg:$0x0] =	wrdreg $0x60  }
0xae: {  	[dreg:$0x2] =	wrdreg s24  }
0xaf: {  	[dreg:$0x3] =	wrdreg $0x9  }
0xb0: {  	_ =	task.clear_ibuf [dreg:s6], $0x4FFFF;
	_ =	strace $0x90000046  }
0xb1: {  	s29 =	simm.s32 $0x9;
	_ =	strace $0x80000048  }
0xb2: {  	_ =	swait.ge [sflag:s29], $0x1  }
0xb3: {  	[sflag:s29] =	ssyncadd.s32 $0xFFFFFFFF  }
0xb4: {  	_ =	strace $0x90000048  }
0xb5: {  	_ =	sfence  }
0xb6: {  	s30 =	sld [smem:$0x0];
	_ =	sdelay $0x2  }
0xb7: {  	s31 =	sshll.u32 s1, $0xD;
	s1 =	sshrl.u32 s1, $0x2  }
0xb8: {  	s3 =	sand.u32 $0x4000, s31;
	s1 =	sadd.s32 s1, s30  }
0xb9: {  	s0 =	sor.u32 s3, s0;
	s1 =	sshll.u32 s1, $0x11  }
0xba: {  	s0 =	sor.u32 s1, s0  }
0xbb: {  	s0 =	sadd.s32 $0x8F2B, s0  }
0xbc: {  	[sflag:s0] =	ssyncadd.remote.s32 $0x1  }
0xbd: {  	_ =	sfence.sel $0xFFFF  }
0xbe: {  	[dreg:$0x0] =	wrdreg $0xFFFFFFFF;
	(pc) =	sbr.abs _section_cstart, $3  }
0xbf: {  	[dreg:$0x1] =	wrdreg $0xFFFFFFFF  }
0xc0: {  	_ =	task.clear_ibuf [dreg:s6], $0x2FFFF;
	_ =	strace $0x9FFFFFFF  }
0xc1: {  	(tm) =	ssettm $0x7FFFFFFF  }
tec
execute0_lowered:
.L_overlay_start_1:
0x0: {  	(tag) =	ssettag $0x1  }
0x1: {  	s1 =	srdreg.scid  }
0x2: {  	s0 =	stileid.u32;
	s2 =	rddreg [dreg:$0x0];
	s6 =	simm.s32 $0x1  }
0x3: {  	s9 =	simm.s32 $0x1;
	s10 =	simm.s32 $0x3;
	s1 =	sshll.u32 s1, $0x7  }
0x4: {  	s13 =	simm.s32 $0x0;
	s3 =	sshll.u32 s0, $0x8;
	s4 =	sand.u32 $0x80, s1  }
0x5: {  	s12 =	simm.s32 $0x0;
	s5 =	sadd.s32 $0x58E00, s2;
	s3 =	sor.u32 s3, s4  }
0x6: {  	s1 =	rddreg [dreg:$0x1];
	_ =	strace $0x80000047;
	s8 =	ssub.s32 $0x1800, s3  }
.Ltmp0:
0x7: {  	s4 =	sadd.s32 $0x58A00, s2;
	s7 =	sand.u32 $0xF80, s8;
	(pc) =	sbr.rel .LBB2_1-.Ltmp0, $4  }
0x8: {  	[sflag:s6] =	ssyncpa.u1 $0x0;
	s11 =	smov.u32 s3;
	p0 =	sne.s32 s7, $0x0  }
0x9: {  	s8 =	sshrl.u32 s8, $0xC;
	s7 =	simm.s32 $0x2;
	s9 =	simm.s32 @!p0 $0x0  }
0xa: {  	[sflag:s7] =	ssyncpa.u1 $0x0;
	p0 =	por $0x0, $0x0;
	s8 =	sadd.s32 s9, s8  }
0xb: {  	vm0 =	vmmov $0xffff;
	[sflag:s10] =	ssyncpa.u1 $0x0;
	s10 =	simm.s32 $0x0;
	s9 =	sadd.s32 $0x1, s8  }
.LBB2_4:
0xc: {  	v3 =	vshrl.u32 v0, $0x1;
	v62 =	vshll.u32 v0, $0x13;
	v2 =	vand.u32 $0x7FF80, v2  }
0xd: {  	v3 =	vand.u32 $0x3, v3;
	v0 =	vand.u32 $0x80000, v62;
	v2 =	vsel vm1, $0xFFFFFF80, v2  }
0xe: {  	v3 =	vsel vm1, $0xFFFFFFFF, v3;
	v0 =	vsel vm1, $0xFFF80000, v0;
	v4 =	vand.u32 $0xFFFFFC00, v2  }
0xf: {  	v0 =	vadd.s32 v0, v4;
	v63 =	vand.u32 $0xFFFFFC00, v3  }
0x10: {  	v2 =	vand.u32 $0x380, v2;
	v0 =	vadd.s32 v63, v0  }
0x11: {  	v3 =	vand.u32 $0x7F, v3;
	v0 =	vor.u32 v2, v0  }
0x12: {  	v0 =	vor.u32 v3, v0;
	_ =	sdelay $0x1  }
0x13: {  	(ifvalue) =	ssetifvalue $0x7FFFFFFF;
	s15 =	sadd.s32 $0x10, s15  }
0x14: {  	[tilespmem:s15], [sflag:$0x1] =	stream.indirect_vreg.gather [hbm4b:s2+s10], $0x1, v1, vm0, $0x4038;
	[tilespmem:$0x200] =	vst v63  }
0x15: {  	(ifvalue) =	ssetifvalue $0x7FFFFFFF;
	s15 =	sadd.s32 $0x10, s15  }
0x16: {  	[tilespmem:s15], [sflag:$0x1] =	stream.indirect_vreg.gather [hbm4b:s2+s10], $0x1, v0, vm0, $0x4038;
	[tilespmem:$0x200] =	vst v63  }
0x17: {  	_ =	swait.ge [sflag:s6], $0x80  }
0x18: {  	s30 =	sshrl.u32 s13, $0x3;
	[sflag:s6] =	ssyncset.done $0x0  }
0x19: {  	s31 =	sand.u32 $0x7, s13;
	s15 =	sadd.s32 s5, s30;
	[sflag:s6] =	ssyncadd.s32 $0xFFFFFF80  }
0x1a: {  	[hbm4b:s15+s31] =	stream.linear.scatter [tilespmem:s14], [sflag:$0x3], $0x80, $0x38;
	[tilespmem:$0x200] =	vst v63  }
.LBB2_5:
0x1b: {  	s15 =	sadd.s32 $0x1000, s11  }
0x1c: {  	p2 =	sgt.s32 s15, $0x17FF  }
0x1d: {  	s15 =	smov.u32 @p2 s3;
	p2 =	sne.s32 s12, s9  }
.Ltmp1:
0x1e: {  	p1 =	slt.u32 s12, $0x2;
	(pc) =	sbr.rel @!p2 .LBB2_6-.Ltmp1, $4  }
0x1f: {  	s14 =	simm.s32 @!p1 $0x3  }
0x20: {  	s16 =	sadd.s32 $0x1, s12;
	_ =	swait.ge @!p1 [sflag:s14], $0x80  }
0x21: {  	s13 =	smov.u32 s11;
	p0 =	por !p0, !p0;
	[sflag:s14] =	ssyncset.done @!p1 $0x0  }
0x22: {  	s12 =	smov.u32 s16;
	s11 =	smov.u32 s15;
	[sflag:s14] =	ssyncadd.s32 @!p1 $0xFFFFFF80  }
.LBB2_1:
0x23: {  	p1 =	sge.u32 s12, s8  }
0x24: {  	s14 =	sxor.u32 @!p1 $0xFFFFFFFF, s12  }
0x25: {  	s31 =	sadd.s32 $0xFFFFFFFF, s12;
	s15 =	sshrl.u32 @!p1 s11, $0x3;
	s14 =	sshll.u32 @!p1 s14, $0x7  }
0x26: {  	s16 =	sand.u32 @!p1 $0x7, s11;
	s15 =	sadd.s32 @!p1 s4, s15;
	s14 =	sand.u32 @!p1 $0x80, s14  }
0x27: {  	[tilespmem:s14], [sflag:$0x2] =	stream.linear.gather @!p1 [hbm4b:s15+s16], $0x80, $0x38;
	[tilespmem:$0x200] =	vst v63  }
0x28: {  	p1 =	sge.u32 s31, s8  }
.Ltmp2:
0x29: {  	_ = 	snop;
	(pc) =	sbr.rel @p1 .LBB2_5-.Ltmp2, $1  }
0x2a: {  	_ =	sdelay $0x3  }
0x2b: {  	s14 =	simm.s32 $0x1  }
0x2c: {  	_ =	swait.ge [sflag:s7], $0x80;
	s14 =	simm.s32 @!p0 $0x0  }
0x2d: {  	[sflag:s7] =	ssyncset.done $0x0;
	s14 =	sshll.u32 s14, $0x7  }
0x2e: {  	[sflag:s7] =	ssyncadd.s32 $0xFFFFFF80;
	(ifvalue) =	ssetifvalue $0x7FFFFFFF;
	v0 =	vld.msk [tilespmem:s14+$0x0 ss:$0x1], $0xffff;
	_ =	sdelay $0x2  }
0x2f: {  	s15 =	sadd.s32 $0x10, s14  }
0x30: {  	v3 =	vld.msk [tilespmem:s15+$0x0 ss:$0x1], $0xffff  }
0x31: {  	vm1 =	veq.s32 v0, $0x80000000;
	v1 =	vshll.u32 v0, $0x4  }
0x32: {  	v2 =	vshrl.u32 v0, $0x1;
	v0 =	vshll.u32 v0, $0x13;
	v1 =	vand.u32 $0x7FF80, v1  }
0x33: {  	v2 =	vand.u32 $0x3, v2;
	v0 =	vand.u32 $0x80000, v0;
	v1 =	vsel vm1, $0xFFFFFF80, v1  }
0x34: {  	v2 =	vsel vm1, $0xFFFFFFFF, v2;
	v0 =	vsel vm1, $0xFFF80000, v0;
	v4 =	vand.u32 $0xFFFFFC00, v1  }
0x35: {  	v62 =	vshrl.u32 v3, $0x1;
	v61 =	vand.u32 $0xFFFFFC00, v2;
	v0 =	vadd.s32 v0, v4  }
0x36: {  	vm1 =	veq.s32 v3, $0x80000000;
	v1 =	vand.u32 $0x380, v1;
	v0 =	vadd.s32 v61, v0  }
0x37: {  	v2 =	vand.u32 $0x7F, v2;
	v0 =	vor.u32 v1, v0;
	v1 =	vshll.u32 v3, $0x4  }
0x38: {  	s17 =	sadd.s32 $0x10, s15;
	v4 =	vand.u32 $0x3, v62;
	v3 =	vshll.u32 v3, $0x13;
	v1 =	vand.u32 $0x7FF80, v1  }
0x39: {  	v2 =	vor.u32 v2, v0;
	v0 =	vld.msk [tilespmem:s17+$0x0 ss:$0x1], $0xffff;
	v3 =	vand.u32 $0x80000, v3;
	v1 =	vsel vm1, $0xFFFFFF80, v1  }
0x3a: {  	v4 =	vsel vm1, $0xFFFFFFFF, v4;
	v3 =	vsel vm1, $0xFFF80000, v3;
	v5 =	vand.u32 $0xFFFFFC00, v1  }
0x3b: {  	s31 =	sshll.u32 s12, $0x7;
	v63 =	vand.u32 $0xFFFFFC00, v4;
	v3 =	vadd.s32 v3, v5  }
0x3c: {  	s16 =	simm.s32 $0x20;
	s15 =	sor.u32 $0x100, s14;
	s14 =	sand.u32 $0x80, s31;
	v1 =	vand.u32 $0x380, v1;
	v3 =	vadd.s32 v63, v3  }
0x3d: {  	s14 =	sor.u32 $0x100, s14;
	v4 =	vand.u32 $0x7F, v4;
	(ifvalue) =	ssetifvalue $0x7FFFFFFF;
	s17 =	sadd.s32 $0x10, s17;
	v1 =	vor.u32 v1, v3  }
0x3e: {  	[tilespmem:s15], [sflag:$0x1] =	stream.indirect_vreg.gather [hbm4b:s2+s10], $0x1, v2, vm0, $0x4038;
	vm1 =	veq.s32 v0, $0x80000000;
	v2 =	vshll.u32 v0, $0x4;
	v1 =	vor.u32 v4, v1;
	[tilespmem:$0x200] =	vst v63  }
.LBB2_3:
0x3f: {  	s16 =	sadd.s32 $0x10, s16;
	v3 =	vshrl.u32 v0, $0x1;
	v4 =	vshll.u32 v0, $0x13;
	v0 =	vld.msk [tilespmem:s17+$0x0 ss:$0x1], $0xffff;
	v2 =	vand.u32 $0x7FF80, v2  }
0x40: {  	p1 =	slt.u32 s16, $0x70;
	v3 =	vand.u32 $0x3, v3;
	v4 =	vand.u32 $0x80000, v4;
	v2 =	vsel vm1, $0xFFFFFF80, v2  }
.Ltmp3:
0x41: {  	v3 =	vsel vm1, $0xFFFFFFFF, v3;
	v4 =	vsel vm1, $0xFFF80000, v4;
	v5 =	vand.u32 $0xFFFFFC00, v2;
	(pc) =	sbr.rel @p1 .LBB2_3-.Ltmp3, $4  }
0x42: {  	s15 =	sadd.s32 $0x10, s15;
	v4 =	vadd.s32 v4, v5;
	v5 =	vand.u32 $0xFFFFFC00, v3;
	(ifvalue) =	ssetifvalue $0x7FFFFFFF  }
0x43: {  	v2 =	vand.u32 $0x380, v2;
	v4 =	vadd.s32 v5, v4;
	[tilespmem:s15], [sflag:$0x1] =	stream.indirect_vreg.gather [hbm4b:s2+s10], $0x1, v1, vm0, $0x4038;
	[tilespmem:$0x200] =	vst v63  }
0x44: {  	v1 =	vand.u32 $0x7F, v3;
	v3 =	vor.u32 v2, v4  }
0x45: {  	s17 =	sadd.s32 $0x10, s17;
	vm1 =	veq.s32 v0, $0x80000000;
	v2 =	vshll.u32 v0, $0x4;
	v1 =	vor.u32 v1, v3  }
.Ltmp4:
0x46: {  	_ = 	snop;
	(pc) =	sbr.rel .LBB2_4-.Ltmp4, $1  }
0x47: {  	_ =	sdelay $0x3  }
.LBB2_6:
0x48: {  	_ =	sfence.sel $0x180000  }
0x49: {  	s2 =	simm.s32 $0x2;
	[bflag:$0x0] =	sbarrier.arrive $0xFFFF  }
0x4a: {  	s30 =	simm.s32 $0x3;
	[sflag:s2] =	ssyncpa.u1 $0x1  }
0x4b: {  	s31 =	simm.s32 $0x1;
	[sflag:s30] =	ssyncpa.u1 $0x1  }
0x4c: {  	[sflag:s31] =	ssyncpa.u1 $0x1  }
0x4d: {  	p0 =	sne.s32 s0, $0x0;
	_ =	strace $0x90000047  }
0x4e: {  	s0 =	sadd.s32 @!p0 $0x100000, s1;
	[bflag:$0x2] =	sbarrier.arrive $0xFFFF  }
0x4f: {  	[sflag:s0] =	ssyncadd.tile.s32 @!p0 $0x1;
	_ =	shalt  }
.Lfunc_end2:
_tile_overlayer_lowered:
.L_overlay_start_2:
0x50: {  	(tag) =	ssettag $0x2  }
0x51: {  	s0 =	rddreg [dreg:$0x0];
	s2 =	stileid.u32  }
0x52: {  	s1 =	rddreg [dreg:$0x1];
	p0 =	sne.s32 s2, $0x0  }
0x53: {  	s3 =	rddreg [dreg:$0x2];
	[bflag:$0x3] =	sbarrier.arrive $0xFFFF;
	s2 =	simm.s32 @!p0 $0x1C01  }
0x54: {  	[timem:s3], [sflag:s2] =	dma.local @!p0 [hbm:s0], s1  }
0x55: {  	s0 =	simm.s32 @!p0 $0x1  }
0x56: {  	_ =	swait.ge @!p0 [sflag:s0], s1  }
0x57: {  	s1 =	ssub.s32 @!p0 $0x0, s1;
	[sflag:s0] =	ssyncset.done @!p0 $0x0  }
0x58: {  	[sflag:s0] =	ssyncadd.s32 @!p0 s1  }
0x59: {  	[bflag:$0x3] =	sbarrier.arrive $0xFFFF  }
0x5a: {  	_ =	shalt  }

// kernel: gather_offload_async_start.2
scs
__scs_entry_jumppad:
0x0: {  	(pc) =	sbr.rel $0x88, $3  }
0x1: {  	(tag) =	ssettag $0x0;
	lr =	simm.s32 $0x1  }
0x2: {  	[smem:$0x3F5A] =	sst lr;
	_ =	strace $0xD0000000  }
0x3: {  	_ = 	snop  }
0x4: {  	_ = 	snop  }
0x5: {  	_ = 	snop  }
0x6: {  	_ = 	snop  }
0x7: {  	_ = 	snop  }
__scs_overlays_trampoline_lowered:
0x8: {  	[smem:$0x3F69] =	sst s0  }
0x9: {  	[smem:$0x3F6A] =	sst s1  }
0xa: {  	[smem:$0x3F6B] =	sst s2  }
0xb: {  	[smem:$0x3F6C] =	sst s3  }
0xc: {  	[smem:$0x3F6D] =	sst s4  }
0xd: {  	[smem:$0x3F6E] =	sst s5  }
0xe: {  	[smem:$0x3F6F] =	sst s6  }
0xf: {  	[smem:$0x3F70] =	sst s7  }
0x10: {  	[smem:$0x3F71] =	sst s8  }
0x11: {  	[smem:$0x3F72] =	sst s9;
	s0 =	simm.s32 @!p0 $0x0  }
0x12: {  	s1 =	sld [smem:$0x3F58];
	s0 =	simm.s32 @p0 $0x1  }
0x13: {  	[smem:$0x3F73] =	sst s0;
	s0 =	simm.s32 @!p1 $0x0  }
0x14: {  	s2 =	sld [smem:$0x3F57];
	s0 =	simm.s32 @p1 $0x1  }
0x15: {  	[smem:$0x3F74] =	sst s0;
	s0 =	simm.s32 @!p2 $0x0  }
0x16: {  	s3 =	sld [smem:$0x3FDB];
	s0 =	simm.s32 @p2 $0x1  }
0x17: {  	s4 =	simm.s32 $0x1BF5;
	[smem:$0x3F76] =	sst s0  }
0x18: {  	s0 =	sld [smem:$0x3F59];
	_ =	swait.ge [sflag:s4], $0x0  }
0x19: {  	s7 =	sld [smem:$0x3F5A]  }
0x1a: {  	s8 =	sadd.s32 $0xFFFFE003, lr  }
0x1b: {  	s9 =	sadd.s32 $0xFFFFFEF7, lr;
	s5 =	simm.s32 $0xFFFFFFFF;
	p2 =	slt.u32 s8, $0xFFFFF086  }
0x1c: {  	p1 =	slt.u32 s9, $0xF7A;
	s5 =	simm.s32 @!p2 $0x0  }
0x1d: {  	s5 =	simm.s32 @p1 $0x1;
	p0 =	seq.s32 s7, s2  }
0x1e: {  	s7 =	smul.u32 @!p0 $0xF7A, s2;
	p2 =	seq.s32 @!p0 s5, $0x0  }
0x1f: {  	s9 =	smul.u32 $0xF7A, s1;
	s8 =	simm.s32 @!p0 $0x1BF5;
	p2 =	por !p2, p0  }
0x20: {  	[sflag:s8] =	ssyncset.s32 @!p0 $0xFFFFF086;
	s6 =	sadd.s32 @!p0 s3, s7;
	s7 =	simm.s32 @!p0 $0x108  }
0x21: {  	s3 =	sadd.s32 s3, s9;
	s6 =	sadd.s32 @!p0 $0x88, s6;
	s7 =	simm.s32 @p2 $0x1082  }
0x22: {  	[simem:s7], [sflag:s8] =	dma.local @!p0 [hbm:s6], $0xF7A  }
0x23: {  	s9 =	sor.u32 $0xD0000000, s2;
	s6 =	simm.s32 $0x108;
	_ =	swait.ge @!p0 [sflag:s8], $0x0  }
0x24: {  	s3 =	sadd.s32 $0x88, s3;
	s6 =	simm.s32 @!p1 $0x1082;
	[sflag:s4] =	ssyncset.s32 $0xFFFFF086  }
0x25: {  	[simem:s6], [sflag:s4] =	dma.local [hbm:s3], $0xF7A  }
0x26: {  	[smem:$0x3F5A] =	sst s1;
	(tag) =	ssettag s2;
	_ =	strace s9  }
0x27: {  	s1 =	sld [smem:$0x3F6A]  }
0x28: {  	s2 =	sld [smem:$0x3F6B]  }
0x29: {  	s4 =	sld [smem:$0x3F6D]  }
0x2a: {  	p0 =	seq.s32 s5, $0x0;
	s5 =	sld [smem:$0x3F6E]  }
0x2b: {  	s6 =	sld [smem:$0x3F6F]  }
0x2c: {  	s7 =	sld [smem:$0x3F70]  }
0x2d: {  	s3 =	simm.s32 $0x108;
	s8 =	sld [smem:$0x3F71]  }
0x2e: {  	s3 =	simm.s32 @!p0 $0x1082;
	s9 =	sld [smem:$0x3F72]  }
0x2f: {  	lr =	sadd.s32 s0, s3;
	s0 =	sld [smem:$0x3F69]  }
0x30: {  	s3 =	sld [smem:$0x3F6C]  }
0x31: {  	[smem:$0x3F75] =	sst s10  }
0x32: {  	s10 =	sld [smem:$0x3F73];
	_ =	sdelay $0x3  }
0x33: {  	p0 =	seq.s32 s10, $0x1;
	s10 =	sld [smem:$0x3F75];
	_ =	sdelay $0x3  }
0x34: {  	[smem:$0x3F75] =	sst s10  }
0x35: {  	s10 =	sld [smem:$0x3F74];
	_ =	sdelay $0x3  }
0x36: {  	p1 =	seq.s32 s10, $0x1;
	s10 =	sld [smem:$0x3F75];
	_ =	sdelay $0x3  }
0x37: {  	[smem:$0x3F75] =	sst s10  }
0x38: {  	s10 =	sld [smem:$0x3F76]  }
0x39: {  	_ = 	snop;
	(pc) =	sbr.ind lr, $3  }
0x3a: {  	_ = 	snop  }
0x3b: {  	_ = 	snop  }
0x3c: {  	p2 =	seq.s32 s10, $0x1;
	s10 =	sld [smem:$0x3F75]  }
0x3d: {  	_ =	shalt  }
0x3e: {  	_ =	shalt  }
0x3f: {  	_ =	shalt  }
0x40: {  	_ =	shalt  }
0x41: {  	_ =	shalt  }
0x42: {  	_ =	shalt  }
0x43: {  	_ =	shalt  }
0x44: {  	_ =	shalt  }
0x45: {  	_ =	shalt  }
0x46: {  	_ =	shalt  }
0x47: {  	_ =	shalt  }
0x48: {  	_ =	shalt  }
0x49: {  	_ =	shalt  }
0x4a: {  	_ =	shalt  }
0x4b: {  	_ =	shalt  }
0x4c: {  	_ =	shalt  }
0x4d: {  	_ =	shalt  }
0x4e: {  	_ =	shalt  }
0x4f: {  	_ =	shalt  }
0x50: {  	_ =	shalt  }
0x51: {  	_ =	shalt  }
0x52: {  	_ =	shalt  }
0x53: {  	_ =	shalt  }
0x54: {  	_ =	shalt  }
0x55: {  	_ =	shalt  }
0x56: {  	_ =	shalt  }
0x57: {  	_ =	shalt  }
0x58: {  	_ =	shalt  }
0x59: {  	_ =	shalt  }
0x5a: {  	_ =	shalt  }
0x5b: {  	_ =	shalt  }
0x5c: {  	_ =	shalt  }
0x5d: {  	_ =	shalt  }
0x5e: {  	_ =	shalt  }
0x5f: {  	_ =	shalt  }
0x60: {  	_ =	shalt  }
0x61: {  	_ =	shalt  }
0x62: {  	_ =	shalt  }
0x63: {  	_ =	shalt  }
0x64: {  	_ =	shalt  }
0x65: {  	_ =	shalt  }
0x66: {  	_ =	shalt  }
0x67: {  	_ =	shalt  }
0x68: {  	_ =	shalt  }
0x69: {  	_ =	shalt  }
0x6a: {  	_ =	shalt  }
0x6b: {  	_ =	shalt  }
0x6c: {  	_ =	shalt  }
0x6d: {  	_ =	shalt  }
0x6e: {  	_ =	shalt  }
0x6f: {  	_ =	shalt  }
0x70: {  	_ =	shalt  }
0x71: {  	_ =	shalt  }
0x72: {  	_ =	shalt  }
0x73: {  	_ =	shalt  }
0x74: {  	_ =	shalt  }
0x75: {  	_ =	shalt  }
0x76: {  	_ =	shalt  }
0x77: {  	_ =	shalt  }
0x78: {  	_ =	shalt  }
0x79: {  	_ =	shalt  }
0x7a: {  	_ =	shalt  }
0x7b: {  	_ =	shalt  }
0x7c: {  	_ =	shalt  }
0x7d: {  	_ =	shalt  }
0x7e: {  	_ =	shalt  }
0x7f: {  	_ =	shalt  }
0x80: {  	_ =	shalt  }
0x81: {  	_ =	shalt  }
0x82: {  	_ =	shalt  }
0x83: {  	_ =	shalt  }
0x84: {  	_ =	shalt  }
0x85: {  	_ =	shalt  }
0x86: {  	_ =	shalt  }
0x87: {  	_ =	shalt  }
.Lfunc_end0:
.L_simem_size_0:
called_computation.5_lowered:
.L_overlay_start_0:
0x88: {  	s2 =	sld [smem:$0x3FD9]  }
0x89: {  	s3 =	sld [smem:$0x3FFE];
	_ =	sdelay $0x1  }
0x8a: {  	s1 =	srdreg.scid  }
0x8b: {  	s0 =	sand.u32 $0x1, s1  }
0x8c: {  	s16 =	sshll.u32 s0, $0xA;
	s2 =	sadd.s32 s3, s2  }
0x8d: {  	s2 =	sadd.s32 s2, s16  }
0x8e: {  	[smem:$0x3F81] =	sst s2  }
0x8f: {  	_ = 	snop  }
0x90: {  	(tm) =	ssettm $0x1  }
0x91: {  	s17 =	sld [smem:$0x3FFB];
	_ =	sdelay $0x3  }
0x92: {  	_ =	strace s17  }
0x93: {  	s2 =	sld [smem:$0x3FFC];
	_ =	sdelay $0x3  }
0x94: {  	_ =	strace s2  }
0x95: {  	s2 =	sld [smem:$0x3FFD];
	_ =	sdelay $0x3  }
0x96: {  	_ =	strace s2  }
0x97: {  	_ =	strace $0x8FFFFFFF  }
0x98: {  	s18 =	sld [smem:$0x3FDB];
	_ =	sdelay $0x1  }
0x99: {  	s19 =	simm.s32 $_scs_section_size  }
0x9a: {  	s4 =	simm.s32 $_size__tile_overlayer_lowered;
	s5 =	simm.s32 $_tile_overlayer_lowered  }
0x9b: {  	s22 =	simm.s32 $0x1BFF;
	s21 =	sshll.u32 s5, $0x1;
	s2 =	sadd.s32 s19, s18  }
0x9c: {  	s6 =	simm.s32 $0x0;
	s20 =	sshll.u32 s4, $0x1;
	s4 =	sadd.s32 s21, s2  }
0x9d: {  	[timem:s6], [sflag:s22] =	dma.local [hbm:s4], s20  }
0x9e: {  	_ =	swait.ge [sflag:s22], s20  }
0x9f: {  	s3 =	ssub.s32 $0x0, s20;
	[sflag:s22] =	ssyncset.done $0x0  }
0xa0: {  	[sflag:s22] =	ssyncadd.s32 s3;
	_ =	sdelay $0x1  }
0xa1: {  	s23 =	simm.s32 $0x1B8B  }
0xa2: {  	_ =	swait.ge [sflag:s23], $0x1  }
0xa3: {  	[sflag:s23] =	ssyncset.done $0x0  }
0xa4: {  	s25 =	simm.s32 $0x1B8E;
	s24 =	sld [smem:$0x3FFE];
	[sflag:s23] =	ssyncadd.s32 $0xFFFFFFFF  }
0xa5: {  	s26 =	simm.s32 $execute0_lowered;
	[smem:$0x3FD2] =	sst s25  }
0xa6: {  	s4 =	sshll.u32 s26, $0x1;
	_ =	strace $0x80000055;
	[dreg:$0x1] =	wrdreg $0xFFFFFFFF  }
0xa7: {  	s28 =	simm.s32 $_size_execute0_lowered;
	s2 =	sadd.s32 s2, s4;
	[dreg:$0x0] =	wrdreg $0x0  }
0xa8: {  	s4 =	sshll.u32 s28, $0x1;
	[dreg:$0x2] =	wrdreg s2  }
0xa9: {  	[dreg:$0x3] =	wrdreg s4  }
0xaa: {  	[dreg:$0x4] =	wrdreg $0xC0  }
0xab: {  	_ =	task [dreg:s6], $0x5FFFF  }
0xac: {  	[dreg:$0x1] =	wrdreg $0xFFFFFFFF  }
0xad: {  	[dreg:$0x0] =	wrdreg $0x60  }
0xae: {  	[dreg:$0x2] =	wrdreg s24  }
0xaf: {  	[dreg:$0x3] =	wrdreg $0x9  }
0xb0: {  	_ =	task.clear_ibuf [dreg:s6], $0x4FFFF;
	_ =	strace $0x90000055  }
0xb1: {  	s29 =	simm.s32 $0x9;
	_ =	strace $0x80000057  }
0xb2: {  	_ =	swait.ge [sflag:s29], $0x1  }
0xb3: {  	[sflag:s29] =	ssyncadd.s32 $0xFFFFFFFF  }
0xb4: {  	_ =	strace $0x90000057  }
0xb5: {  	_ =	sfence  }
0xb6: {  	s30 =	sld [smem:$0x0];
	_ =	sdelay $0x2  }
0xb7: {  	s31 =	sshll.u32 s1, $0xD;
	s1 =	sshrl.u32 s1, $0x2  }
0xb8: {  	s3 =	sand.u32 $0x4000, s31;
	s1 =	sadd.s32 s1, s30  }
0xb9: {  	s0 =	sor.u32 s3, s0;
	s1 =	sshll.u32 s1, $0x11  }
0xba: {  	s0 =	sor.u32 s1, s0  }
0xbb: {  	s0 =	sadd.s32 $0x8F2B, s0  }
0xbc: {  	[sflag:s0] =	ssyncadd.remote.s32 $0x1  }
0xbd: {  	_ =	sfence.sel $0xFFFF  }
0xbe: {  	[dreg:$0x0] =	wrdreg $0xFFFFFFFF;
	(pc) =	sbr.abs _section_cstart, $3  }
0xbf: {  	[dreg:$0x1] =	wrdreg $0xFFFFFFFF  }
0xc0: {  	_ =	task.clear_ibuf [dreg:s6], $0x2FFFF;
	_ =	strace $0x9FFFFFFF  }
0xc1: {  	(tm) =	ssettm $0x7FFFFFFF  }
tec
execute0_lowered:
.L_overlay_start_1:
0x0: {  	(tag) =	ssettag $0x1  }
0x1: {  	s0 =	srdreg.scid;
	s5 =	rddreg [dreg:$0x0]  }
0x2: {  	s1 =	stileid.u32;
	s6 =	simm.s32 $0x1;
	s9 =	simm.s32 $0x1  }
0x3: {  	s10 =	simm.s32 $0x3;
	s13 =	simm.s32 $0x0;
	s2 =	sshll.u32 s0, $0xB  }
0x4: {  	s12 =	simm.s32 $0x0;
	s3 =	sshll.u32 s1, $0xC;
	s2 =	sand.u32 $0x800, s2  }
0x5: {  	s0 =	rddreg [dreg:$0x1];
	_ =	strace $0x80000056;
	s2 =	sor.u32 s3, s2  }
0x6: {  	s4 =	sadd.s32 $0x1600, s5;
	[sflag:s6] =	ssyncpa.u1 $0x0;
	s8 =	ssub.s32 $0x18000, s2  }
.Ltmp0:
0x7: {  	s3 =	sadd.s32 $0x38A00, s5;
	s7 =	sand.u32 $0xF800, s8;
	(pc) =	sbr.rel .LBB2_1-.Ltmp0, $4  }
0x8: {  	s5 =	sadd.s32 $0x44A00, s5;
	s11 =	smov.u32 s2;
	p0 =	sne.s32 s7, $0x0  }
0x9: {  	s8 =	sshrl.u32 s8, $0x10;
	s7 =	simm.s32 $0x2;
	s9 =	simm.s32 @!p0 $0x0  }
0xa: {  	[sflag:s7] =	ssyncpa.u1 $0x0;
	p0 =	por $0x0, $0x0;
	s8 =	sadd.s32 s9, s8  }
0xb: {  	vm0 =	vmmov $0xffff;
	v0 =	vimm.s32 $0x0;
	[sflag:s10] =	ssyncpa.u1 $0x0;
	s10 =	simm.s32 $0x0;
	s9 =	sadd.s32 $0x1, s8  }
.LBB2_4:
0xc: {  	v2 =	vand.u32 $0x3FF, v2;
	v5 =	vsel vm2, $0x30000, v0;
	v4 =	vand.u32 $0x30000, v4  }
0xd: {  	v3 =	vsel vm1, $0xFFFFFFFF, v3;
	v2 =	vsel vm1, $0xFFFFFFFF, v2;
	v4 =	vadd.s32 v4, v5  }
0xe: {  	v6 =	vshll.u32 v3, $0xA;
	v63 =	vand.u32 $0x7F, v2;
	v4 =	vsel vm1, $0xFFFC0000, v4  }
0xf: {  	v6 =	vand.u32 $0xFFFFE000, v6;
	v2 =	vshll.u32 v2, $0x3;
	v4 =	vor.u32 v4, v63  }
0x10: {  	v3 =	vshll.u32 v3, $0x7;
	v2 =	vand.u32 $0xFFFFFC00, v2;
	v4 =	vadd.s32 v6, v4  }
0x11: {  	v3 =	vand.u32 $0x380, v3;
	v2 =	vadd.s32 v2, v4  }
0x12: {  	v2 =	vor.u32 v3, v2;
	_ =	sdelay $0x1  }
0x13: {  	(ifvalue) =	ssetifvalue $0x7FFFFFFF;
	s14 =	sadd.s32 $0x10, s14  }
0x14: {  	[tilespmem:s14], [sflag:$0x1] =	stream.indirect_vreg.gather [hbm4b:s3+s10], $0x1, v1, vm0, $0x4038;
	[tilespmem:$0x2000] =	vst v63  }
0x15: {  	(ifvalue) =	ssetifvalue $0x7FFFFFFF;
	s14 =	sadd.s32 $0x10, s14  }
0x16: {  	[tilespmem:s14], [sflag:$0x1] =	stream.indirect_vreg.gather [hbm4b:s3+s10], $0x1, v2, vm0, $0x4038;
	[tilespmem:$0x2000] =	vst v63  }
0x17: {  	_ =	swait.ge [sflag:s6], $0x800  }
0x18: {  	s30 =	sshrl.u32 s13, $0x3;
	[sflag:s6] =	ssyncset.done $0x0  }
0x19: {  	s31 =	sand.u32 $0x7, s13;
	s14 =	sadd.s32 s5, s30;
	[sflag:s6] =	ssyncadd.s32 $0xFFFFF800  }
0x1a: {  	[hbm4b:s14+s31] =	stream.linear.scatter [tilespmem:s15], [sflag:$0x3], $0x800, $0x38;
	[tilespmem:$0x2000] =	vst v63  }
.LBB2_5:
0x1b: {  	s15 =	sadd.s32 $0x10000, s11  }
0x1c: {  	p2 =	sgt.s32 s15, $0x17FFF  }
0x1d: {  	s15 =	smov.u32 @p2 s2;
	p2 =	sne.s32 s12, s9  }
.Ltmp1:
0x1e: {  	p1 =	slt.u32 s12, $0x2;
	(pc) =	sbr.rel @!p2 .LBB2_6-.Ltmp1, $4  }
0x1f: {  	s14 =	simm.s32 @!p1 $0x3  }
0x20: {  	s16 =	sadd.s32 $0x1, s12;
	_ =	swait.ge @!p1 [sflag:s14], $0x800  }
0x21: {  	s13 =	smov.u32 s11;
	p0 =	por !p0, !p0;
	[sflag:s14] =	ssyncset.done @!p1 $0x0  }
0x22: {  	s12 =	smov.u32 s16;
	s11 =	smov.u32 s15;
	[sflag:s14] =	ssyncadd.s32 @!p1 $0xFFFFF800  }
.LBB2_1:
0x23: {  	p1 =	sge.u32 s12, s8  }
0x24: {  	s14 =	sxor.u32 @!p1 $0xFFFFFFFF, s12  }
0x25: {  	s31 =	sadd.s32 $0xFFFFFFFF, s12;
	s15 =	sshrl.u32 @!p1 s11, $0x3;
	s14 =	sshll.u32 @!p1 s14, $0xB  }
0x26: {  	s16 =	sand.u32 @!p1 $0x7, s11;
	s15 =	sadd.s32 @!p1 s4, s15;
	s14 =	sand.u32 @!p1 $0x800, s14  }
0x27: {  	[tilespmem:s14], [sflag:$0x2] =	stream.linear.gather @!p1 [hbm4b:s15+s16], $0x800, $0x38;
	[tilespmem:$0x2000] =	vst v63  }
0x28: {  	p1 =	sge.u32 s31, s8  }
.Ltmp2:
0x29: {  	_ = 	snop;
	(pc) =	sbr.rel @p1 .LBB2_5-.Ltmp2, $1  }
0x2a: {  	_ =	sdelay $0x3  }
0x2b: {  	s14 =	simm.s32 $0x1  }
0x2c: {  	_ =	swait.ge [sflag:s7], $0x800;
	s14 =	simm.s32 @!p0 $0x0  }
0x2d: {  	[sflag:s7] =	ssyncset.done $0x0;
	s14 =	sshll.u32 s14, $0xB  }
0x2e: {  	[sflag:s7] =	ssyncadd.s32 $0xFFFFF800;
	(ifvalue) =	ssetifvalue $0x7FFFFFFF;
	v1 =	vld.msk [tilespmem:s14+$0x0 ss:$0x1], $0xffff;
	_ =	sdelay $0x4  }
0x2f: {  	vm1 =	veq.s32 v1, $0x80000000;
	v2 =	vshrl.u32 v1, $0x1  }
0x30: {  	s15 =	sadd.s32 $0x10, s14;
	v3 =	vshrl.u32 v1, $0x9;
	v4 =	vand.u32 $0x1, v1;
	v1 =	vshll.u32 v1, $0x9  }
0x31: {  	v5 =	vld.msk [tilespmem:s15+$0x0 ss:$0x1], $0xffff;
	v2 =	vand.u32 $0x3F, v2;
	vm2 =	veq.s32 v4, $0x1;
	v3 =	vand.u32 $0x3FF, v3  }
0x32: {  	v1 =	vand.u32 $0x30000, v1;
	v4 =	vsel vm2, $0x30000, v0;
	v3 =	vsel vm1, $0xFFFFFFFF, v3  }
0x33: {  	v2 =	vsel vm1, $0xFFFFFFFF, v2;
	v1 =	vadd.s32 v1, v4;
	v4 =	vand.u32 $0x7F, v3  }
0x34: {  	v6 =	vshll.u32 v2, $0xA;
	v3 =	vshll.u32 v3, $0x3;
	v2 =	vshll.u32 v2, $0x7  }
0x35: {  	v1 =	vsel vm1, $0xFFFC0000, v1;
	v6 =	vand.u32 $0xFFFFE000, v6;
	v3 =	vand.u32 $0xFFFFFC00, v3  }
0x36: {  	v2 =	vand.u32 $0x380, v2;
	v1 =	vor.u32 v1, v4;
	v4 =	vand.u32 $0x1, v5  }
0x37: {  	vm1 =	veq.s32 v5, $0x80000000;
	v1 =	vadd.s32 v6, v1;
	vm2 =	veq.s32 v4, $0x1  }
0x38: {  	v4 =	vshll.u32 v5, $0x9;
	v1 =	vadd.s32 v3, v1;
	v3 =	vshrl.u32 v5, $0x9  }
0x39: {  	v4 =	vand.u32 $0x30000, v4;
	v1 =	vor.u32 v2, v1;
	v2 =	vshrl.u32 v5, $0x1  }
0x3a: {  	s17 =	sadd.s32 $0x10, s15;
	v3 =	vand.u32 $0x3FF, v3;
	v5 =	vsel vm2, $0x30000, v0;
	v2 =	vand.u32 $0x3F, v2  }
0x3b: {  	v6 =	vld.msk [tilespmem:s17+$0x0 ss:$0x1], $0xffff;
	v3 =	vsel vm1, $0xFFFFFFFF, v3;
	v4 =	vadd.s32 v4, v5;
	v2 =	vsel vm1, $0xFFFFFFFF, v2  }
0x3c: {  	v5 =	vand.u32 $0x7F, v3;
	v4 =	vsel vm1, $0xFFFC0000, v4;
	v7 =	vshll.u32 v2, $0xA  }
0x3d: {  	v3 =	vshll.u32 v3, $0x3;
	v4 =	vor.u32 v4, v5;
	v7 =	vand.u32 $0xFFFFE000, v7  }
0x3e: {  	v3 =	vand.u32 $0xFFFFFC00, v3;
	v2 =	vshll.u32 v2, $0x7;
	v4 =	vadd.s32 v7, v4  }
0x3f: {  	s31 =	sshll.u32 s12, $0xB;
	s14 =	sor.u32 $0x1000, s14;
	(ifvalue) =	ssetifvalue $0x7FFFFFFF;
	v2 =	vand.u32 $0x380, v2;
	v3 =	vadd.s32 v3, v4  }
0x40: {  	vm1 =	veq.s32 v6, $0x80000000;
	[tilespmem:s14], [sflag:$0x1] =	stream.indirect_vreg.gather [hbm4b:s3+s10], $0x1, v1, vm0, $0x4038;
	v1 =	vor.u32 v2, v3;
	[tilespmem:$0x2000] =	vst v63  }
0x41: {  	s15 =	sand.u32 $0x800, s31;
	v4 =	vand.u32 $0x1, v6;
	v3 =	vshrl.u32 v6, $0x1;
	v2 =	vshrl.u32 v6, $0x9  }
0x42: {  	s16 =	simm.s32 $0x20;
	s15 =	sor.u32 $0x1000, s15;
	s17 =	sadd.s32 $0x10, s17;
	vm2 =	veq.s32 v4, $0x1;
	v4 =	vshll.u32 v6, $0x9;
	v3 =	vand.u32 $0x3F, v3  }
.LBB2_3:
0x43: {  	v5 =	vld.msk [tilespmem:s17+$0x0 ss:$0x1], $0xffff;
	v2 =	vand.u32 $0x3FF, v2;
	v6 =	vsel vm2, $0x30000, v0;
	v4 =	vand.u32 $0x30000, v4  }
0x44: {  	v3 =	vsel vm1, $0xFFFFFFFF, v3;
	s14 =	sadd.s32 $0x10, s14;
	s16 =	sadd.s32 $0x10, s16;
	v2 =	vsel vm1, $0xFFFFFFFF, v2;
	v4 =	vadd.s32 v4, v6;
	(ifvalue) =	ssetifvalue $0x7FFFFFFF  }
0x45: {  	v7 =	vshll.u32 v3, $0xA;
	v6 =	vand.u32 $0x7F, v2;
	v4 =	vsel vm1, $0xFFFC0000, v4;
	[tilespmem:s14], [sflag:$0x1] =	stream.indirect_vreg.gather [hbm4b:s3+s10], $0x1, v1, vm0, $0x4038;
	[tilespmem:$0x2000] =	vst v63  }
0x46: {  	p1 =	slt.u32 s16, $0x7F0;
	v1 =	vand.u32 $0xFFFFE000, v7;
	v2 =	vshll.u32 v2, $0x3;
	v4 =	vor.u32 v4, v6  }
.Ltmp3:
0x47: {  	v3 =	vshll.u32 v3, $0x7;
	v2 =	vand.u32 $0xFFFFFC00, v2;
	v1 =	vadd.s32 v1, v4;
	(pc) =	sbr.rel @p1 .LBB2_3-.Ltmp3, $4  }
0x48: {  	v3 =	vand.u32 $0x380, v3;
	v1 =	vadd.s32 v2, v1  }
0x49: {  	vm1 =	veq.s32 v5, $0x80000000;
	v1 =	vor.u32 v3, v1  }
0x4a: {  	v2 =	vshrl.u32 v5, $0x9;
	v4 =	vand.u32 $0x1, v5;
	v3 =	vshrl.u32 v5, $0x1  }
0x4b: {  	s17 =	sadd.s32 $0x10, s17;
	vm2 =	veq.s32 v4, $0x1;
	v4 =	vshll.u32 v5, $0x9;
	v3 =	vand.u32 $0x3F, v3  }
.Ltmp4:
0x4c: {  	_ = 	snop;
	(pc) =	sbr.rel .LBB2_4-.Ltmp4, $1  }
0x4d: {  	_ =	sdelay $0x3  }
.LBB2_6:
0x4e: {  	_ =	sfence.sel $0x180000  }
0x4f: {  	s2 =	simm.s32 $0x2;
	[bflag:$0x0] =	sbarrier.arrive $0xFFFF  }
0x50: {  	s30 =	simm.s32 $0x3;
	[sflag:s2] =	ssyncpa.u1 $0x1  }
0x51: {  	s31 =	simm.s32 $0x1;
	[sflag:s30] =	ssyncpa.u1 $0x1  }
0x52: {  	[sflag:s31] =	ssyncpa.u1 $0x1  }
0x53: {  	p0 =	sne.s32 s1, $0x0;
	_ =	strace $0x90000056  }
0x54: {  	s0 =	sadd.s32 @!p0 $0x100000, s0;
	[bflag:$0x2] =	sbarrier.arrive $0xFFFF  }
0x55: {  	[sflag:s0] =	ssyncadd.tile.s32 @!p0 $0x1;
	_ =	shalt  }
.Lfunc_end2:
_tile_overlayer_lowered:
.L_overlay_start_2:
0x56: {  	(tag) =	ssettag $0x2  }
0x57: {  	s0 =	rddreg [dreg:$0x0];
	s2 =	stileid.u32  }
0x58: {  	s1 =	rddreg [dreg:$0x1];
	p0 =	sne.s32 s2, $0x0  }
0x59: {  	s3 =	rddreg [dreg:$0x2];
	[bflag:$0x3] =	sbarrier.arrive $0xFFFF;
	s2 =	simm.s32 @!p0 $0x1C01  }
0x5a: {  	[timem:s3], [sflag:s2] =	dma.local @!p0 [hbm:s0], s1  }
0x5b: {  	s0 =	simm.s32 @!p0 $0x1  }
0x5c: {  	_ =	swait.ge @!p0 [sflag:s0], s1  }
0x5d: {  	s1 =	ssub.s32 @!p0 $0x0, s1;
	[sflag:s0] =	ssyncset.done @!p0 $0x0  }
0x5e: {  	[sflag:s0] =	ssyncadd.s32 @!p0 s1  }
0x5f: {  	[bflag:$0x3] =	sbarrier.arrive $0xFFFF  }
0x60: {  	_ =	shalt  }

// kernel: gather_offload_async_start.3
scs
__scs_entry_jumppad:
0x0: {  	(pc) =	sbr.rel $0x88, $3  }
0x1: {  	(tag) =	ssettag $0x0;
	lr =	simm.s32 $0x1  }
0x2: {  	[smem:$0x3F5A] =	sst lr;
	_ =	strace $0xD0000000  }
0x3: {  	_ = 	snop  }
0x4: {  	_ = 	snop  }
0x5: {  	_ = 	snop  }
0x6: {  	_ = 	snop  }
0x7: {  	_ = 	snop  }
__scs_overlays_trampoline_lowered:
0x8: {  	[smem:$0x3F69] =	sst s0  }
0x9: {  	[smem:$0x3F6A] =	sst s1  }
0xa: {  	[smem:$0x3F6B] =	sst s2  }
0xb: {  	[smem:$0x3F6C] =	sst s3  }
0xc: {  	[smem:$0x3F6D] =	sst s4  }
0xd: {  	[smem:$0x3F6E] =	sst s5  }
0xe: {  	[smem:$0x3F6F] =	sst s6  }
0xf: {  	[smem:$0x3F70] =	sst s7  }
0x10: {  	[smem:$0x3F71] =	sst s8  }
0x11: {  	[smem:$0x3F72] =	sst s9;
	s0 =	simm.s32 @!p0 $0x0  }
0x12: {  	s1 =	sld [smem:$0x3F58];
	s0 =	simm.s32 @p0 $0x1  }
0x13: {  	[smem:$0x3F73] =	sst s0;
	s0 =	simm.s32 @!p1 $0x0  }
0x14: {  	s2 =	sld [smem:$0x3F57];
	s0 =	simm.s32 @p1 $0x1  }
0x15: {  	[smem:$0x3F74] =	sst s0;
	s0 =	simm.s32 @!p2 $0x0  }
0x16: {  	s3 =	sld [smem:$0x3FDB];
	s0 =	simm.s32 @p2 $0x1  }
0x17: {  	s4 =	simm.s32 $0x1BF5;
	[smem:$0x3F76] =	sst s0  }
0x18: {  	s0 =	sld [smem:$0x3F59];
	_ =	swait.ge [sflag:s4], $0x0  }
0x19: {  	s7 =	sld [smem:$0x3F5A]  }
0x1a: {  	s8 =	sadd.s32 $0xFFFFE003, lr  }
0x1b: {  	s9 =	sadd.s32 $0xFFFFFEF7, lr;
	s5 =	simm.s32 $0xFFFFFFFF;
	p2 =	slt.u32 s8, $0xFFFFF086  }
0x1c: {  	p1 =	slt.u32 s9, $0xF7A;
	s5 =	simm.s32 @!p2 $0x0  }
0x1d: {  	s5 =	simm.s32 @p1 $0x1;
	p0 =	seq.s32 s7, s2  }
0x1e: {  	s7 =	smul.u32 @!p0 $0xF7A, s2;
	p2 =	seq.s32 @!p0 s5, $0x0  }
0x1f: {  	s9 =	smul.u32 $0xF7A, s1;
	s8 =	simm.s32 @!p0 $0x1BF5;
	p2 =	por !p2, p0  }
0x20: {  	[sflag:s8] =	ssyncset.s32 @!p0 $0xFFFFF086;
	s6 =	sadd.s32 @!p0 s3, s7;
	s7 =	simm.s32 @!p0 $0x108  }
0x21: {  	s3 =	sadd.s32 s3, s9;
	s6 =	sadd.s32 @!p0 $0x88, s6;
	s7 =	simm.s32 @p2 $0x1082  }
0x22: {  	[simem:s7], [sflag:s8] =	dma.local @!p0 [hbm:s6], $0xF7A  }
0x23: {  	s9 =	sor.u32 $0xD0000000, s2;
	s6 =	simm.s32 $0x108;
	_ =	swait.ge @!p0 [sflag:s8], $0x0  }
0x24: {  	s3 =	sadd.s32 $0x88, s3;
	s6 =	simm.s32 @!p1 $0x1082;
	[sflag:s4] =	ssyncset.s32 $0xFFFFF086  }
0x25: {  	[simem:s6], [sflag:s4] =	dma.local [hbm:s3], $0xF7A  }
0x26: {  	[smem:$0x3F5A] =	sst s1;
	(tag) =	ssettag s2;
	_ =	strace s9  }
0x27: {  	s1 =	sld [smem:$0x3F6A]  }
0x28: {  	s2 =	sld [smem:$0x3F6B]  }
0x29: {  	s4 =	sld [smem:$0x3F6D]  }
0x2a: {  	p0 =	seq.s32 s5, $0x0;
	s5 =	sld [smem:$0x3F6E]  }
0x2b: {  	s6 =	sld [smem:$0x3F6F]  }
0x2c: {  	s7 =	sld [smem:$0x3F70]  }
0x2d: {  	s3 =	simm.s32 $0x108;
	s8 =	sld [smem:$0x3F71]  }
0x2e: {  	s3 =	simm.s32 @!p0 $0x1082;
	s9 =	sld [smem:$0x3F72]  }
0x2f: {  	lr =	sadd.s32 s0, s3;
	s0 =	sld [smem:$0x3F69]  }
0x30: {  	s3 =	sld [smem:$0x3F6C]  }
0x31: {  	[smem:$0x3F75] =	sst s10  }
0x32: {  	s10 =	sld [smem:$0x3F73];
	_ =	sdelay $0x3  }
0x33: {  	p0 =	seq.s32 s10, $0x1;
	s10 =	sld [smem:$0x3F75];
	_ =	sdelay $0x3  }
0x34: {  	[smem:$0x3F75] =	sst s10  }
0x35: {  	s10 =	sld [smem:$0x3F74];
	_ =	sdelay $0x3  }
0x36: {  	p1 =	seq.s32 s10, $0x1;
	s10 =	sld [smem:$0x3F75];
	_ =	sdelay $0x3  }
0x37: {  	[smem:$0x3F75] =	sst s10  }
0x38: {  	s10 =	sld [smem:$0x3F76]  }
0x39: {  	_ = 	snop;
	(pc) =	sbr.ind lr, $3  }
0x3a: {  	_ = 	snop  }
0x3b: {  	_ = 	snop  }
0x3c: {  	p2 =	seq.s32 s10, $0x1;
	s10 =	sld [smem:$0x3F75]  }
0x3d: {  	_ =	shalt  }
0x3e: {  	_ =	shalt  }
0x3f: {  	_ =	shalt  }
0x40: {  	_ =	shalt  }
0x41: {  	_ =	shalt  }
0x42: {  	_ =	shalt  }
0x43: {  	_ =	shalt  }
0x44: {  	_ =	shalt  }
0x45: {  	_ =	shalt  }
0x46: {  	_ =	shalt  }
0x47: {  	_ =	shalt  }
0x48: {  	_ =	shalt  }
0x49: {  	_ =	shalt  }
0x4a: {  	_ =	shalt  }
0x4b: {  	_ =	shalt  }
0x4c: {  	_ =	shalt  }
0x4d: {  	_ =	shalt  }
0x4e: {  	_ =	shalt  }
0x4f: {  	_ =	shalt  }
0x50: {  	_ =	shalt  }
0x51: {  	_ =	shalt  }
0x52: {  	_ =	shalt  }
0x53: {  	_ =	shalt  }
0x54: {  	_ =	shalt  }
0x55: {  	_ =	shalt  }
0x56: {  	_ =	shalt  }
0x57: {  	_ =	shalt  }
0x58: {  	_ =	shalt  }
0x59: {  	_ =	shalt  }
0x5a: {  	_ =	shalt  }
0x5b: {  	_ =	shalt  }
0x5c: {  	_ =	shalt  }
0x5d: {  	_ =	shalt  }
0x5e: {  	_ =	shalt  }
0x5f: {  	_ =	shalt  }
0x60: {  	_ =	shalt  }
0x61: {  	_ =	shalt  }
0x62: {  	_ =	shalt  }
0x63: {  	_ =	shalt  }
0x64: {  	_ =	shalt  }
0x65: {  	_ =	shalt  }
0x66: {  	_ =	shalt  }
0x67: {  	_ =	shalt  }
0x68: {  	_ =	shalt  }
0x69: {  	_ =	shalt  }
0x6a: {  	_ =	shalt  }
0x6b: {  	_ =	shalt  }
0x6c: {  	_ =	shalt  }
0x6d: {  	_ =	shalt  }
0x6e: {  	_ =	shalt  }
0x6f: {  	_ =	shalt  }
0x70: {  	_ =	shalt  }
0x71: {  	_ =	shalt  }
0x72: {  	_ =	shalt  }
0x73: {  	_ =	shalt  }
0x74: {  	_ =	shalt  }
0x75: {  	_ =	shalt  }
0x76: {  	_ =	shalt  }
0x77: {  	_ =	shalt  }
0x78: {  	_ =	shalt  }
0x79: {  	_ =	shalt  }
0x7a: {  	_ =	shalt  }
0x7b: {  	_ =	shalt  }
0x7c: {  	_ =	shalt  }
0x7d: {  	_ =	shalt  }
0x7e: {  	_ =	shalt  }
0x7f: {  	_ =	shalt  }
0x80: {  	_ =	shalt  }
0x81: {  	_ =	shalt  }
0x82: {  	_ =	shalt  }
0x83: {  	_ =	shalt  }
0x84: {  	_ =	shalt  }
0x85: {  	_ =	shalt  }
0x86: {  	_ =	shalt  }
0x87: {  	_ =	shalt  }
.Lfunc_end0:
.L_simem_size_0:
called_computation.6_lowered:
.L_overlay_start_0:
0x88: {  	s2 =	sld [smem:$0x3FD9]  }
0x89: {  	s3 =	sld [smem:$0x3FFE];
	_ =	sdelay $0x1  }
0x8a: {  	s1 =	srdreg.scid  }
0x8b: {  	s0 =	sand.u32 $0x1, s1  }
0x8c: {  	s16 =	sshll.u32 s0, $0xA;
	s2 =	sadd.s32 s3, s2  }
0x8d: {  	s2 =	sadd.s32 s2, s16  }
0x8e: {  	[smem:$0x3F81] =	sst s2  }
0x8f: {  	_ = 	snop  }
0x90: {  	(tm) =	ssettm $0x1  }
0x91: {  	s17 =	sld [smem:$0x3FFB];
	_ =	sdelay $0x3  }
0x92: {  	_ =	strace s17  }
0x93: {  	s2 =	sld [smem:$0x3FFC];
	_ =	sdelay $0x3  }
0x94: {  	_ =	strace s2  }
0x95: {  	s2 =	sld [smem:$0x3FFD];
	_ =	sdelay $0x3  }
0x96: {  	_ =	strace s2  }
0x97: {  	_ =	strace $0x8FFFFFFF  }
0x98: {  	s18 =	sld [smem:$0x3FDB];
	_ =	sdelay $0x1  }
0x99: {  	s19 =	simm.s32 $_scs_section_size  }
0x9a: {  	s4 =	simm.s32 $_size__tile_overlayer_lowered;
	s5 =	simm.s32 $_tile_overlayer_lowered  }
0x9b: {  	s22 =	simm.s32 $0x1BFF;
	s21 =	sshll.u32 s5, $0x1;
	s2 =	sadd.s32 s19, s18  }
0x9c: {  	s6 =	simm.s32 $0x0;
	s20 =	sshll.u32 s4, $0x1;
	s4 =	sadd.s32 s21, s2  }
0x9d: {  	[timem:s6], [sflag:s22] =	dma.local [hbm:s4], s20  }
0x9e: {  	_ =	swait.ge [sflag:s22], s20  }
0x9f: {  	s3 =	ssub.s32 $0x0, s20;
	[sflag:s22] =	ssyncset.done $0x0  }
0xa0: {  	[sflag:s22] =	ssyncadd.s32 s3;
	_ =	sdelay $0x1  }
0xa1: {  	s23 =	simm.s32 $0x1B8B  }
0xa2: {  	_ =	swait.ge [sflag:s23], $0x1  }
0xa3: {  	[sflag:s23] =	ssyncset.done $0x0  }
0xa4: {  	s25 =	simm.s32 $0x1B8E;
	s24 =	sld [smem:$0x3FFE];
	[sflag:s23] =	ssyncadd.s32 $0xFFFFFFFF  }
0xa5: {  	s26 =	simm.s32 $execute0_lowered;
	[smem:$0x3FD2] =	sst s25  }
0xa6: {  	s4 =	sshll.u32 s26, $0x1;
	_ =	strace $0x80000049;
	[dreg:$0x1] =	wrdreg $0xFFFFFFFF  }
0xa7: {  	s28 =	simm.s32 $_size_execute0_lowered;
	s2 =	sadd.s32 s2, s4;
	[dreg:$0x0] =	wrdreg $0x0  }
0xa8: {  	s4 =	sshll.u32 s28, $0x1;
	[dreg:$0x2] =	wrdreg s2  }
0xa9: {  	[dreg:$0x3] =	wrdreg s4  }
0xaa: {  	[dreg:$0x4] =	wrdreg $0xC0  }
0xab: {  	_ =	task [dreg:s6], $0x5FFFF  }
0xac: {  	[dreg:$0x1] =	wrdreg $0xFFFFFFFF  }
0xad: {  	[dreg:$0x0] =	wrdreg $0x60  }
0xae: {  	[dreg:$0x2] =	wrdreg s24  }
0xaf: {  	[dreg:$0x3] =	wrdreg $0xA  }
0xb0: {  	_ =	task.clear_ibuf [dreg:s6], $0x4FFFF;
	_ =	strace $0x90000049  }
0xb1: {  	s29 =	simm.s32 $0xA;
	_ =	strace $0x8000004B  }
0xb2: {  	_ =	swait.ge [sflag:s29], $0x1  }
0xb3: {  	[sflag:s29] =	ssyncadd.s32 $0xFFFFFFFF  }
0xb4: {  	_ =	strace $0x9000004B  }
0xb5: {  	_ =	sfence  }
0xb6: {  	s30 =	sld [smem:$0x0];
	_ =	sdelay $0x2  }
0xb7: {  	s31 =	sshll.u32 s1, $0xD;
	s1 =	sshrl.u32 s1, $0x2  }
0xb8: {  	s3 =	sand.u32 $0x4000, s31;
	s1 =	sadd.s32 s1, s30  }
0xb9: {  	s0 =	sor.u32 s3, s0;
	s1 =	sshll.u32 s1, $0x11  }
0xba: {  	s0 =	sor.u32 s1, s0  }
0xbb: {  	s0 =	sadd.s32 $0x8F2B, s0  }
0xbc: {  	[sflag:s0] =	ssyncadd.remote.s32 $0x1  }
0xbd: {  	_ =	sfence.sel $0xFFFF  }
0xbe: {  	[dreg:$0x0] =	wrdreg $0xFFFFFFFF;
	(pc) =	sbr.abs _section_cstart, $3  }
0xbf: {  	[dreg:$0x1] =	wrdreg $0xFFFFFFFF  }
0xc0: {  	_ =	task.clear_ibuf [dreg:s6], $0x2FFFF;
	_ =	strace $0x9FFFFFFF  }
0xc1: {  	(tm) =	ssettm $0x7FFFFFFF  }
tec
execute0_lowered:
.L_overlay_start_1:
0x0: {  	(tag) =	ssettag $0x1  }
0x1: {  	s1 =	srdreg.scid  }
0x2: {  	s0 =	stileid.u32;
	s8 =	rddreg [dreg:$0x0];
	s5 =	simm.s32 $0x1  }
0x3: {  	s9 =	simm.s32 $0x1;
	s10 =	simm.s32 $0x3;
	s1 =	sshll.u32 s1, $0x5  }
0x4: {  	s13 =	simm.s32 $0x0;
	s2 =	sshll.u32 s0, $0x6;
	s3 =	sand.u32 $0x20, s1  }
0x5: {  	s12 =	simm.s32 $0x0;
	s4 =	sadd.s32 $0x600, s8;
	s2 =	sor.u32 s2, s3  }
0x6: {  	s1 =	rddreg [dreg:$0x1];
	_ =	strace $0x8000004A;
	s7 =	ssub.s32 $0x600, s2  }
.Ltmp0:
0x7: {  	s3 =	sadd.s32 $0xA00, s8;
	s6 =	sand.u32 $0x3E0, s7;
	(pc) =	sbr.rel .LBB2_1-.Ltmp0, $4  }
0x8: {  	[sflag:s5] =	ssyncpa.u1 $0x0;
	s8 =	sadd.s32 $0xE00, s8;
	p0 =	sne.s32 s6, $0x0  }
0x9: {  	s7 =	sshrl.u32 s7, $0xA;
	s6 =	simm.s32 $0x2;
	s9 =	simm.s32 @!p0 $0x0  }
0xa: {  	s11 =	smov.u32 s2;
	[sflag:s6] =	ssyncpa.u1 $0x0;
	s7 =	sadd.s32 s9, s7  }
0xb: {  	vm0 =	vmmov $0xffff;
	[sflag:s10] =	ssyncpa.u1 $0x0;
	s10 =	simm.s32 $0x0;
	s9 =	sadd.s32 $0x1, s7  }
.LBB2_5:
0xc: {  	s15 =	sadd.s32 $0x400, s11  }
0xd: {  	p1 =	sgt.s32 s15, $0x5FF  }
0xe: {  	s15 =	smov.u32 @p1 s2;
	p1 =	sne.s32 s12, s9  }
.Ltmp1:
0xf: {  	p0 =	slt.u32 s12, $0x2;
	(pc) =	sbr.rel @!p1 .LBB2_6-.Ltmp1, $4  }
0x10: {  	s14 =	simm.s32 @!p0 $0x3  }
0x11: {  	_ =	swait.ge @!p0 [sflag:s14], $0x20  }
0x12: {  	s16 =	sadd.s32 $0x1, s12;
	s13 =	smov.u32 s11;
	[sflag:s14] =	ssyncset.done @!p0 $0x0  }
0x13: {  	s12 =	smov.u32 s16;
	s11 =	smov.u32 s15;
	[sflag:s14] =	ssyncadd.s32 @!p0 $0xFFFFFFE0  }
.LBB2_1:
0x14: {  	p0 =	sge.u32 s12, s7  }
0x15: {  	s14 =	sxor.u32 @!p0 $0xFFFFFFFF, s12  }
0x16: {  	s31 =	sadd.s32 $0xFFFFFFFF, s12;
	s15 =	sshrl.u32 @!p0 s11, $0x3;
	s14 =	sshll.u32 @!p0 s14, $0x5  }
0x17: {  	s16 =	sand.u32 @!p0 $0x7, s11;
	s15 =	sadd.s32 @!p0 s4, s15;
	s14 =	sand.u32 @!p0 $0x20, s14  }
0x18: {  	[tilespmem:s14], [sflag:$0x2] =	stream.linear.gather @!p0 [hbm4b:s15+s16], $0x20, $0x38;
	[tilespmem:$0x80] =	vst v63  }
0x19: {  	p0 =	sge.u32 s31, s7  }
.Ltmp2:
0x1a: {  	_ = 	snop;
	(pc) =	sbr.rel @p0 .LBB2_5-.Ltmp2, $1  }
0x1b: {  	_ =	sdelay $0x3  }
0x1c: {  	_ =	swait.ge [sflag:s6], $0x20;
	s14 =	sshll.u32 s12, $0x5;
	s16 =	simm.s32 $0x0  }
0x1d: {  	p0 =	por $0x1, $0x1;
	[sflag:s6] =	ssyncset.done $0x0;
	s15 =	sand.u32 $0x20, s14  }
0x1e: {  	[sflag:s6] =	ssyncadd.s32 $0xFFFFFFE0;
	(ifvalue) =	ssetifvalue $0x7FFFFFFF;
	s14 =	sor.u32 $0x40, s15  }
.LBB2_3:
0x1f: {  	s17 =	sadd.s32 s16, s15  }
0x20: {  	v0 =	vld.msk [tilespmem:s17+$0x0 ss:$0x1], $0xffff;
	_ =	sdelay $0x4  }
0x21: {  	vm1 =	veq.s32 v0, $0x80000000;
	v1 =	vshrl.u32 v0, $0x1  }
0x22: {  	v2 =	vshrl.u32 v0, $0x3;
	v0 =	vshll.u32 v0, $0xC;
	v1 =	vand.u32 $0x3, v1  }
0x23: {  	v2 =	vand.u32 $0x3FF, v2;
	v0 =	vand.u32 $0x1000, v0;
	v1 =	vsel vm1, $0xFFFFFFFF, v1  }
0x24: {  	v2 =	vsel vm1, $0xFFFFFFFF, v2;
	v0 =	vsel vm1, $0xFFFFF000, v0;
	v3 =	vand.u32 $0xFFFFF000, v1  }
0x25: {  	v4 =	vand.u32 $0x7F, v2;
	v2 =	vshll.u32 v2, $0x2;
	v0 =	vadd.s32 v0, v3  }
0x26: {  	v1 =	vshll.u32 v1, $0x7;
	v2 =	vand.u32 $0xFFFFFE00, v2;
	v0 =	vor.u32 v4, v0  }
0x27: {  	v1 =	vand.u32 $0x180, v1;
	v0 =	vadd.s32 v2, v0  }
0x28: {  	p1 =	por p0, p0;
	v0 =	vor.u32 v1, v0  }
.Ltmp3:
0x29: {  	_ = 	snop;
	(pc) =	sbr.rel @p1 .LBB2_3-.Ltmp3, $4  }
0x2a: {  	_ = 	snop  }
0x2b: {  	s31 =	sadd.s32 s16, s14  }
0x2c: {  	s16 =	simm.s32 $0x10;
	p0 =	por $0x0, $0x0;
	(ifvalue) =	ssetifvalue $0x7FFFFFFF  }
0x2d: {  	[tilespmem:s31], [sflag:$0x1] =	stream.indirect_vreg.gather [hbm4b:s3+s10], $0x1, v0, vm0, $0x4038;
	[tilespmem:$0x80] =	vst v63  }
.Ltmp4:
0x2e: {  	(pc) =	sbr.rel .LBB2_5-.Ltmp4, $4  }
0x2f: {  	_ =	swait.ge [sflag:s5], $0x20  }
0x30: {  	s15 =	sshrl.u32 s13, $0x3;
	[sflag:s5] =	ssyncset.done $0x0  }
0x31: {  	s31 =	sand.u32 $0x7, s13;
	s15 =	sadd.s32 s8, s15;
	[sflag:s5] =	ssyncadd.s32 $0xFFFFFFE0  }
0x32: {  	[hbm4b:s15+s31] =	stream.linear.scatter [tilespmem:s14], [sflag:$0x3], $0x20, $0x38;
	[tilespmem:$0x80] =	vst v63  }
.LBB2_6:
0x33: {  	_ =	sfence.sel $0x180000  }
0x34: {  	s2 =	simm.s32 $0x2;
	[bflag:$0x0] =	sbarrier.arrive $0xFFFF  }
0x35: {  	s30 =	simm.s32 $0x3;
	[sflag:s2] =	ssyncpa.u1 $0x1  }
0x36: {  	s31 =	simm.s32 $0x1;
	[sflag:s30] =	ssyncpa.u1 $0x1  }
0x37: {  	[sflag:s31] =	ssyncpa.u1 $0x1  }
0x38: {  	p0 =	sne.s32 s0, $0x0;
	_ =	strace $0x9000004A  }
0x39: {  	s0 =	sadd.s32 @!p0 $0x100000, s1;
	[bflag:$0x2] =	sbarrier.arrive $0xFFFF  }
0x3a: {  	[sflag:s0] =	ssyncadd.tile.s32 @!p0 $0x1;
	_ =	shalt  }
.Lfunc_end2:
_tile_overlayer_lowered:
.L_overlay_start_2:
0x3b: {  	(tag) =	ssettag $0x2  }
0x3c: {  	s0 =	rddreg [dreg:$0x0];
	s2 =	stileid.u32  }
0x3d: {  	s1 =	rddreg [dreg:$0x1];
	p0 =	sne.s32 s2, $0x0  }
0x3e: {  	s3 =	rddreg [dreg:$0x2];
	[bflag:$0x3] =	sbarrier.arrive $0xFFFF;
	s2 =	simm.s32 @!p0 $0x1C01  }
0x3f: {  	[timem:s3], [sflag:s2] =	dma.local @!p0 [hbm:s0], s1  }
0x40: {  	s0 =	simm.s32 @!p0 $0x1  }
0x41: {  	_ =	swait.ge @!p0 [sflag:s0], s1  }
0x42: {  	s1 =	ssub.s32 @!p0 $0x0, s1;
	[sflag:s0] =	ssyncset.done @!p0 $0x0  }
0x43: {  	[sflag:s0] =	ssyncadd.s32 @!p0 s1  }
0x44: {  	[bflag:$0x3] =	sbarrier.arrive $0xFFFF  }
0x45: {  	_ =	shalt  }

// kernel: gather_offload_async_start.4
scs
__scs_entry_jumppad:
0x0: {  	(pc) =	sbr.rel $0x88, $3  }
0x1: {  	(tag) =	ssettag $0x0;
	lr =	simm.s32 $0x1  }
0x2: {  	[smem:$0x3F5A] =	sst lr;
	_ =	strace $0xD0000000  }
0x3: {  	_ = 	snop  }
0x4: {  	_ = 	snop  }
0x5: {  	_ = 	snop  }
0x6: {  	_ = 	snop  }
0x7: {  	_ = 	snop  }
__scs_overlays_trampoline_lowered:
0x8: {  	[smem:$0x3F69] =	sst s0  }
0x9: {  	[smem:$0x3F6A] =	sst s1  }
0xa: {  	[smem:$0x3F6B] =	sst s2  }
0xb: {  	[smem:$0x3F6C] =	sst s3  }
0xc: {  	[smem:$0x3F6D] =	sst s4  }
0xd: {  	[smem:$0x3F6E] =	sst s5  }
0xe: {  	[smem:$0x3F6F] =	sst s6  }
0xf: {  	[smem:$0x3F70] =	sst s7  }
0x10: {  	[smem:$0x3F71] =	sst s8  }
0x11: {  	[smem:$0x3F72] =	sst s9;
	s0 =	simm.s32 @!p0 $0x0  }
0x12: {  	s1 =	sld [smem:$0x3F58];
	s0 =	simm.s32 @p0 $0x1  }
0x13: {  	[smem:$0x3F73] =	sst s0;
	s0 =	simm.s32 @!p1 $0x0  }
0x14: {  	s2 =	sld [smem:$0x3F57];
	s0 =	simm.s32 @p1 $0x1  }
0x15: {  	[smem:$0x3F74] =	sst s0;
	s0 =	simm.s32 @!p2 $0x0  }
0x16: {  	s3 =	sld [smem:$0x3FDB];
	s0 =	simm.s32 @p2 $0x1  }
0x17: {  	s4 =	simm.s32 $0x1BF5;
	[smem:$0x3F76] =	sst s0  }
0x18: {  	s0 =	sld [smem:$0x3F59];
	_ =	swait.ge [sflag:s4], $0x0  }
0x19: {  	s7 =	sld [smem:$0x3F5A]  }
0x1a: {  	s8 =	sadd.s32 $0xFFFFE003, lr  }
0x1b: {  	s9 =	sadd.s32 $0xFFFFFEF7, lr;
	s5 =	simm.s32 $0xFFFFFFFF;
	p2 =	slt.u32 s8, $0xFFFFF086  }
0x1c: {  	p1 =	slt.u32 s9, $0xF7A;
	s5 =	simm.s32 @!p2 $0x0  }
0x1d: {  	s5 =	simm.s32 @p1 $0x1;
	p0 =	seq.s32 s7, s2  }
0x1e: {  	s7 =	smul.u32 @!p0 $0xF7A, s2;
	p2 =	seq.s32 @!p0 s5, $0x0  }
0x1f: {  	s9 =	smul.u32 $0xF7A, s1;
	s8 =	simm.s32 @!p0 $0x1BF5;
	p2 =	por !p2, p0  }
0x20: {  	[sflag:s8] =	ssyncset.s32 @!p0 $0xFFFFF086;
	s6 =	sadd.s32 @!p0 s3, s7;
	s7 =	simm.s32 @!p0 $0x108  }
0x21: {  	s3 =	sadd.s32 s3, s9;
	s6 =	sadd.s32 @!p0 $0x88, s6;
	s7 =	simm.s32 @p2 $0x1082  }
0x22: {  	[simem:s7], [sflag:s8] =	dma.local @!p0 [hbm:s6], $0xF7A  }
0x23: {  	s9 =	sor.u32 $0xD0000000, s2;
	s6 =	simm.s32 $0x108;
	_ =	swait.ge @!p0 [sflag:s8], $0x0  }
0x24: {  	s3 =	sadd.s32 $0x88, s3;
	s6 =	simm.s32 @!p1 $0x1082;
	[sflag:s4] =	ssyncset.s32 $0xFFFFF086  }
0x25: {  	[simem:s6], [sflag:s4] =	dma.local [hbm:s3], $0xF7A  }
0x26: {  	[smem:$0x3F5A] =	sst s1;
	(tag) =	ssettag s2;
	_ =	strace s9  }
0x27: {  	s1 =	sld [smem:$0x3F6A]  }
0x28: {  	s2 =	sld [smem:$0x3F6B]  }
0x29: {  	s4 =	sld [smem:$0x3F6D]  }
0x2a: {  	p0 =	seq.s32 s5, $0x0;
	s5 =	sld [smem:$0x3F6E]  }
0x2b: {  	s6 =	sld [smem:$0x3F6F]  }
0x2c: {  	s7 =	sld [smem:$0x3F70]  }
0x2d: {  	s3 =	simm.s32 $0x108;
	s8 =	sld [smem:$0x3F71]  }
0x2e: {  	s3 =	simm.s32 @!p0 $0x1082;
	s9 =	sld [smem:$0x3F72]  }
0x2f: {  	lr =	sadd.s32 s0, s3;
	s0 =	sld [smem:$0x3F69]  }
0x30: {  	s3 =	sld [smem:$0x3F6C]  }
0x31: {  	[smem:$0x3F75] =	sst s10  }
0x32: {  	s10 =	sld [smem:$0x3F73];
	_ =	sdelay $0x3  }
0x33: {  	p0 =	seq.s32 s10, $0x1;
	s10 =	sld [smem:$0x3F75];
	_ =	sdelay $0x3  }
0x34: {  	[smem:$0x3F75] =	sst s10  }
0x35: {  	s10 =	sld [smem:$0x3F74];
	_ =	sdelay $0x3  }
0x36: {  	p1 =	seq.s32 s10, $0x1;
	s10 =	sld [smem:$0x3F75];
	_ =	sdelay $0x3  }
0x37: {  	[smem:$0x3F75] =	sst s10  }
0x38: {  	s10 =	sld [smem:$0x3F76]  }
0x39: {  	_ = 	snop;
	(pc) =	sbr.ind lr, $3  }
0x3a: {  	_ = 	snop  }
0x3b: {  	_ = 	snop  }
0x3c: {  	p2 =	seq.s32 s10, $0x1;
	s10 =	sld [smem:$0x3F75]  }
0x3d: {  	_ =	shalt  }
0x3e: {  	_ =	shalt  }
0x3f: {  	_ =	shalt  }
0x40: {  	_ =	shalt  }
0x41: {  	_ =	shalt  }
0x42: {  	_ =	shalt  }
0x43: {  	_ =	shalt  }
0x44: {  	_ =	shalt  }
0x45: {  	_ =	shalt  }
0x46: {  	_ =	shalt  }
0x47: {  	_ =	shalt  }
0x48: {  	_ =	shalt  }
0x49: {  	_ =	shalt  }
0x4a: {  	_ =	shalt  }
0x4b: {  	_ =	shalt  }
0x4c: {  	_ =	shalt  }
0x4d: {  	_ =	shalt  }
0x4e: {  	_ =	shalt  }
0x4f: {  	_ =	shalt  }
0x50: {  	_ =	shalt  }
0x51: {  	_ =	shalt  }
0x52: {  	_ =	shalt  }
0x53: {  	_ =	shalt  }
0x54: {  	_ =	shalt  }
0x55: {  	_ =	shalt  }
0x56: {  	_ =	shalt  }
0x57: {  	_ =	shalt  }
0x58: {  	_ =	shalt  }
0x59: {  	_ =	shalt  }
0x5a: {  	_ =	shalt  }
0x5b: {  	_ =	shalt  }
0x5c: {  	_ =	shalt  }
0x5d: {  	_ =	shalt  }
0x5e: {  	_ =	shalt  }
0x5f: {  	_ =	shalt  }
0x60: {  	_ =	shalt  }
0x61: {  	_ =	shalt  }
0x62: {  	_ =	shalt  }
0x63: {  	_ =	shalt  }
0x64: {  	_ =	shalt  }
0x65: {  	_ =	shalt  }
0x66: {  	_ =	shalt  }
0x67: {  	_ =	shalt  }
0x68: {  	_ =	shalt  }
0x69: {  	_ =	shalt  }
0x6a: {  	_ =	shalt  }
0x6b: {  	_ =	shalt  }
0x6c: {  	_ =	shalt  }
0x6d: {  	_ =	shalt  }
0x6e: {  	_ =	shalt  }
0x6f: {  	_ =	shalt  }
0x70: {  	_ =	shalt  }
0x71: {  	_ =	shalt  }
0x72: {  	_ =	shalt  }
0x73: {  	_ =	shalt  }
0x74: {  	_ =	shalt  }
0x75: {  	_ =	shalt  }
0x76: {  	_ =	shalt  }
0x77: {  	_ =	shalt  }
0x78: {  	_ =	shalt  }
0x79: {  	_ =	shalt  }
0x7a: {  	_ =	shalt  }
0x7b: {  	_ =	shalt  }
0x7c: {  	_ =	shalt  }
0x7d: {  	_ =	shalt  }
0x7e: {  	_ =	shalt  }
0x7f: {  	_ =	shalt  }
0x80: {  	_ =	shalt  }
0x81: {  	_ =	shalt  }
0x82: {  	_ =	shalt  }
0x83: {  	_ =	shalt  }
0x84: {  	_ =	shalt  }
0x85: {  	_ =	shalt  }
0x86: {  	_ =	shalt  }
0x87: {  	_ =	shalt  }
.Lfunc_end0:
.L_simem_size_0:
called_computation.7_lowered:
.L_overlay_start_0:
0x88: {  	s2 =	sld [smem:$0x3FD9]  }
0x89: {  	s3 =	sld [smem:$0x3FFE];
	_ =	sdelay $0x1  }
0x8a: {  	s1 =	srdreg.scid  }
0x8b: {  	s0 =	sand.u32 $0x1, s1  }
0x8c: {  	s17 =	sshll.u32 s0, $0xA;
	s2 =	sadd.s32 s3, s2  }
0x8d: {  	s2 =	sadd.s32 s2, s17  }
0x8e: {  	[smem:$0x3F81] =	sst s2  }
0x8f: {  	_ = 	snop  }
0x90: {  	s2 =	sld [smem:$0x3FD0];
	(tm) =	ssettm $0x1  }
0x91: {  	s18 =	sld [smem:$0x3FFB];
	_ =	sdelay $0x3  }
0x92: {  	_ =	strace s18  }
0x93: {  	s3 =	sld [smem:$0x3FFC];
	_ =	sdelay $0x3  }
0x94: {  	_ =	strace s3  }
0x95: {  	s3 =	sld [smem:$0x3FFD];
	_ =	sdelay $0x3  }
0x96: {  	_ =	strace s3  }
0x97: {  	_ =	strace $0x8FFFFFFF  }
0x98: {  	s19 =	sld [smem:$0x3FDB];
	_ =	sdelay $0x1  }
0x99: {  	s4 =	simm.s32 $_scs_section_size  }
0x9a: {  	s5 =	simm.s32 $_size__tile_overlayer_lowered;
	s6 =	simm.s32 $_tile_overlayer_lowered  }
0x9b: {  	s22 =	simm.s32 $0x1BFF;
	s21 =	sshll.u32 s6, $0x1;
	s3 =	sadd.s32 s4, s19  }
0x9c: {  	s7 =	simm.s32 $0x0;
	s20 =	sshll.u32 s5, $0x1;
	s5 =	sadd.s32 s21, s3  }
0x9d: {  	[timem:s7], [sflag:s22] =	dma.local [hbm:s5], s20  }
0x9e: {  	_ =	swait.ge [sflag:s22], s20  }
0x9f: {  	s4 =	ssub.s32 $0x0, s20;
	[sflag:s22] =	ssyncset.done $0x0  }
0xa0: {  	[sflag:s22] =	ssyncadd.s32 s4;
	_ =	sdelay $0x1  }
0xa1: {  	s23 =	simm.s32 $0x1B8B  }
0xa2: {  	_ =	swait.ge [sflag:s23], $0x1  }
0xa3: {  	[sflag:s23] =	ssyncset.done $0x0  }
0xa4: {  	s25 =	simm.s32 $0x1B8E;
	s24 =	sld [smem:$0x3FFE];
	[sflag:s23] =	ssyncadd.s32 $0xFFFFFFFF  }
0xa5: {  	s26 =	simm.s32 $execute0_lowered;
	[smem:$0x3FD2] =	sst s25  }
0xa6: {  	s5 =	sshll.u32 s26, $0x1;
	_ =	strace $0x80000058;
	[dreg:$0x1] =	wrdreg $0xFFFFFFFF  }
0xa7: {  	s28 =	simm.s32 $_size_execute0_lowered;
	s3 =	sadd.s32 s3, s5;
	[dreg:$0x0] =	wrdreg $0x0  }
0xa8: {  	s5 =	sshll.u32 s28, $0x1;
	[dreg:$0x2] =	wrdreg s3  }
0xa9: {  	[dreg:$0x3] =	wrdreg s5  }
0xaa: {  	[dreg:$0x4] =	wrdreg $0xC0  }
0xab: {  	_ =	task [dreg:s7], $0x5FFFF  }
0xac: {  	[dreg:$0x1] =	wrdreg $0xFFFFFFFF  }
0xad: {  	[dreg:$0x0] =	wrdreg $0x60  }
0xae: {  	[dreg:$0x2] =	wrdreg s2  }
0xaf: {  	[dreg:$0x3] =	wrdreg s24  }
0xb0: {  	[dreg:$0x4] =	wrdreg $0x9  }
0xb1: {  	_ =	task.clear_ibuf [dreg:s7], $0x5FFFF;
	_ =	strace $0x90000058  }
0xb2: {  	s29 =	simm.s32 $0x9;
	_ =	strace $0x8000005A  }
0xb3: {  	_ =	swait.ge [sflag:s29], $0x1  }
0xb4: {  	[sflag:s29] =	ssyncadd.s32 $0xFFFFFFFF  }
0xb5: {  	_ =	strace $0x9000005A  }
0xb6: {  	_ =	sfence  }
0xb7: {  	s30 =	sld [smem:$0x0];
	_ =	sdelay $0x2  }
0xb8: {  	s31 =	sshll.u32 s1, $0xD;
	s1 =	sshrl.u32 s1, $0x2  }
0xb9: {  	s3 =	sand.u32 $0x4000, s31;
	s1 =	sadd.s32 s1, s30  }
0xba: {  	s0 =	sor.u32 s3, s0;
	s1 =	sshll.u32 s1, $0x11  }
0xbb: {  	s0 =	sor.u32 s1, s0  }
0xbc: {  	s0 =	sadd.s32 $0x8F2B, s0  }
0xbd: {  	[sflag:s0] =	ssyncadd.remote.s32 $0x1  }
0xbe: {  	_ =	sfence.sel $0xFFFF  }
0xbf: {  	[dreg:$0x0] =	wrdreg $0xFFFFFFFF;
	(pc) =	sbr.abs _section_cstart, $3  }
0xc0: {  	[dreg:$0x1] =	wrdreg $0xFFFFFFFF  }
0xc1: {  	_ =	task.clear_ibuf [dreg:s7], $0x2FFFF;
	_ =	strace $0x9FFFFFFF  }
0xc2: {  	(tm) =	ssettm $0x7FFFFFFF  }
0xc3: {  	_ =	shalt  }
tec
execute0_lowered:
.L_overlay_start_1:
0x0: {  	(tag) =	ssettag $0x1  }
0x1: {  	s1 =	srdreg.scid;
	s2 =	rddreg [dreg:$0x0]  }
0x2: {  	s0 =	stileid.u32;
	s5 =	rddreg [dreg:$0x1];
	s6 =	simm.s32 $0x1  }
0x3: {  	s9 =	simm.s32 $0x1;
	s10 =	simm.s32 $0x3;
	s1 =	sshll.u32 s1, $0xB  }
0x4: {  	s13 =	simm.s32 $0x0;
	s3 =	sshll.u32 s0, $0xC;
	s4 =	sand.u32 $0x800, s1  }
0x5: {  	s12 =	simm.s32 $0x0;
	s1 =	rddreg [dreg:$0x2];
	s3 =	sor.u32 s3, s4  }
0x6: {  	_ =	strace $0x80000059;
	s4 =	sadd.s32 $0x4600, s5;
	s8 =	ssub.s32 $0x18000, s3  }
.Ltmp0:
0x7: {  	s5 =	sadd.s32 $0x1600, s5;
	s7 =	sand.u32 $0xF800, s8;
	(pc) =	sbr.rel .LBB2_1-.Ltmp0, $4  }
0x8: {  	[sflag:s6] =	ssyncpa.u1 $0x0;
	s11 =	smov.u32 s3;
	p0 =	sne.s32 s7, $0x0  }
0x9: {  	s8 =	sshrl.u32 s8, $0x10;
	s7 =	simm.s32 $0x2;
	s9 =	simm.s32 @!p0 $0x0  }
0xa: {  	[sflag:s7] =	ssyncpa.u1 $0x0;
	p0 =	por $0x0, $0x0;
	s8 =	sadd.s32 s9, s8  }
0xb: {  	vm0 =	vmmov $0xffff;
	v0 =	vimm.s32 $0x0;
	[sflag:s10] =	ssyncpa.u1 $0x0;
	s10 =	simm.s32 $0x0;
	s9 =	sadd.s32 $0x1, s8  }
.LBB2_4:
0xc: {  	v2 =	vand.u32 $0xFF, v2;
	v5 =	vsel vm2, $0x30000, v0;
	v4 =	vand.u32 $0x30000, v4  }
0xd: {  	v3 =	vsel vm1, $0xFFFFFFFF, v3;
	v2 =	vsel vm1, $0xFFFFFFFF, v2;
	v4 =	vadd.s32 v4, v5  }
0xe: {  	v6 =	vshll.u32 v3, $0x8;
	v63 =	vand.u32 $0x7F, v2;
	v4 =	vsel vm1, $0xFFFC0000, v4  }
0xf: {  	v6 =	vand.u32 $0xFFFFF800, v6;
	v2 =	vshll.u32 v2, $0x3;
	v4 =	vor.u32 v4, v63  }
0x10: {  	v3 =	vshll.u32 v3, $0x7;
	v2 =	vand.u32 $0xFFFFFC00, v2;
	v4 =	vadd.s32 v6, v4  }
0x11: {  	v3 =	vand.u32 $0x380, v3;
	v2 =	vadd.s32 v2, v4  }
0x12: {  	v2 =	vor.u32 v3, v2;
	_ =	sdelay $0x1  }
0x13: {  	(ifvalue) =	ssetifvalue $0x7FFFFFFF;
	s14 =	sadd.s32 $0x10, s14  }
0x14: {  	[tilespmem:s14], [sflag:$0x1] =	stream.indirect_vreg.gather [hbm4b:s2+s10], $0x1, v1, vm0, $0x4038;
	[tilespmem:$0x2000] =	vst v63  }
0x15: {  	(ifvalue) =	ssetifvalue $0x7FFFFFFF;
	s14 =	sadd.s32 $0x10, s14  }
0x16: {  	[tilespmem:s14], [sflag:$0x1] =	stream.indirect_vreg.gather [hbm4b:s2+s10], $0x1, v2, vm0, $0x4038;
	[tilespmem:$0x2000] =	vst v63  }
0x17: {  	_ =	swait.ge [sflag:s6], $0x800  }
0x18: {  	s30 =	sshrl.u32 s13, $0x3;
	[sflag:s6] =	ssyncset.done $0x0  }
0x19: {  	s31 =	sand.u32 $0x7, s13;
	s14 =	sadd.s32 s5, s30;
	[sflag:s6] =	ssyncadd.s32 $0xFFFFF800  }
0x1a: {  	[hbm4b:s14+s31] =	stream.linear.scatter [tilespmem:s15], [sflag:$0x3], $0x800, $0x38;
	[tilespmem:$0x2000] =	vst v63  }
.LBB2_5:
0x1b: {  	s15 =	sadd.s32 $0x10000, s11  }
0x1c: {  	p2 =	sgt.s32 s15, $0x17FFF  }
0x1d: {  	s15 =	smov.u32 @p2 s3;
	p2 =	sne.s32 s12, s9  }
.Ltmp1:
0x1e: {  	p1 =	slt.u32 s12, $0x2;
	(pc) =	sbr.rel @!p2 .LBB2_6-.Ltmp1, $4  }
0x1f: {  	s14 =	simm.s32 @!p1 $0x3  }
0x20: {  	s16 =	sadd.s32 $0x1, s12;
	_ =	swait.ge @!p1 [sflag:s14], $0x800  }
0x21: {  	s13 =	smov.u32 s11;
	p0 =	por !p0, !p0;
	[sflag:s14] =	ssyncset.done @!p1 $0x0  }
0x22: {  	s12 =	smov.u32 s16;
	s11 =	smov.u32 s15;
	[sflag:s14] =	ssyncadd.s32 @!p1 $0xFFFFF800  }
.LBB2_1:
0x23: {  	p1 =	sge.u32 s12, s8  }
0x24: {  	s14 =	sxor.u32 @!p1 $0xFFFFFFFF, s12  }
0x25: {  	s31 =	sadd.s32 $0xFFFFFFFF, s12;
	s15 =	sshrl.u32 @!p1 s11, $0x3;
	s14 =	sshll.u32 @!p1 s14, $0xB  }
0x26: {  	s16 =	sand.u32 @!p1 $0x7, s11;
	s15 =	sadd.s32 @!p1 s4, s15;
	s14 =	sand.u32 @!p1 $0x800, s14  }
0x27: {  	[tilespmem:s14], [sflag:$0x2] =	stream.linear.gather @!p1 [hbm4b:s15+s16], $0x800, $0x38;
	[tilespmem:$0x2000] =	vst v63  }
0x28: {  	p1 =	sge.u32 s31, s8  }
.Ltmp2:
0x29: {  	_ = 	snop;
	(pc) =	sbr.rel @p1 .LBB2_5-.Ltmp2, $1  }
0x2a: {  	_ =	sdelay $0x3  }
0x2b: {  	s14 =	simm.s32 $0x1  }
0x2c: {  	_ =	swait.ge [sflag:s7], $0x800;
	s14 =	simm.s32 @!p0 $0x0  }
0x2d: {  	[sflag:s7] =	ssyncset.done $0x0;
	s14 =	sshll.u32 s14, $0xB  }
0x2e: {  	[sflag:s7] =	ssyncadd.s32 $0xFFFFF800;
	(ifvalue) =	ssetifvalue $0x7FFFFFFF;
	v1 =	vld.msk [tilespmem:s14+$0x0 ss:$0x1], $0xffff;
	_ =	sdelay $0x4  }
0x2f: {  	vm1 =	veq.s32 v1, $0x80000000;
	v2 =	vshrl.u32 v1, $0x1  }
0x30: {  	s15 =	sadd.s32 $0x10, s14;
	v3 =	vshrl.u32 v1, $0xB;
	v4 =	vand.u32 $0x1, v1;
	v1 =	vshll.u32 v1, $0x7  }
0x31: {  	v5 =	vld.msk [tilespmem:s15+$0x0 ss:$0x1], $0xffff;
	v2 =	vand.u32 $0xFF, v2;
	vm2 =	veq.s32 v4, $0x1;
	v3 =	vand.u32 $0xFF, v3  }
0x32: {  	v1 =	vand.u32 $0x30000, v1;
	v4 =	vsel vm2, $0x30000, v0;
	v3 =	vsel vm1, $0xFFFFFFFF, v3  }
0x33: {  	v2 =	vsel vm1, $0xFFFFFFFF, v2;
	v1 =	vadd.s32 v1, v4;
	v4 =	vand.u32 $0x7F, v3  }
0x34: {  	v6 =	vshll.u32 v2, $0x8;
	v3 =	vshll.u32 v3, $0x3;
	v2 =	vshll.u32 v2, $0x7  }
0x35: {  	v1 =	vsel vm1, $0xFFFC0000, v1;
	v6 =	vand.u32 $0xFFFFF800, v6;
	v3 =	vand.u32 $0xFFFFFC00, v3  }
0x36: {  	v2 =	vand.u32 $0x380, v2;
	v1 =	vor.u32 v1, v4;
	v4 =	vand.u32 $0x1, v5  }
0x37: {  	vm1 =	veq.s32 v5, $0x80000000;
	v1 =	vadd.s32 v6, v1;
	vm2 =	veq.s32 v4, $0x1  }
0x38: {  	v4 =	vshll.u32 v5, $0x7;
	v1 =	vadd.s32 v3, v1;
	v3 =	vshrl.u32 v5, $0xB  }
0x39: {  	v4 =	vand.u32 $0x30000, v4;
	v1 =	vor.u32 v2, v1;
	v2 =	vshrl.u32 v5, $0x1  }
0x3a: {  	s17 =	sadd.s32 $0x10, s15;
	v3 =	vand.u32 $0xFF, v3;
	v5 =	vsel vm2, $0x30000, v0;
	v2 =	vand.u32 $0xFF, v2  }
0x3b: {  	v6 =	vld.msk [tilespmem:s17+$0x0 ss:$0x1], $0xffff;
	v3 =	vsel vm1, $0xFFFFFFFF, v3;
	v4 =	vadd.s32 v4, v5;
	v2 =	vsel vm1, $0xFFFFFFFF, v2  }
0x3c: {  	v5 =	vand.u32 $0x7F, v3;
	v4 =	vsel vm1, $0xFFFC0000, v4;
	v7 =	vshll.u32 v2, $0x8  }
0x3d: {  	v3 =	vshll.u32 v3, $0x3;
	v4 =	vor.u32 v4, v5;
	v7 =	vand.u32 $0xFFFFF800, v7  }
0x3e: {  	v3 =	vand.u32 $0xFFFFFC00, v3;
	v2 =	vshll.u32 v2, $0x7;
	v4 =	vadd.s32 v7, v4  }
0x3f: {  	s31 =	sshll.u32 s12, $0xB;
	s14 =	sor.u32 $0x1000, s14;
	(ifvalue) =	ssetifvalue $0x7FFFFFFF;
	v2 =	vand.u32 $0x380, v2;
	v3 =	vadd.s32 v3, v4  }
0x40: {  	vm1 =	veq.s32 v6, $0x80000000;
	[tilespmem:s14], [sflag:$0x1] =	stream.indirect_vreg.gather [hbm4b:s2+s10], $0x1, v1, vm0, $0x4038;
	v1 =	vor.u32 v2, v3;
	[tilespmem:$0x2000] =	vst v63  }
0x41: {  	s15 =	sand.u32 $0x800, s31;
	v4 =	vand.u32 $0x1, v6;
	v3 =	vshrl.u32 v6, $0x1;
	v2 =	vshrl.u32 v6, $0xB  }
0x42: {  	s16 =	simm.s32 $0x20;
	s15 =	sor.u32 $0x1000, s15;
	s17 =	sadd.s32 $0x10, s17;
	vm2 =	veq.s32 v4, $0x1;
	v4 =	vshll.u32 v6, $0x7;
	v3 =	vand.u32 $0xFF, v3  }
.LBB2_3:
0x43: {  	v5 =	vld.msk [tilespmem:s17+$0x0 ss:$0x1], $0xffff;
	v2 =	vand.u32 $0xFF, v2;
	v6 =	vsel vm2, $0x30000, v0;
	v4 =	vand.u32 $0x30000, v4  }
0x44: {  	v3 =	vsel vm1, $0xFFFFFFFF, v3;
	s14 =	sadd.s32 $0x10, s14;
	s16 =	sadd.s32 $0x10, s16;
	v2 =	vsel vm1, $0xFFFFFFFF, v2;
	v4 =	vadd.s32 v4, v6;
	(ifvalue) =	ssetifvalue $0x7FFFFFFF  }
0x45: {  	v7 =	vshll.u32 v3, $0x8;
	v6 =	vand.u32 $0x7F, v2;
	v4 =	vsel vm1, $0xFFFC0000, v4;
	[tilespmem:s14], [sflag:$0x1] =	stream.indirect_vreg.gather [hbm4b:s2+s10], $0x1, v1, vm0, $0x4038;
	[tilespmem:$0x2000] =	vst v63  }
0x46: {  	p1 =	slt.u32 s16, $0x7F0;
	v1 =	vand.u32 $0xFFFFF800, v7;
	v2 =	vshll.u32 v2, $0x3;
	v4 =	vor.u32 v4, v6  }
.Ltmp3:
0x47: {  	v3 =	vshll.u32 v3, $0x7;
	v2 =	vand.u32 $0xFFFFFC00, v2;
	v1 =	vadd.s32 v1, v4;
	(pc) =	sbr.rel @p1 .LBB2_3-.Ltmp3, $4  }
0x48: {  	v3 =	vand.u32 $0x380, v3;
	v1 =	vadd.s32 v2, v1  }
0x49: {  	vm1 =	veq.s32 v5, $0x80000000;
	v1 =	vor.u32 v3, v1  }
0x4a: {  	v2 =	vshrl.u32 v5, $0xB;
	v4 =	vand.u32 $0x1, v5;
	v3 =	vshrl.u32 v5, $0x1  }
0x4b: {  	s17 =	sadd.s32 $0x10, s17;
	vm2 =	veq.s32 v4, $0x1;
	v4 =	vshll.u32 v5, $0x7;
	v3 =	vand.u32 $0xFF, v3  }
.Ltmp4:
0x4c: {  	_ = 	snop;
	(pc) =	sbr.rel .LBB2_4-.Ltmp4, $1  }
0x4d: {  	_ =	sdelay $0x3  }
.LBB2_6:
0x4e: {  	_ =	sfence.sel $0x180000  }
0x4f: {  	s2 =	simm.s32 $0x2;
	[bflag:$0x0] =	sbarrier.arrive $0xFFFF  }
0x50: {  	s30 =	simm.s32 $0x3;
	[sflag:s2] =	ssyncpa.u1 $0x1  }
0x51: {  	s31 =	simm.s32 $0x1;
	[sflag:s30] =	ssyncpa.u1 $0x1  }
0x52: {  	[sflag:s31] =	ssyncpa.u1 $0x1  }
0x53: {  	p0 =	sne.s32 s0, $0x0;
	_ =	strace $0x90000059  }
0x54: {  	s0 =	sadd.s32 @!p0 $0x100000, s1;
	[bflag:$0x2] =	sbarrier.arrive $0xFFFF  }
0x55: {  	[sflag:s0] =	ssyncadd.tile.s32 @!p0 $0x1;
	_ =	shalt  }
.Lfunc_end2:
_tile_overlayer_lowered:
.L_overlay_start_2:
0x56: {  	(tag) =	ssettag $0x2  }
0x57: {  	s0 =	rddreg [dreg:$0x0];
	s2 =	stileid.u32  }
0x58: {  	s1 =	rddreg [dreg:$0x1];
	p0 =	sne.s32 s2, $0x0  }
0x59: {  	s3 =	rddreg [dreg:$0x2];
	[bflag:$0x3] =	sbarrier.arrive $0xFFFF;
	s2 =	simm.s32 @!p0 $0x1C01  }
0x5a: {  	[timem:s3], [sflag:s2] =	dma.local @!p0 [hbm:s0], s1  }
0x5b: {  	s0 =	simm.s32 @!p0 $0x1  }
0x5c: {  	_ =	swait.ge @!p0 [sflag:s0], s1  }
0x5d: {  	s1 =	ssub.s32 @!p0 $0x0, s1;
	[sflag:s0] =	ssyncset.done @!p0 $0x0  }
0x5e: {  	[sflag:s0] =	ssyncadd.s32 @!p0 s1  }
0x5f: {  	[bflag:$0x3] =	sbarrier.arrive $0xFFFF  }
0x60: {  	_ =	shalt  }

// kernel: gather_offload_async_start
scs
__scs_entry_jumppad:
0x0: {  	(pc) =	sbr.rel $0x88, $3  }
0x1: {  	(tag) =	ssettag $0x0;
	lr =	simm.s32 $0x1  }
0x2: {  	[smem:$0x3F5A] =	sst lr;
	_ =	strace $0xD0000000  }
0x3: {  	_ = 	snop  }
0x4: {  	_ = 	snop  }
0x5: {  	_ = 	snop  }
0x6: {  	_ = 	snop  }
0x7: {  	_ = 	snop  }
__scs_overlays_trampoline_lowered:
0x8: {  	[smem:$0x3F69] =	sst s0  }
0x9: {  	[smem:$0x3F6A] =	sst s1  }
0xa: {  	[smem:$0x3F6B] =	sst s2  }
0xb: {  	[smem:$0x3F6C] =	sst s3  }
0xc: {  	[smem:$0x3F6D] =	sst s4  }
0xd: {  	[smem:$0x3F6E] =	sst s5  }
0xe: {  	[smem:$0x3F6F] =	sst s6  }
0xf: {  	[smem:$0x3F70] =	sst s7  }
0x10: {  	[smem:$0x3F71] =	sst s8  }
0x11: {  	[smem:$0x3F72] =	sst s9;
	s0 =	simm.s32 @!p0 $0x0  }
0x12: {  	s1 =	sld [smem:$0x3F58];
	s0 =	simm.s32 @p0 $0x1  }
0x13: {  	[smem:$0x3F73] =	sst s0;
	s0 =	simm.s32 @!p1 $0x0  }
0x14: {  	s2 =	sld [smem:$0x3F57];
	s0 =	simm.s32 @p1 $0x1  }
0x15: {  	[smem:$0x3F74] =	sst s0;
	s0 =	simm.s32 @!p2 $0x0  }
0x16: {  	s3 =	sld [smem:$0x3FDB];
	s0 =	simm.s32 @p2 $0x1  }
0x17: {  	s4 =	simm.s32 $0x1BF5;
	[smem:$0x3F76] =	sst s0  }
0x18: {  	s0 =	sld [smem:$0x3F59];
	_ =	swait.ge [sflag:s4], $0x0  }
0x19: {  	s7 =	sld [smem:$0x3F5A]  }
0x1a: {  	s8 =	sadd.s32 $0xFFFFE003, lr  }
0x1b: {  	s9 =	sadd.s32 $0xFFFFFEF7, lr;
	s5 =	simm.s32 $0xFFFFFFFF;
	p2 =	slt.u32 s8, $0xFFFFF086  }
0x1c: {  	p1 =	slt.u32 s9, $0xF7A;
	s5 =	simm.s32 @!p2 $0x0  }
0x1d: {  	s5 =	simm.s32 @p1 $0x1;
	p0 =	seq.s32 s7, s2  }
0x1e: {  	s7 =	smul.u32 @!p0 $0xF7A, s2;
	p2 =	seq.s32 @!p0 s5, $0x0  }
0x1f: {  	s9 =	smul.u32 $0xF7A, s1;
	s8 =	simm.s32 @!p0 $0x1BF5;
	p2 =	por !p2, p0  }
0x20: {  	[sflag:s8] =	ssyncset.s32 @!p0 $0xFFFFF086;
	s6 =	sadd.s32 @!p0 s3, s7;
	s7 =	simm.s32 @!p0 $0x108  }
0x21: {  	s3 =	sadd.s32 s3, s9;
	s6 =	sadd.s32 @!p0 $0x88, s6;
	s7 =	simm.s32 @p2 $0x1082  }
0x22: {  	[simem:s7], [sflag:s8] =	dma.local @!p0 [hbm:s6], $0xF7A  }
0x23: {  	s9 =	sor.u32 $0xD0000000, s2;
	s6 =	simm.s32 $0x108;
	_ =	swait.ge @!p0 [sflag:s8], $0x0  }
0x24: {  	s3 =	sadd.s32 $0x88, s3;
	s6 =	simm.s32 @!p1 $0x1082;
	[sflag:s4] =	ssyncset.s32 $0xFFFFF086  }
0x25: {  	[simem:s6], [sflag:s4] =	dma.local [hbm:s3], $0xF7A  }
0x26: {  	[smem:$0x3F5A] =	sst s1;
	(tag) =	ssettag s2;
	_ =	strace s9  }
0x27: {  	s1 =	sld [smem:$0x3F6A]  }
0x28: {  	s2 =	sld [smem:$0x3F6B]  }
0x29: {  	s4 =	sld [smem:$0x3F6D]  }
0x2a: {  	p0 =	seq.s32 s5, $0x0;
	s5 =	sld [smem:$0x3F6E]  }
0x2b: {  	s6 =	sld [smem:$0x3F6F]  }
0x2c: {  	s7 =	sld [smem:$0x3F70]  }
0x2d: {  	s3 =	simm.s32 $0x108;
	s8 =	sld [smem:$0x3F71]  }
0x2e: {  	s3 =	simm.s32 @!p0 $0x1082;
	s9 =	sld [smem:$0x3F72]  }
0x2f: {  	lr =	sadd.s32 s0, s3;
	s0 =	sld [smem:$0x3F69]  }
0x30: {  	s3 =	sld [smem:$0x3F6C]  }
0x31: {  	[smem:$0x3F75] =	sst s10  }
0x32: {  	s10 =	sld [smem:$0x3F73];
	_ =	sdelay $0x3  }
0x33: {  	p0 =	seq.s32 s10, $0x1;
	s10 =	sld [smem:$0x3F75];
	_ =	sdelay $0x3  }
0x34: {  	[smem:$0x3F75] =	sst s10  }
0x35: {  	s10 =	sld [smem:$0x3F74];
	_ =	sdelay $0x3  }
0x36: {  	p1 =	seq.s32 s10, $0x1;
	s10 =	sld [smem:$0x3F75];
	_ =	sdelay $0x3  }
0x37: {  	[smem:$0x3F75] =	sst s10  }
0x38: {  	s10 =	sld [smem:$0x3F76]  }
0x39: {  	_ = 	snop;
	(pc) =	sbr.ind lr, $3  }
0x3a: {  	_ = 	snop  }
0x3b: {  	_ = 	snop  }
0x3c: {  	p2 =	seq.s32 s10, $0x1;
	s10 =	sld [smem:$0x3F75]  }
0x3d: {  	_ =	shalt  }
0x3e: {  	_ =	shalt  }
0x3f: {  	_ =	shalt  }
0x40: {  	_ =	shalt  }
0x41: {  	_ =	shalt  }
0x42: {  	_ =	shalt  }
0x43: {  	_ =	shalt  }
0x44: {  	_ =	shalt  }
0x45: {  	_ =	shalt  }
0x46: {  	_ =	shalt  }
0x47: {  	_ =	shalt  }
0x48: {  	_ =	shalt  }
0x49: {  	_ =	shalt  }
0x4a: {  	_ =	shalt  }
0x4b: {  	_ =	shalt  }
0x4c: {  	_ =	shalt  }
0x4d: {  	_ =	shalt  }
0x4e: {  	_ =	shalt  }
0x4f: {  	_ =	shalt  }
0x50: {  	_ =	shalt  }
0x51: {  	_ =	shalt  }
0x52: {  	_ =	shalt  }
0x53: {  	_ =	shalt  }
0x54: {  	_ =	shalt  }
0x55: {  	_ =	shalt  }
0x56: {  	_ =	shalt  }
0x57: {  	_ =	shalt  }
0x58: {  	_ =	shalt  }
0x59: {  	_ =	shalt  }
0x5a: {  	_ =	shalt  }
0x5b: {  	_ =	shalt  }
0x5c: {  	_ =	shalt  }
0x5d: {  	_ =	shalt  }
0x5e: {  	_ =	shalt  }
0x5f: {  	_ =	shalt  }
0x60: {  	_ =	shalt  }
0x61: {  	_ =	shalt  }
0x62: {  	_ =	shalt  }
0x63: {  	_ =	shalt  }
0x64: {  	_ =	shalt  }
0x65: {  	_ =	shalt  }
0x66: {  	_ =	shalt  }
0x67: {  	_ =	shalt  }
0x68: {  	_ =	shalt  }
0x69: {  	_ =	shalt  }
0x6a: {  	_ =	shalt  }
0x6b: {  	_ =	shalt  }
0x6c: {  	_ =	shalt  }
0x6d: {  	_ =	shalt  }
0x6e: {  	_ =	shalt  }
0x6f: {  	_ =	shalt  }
0x70: {  	_ =	shalt  }
0x71: {  	_ =	shalt  }
0x72: {  	_ =	shalt  }
0x73: {  	_ =	shalt  }
0x74: {  	_ =	shalt  }
0x75: {  	_ =	shalt  }
0x76: {  	_ =	shalt  }
0x77: {  	_ =	shalt  }
0x78: {  	_ =	shalt  }
0x79: {  	_ =	shalt  }
0x7a: {  	_ =	shalt  }
0x7b: {  	_ =	shalt  }
0x7c: {  	_ =	shalt  }
0x7d: {  	_ =	shalt  }
0x7e: {  	_ =	shalt  }
0x7f: {  	_ =	shalt  }
0x80: {  	_ =	shalt  }
0x81: {  	_ =	shalt  }
0x82: {  	_ =	shalt  }
0x83: {  	_ =	shalt  }
0x84: {  	_ =	shalt  }
0x85: {  	_ =	shalt  }
0x86: {  	_ =	shalt  }
0x87: {  	_ =	shalt  }
.Lfunc_end0:
.L_simem_size_0:
called_computation.3_lowered:
.L_overlay_start_0:
0x88: {  	s2 =	sld [smem:$0x3FD9]  }
0x89: {  	s3 =	sld [smem:$0x3FFE];
	_ =	sdelay $0x1  }
0x8a: {  	s1 =	srdreg.scid  }
0x8b: {  	s0 =	sand.u32 $0x1, s1  }
0x8c: {  	s17 =	sshll.u32 s0, $0xA;
	s2 =	sadd.s32 s3, s2  }
0x8d: {  	s2 =	sadd.s32 s2, s17  }
0x8e: {  	[smem:$0x3F81] =	sst s2  }
0x8f: {  	_ = 	snop  }
0x90: {  	s2 =	sld [smem:$0x3FD0];
	(tm) =	ssettm $0x1  }
0x91: {  	s18 =	sld [smem:$0x3FFB];
	_ =	sdelay $0x3  }
0x92: {  	_ =	strace s18  }
0x93: {  	s3 =	sld [smem:$0x3FFC];
	_ =	sdelay $0x3  }
0x94: {  	_ =	strace s3  }
0x95: {  	s3 =	sld [smem:$0x3FFD];
	_ =	sdelay $0x3  }
0x96: {  	_ =	strace s3  }
0x97: {  	_ =	strace $0x8FFFFFFF  }
0x98: {  	s19 =	sld [smem:$0x3FDB];
	_ =	sdelay $0x1  }
0x99: {  	s4 =	simm.s32 $_scs_section_size  }
0x9a: {  	s5 =	simm.s32 $_size__tile_overlayer_lowered;
	s6 =	simm.s32 $_tile_overlayer_lowered  }
0x9b: {  	s22 =	simm.s32 $0x1BFF;
	s21 =	sshll.u32 s6, $0x1;
	s3 =	sadd.s32 s4, s19  }
0x9c: {  	s7 =	simm.s32 $0x0;
	s20 =	sshll.u32 s5, $0x1;
	s5 =	sadd.s32 s21, s3  }
0x9d: {  	[timem:s7], [sflag:s22] =	dma.local [hbm:s5], s20  }
0x9e: {  	_ =	swait.ge [sflag:s22], s20  }
0x9f: {  	s4 =	ssub.s32 $0x0, s20;
	[sflag:s22] =	ssyncset.done $0x0  }
0xa0: {  	[sflag:s22] =	ssyncadd.s32 s4;
	_ =	sdelay $0x1  }
0xa1: {  	s23 =	simm.s32 $0x1B8B  }
0xa2: {  	_ =	swait.ge [sflag:s23], $0x1  }
0xa3: {  	[sflag:s23] =	ssyncset.done $0x0  }
0xa4: {  	s25 =	simm.s32 $0x1B8E;
	s24 =	sld [smem:$0x3FFE];
	[sflag:s23] =	ssyncadd.s32 $0xFFFFFFFF  }
0xa5: {  	s26 =	simm.s32 $execute0_lowered;
	[smem:$0x3FD2] =	sst s25  }
0xa6: {  	s5 =	sshll.u32 s26, $0x1;
	_ =	strace $0x80000052;
	[dreg:$0x1] =	wrdreg $0xFFFFFFFF  }
0xa7: {  	s28 =	simm.s32 $_size_execute0_lowered;
	s3 =	sadd.s32 s3, s5;
	[dreg:$0x0] =	wrdreg $0x0  }
0xa8: {  	s5 =	sshll.u32 s28, $0x1;
	[dreg:$0x2] =	wrdreg s3  }
0xa9: {  	[dreg:$0x3] =	wrdreg s5  }
0xaa: {  	[dreg:$0x4] =	wrdreg $0xC0  }
0xab: {  	_ =	task [dreg:s7], $0x5FFFF  }
0xac: {  	[dreg:$0x1] =	wrdreg $0xFFFFFFFF  }
0xad: {  	[dreg:$0x0] =	wrdreg $0x60  }
0xae: {  	[dreg:$0x2] =	wrdreg s24  }
0xaf: {  	[dreg:$0x3] =	wrdreg s2  }
0xb0: {  	[dreg:$0x4] =	wrdreg $0x9  }
0xb1: {  	_ =	task.clear_ibuf [dreg:s7], $0x5FFFF;
	_ =	strace $0x90000052  }
0xb2: {  	s29 =	simm.s32 $0x9;
	_ =	strace $0x80000054  }
0xb3: {  	_ =	swait.ge [sflag:s29], $0x1  }
0xb4: {  	[sflag:s29] =	ssyncadd.s32 $0xFFFFFFFF  }
0xb5: {  	_ =	strace $0x90000054  }
0xb6: {  	_ =	sfence  }
0xb7: {  	s30 =	sld [smem:$0x0];
	_ =	sdelay $0x2  }
0xb8: {  	s31 =	sshll.u32 s1, $0xD;
	s1 =	sshrl.u32 s1, $0x2  }
0xb9: {  	s3 =	sand.u32 $0x4000, s31;
	s1 =	sadd.s32 s1, s30  }
0xba: {  	s0 =	sor.u32 s3, s0;
	s1 =	sshll.u32 s1, $0x11  }
0xbb: {  	s0 =	sor.u32 s1, s0  }
0xbc: {  	s0 =	sadd.s32 $0x8F2B, s0  }
0xbd: {  	[sflag:s0] =	ssyncadd.remote.s32 $0x1  }
0xbe: {  	_ =	sfence.sel $0xFFFF  }
0xbf: {  	[dreg:$0x0] =	wrdreg $0xFFFFFFFF;
	(pc) =	sbr.abs _section_cstart, $3  }
0xc0: {  	[dreg:$0x1] =	wrdreg $0xFFFFFFFF  }
0xc1: {  	_ =	task.clear_ibuf [dreg:s7], $0x2FFFF;
	_ =	strace $0x9FFFFFFF  }
0xc2: {  	(tm) =	ssettm $0x7FFFFFFF  }
0xc3: {  	_ =	shalt  }
tec
execute0_lowered:
.L_overlay_start_1:
0x0: {  	(tag) =	ssettag $0x1  }
0x1: {  	s1 =	srdreg.scid;
	s5 =	rddreg [dreg:$0x0]  }
0x2: {  	s0 =	stileid.u32;
	s2 =	rddreg [dreg:$0x1];
	s6 =	simm.s32 $0x1  }
0x3: {  	s9 =	simm.s32 $0x1;
	s10 =	simm.s32 $0x3;
	s1 =	sshll.u32 s1, $0xC  }
0x4: {  	s13 =	simm.s32 $0x0;
	s3 =	sshll.u32 s0, $0xD;
	s4 =	sand.u32 $0x1000, s1  }
0x5: {  	s12 =	simm.s32 $0x0;
	s1 =	rddreg [dreg:$0x2];
	s3 =	sor.u32 s3, s4  }
0x6: {  	_ =	strace $0x80000053;
	s4 =	sadd.s32 $0x20A00, s5;
	s8 =	ssub.s32 $0x30000, s3  }
.Ltmp0:
0x7: {  	s5 =	sadd.s32 $0x58E00, s5;
	s7 =	sand.u32 $0x1F000, s8;
	(pc) =	sbr.rel .LBB2_1-.Ltmp0, $4  }
0x8: {  	[sflag:s6] =	ssyncpa.u1 $0x0;
	s11 =	smov.u32 s3;
	p0 =	sne.s32 s7, $0x0  }
0x9: {  	s8 =	sshrl.u32 s8, $0x11;
	s7 =	simm.s32 $0x2;
	s9 =	simm.s32 @!p0 $0x0  }
0xa: {  	[sflag:s7] =	ssyncpa.u1 $0x0;
	p0 =	por $0x0, $0x0;
	s8 =	sadd.s32 s9, s8  }
0xb: {  	vm0 =	vmmov $0xffff;
	v0 =	vimm.s32 $0x0;
	[sflag:s10] =	ssyncpa.u1 $0x0;
	s10 =	simm.s32 $0x0;
	s9 =	sadd.s32 $0x1, s8  }
.LBB2_4:
0xc: {  	v2 =	vand.u32 $0xFFF, v2;
	v5 =	vsel vm2, $0x60000, v0;
	v4 =	vand.u32 $0x60000, v4  }
0xd: {  	v3 =	vsel vm1, $0xFFFFFFFF, v3;
	v2 =	vsel vm1, $0xFFFFFFFF, v2;
	v4 =	vadd.s32 v4, v5  }
0xe: {  	v6 =	vshll.u32 v3, $0xC;
	v63 =	vand.u32 $0x7F, v2;
	v4 =	vsel vm1, $0xFFF80000, v4  }
0xf: {  	v6 =	vand.u32 $0xFFFF8000, v6;
	v2 =	vshll.u32 v2, $0x3;
	v4 =	vor.u32 v4, v63  }
0x10: {  	v3 =	vshll.u32 v3, $0x7;
	v2 =	vand.u32 $0xFFFFFC00, v2;
	v4 =	vadd.s32 v6, v4  }
0x11: {  	v3 =	vand.u32 $0x380, v3;
	v2 =	vadd.s32 v2, v4  }
0x12: {  	v2 =	vor.u32 v3, v2;
	_ =	sdelay $0x1  }
0x13: {  	(ifvalue) =	ssetifvalue $0x7FFFFFFF;
	s14 =	sadd.s32 $0x10, s14  }
0x14: {  	[tilespmem:s14], [sflag:$0x1] =	stream.indirect_vreg.gather [hbm4b:s4+s10], $0x1, v1, vm0, $0x4038;
	[tilespmem:$0x4000] =	vst v63  }
0x15: {  	(ifvalue) =	ssetifvalue $0x7FFFFFFF;
	s14 =	sadd.s32 $0x10, s14  }
0x16: {  	[tilespmem:s14], [sflag:$0x1] =	stream.indirect_vreg.gather [hbm4b:s4+s10], $0x1, v2, vm0, $0x4038;
	[tilespmem:$0x4000] =	vst v63  }
0x17: {  	_ =	swait.ge [sflag:s6], $0x1000  }
0x18: {  	s30 =	sshrl.u32 s13, $0x3;
	[sflag:s6] =	ssyncset.done $0x0  }
0x19: {  	s31 =	sand.u32 $0x7, s13;
	s14 =	sadd.s32 s5, s30;
	[sflag:s6] =	ssyncadd.s32 $0xFFFFF000  }
0x1a: {  	[hbm4b:s14+s31] =	stream.linear.scatter [tilespmem:s15], [sflag:$0x3], $0x1000, $0x38;
	[tilespmem:$0x4000] =	vst v63  }
.LBB2_5:
0x1b: {  	s15 =	sadd.s32 $0x20000, s11  }
0x1c: {  	p2 =	sgt.s32 s15, $0x2FFFF  }
0x1d: {  	s15 =	smov.u32 @p2 s3;
	p2 =	sne.s32 s12, s9  }
.Ltmp1:
0x1e: {  	p1 =	slt.u32 s12, $0x2;
	(pc) =	sbr.rel @!p2 .LBB2_6-.Ltmp1, $4  }
0x1f: {  	s14 =	simm.s32 @!p1 $0x3  }
0x20: {  	s16 =	sadd.s32 $0x1, s12;
	_ =	swait.ge @!p1 [sflag:s14], $0x1000  }
0x21: {  	s13 =	smov.u32 s11;
	p0 =	por !p0, !p0;
	[sflag:s14] =	ssyncset.done @!p1 $0x0  }
0x22: {  	s12 =	smov.u32 s16;
	s11 =	smov.u32 s15;
	[sflag:s14] =	ssyncadd.s32 @!p1 $0xFFFFF000  }
.LBB2_1:
0x23: {  	p1 =	sge.u32 s12, s8  }
0x24: {  	s14 =	sxor.u32 @!p1 $0xFFFFFFFF, s12  }
0x25: {  	s31 =	sadd.s32 $0xFFFFFFFF, s12;
	s15 =	sshrl.u32 @!p1 s11, $0x3;
	s14 =	sshll.u32 @!p1 s14, $0xC  }
0x26: {  	s16 =	sand.u32 @!p1 $0x7, s11;
	s15 =	sadd.s32 @!p1 s2, s15;
	s14 =	sand.u32 @!p1 $0x1000, s14  }
0x27: {  	[tilespmem:s14], [sflag:$0x2] =	stream.linear.gather @!p1 [hbm4b:s15+s16], $0x1000, $0x38;
	[tilespmem:$0x4000] =	vst v63  }
0x28: {  	p1 =	sge.u32 s31, s8  }
.Ltmp2:
0x29: {  	_ = 	snop;
	(pc) =	sbr.rel @p1 .LBB2_5-.Ltmp2, $1  }
0x2a: {  	_ =	sdelay $0x3  }
0x2b: {  	s14 =	simm.s32 $0x1  }
0x2c: {  	_ =	swait.ge [sflag:s7], $0x1000;
	s14 =	simm.s32 @!p0 $0x0  }
0x2d: {  	[sflag:s7] =	ssyncset.done $0x0;
	s14 =	sshll.u32 s14, $0xC  }
0x2e: {  	[sflag:s7] =	ssyncadd.s32 $0xFFFFF000;
	(ifvalue) =	ssetifvalue $0x7FFFFFFF;
	v1 =	vld.msk [tilespmem:s14+$0x0 ss:$0x1], $0xffff;
	_ =	sdelay $0x4  }
0x2f: {  	vm1 =	veq.s32 v1, $0x80000000;
	v2 =	vshrl.u32 v1, $0x1  }
0x30: {  	s15 =	sadd.s32 $0x10, s14;
	v3 =	vshrl.u32 v1, $0x8;
	v4 =	vand.u32 $0x1, v1;
	v1 =	vshll.u32 v1, $0xB  }
0x31: {  	v5 =	vld.msk [tilespmem:s15+$0x0 ss:$0x1], $0xffff;
	v2 =	vand.u32 $0x1F, v2;
	vm2 =	veq.s32 v4, $0x1;
	v3 =	vand.u32 $0xFFF, v3  }
0x32: {  	v1 =	vand.u32 $0x60000, v1;
	v4 =	vsel vm2, $0x60000, v0;
	v3 =	vsel vm1, $0xFFFFFFFF, v3  }
0x33: {  	v2 =	vsel vm1, $0xFFFFFFFF, v2;
	v1 =	vadd.s32 v1, v4;
	v4 =	vand.u32 $0x7F, v3  }
0x34: {  	v6 =	vshll.u32 v2, $0xC;
	v3 =	vshll.u32 v3, $0x3;
	v2 =	vshll.u32 v2, $0x7  }
0x35: {  	v1 =	vsel vm1, $0xFFF80000, v1;
	v6 =	vand.u32 $0xFFFF8000, v6;
	v3 =	vand.u32 $0xFFFFFC00, v3  }
0x36: {  	v2 =	vand.u32 $0x380, v2;
	v1 =	vor.u32 v1, v4;
	v4 =	vand.u32 $0x1, v5  }
0x37: {  	vm1 =	veq.s32 v5, $0x80000000;
	v1 =	vadd.s32 v6, v1;
	vm2 =	veq.s32 v4, $0x1  }
0x38: {  	v4 =	vshll.u32 v5, $0xB;
	v1 =	vadd.s32 v3, v1;
	v3 =	vshrl.u32 v5, $0x8  }
0x39: {  	v4 =	vand.u32 $0x60000, v4;
	v1 =	vor.u32 v2, v1;
	v2 =	vshrl.u32 v5, $0x1  }
0x3a: {  	s17 =	sadd.s32 $0x10, s15;
	v3 =	vand.u32 $0xFFF, v3;
	v5 =	vsel vm2, $0x60000, v0;
	v2 =	vand.u32 $0x1F, v2  }
0x3b: {  	v6 =	vld.msk [tilespmem:s17+$0x0 ss:$0x1], $0xffff;
	v3 =	vsel vm1, $0xFFFFFFFF, v3;
	v4 =	vadd.s32 v4, v5;
	v2 =	vsel vm1, $0xFFFFFFFF, v2  }
0x3c: {  	v5 =	vand.u32 $0x7F, v3;
	v4 =	vsel vm1, $0xFFF80000, v4;
	v7 =	vshll.u32 v2, $0xC  }
0x3d: {  	v3 =	vshll.u32 v3, $0x3;
	v4 =	vor.u32 v4, v5;
	v7 =	vand.u32 $0xFFFF8000, v7  }
0x3e: {  	v3 =	vand.u32 $0xFFFFFC00, v3;
	v2 =	vshll.u32 v2, $0x7;
	v4 =	vadd.s32 v7, v4  }
0x3f: {  	s31 =	sshll.u32 s12, $0xC;
	s14 =	sor.u32 $0x2000, s14;
	(ifvalue) =	ssetifvalue $0x7FFFFFFF;
	v2 =	vand.u32 $0x380, v2;
	v3 =	vadd.s32 v3, v4  }
0x40: {  	vm1 =	veq.s32 v6, $0x80000000;
	[tilespmem:s14], [sflag:$0x1] =	stream.indirect_vreg.gather [hbm4b:s4+s10], $0x1, v1, vm0, $0x4038;
	v1 =	vor.u32 v2, v3;
	[tilespmem:$0x4000] =	vst v63  }
0x41: {  	s15 =	sand.u32 $0x1000, s31;
	v4 =	vand.u32 $0x1, v6;
	v3 =	vshrl.u32 v6, $0x1;
	v2 =	vshrl.u32 v6, $0x8  }
0x42: {  	s16 =	simm.s32 $0x20;
	s15 =	sor.u32 $0x2000, s15;
	s17 =	sadd.s32 $0x10, s17;
	vm2 =	veq.s32 v4, $0x1;
	v4 =	vshll.u32 v6, $0xB;
	v3 =	vand.u32 $0x1F, v3  }
.LBB2_3:
0x43: {  	v5 =	vld.msk [tilespmem:s17+$0x0 ss:$0x1], $0xffff;
	v2 =	vand.u32 $0xFFF, v2;
	v6 =	vsel vm2, $0x60000, v0;
	v4 =	vand.u32 $0x60000, v4  }
0x44: {  	v3 =	vsel vm1, $0xFFFFFFFF, v3;
	s14 =	sadd.s32 $0x10, s14;
	s16 =	sadd.s32 $0x10, s16;
	v2 =	vsel vm1, $0xFFFFFFFF, v2;
	v4 =	vadd.s32 v4, v6;
	(ifvalue) =	ssetifvalue $0x7FFFFFFF  }
0x45: {  	v7 =	vshll.u32 v3, $0xC;
	v6 =	vand.u32 $0x7F, v2;
	v4 =	vsel vm1, $0xFFF80000, v4;
	[tilespmem:s14], [sflag:$0x1] =	stream.indirect_vreg.gather [hbm4b:s4+s10], $0x1, v1, vm0, $0x4038;
	[tilespmem:$0x4000] =	vst v63  }
0x46: {  	p1 =	slt.u32 s16, $0xFF0;
	v1 =	vand.u32 $0xFFFF8000, v7;
	v2 =	vshll.u32 v2, $0x3;
	v4 =	vor.u32 v4, v6  }
.Ltmp3:
0x47: {  	v3 =	vshll.u32 v3, $0x7;
	v2 =	vand.u32 $0xFFFFFC00, v2;
	v1 =	vadd.s32 v1, v4;
	(pc) =	sbr.rel @p1 .LBB2_3-.Ltmp3, $4  }
0x48: {  	v3 =	vand.u32 $0x380, v3;
	v1 =	vadd.s32 v2, v1  }
0x49: {  	vm1 =	veq.s32 v5, $0x80000000;
	v1 =	vor.u32 v3, v1  }
0x4a: {  	v2 =	vshrl.u32 v5, $0x8;
	v4 =	vand.u32 $0x1, v5;
	v3 =	vshrl.u32 v5, $0x1  }
0x4b: {  	s17 =	sadd.s32 $0x10, s17;
	vm2 =	veq.s32 v4, $0x1;
	v4 =	vshll.u32 v5, $0xB;
	v3 =	vand.u32 $0x1F, v3  }
.Ltmp4:
0x4c: {  	_ = 	snop;
	(pc) =	sbr.rel .LBB2_4-.Ltmp4, $1  }
0x4d: {  	_ =	sdelay $0x3  }
.LBB2_6:
0x4e: {  	_ =	sfence.sel $0x180000  }
0x4f: {  	s2 =	simm.s32 $0x2;
	[bflag:$0x0] =	sbarrier.arrive $0xFFFF  }
0x50: {  	s30 =	simm.s32 $0x3;
	[sflag:s2] =	ssyncpa.u1 $0x1  }
0x51: {  	s31 =	simm.s32 $0x1;
	[sflag:s30] =	ssyncpa.u1 $0x1  }
0x52: {  	[sflag:s31] =	ssyncpa.u1 $0x1  }
0x53: {  	p0 =	sne.s32 s0, $0x0;
	_ =	strace $0x90000053  }
0x54: {  	s0 =	sadd.s32 @!p0 $0x100000, s1;
	[bflag:$0x2] =	sbarrier.arrive $0xFFFF  }
0x55: {  	[sflag:s0] =	ssyncadd.tile.s32 @!p0 $0x1;
	_ =	shalt  }
.Lfunc_end2:
_tile_overlayer_lowered:
.L_overlay_start_2:
0x56: {  	(tag) =	ssettag $0x2  }
0x57: {  	s0 =	rddreg [dreg:$0x0];
	s2 =	stileid.u32  }
0x58: {  	s1 =	rddreg [dreg:$0x1];
	p0 =	sne.s32 s2, $0x0  }
0x59: {  	s3 =	rddreg [dreg:$0x2];
	[bflag:$0x3] =	sbarrier.arrive $0xFFFF;
	s2 =	simm.s32 @!p0 $0x1C01  }
0x5a: {  	[timem:s3], [sflag:s2] =	dma.local @!p0 [hbm:s0], s1  }
0x5b: {  	s0 =	simm.s32 @!p0 $0x1  }
0x5c: {  	_ =	swait.ge @!p0 [sflag:s0], s1  }
0x5d: {  	s1 =	ssub.s32 @!p0 $0x0, s1;
	[sflag:s0] =	ssyncset.done @!p0 $0x0  }
0x5e: {  	[sflag:s0] =	ssyncadd.s32 @!p0 s1  }
0x5f: {  	[bflag:$0x3] =	sbarrier.arrive $0xFFFF  }
0x60: {  	_ =	shalt  }

// kernel: sparse-core-data-format-call.1.cloned.1.call-start
scs
called_computation.1_lowered:
.L_overlay_start_0:
0x0: {  	s1 =	sld [smem:$0x3FD9]  }
0x1: {  	s2 =	sld [smem:$0x3FFE];
	_ =	sdelay $0x1  }
0x2: {  	s3 =	srdreg.scid  }
0x3: {  	s0 =	sand.u32 $0x1, s3  }
0x4: {  	s17 =	sshll.u32 s0, $0xA;
	s1 =	sadd.s32 s2, s1  }
0x5: {  	s1 =	sadd.s32 s1, s17  }
0x6: {  	[smem:$0x3F81] =	sst s1  }
0x7: {  	_ = 	snop  }
0x8: {  	(tm) =	ssettm $0x1  }
0x9: {  	s18 =	sld [smem:$0x3FFB];
	_ =	sdelay $0x3  }
0xa: {  	_ =	strace s18  }
0xb: {  	s1 =	sld [smem:$0x3FFC];
	_ =	sdelay $0x3  }
0xc: {  	_ =	strace s1  }
0xd: {  	s1 =	sld [smem:$0x3FFD];
	_ =	sdelay $0x3  }
0xe: {  	_ =	strace s1  }
0xf: {  	_ =	strace $0x8FFFFFFF  }
0x10: {  	s19 =	sld [smem:$0x3FDB];
	_ =	sdelay $0x1  }
0x11: {  	s20 =	simm.s32 $_scs_section_size  }
0x12: {  	s4 =	simm.s32 $_size__tile_overlayer_lowered;
	s5 =	simm.s32 $_tile_overlayer_lowered  }
0x13: {  	s23 =	simm.s32 $0x1BFF;
	s22 =	sshll.u32 s5, $0x1;
	s1 =	sadd.s32 s20, s19  }
0x14: {  	s6 =	simm.s32 $0x0;
	s21 =	sshll.u32 s4, $0x1;
	s4 =	sadd.s32 s22, s1  }
0x15: {  	[timem:s6], [sflag:s23] =	dma.local [hbm:s4], s21  }
0x16: {  	_ =	swait.ge [sflag:s23], s21  }
0x17: {  	s2 =	ssub.s32 $0x0, s21;
	[sflag:s23] =	ssyncset.done $0x0  }
0x18: {  	[sflag:s23] =	ssyncadd.s32 s2;
	_ =	sdelay $0x1  }
0x19: {  	s24 =	simm.s32 $0x1B8B  }
0x1a: {  	_ =	swait.ge [sflag:s24], $0x1  }
0x1b: {  	[sflag:s24] =	ssyncset.done $0x0  }
0x1c: {  	s26 =	simm.s32 $0x1B8E;
	s25 =	sld [smem:$0x3FFE];
	[sflag:s24] =	ssyncadd.s32 $0xFFFFFFFF  }
0x1d: {  	s27 =	simm.s32 $execute0_lowered;
	[smem:$0x3FD2] =	sst s26  }
0x1e: {  	s4 =	sshll.u32 s27, $0x1;
	_ =	strace $0x8000004F;
	[dreg:$0x1] =	wrdreg $0xFFFFFFFF  }
0x1f: {  	s28 =	simm.s32 $_size_execute0_lowered;
	s1 =	sadd.s32 s1, s4;
	[dreg:$0x0] =	wrdreg $0x0  }
0x20: {  	s4 =	sshll.u32 s28, $0x1;
	[dreg:$0x2] =	wrdreg s1  }
0x21: {  	[dreg:$0x3] =	wrdreg s4  }
0x22: {  	[dreg:$0x4] =	wrdreg $0xC0  }
0x23: {  	_ =	task [dreg:s6], $0x5FFFF  }
0x24: {  	[dreg:$0x1] =	wrdreg $0xFFFFFFFF  }
0x25: {  	[dreg:$0x0] =	wrdreg $0x60  }
0x26: {  	[dreg:$0x2] =	wrdreg s25  }
0x27: {  	[dreg:$0x3] =	wrdreg $0x9  }
0x28: {  	_ =	task.clear_ibuf [dreg:s6], $0x4FFFF;
	_ =	strace $0x9000004F  }
0x29: {  	s29 =	simm.s32 $0x9;
	_ =	strace $0x80000051  }
0x2a: {  	_ =	swait.ge [sflag:s29], $0x1  }
0x2b: {  	[sflag:s29] =	ssyncadd.s32 $0xFFFFFFFF  }
0x2c: {  	_ =	strace $0x90000051  }
0x2d: {  	_ =	sfence  }
0x2e: {  	s30 =	sld [smem:$0x0];
	_ =	sdelay $0x2  }
0x2f: {  	s31 =	sshll.u32 s3, $0xD;
	s3 =	sshrl.u32 s3, $0x2  }
0x30: {  	s2 =	sand.u32 $0x4000, s31;
	s1 =	sadd.s32 s3, s30  }
0x31: {  	s0 =	sor.u32 s2, s0;
	s1 =	sshll.u32 s1, $0x11  }
0x32: {  	s0 =	sor.u32 s1, s0  }
0x33: {  	s0 =	sadd.s32 $0x8F2B, s0  }
0x34: {  	[sflag:s0] =	ssyncadd.remote.s32 $0x1  }
0x35: {  	_ =	sfence.sel $0xFFFF  }
0x36: {  	[dreg:$0x0] =	wrdreg $0xFFFFFFFF;
	(pc) =	sbr.abs _section_cstart, $3  }
0x37: {  	[dreg:$0x1] =	wrdreg $0xFFFFFFFF  }
0x38: {  	_ =	task.clear_ibuf [dreg:s6], $0x2FFFF;
	_ =	strace $0x9FFFFFFF  }
0x39: {  	(tm) =	ssettm $0x7FFFFFFF  }
tec
execute0_lowered:
.L_overlay_start_1:
0x0: {  	(tag) =	ssettag $0x1  }
0x1: {  	s0 =	rddreg [dreg:$0x0];
	s5 =	stileid.u32  }
0x2: {  	_ =	strace $0x80000050;
	s26 =	srdreg.scid;
	s14 =	simm.s32 $0x2  }
0x3: {  	s23 =	simm.s32 $0x0;
	s24 =	simm.s32 $0x0;
	s25 =	simm.s32 $0x0  }
0x4: {  	s20 =	simm.s32 $0x0;
	s22 =	simm.s32 $0x0;
	s1 =	sshll.u32 s5, $0x3  }
0x5: {  	s2 =	sadd.s32 $0x409200, s0;
	s4 =	sshrl.u32 s5, $0x2;
	s5 =	sshll.u32 s5, $0x4  }
0x6: {  	s31 =	sadd.s32 $0x38A00, s0;
	s3 =	sand.u32 $0x18, s1;
	s1 =	sshll.u32 s26, $0x8  }
0x7: {  	s4 =	sand.u32 $0x1, s4;
	s6 =	ssub.s32 $0x20, s3;
	s1 =	sor.u32 s5, s1  }
0x8: {  	s28 =	ssub.s32 $0x2, s4;
	s7 =	sand.u32 $0x18, s6;
	s5 =	sand.u32 $0x180, s1  }
0x9: {  	s27 =	sshrl.u32 s6, $0x5;
	s8 =	sshrl.u32 s28, $0x1;
	s6 =	sand.u32 $0x1, s28  }
0xa: {  	p0 =	sne.s32 s7, $0x0;
	s7 =	simm.s32 $0x1;
	s29 =	ssub.s32 $0x1000, s5  }
0xb: {  	s6 =	sadd.s32 s6, s8;
	s7 =	simm.s32 @!p0 $0x0;
	s9 =	sand.u32 $0x180, s29  }
0xc: {  	s8 =	simm.s32 $0x1;
	s1 =	sadd.s32 s7, s27;
	p0 =	sne.s32 s9, $0x0  }
0xd: {  	s30 =	sshrl.u32 s29, $0x9;
	s8 =	simm.s32 @!p0 $0x0;
	s1 =	smul.u32 s1, s6  }
0xe: {  	s10 =	sadd.s32 $0x529200, s0;
	s12 =	sadd.s32 $0x589200, s0;
	s8 =	sadd.s32 s8, s30  }
0xf: {  	s13 =	sadd.s32 $0x5E9200, s0;
	s15 =	sadd.s32 $0x6A9200, s0;
	s1 =	smul.u32 s8, s1  }
.Ltmp0:
0x10: {  	[dreg:$0x2] =	wrdreg s31;
	s26 =	simm.s32 $0x0;
	(pc) =	sbr.rel .LBB1_1-.Ltmp0, $4  }
0x11: {  	s19 =	smov.u32 s4;
	s21 =	smov.u32 s3;
	s7 =	simm.s32 $0x1  }
0x12: {  	s18 =	smov.u32 s5;
	[sflag:s7] =	ssyncpa.u1 $0x0;
	s11 =	smul.u32 $0x3, s1  }
0x13: {  	s9 =	sadd.s32 $0x4C9200, s0;
	p0 =	por $0x0, $0x0;
	[sflag:s14] =	ssyncpa.u1 $0x0  }
0x14: {  	s14 =	sadd.s32 $0x649200, s0;
	s8 =	sadd.s32 $0x469200, s0;
	s16 =	sadd.s32 $0x1, s11  }
.LBB1_7:
0x15: {  	s0 =	sadd.s32 $0x200, s18  }
0x16: {  	s1 =	sadd.s32 $0x2, s19;
	s6 =	smov.u32 s19;
	p2 =	sgt.s32 s0, $0xFFF  }
0x17: {  	s6 =	smov.u32 @p2 s1  }
0x18: {  	s1 =	simm.s32 $0x1;
	p3 =	sgt.s32 s6, $0x1  }
0x19: {  	s1 =	simm.s32 @!p3 $0x0  }
0x1a: {  	s1 =	sadd.s32 s1, s20  }
0x1b: {  	s17 =	sadd.s32 $0x20, s21;
	s27 =	smov.u32 s21;
	p4 =	sgt.s32 s1, $0x2  }
0x1c: {  	p1 =	slt.u32 s22, $0x2;
	s27 =	smov.u32 @p4 s17  }
0x1d: {  	s23 =	smov.u32 s18;
	s0 =	smov.u32 @p2 s5;
	p2 =	sgt.s32 s27, $0x1F  }
0x1e: {  	s24 =	smov.u32 s19;
	s27 =	smov.u32 @p2 s3;
	p2 =	sne.s32 s22, s16  }
.Ltmp1:
0x1f: {  	s25 =	smov.u32 s20;
	s26 =	smov.u32 s21;
	(pc) =	sbr.rel @!p2 .LBB1_8-.Ltmp1, $4  }
0x20: {  	p0 =	por !p0, !p0;
	s18 =	smov.u32 s0;
	s17 =	simm.s32 @!p1 $0x2  }
0x21: {  	s6 =	smov.u32 @p3 s4;
	s1 =	simm.s32 @p4 $0x0;
	_ =	swait.ge @!p1 [sflag:s17], $0x4000  }
0x22: {  	s19 =	smov.u32 s6;
	s20 =	smov.u32 s1;
	[sflag:s17] =	ssyncset.done @!p1 $0x0  }
0x23: {  	s22 =	sadd.s32 $0x1, s22;
	[sflag:s17] =	ssyncadd.s32 @!p1 $0xFFFFC000;
	s21 =	smov.u32 s27  }
.LBB1_1:
0x24: {  	p1 =	sge.u32 s22, s11  }
0x25: {  	s0 =	smul.u32 @!p1 $0x60000, s21  }
0x26: {  	s27 =	sshll.u32 @!p1 s20, $0x11  }
0x27: {  	s1 =	sxor.u32 @!p1 $0xFFFFFFFF, s22;
	s29 =	sshll.u32 @!p1 s19, $0x10;
	s28 =	sadd.s32 @!p1 s0, s27  }
0x28: {  	s30 =	sshll.u32 @!p1 s18, $0x4;
	s31 =	simm.s32 @!p1 $0x10;
	s28 =	sadd.s32 @!p1 s2, s28  }
0x29: {  	s1 =	sshll.u32 @!p1 s1, $0xE;
	s30 =	sand.u32 @!p1 $0xFFF0, s30;
	s28 =	sadd.s32 @!p1 s29, s28  }
0x2a: {  	s17 =	simm.s32 @!p1 $0x80;
	s1 =	sand.u32 @!p1 $0x4000, s1;
	s28 =	sadd.s32 @!p1 s30, s28  }
0x2b: {  	[tilespmem:s1], [sflag:$0x1] =	stream.strided.gather @!p1 [hbm4b:s28+s31], $0x800, s17, s31, $0x38;
	[tilespmem:$0x10100] =	vst v63  }
0x2c: {  	s28 =	sadd.s32 @!p1 s0, s8  }
0x2d: {  	s28 =	sadd.s32 @!p1 s27, s28  }
0x2e: {  	s28 =	sadd.s32 @!p1 s29, s28  }
0x2f: {  	s6 =	sor.u32 @!p1 $0x800, s1;
	s28 =	sadd.s32 @!p1 s30, s28  }
0x30: {  	[tilespmem:s6], [sflag:$0x1] =	stream.strided.gather @!p1 [hbm4b:s28+s31], $0x800, s17, s31, $0x38;
	[tilespmem:$0x10100] =	vst v63  }
0x31: {  	s6 =	sadd.s32 @!p1 s0, s9  }
0x32: {  	s6 =	sadd.s32 @!p1 s27, s6  }
0x33: {  	s6 =	sadd.s32 @!p1 s29, s6  }
0x34: {  	s28 =	sor.u32 @!p1 $0x1000, s1;
	s6 =	sadd.s32 @!p1 s30, s6  }
0x35: {  	[tilespmem:s28], [sflag:$0x1] =	stream.strided.gather @!p1 [hbm4b:s6+s31], $0x800, s17, s31, $0x38;
	[tilespmem:$0x10100] =	vst v63  }
0x36: {  	s6 =	sadd.s32 @!p1 s0, s10  }
0x37: {  	s6 =	sadd.s32 @!p1 s27, s6  }
0x38: {  	s6 =	sadd.s32 @!p1 s29, s6  }
0x39: {  	s28 =	sor.u32 @!p1 $0x1800, s1;
	s6 =	sadd.s32 @!p1 s30, s6  }
0x3a: {  	[tilespmem:s28], [sflag:$0x1] =	stream.strided.gather @!p1 [hbm4b:s6+s31], $0x800, s17, s31, $0x38;
	[tilespmem:$0x10100] =	vst v63  }
0x3b: {  	s6 =	sadd.s32 @!p1 s0, s12  }
0x3c: {  	s6 =	sadd.s32 @!p1 s27, s6  }
0x3d: {  	s6 =	sadd.s32 @!p1 s29, s6  }
0x3e: {  	s28 =	sor.u32 @!p1 $0x2000, s1;
	s6 =	sadd.s32 @!p1 s30, s6  }
0x3f: {  	[tilespmem:s28], [sflag:$0x1] =	stream.strided.gather @!p1 [hbm4b:s6+s31], $0x800, s17, s31, $0x38;
	[tilespmem:$0x10100] =	vst v63  }
0x40: {  	s6 =	sadd.s32 @!p1 s0, s13  }
0x41: {  	s6 =	sadd.s32 @!p1 s27, s6  }
0x42: {  	s6 =	sadd.s32 @!p1 s29, s6  }
0x43: {  	s28 =	sor.u32 @!p1 $0x2800, s1;
	s6 =	sadd.s32 @!p1 s30, s6  }
0x44: {  	[tilespmem:s28], [sflag:$0x1] =	stream.strided.gather @!p1 [hbm4b:s6+s31], $0x800, s17, s31, $0x38;
	[tilespmem:$0x10100] =	vst v63  }
0x45: {  	s6 =	sadd.s32 @!p1 s0, s14  }
0x46: {  	s0 =	sadd.s32 @!p1 s0, s15;
	s6 =	sadd.s32 @!p1 s27, s6  }
0x47: {  	s0 =	sadd.s32 @!p1 s27, s0;
	s6 =	sadd.s32 @!p1 s29, s6  }
0x48: {  	s28 =	sor.u32 @!p1 $0x3000, s1;
	s0 =	sadd.s32 @!p1 s29, s0;
	s6 =	sadd.s32 @!p1 s30, s6  }
0x49: {  	[tilespmem:s28], [sflag:$0x1] =	stream.strided.gather @!p1 [hbm4b:s6+s31], $0x800, s17, s31, $0x38;
	[tilespmem:$0x10100] =	vst v63  }
0x4a: {  	s1 =	sor.u32 @!p1 $0x3800, s1;
	s0 =	sadd.s32 @!p1 s30, s0  }
0x4b: {  	[tilespmem:s1], [sflag:$0x1] =	stream.strided.gather @!p1 [hbm4b:s0+s31], $0x800, s17, s31, $0x38;
	[tilespmem:$0x10100] =	vst v63  }
0x4c: {  	s31 =	sadd.s32 $0xFFFFFFFF, s22  }
0x4d: {  	p1 =	sge.u32 s31, s11  }
.Ltmp2:
0x4e: {  	_ = 	snop;
	(pc) =	sbr.rel @p1 .LBB1_7-.Ltmp2, $1  }
0x4f: {  	_ =	sdelay $0x3  }
0x50: {  	s0 =	simm.s32 $0x1;
	s6 =	sand.u32 $0x1, s22  }
0x51: {  	s0 =	simm.s32 @!p0 $0x0;
	s6 =	smul.u32 $0x10200, s6  }
0x52: {  	_ =	swait.ge [sflag:s7], $0x4000;
	s1 =	smul.u32 $0x10200, s0  }
0x53: {  	s30 =	simm.s32 $0x0;
	[sflag:s7] =	ssyncset.done $0x0;
	s0 =	sshll.u32 s0, $0xE  }
0x54: {  	[sflag:s7] =	ssyncadd.s32 $0xFFFFC000;
	s31 =	sshrl.u32 s6, $0x2;
	s1 =	sshrl.u32 s1, $0x2  }
0x55: {  	s29 =	sor.u32 $0x40, s0;
	s27 =	sor.u32 $0x8000, s31;
	s28 =	sor.u32 $0x8007, s1  }
.LBB1_3:
0x56: {  	v3 =	vld [tilespmem:s29+$0x30]  }
0x57: {  	v4 =	vld [tilespmem:s29+$0xFFFFFFD0]  }
0x58: {  	v5 =	vld [tilespmem:s29+$0xFFFFFFE0]  }
0x59: {  	v1 =	vld [tilespmem:s29+$0xFFFFFFF0]  }
0x5a: {  	v0 =	vld [tilespmem:s29+$0x0]  }
0x5b: {  	v2 =	vld [tilespmem:s29+$0x10];
	[tilespmem:s28+$0x0 ss:$0x408] =	vst.msk $0xffff, v3  }
0x5c: {  	[tilespmem:s28+$0xFFFFFFFA ss:$0x408] =	vst.msk $0xffff, v4;
	v4 =	vld [tilespmem:s29+$0x20]  }
0x5d: {  	s0 =	simm.s32 $0x0;
	s1 =	sadd.s32 $0x80, s29;
	s31 =	smov.u32 s28;
	v3 =	vld [tilespmem:s29+$0xFFFFFFC0];
	[tilespmem:s28+$0xFFFFFFFB ss:$0x408] =	vst.msk $0xffff, v5  }
.LBB1_4:
0x5e: {  	v5 =	vld [tilespmem:s1+$0x30];
	s0 =	sadd.s32 $0x8, s0;
	[tilespmem:s31+$0xFFFFFFFC ss:$0x408] =	vst.msk $0xffff, v1  }
0x5f: {  	v6 =	vld [tilespmem:s1+$0xFFFFFFD0];
	p1 =	slt.u32 s0, $0x78;
	[tilespmem:s31+$0xFFFFFFFD ss:$0x408] =	vst.msk $0xffff, v0  }
0x60: {  	v7 =	vld [tilespmem:s1+$0xFFFFFFE0];
	[tilespmem:s31+$0xFFFFFFFE ss:$0x408] =	vst.msk $0xffff, v2  }
.Ltmp3:
0x61: {  	v1 =	vld [tilespmem:s1+$0xFFFFFFF0];
	[tilespmem:s31+$0xFFFFFFFF ss:$0x408] =	vst.msk $0xffff, v4;
	(pc) =	sbr.rel @p1 .LBB1_4-.Ltmp3, $4  }
0x62: {  	v0 =	vld [tilespmem:s1+$0x0];
	[tilespmem:s31+$0xFFFFFFF9 ss:$0x408] =	vst.msk $0xffff, v3;
	s31 =	sadd.s32 $0x8, s31  }
0x63: {  	v2 =	vld [tilespmem:s1+$0x10];
	[tilespmem:s31+$0x0 ss:$0x408] =	vst.msk $0xffff, v5  }
0x64: {  	[tilespmem:s31+$0xFFFFFFFA ss:$0x408] =	vst.msk $0xffff, v6;
	v4 =	vld [tilespmem:s1+$0x20]  }
0x65: {  	v3 =	vld [tilespmem:s1+$0xFFFFFFC0];
	[tilespmem:s31+$0xFFFFFFFB ss:$0x408] =	vst.msk $0xffff, v7;
	s1 =	sadd.s32 $0x80, s1  }
0x66: {  	s30 =	sadd.s32 $0x1, s30  }
0x67: {  	p1 =	sne.s32 s30, $0x8  }
.Ltmp4:
0x68: {  	[tilespmem:s31+$0xFFFFFFFC ss:$0x408] =	vst.msk $0xffff, v1;
	(pc) =	sbr.rel @p1 .LBB1_3-.Ltmp4, $4  }
0x69: {  	[tilespmem:s31+$0xFFFFFFFD ss:$0x408] =	vst.msk $0xffff, v0  }
0x6a: {  	[tilespmem:s31+$0xFFFFFFFE ss:$0x408] =	vst.msk $0xffff, v2  }
0x6b: {  	[tilespmem:s31+$0xFFFFFFFF ss:$0x408] =	vst.msk $0xffff, v4  }
0x6c: {  	s28 =	sadd.s32 $0x81, s28;
	s29 =	sadd.s32 $0x800, s29;
	[tilespmem:s31+$0xFFFFFFF9 ss:$0x408] =	vst.msk $0xffff, v3  }
0x6d: {  	s0 =	sand.u32 $0x78, s23  }
0x6e: {  	s1 =	sshll.u32 s26, $0xC;
	s6 =	sshll.u32 s23, $0x3;
	s17 =	sshll.u32 s26, $0x7  }
0x6f: {  	s31 =	smul.u32 $0xC0000, s24;
	s1 =	sand.u32 $0x18000, s1;
	s17 =	sand.u32 $0x380, s17  }
0x70: {  	s1 =	sadd.s32 s1, s6;
	s6 =	sand.u32 $0xC00, s6;
	s0 =	sor.u32 s17, s0  }
0x71: {  	s25 =	sshll.u32 s25, $0x12;
	s26 =	rddreg [dreg:$0x2];
	s0 =	sor.u32 s6, s0  }
.Ltmp5:
0x72: {  	s1 =	sshrl.u32 s1, $0x3;
	s6 =	sadd.s32 s26, s25;
	(pc) =	sbr.rel .LBB1_7-.Ltmp5, $4  }
0x73: {  	s28 =	sand.u32 $0x7, s23;
	s1 =	sand.u32 $0x3E00, s1;
	s6 =	sadd.s32 s31, s6  }
0x74: {  	s29 =	sshll.u32 s28, $0x12;
	s0 =	sshrl.u32 s0, $0x3;
	s1 =	sadd.s32 s1, s6  }
0x75: {  	s30 =	sor.u32 $0x400, s29;
	s31 =	simm.s32 $0x20000;
	s0 =	sadd.s32 s0, s1  }
0x76: {  	[hbm4b:s0+s30] =	stream.strided.scatter [tilespmem:s27], [sflag:$0x2], $0x4000, s31, s30, $0x20;
	[tilespmem:$0x10100] =	vst v63  }
.LBB1_8:
0x77: {  	_ =	sfence.sel $0x180000  }
0x78: {  	s0 =	simm.s32 $0x1;
	[bflag:$0x0] =	sbarrier.arrive $0xFFFF  }
0x79: {  	s30 =	simm.s32 $0x2;
	[sflag:s0] =	ssyncpa.u1 $0x1  }
0x7a: {  	[sflag:s30] =	ssyncpa.u1 $0x1  }
0x7b: {  	_ =	strace $0x90000050  }
0x7c: {  	s31 =	stileid.u32;
	[bflag:$0x2] =	sbarrier.arrive $0xFFFF  }
0x7d: {  	p0 =	sne.s32 s31, $0x0;
	s0 =	rddreg [dreg:$0x1]  }
0x7e: {  	s0 =	sadd.s32 @!p0 $0x100000, s0  }
0x7f: {  	[sflag:s0] =	ssyncadd.tile.s32 @!p0 $0x1;
	_ =	shalt  }
.Lfunc_end1:
_tile_overlayer_lowered:
.L_overlay_start_2:
0x80: {  	(tag) =	ssettag $0x2  }
0x81: {  	s0 =	rddreg [dreg:$0x0];
	s2 =	stileid.u32  }
0x82: {  	s1 =	rddreg [dreg:$0x1];
	p0 =	sne.s32 s2, $0x0  }
0x83: {  	s3 =	rddreg [dreg:$0x2];
	[bflag:$0x3] =	sbarrier.arrive $0xFFFF;
	s2 =	simm.s32 @!p0 $0x1C01  }
0x84: {  	[timem:s3], [sflag:s2] =	dma.local @!p0 [hbm:s0], s1  }
0x85: {  	s0 =	simm.s32 @!p0 $0x1  }
0x86: {  	_ =	swait.ge @!p0 [sflag:s0], s1  }
0x87: {  	s1 =	ssub.s32 @!p0 $0x0, s1;
	[sflag:s0] =	ssyncset.done @!p0 $0x0  }
0x88: {  	[sflag:s0] =	ssyncadd.s32 @!p0 s1  }
0x89: {  	[bflag:$0x3] =	sbarrier.arrive $0xFFFF  }
0x8a: {  	_ =	shalt  }

// kernel: sparse-core-data-format-call.2.cloned.1.call-start
scs
called_computation.2_lowered:
.L_overlay_start_0:
0x0: {  	s2 =	sld [smem:$0x3FD9]  }
0x1: {  	s3 =	sld [smem:$0x3FFE];
	_ =	sdelay $0x1  }
0x2: {  	s1 =	srdreg.scid  }
0x3: {  	s0 =	sand.u32 $0x1, s1  }
0x4: {  	s18 =	sshll.u32 s0, $0xA;
	s2 =	sadd.s32 s3, s2  }
0x5: {  	s2 =	sadd.s32 s2, s18  }
0x6: {  	[smem:$0x3F81] =	sst s2  }
0x7: {  	_ = 	snop  }
0x8: {  	(tm) =	ssettm $0x1  }
0x9: {  	s19 =	sld [smem:$0x3FFB];
	_ =	sdelay $0x3  }
0xa: {  	_ =	strace s19  }
0xb: {  	s2 =	sld [smem:$0x3FFC];
	_ =	sdelay $0x3  }
0xc: {  	_ =	strace s2  }
0xd: {  	s2 =	sld [smem:$0x3FFD];
	_ =	sdelay $0x3  }
0xe: {  	_ =	strace s2  }
0xf: {  	_ =	strace $0x8FFFFFFF  }
0x10: {  	s20 =	sld [smem:$0x3FDB];
	_ =	sdelay $0x1  }
0x11: {  	s21 =	simm.s32 $_scs_section_size  }
0x12: {  	s4 =	simm.s32 $_size__tile_overlayer_lowered;
	s5 =	simm.s32 $_tile_overlayer_lowered  }
0x13: {  	s6 =	simm.s32 $0x1BFF;
	s22 =	sshll.u32 s5, $0x1;
	s3 =	sadd.s32 s21, s20  }
0x14: {  	s23 =	simm.s32 $0x0;
	s4 =	sshll.u32 s4, $0x1;
	s5 =	sadd.s32 s22, s3  }
0x15: {  	[timem:s23], [sflag:s6] =	dma.local [hbm:s5], s4  }
0x16: {  	_ =	swait.ge [sflag:s6], s4  }
0x17: {  	s4 =	ssub.s32 $0x0, s4;
	[sflag:s6] =	ssyncset.done $0x0  }
0x18: {  	[sflag:s6] =	ssyncadd.s32 s4;
	_ =	sdelay $0x1  }
0x19: {  	s24 =	simm.s32 $0x1B8B  }
0x1a: {  	_ =	swait.ge [sflag:s24], $0x1  }
0x1b: {  	[sflag:s24] =	ssyncset.done $0x0  }
0x1c: {  	[sflag:s24] =	ssyncadd.s32 $0xFFFFFFFF  }
0x1d: {  	s4 =	sld [smem:$0x0]  }
0x1e: {  	s5 =	sand.u32 $0xFFFFFFFE, s1  }
0x1f: {  	p0 =	sne.s32 s1, s5  }
0x20: {  	s5 =	sshll.u32 @p0 s5, $0xE  }
0x21: {  	s5 =	sadd.s32 @p0 $0x11B8D, s5;
	s6 =	sshll.u32 @p0 s4, $0x11  }
0x22: {  	s5 =	sor.u32 @p0 s6, s5  }
0x23: {  	[sflag:s5] =	ssyncadd.remote.s32 @p0 $0x1;
	_ =	sdelay $0x1  }
0x24: {  	s5 =	simm.s32 @p0 $0x1B8D  }
0x25: {  	_ =	swait.eq @p0 [sflag:s5], $0x1  }
0x26: {  	[sflag:s5] =	ssyncadd.s32 @p0 $0xFFFFFFFF  }
0x27: {  	s6 =	sshll.u32 @!p0 s1, $0xE  }
0x28: {  	s6 =	sor.u32 @!p0 $0x4000, s6;
	s5 =	simm.s32 @!p0 $0x1B8D  }
0x29: {  	s4 =	sshll.u32 @!p0 s4, $0x11;
	s6 =	sadd.s32 @!p0 $0x11B8D, s6;
	_ =	swait.eq @!p0 [sflag:s5], $0x1  }
0x2a: {  	s4 =	sor.u32 @!p0 s4, s6;
	[sflag:s5] =	ssyncadd.s32 @!p0 $0xFFFFFFFF  }
0x2b: {  	s26 =	simm.s32 $0x1B8E;
	s25 =	sld [smem:$0x3FFE];
	[sflag:s4] =	ssyncadd.remote.s32 @!p0 $0x1  }
0x2c: {  	s27 =	simm.s32 $execute0_lowered;
	[smem:$0x3FD2] =	sst s26  }
0x2d: {  	s5 =	sshll.u32 s27, $0x1;
	_ =	strace $0x8000004C;
	[dreg:$0x1] =	wrdreg $0xFFFFFFFF  }
0x2e: {  	s28 =	simm.s32 $_size_execute0_lowered;
	s3 =	sadd.s32 s3, s5;
	[dreg:$0x0] =	wrdreg $0x0  }
0x2f: {  	s5 =	sshll.u32 s28, $0x1;
	[dreg:$0x2] =	wrdreg s3  }
0x30: {  	[dreg:$0x3] =	wrdreg s5  }
0x31: {  	[dreg:$0x4] =	wrdreg $0xC0  }
0x32: {  	_ =	task [dreg:s23], $0x5FFFF  }
0x33: {  	[dreg:$0x1] =	wrdreg $0xFFFFFFFF  }
0x34: {  	[dreg:$0x0] =	wrdreg $0x60  }
0x35: {  	[dreg:$0x2] =	wrdreg s25  }
0x36: {  	[dreg:$0x3] =	wrdreg $0x9  }
0x37: {  	_ =	task.clear_ibuf [dreg:s23], $0x4FFFF;
	_ =	strace $0x9000004C  }
0x38: {  	s29 =	simm.s32 $0x9;
	_ =	strace $0x8000004E  }
0x39: {  	_ =	swait.ge [sflag:s29], $0x1  }
0x3a: {  	[sflag:s29] =	ssyncadd.s32 $0xFFFFFFFF  }
0x3b: {  	_ =	strace $0x9000004E  }
0x3c: {  	_ =	sfence  }
0x3d: {  	s30 =	sld [smem:$0x0];
	_ =	sdelay $0x2  }
0x3e: {  	s31 =	sshll.u32 s1, $0xD;
	s1 =	sshrl.u32 s1, $0x2  }
0x3f: {  	s4 =	sand.u32 $0x4000, s31;
	s1 =	sadd.s32 s1, s30  }
0x40: {  	s0 =	sor.u32 s4, s0;
	s1 =	sshll.u32 s1, $0x11  }
0x41: {  	s0 =	sor.u32 s1, s0  }
0x42: {  	s0 =	sadd.s32 $0x8F2B, s0  }
0x43: {  	[sflag:s0] =	ssyncadd.remote.s32 $0x1  }
0x44: {  	_ =	sfence.sel $0xFFFF  }
0x45: {  	[dreg:$0x0] =	wrdreg $0xFFFFFFFF;
	(pc) =	sbr.abs _section_cstart, $3  }
0x46: {  	[dreg:$0x1] =	wrdreg $0xFFFFFFFF  }
0x47: {  	_ =	task.clear_ibuf [dreg:s23], $0x2FFFF;
	_ =	strace $0x9FFFFFFF  }
0x48: {  	(tm) =	ssettm $0x7FFFFFFF  }
0x49: {  	_ =	shalt  }
tec
execute0_lowered:
.L_overlay_start_1:
0x0: {  	(tag) =	ssettag $0x1  }
0x1: {  	s0 =	srdreg.scid  }
0x2: {  	s5 =	rddreg [dreg:$0x0];
	s1 =	sshll.u32 s0, $0x4  }
0x3: {  	s4 =	simm.s32 $0x1;
	s0 =	stileid.u32;
	s1 =	sand.u32 $0x10, s1  }
0x4: {  	s8 =	simm.s32 $0x2;
	s12 =	simm.s32 $0x0;
	s2 =	sor.u32 s0, s1  }
0x5: {  	s9 =	simm.s32 $0x0;
	s11 =	simm.s32 $0x0;
	s2 =	sshll.u32 s2, $0x7  }
0x6: {  	s3 =	sadd.s32 $0x59200, s5;
	s5 =	sadd.s32 $0x259200, s5;
	s6 =	ssub.s32 $0x20000, s2  }
.Ltmp0:
0x7: {  	s1 =	rddreg [dreg:$0x1];
	s7 =	sand.u32 $0xF80, s6;
	(pc) =	sbr.rel .LBB1_1-.Ltmp0, $4  }
0x8: {  	_ =	strace $0x8000004D;
	p0 =	sne.s32 s7, $0x0;
	s7 =	simm.s32 $0x1  }
0x9: {  	[sflag:s4] =	ssyncpa.u1 $0x0;
	s6 =	sshrl.u32 s6, $0xC;
	s7 =	simm.s32 @!p0 $0x0  }
0xa: {  	[sflag:s8] =	ssyncpa.u1 $0x0;
	s8 =	simm.s32 $0x100000;
	s6 =	sadd.s32 s7, s6  }
0xb: {  	s10 =	smov.u32 s2;
	p0 =	por $0x0, $0x0;
	s7 =	sadd.s32 $0x1, s6  }
.LBB1_4:
0xc: {  	v5 =	vld [tilespmem:s14+$0xFFFFFFD0];
	[tilespmem:s16+$0x2040 ss:$0x81] =	vst.msk $0xffff, v3  }
0xd: {  	s18 =	sshll.u32 s9, $0x3;
	v58 =	vld [tilespmem:s14+$0xFFFFFFE0];
	[tilespmem:s16+$0x2850 ss:$0x81] =	vst.msk $0xffff, v4  }
0xe: {  	s17 =	sshra.s32 s17, $0x2;
	v59 =	vld [tilespmem:s14+$0xFFFFFFF0];
	[tilespmem:s16+$0x3060 ss:$0x81] =	vst.msk $0xffff, v2;
	p1 =	sgt.s32 s9, $0x1FF80;
	s19 =	sshrl.u32 s18, $0x11  }
0xf: {  	v60 =	vld [tilespmem:s14+$0x0];
	[tilespmem:s16+$0x0 ss:$0x81] =	vst.msk $0xffff, v1;
	s27 =	sshra.s32 s9, $0x1F;
	s15 =	sadd.s32 s17, s15;
	s20 =	smul.u32 $0x2AAB, s19  }
0x10: {  	v61 =	vld [tilespmem:s14+$0x10];
	s28 =	sand.u32 $0x78, s9;
	s30 =	sand.u32 $0x7, s9;
	s17 =	smov.u32 s9;
	[tilespmem:s15+$0x3870 ss:$0x81] =	vst.msk $0xffff, v0  }
0x11: {  	v62 =	vld [tilespmem:s14+$0x20];
	s17 =	simm.s32 @!p1 $0x1FF80;
	s26 =	sshrl.u32 s20, $0x14;
	s20 =	sand.u32 s27, s9;
	[tilespmem:s15+$0x810 ss:$0x81] =	vst.msk $0xffff, v5  }
0x12: {  	v63 =	vld [tilespmem:s14+$0xFFFFFFC0];
	s18 =	sand.u32 $0x1FC00, s18;
	s16 =	smul.u32 $0x60, s26;
	s17 =	ssub.s32 s17, s20;
	[tilespmem:s15+$0x1020 ss:$0x81] =	vst.msk $0xffff, v58  }
0x13: {  	s14 =	sor.u32 s28, s18;
	s18 =	sshll.u32 s30, $0x12;
	[tilespmem:s15+$0x1830 ss:$0x81] =	vst.msk $0xffff, v59;
	s29 =	ssub.s32 $0x20000, s17  }
0x14: {  	s14 =	sshrl.u32 s14, $0x3;
	[tilespmem:s15+$0x2040 ss:$0x81] =	vst.msk $0xffff, v60;
	s16 =	ssub.s32 s19, s16;
	s19 =	smul.u32 $0x180, s29  }
0x15: {  	s14 =	sadd.s32 s5, s14;
	[tilespmem:s15+$0x2850 ss:$0x81] =	vst.msk $0xffff, v61;
	s17 =	sadd.s32 $0xFFFE0080, s17;
	s16 =	sand.u32 $0xFFFF, s16  }
0x16: {  	[tilespmem:s15+$0x3060 ss:$0x81] =	vst.msk $0xffff, v62;
	p1 =	sgt.s32 s17, $0x7F;
	s17 =	sshrl.u32 s19, $0x2;
	s16 =	sshll.u32 s16, $0xE  }
0x17: {  	s31 =	sor.u32 $0x400, s18;
	[tilespmem:s15+$0x0 ss:$0x81] =	vst.msk $0xffff, v63;
	s17 =	simm.s32 @p1 $0x0;
	s14 =	sadd.s32 s16, s14  }
0x18: {  	[hbm4b:s14+s31] =	stream.strided.scatter [tilespmem:s13], [sflag:$0x2], s17, s8, s31, $0x20;
	[tilespmem:$0x10100] =	vst v63  }
.LBB1_5:
0x19: {  	p1 =	slt.u32 s11, $0x2  }
0x1a: {  	p2 =	sgt.s32 @!p1 s12, $0x1FF80  }
0x1b: {  	s13 =	smov.u32 s12;
	s14 =	sshra.s32 @!p1 s12, $0x1F;
	p2 =	por !p2, p1  }
0x1c: {  	s12 =	sand.u32 @!p1 s14, s12;
	s13 =	simm.s32 @p2 $0x1FF80  }
0x1d: {  	s12 =	ssub.s32 @!p1 s13, s12  }
0x1e: {  	s13 =	ssub.s32 @!p1 $0x20000, s12  }
0x1f: {  	s12 =	sadd.s32 @!p1 $0xFFFE0080, s12;
	s13 =	smul.u32 @!p1 $0x180, s13  }
0x20: {  	p2 =	sgt.s32 @!p1 s12, $0x7F  }
0x21: {  	s14 =	sadd.s32 $0x1000, s10;
	p2 =	por !p2, p1;
	s12 =	sshrl.u32 @!p1 s13, $0x2  }
0x22: {  	s12 =	simm.s32 @!p2 $0x0;
	p2 =	sgt.s32 s14, $0x1FFFF  }
0x23: {  	s14 =	smov.u32 @p2 s2;
	p2 =	sne.s32 s11, s7  }
.Ltmp1:
0x24: {  	_ = 	snop;
	(pc) =	sbr.rel @!p2 .LBB1_6-.Ltmp1, $4  }
0x25: {  	s13 =	simm.s32 @!p1 $0x2  }
0x26: {  	p0 =	por !p0, !p0;
	_ =	swait.ge @!p1 [sflag:s13], s12;
	s15 =	ssub.s32 @!p1 $0x0, s12  }
0x27: {  	s12 =	smov.u32 s9;
	s11 =	sadd.s32 $0x1, s11;
	[sflag:s13] =	ssyncset.done @!p1 $0x0  }
0x28: {  	s9 =	smov.u32 s10;
	s10 =	smov.u32 s14;
	[sflag:s13] =	ssyncadd.s32 @!p1 s15  }
.LBB1_1:
0x29: {  	p1 =	sge.u32 s11, s6  }
0x2a: {  	s13 =	sxor.u32 @!p1 $0xFFFFFFFF, s11;
	s14 =	sshll.u32 @!p1 s10, $0x4  }
0x2b: {  	s31 =	sadd.s32 $0xFFFFFFFF, s11;
	s13 =	sshll.u32 @!p1 s13, $0xE;
	s14 =	sand.u32 @!p1 $0x1FFFF0, s14  }
0x2c: {  	s15 =	simm.s32 @!p1 $0x0;
	s13 =	sand.u32 @!p1 $0x4000, s13;
	s14 =	sadd.s32 @!p1 s3, s14  }
0x2d: {  	[tilespmem:s13], [sflag:$0x1] =	stream.linear.gather @!p1 [hbm4b:s14+s15], $0x4000, $0x38;
	[tilespmem:$0x10100] =	vst v63  }
0x2e: {  	p1 =	sge.u32 s31, s6  }
.Ltmp2:
0x2f: {  	_ = 	snop;
	(pc) =	sbr.rel @p1 .LBB1_5-.Ltmp2, $1  }
0x30: {  	_ =	sdelay $0x3  }
0x31: {  	s13 =	simm.s32 $0x1  }
0x32: {  	_ =	swait.ge [sflag:s4], $0x4000;
	s13 =	simm.s32 @!p0 $0x0  }
0x33: {  	[sflag:s4] =	ssyncset.done $0x0;
	s14 =	sshll.u32 s13, $0xE  }
0x34: {  	[sflag:s4] =	ssyncadd.s32 $0xFFFFC000;
	s14 =	sor.u32 $0x40, s14  }
0x35: {  	s13 =	smul.u32 $0x10200, s13;
	v0 =	vld [tilespmem:s14+$0x30]  }
0x36: {  	v1 =	vld [tilespmem:s14+$0xFFFFFFD0]  }
0x37: {  	s13 =	sshrl.u32 s13, $0x2;
	v5 =	vld [tilespmem:s14+$0xFFFFFFE0]  }
0x38: {  	v6 =	vld [tilespmem:s14+$0xFFFFFFF0];
	s15 =	sor.u32 $0x8000, s13  }
0x39: {  	s31 =	sand.u32 $0x1, s11;
	v3 =	vld [tilespmem:s14+$0x0];
	s16 =	sadd.s32 $0x0, s15  }
0x3a: {  	v4 =	vld [tilespmem:s14+$0x10];
	s13 =	smul.u32 $0x10200, s31;
	[tilespmem:s16+$0x3870 ss:$0x81] =	vst.msk $0xffff, v0  }
0x3b: {  	v2 =	vld [tilespmem:s14+$0x20];
	[tilespmem:s16+$0x810 ss:$0x81] =	vst.msk $0xffff, v1  }
0x3c: {  	s13 =	sshrl.u32 s13, $0x2;
	v1 =	vld [tilespmem:s14+$0xFFFFFFC0];
	[tilespmem:s16+$0x1020 ss:$0x81] =	vst.msk $0xffff, v5;
	s14 =	sadd.s32 $0x80, s14  }
0x3d: {  	s17 =	simm.s32 $0x4;
	s18 =	simm.s32 $0x8;
	s13 =	sor.u32 $0x8000, s13;
	[tilespmem:s16+$0x1830 ss:$0x81] =	vst.msk $0xffff, v6;
	v0 =	vld [tilespmem:s14+$0x30]  }
.LBB1_3:
0x3e: {  	p1 =	sne.s32 s18, $0x1FC;
	v5 =	vld [tilespmem:s14+$0xFFFFFFD0];
	[tilespmem:s16+$0x2040 ss:$0x81] =	vst.msk $0xffff, v3  }
0x3f: {  	v6 =	vld [tilespmem:s14+$0xFFFFFFE0];
	[tilespmem:s16+$0x2850 ss:$0x81] =	vst.msk $0xffff, v4  }
0x40: {  	s19 =	sshra.s32 s17, $0x2;
	s17 =	smov.u32 s18;
	v7 =	vld [tilespmem:s14+$0xFFFFFFF0];
	[tilespmem:s16+$0x3060 ss:$0x81] =	vst.msk $0xffff, v2  }
.Ltmp3:
0x41: {  	v3 =	vld [tilespmem:s14+$0x0];
	[tilespmem:s16+$0x0 ss:$0x81] =	vst.msk $0xffff, v1;
	s16 =	sadd.s32 s19, s15;
	(pc) =	sbr.rel @p1 .LBB1_3-.Ltmp3, $4  }
0x42: {  	v4 =	vld [tilespmem:s14+$0x10];
	[tilespmem:s16+$0x3870 ss:$0x81] =	vst.msk $0xffff, v0  }
0x43: {  	[tilespmem:s16+$0x810 ss:$0x81] =	vst.msk $0xffff, v5;
	v2 =	vld [tilespmem:s14+$0x20]  }
0x44: {  	v1 =	vld [tilespmem:s14+$0xFFFFFFC0];
	[tilespmem:s16+$0x1020 ss:$0x81] =	vst.msk $0xffff, v6;
	s14 =	sadd.s32 $0x80, s14  }
0x45: {  	s18 =	sadd.s32 $0x4, s18;
	v0 =	vld [tilespmem:s14+$0x30];
	[tilespmem:s16+$0x1830 ss:$0x81] =	vst.msk $0xffff, v7  }
.Ltmp4:
0x46: {  	_ = 	snop;
	(pc) =	sbr.rel .LBB1_4-.Ltmp4, $1  }
0x47: {  	_ =	sdelay $0x3  }
.LBB1_6:
0x48: {  	_ =	sfence.sel $0x180000  }
0x49: {  	s2 =	simm.s32 $0x1;
	[bflag:$0x0] =	sbarrier.arrive $0xFFFF  }
0x4a: {  	s31 =	simm.s32 $0x2;
	[sflag:s2] =	ssyncpa.u1 $0x1  }
0x4b: {  	[sflag:s31] =	ssyncpa.u1 $0x1  }
0x4c: {  	p0 =	sne.s32 s0, $0x0;
	_ =	strace $0x9000004D  }
0x4d: {  	s0 =	sadd.s32 @!p0 $0x100000, s1;
	[bflag:$0x2] =	sbarrier.arrive $0xFFFF  }
0x4e: {  	[sflag:s0] =	ssyncadd.tile.s32 @!p0 $0x1;
	_ =	shalt  }
.Lfunc_end1:
_tile_overlayer_lowered:
.L_overlay_start_2:
0x4f: {  	(tag) =	ssettag $0x2  }
0x50: {  	s0 =	rddreg [dreg:$0x0];
	s2 =	stileid.u32  }
0x51: {  	s1 =	rddreg [dreg:$0x1];
	p0 =	sne.s32 s2, $0x0  }
0x52: {  	s3 =	rddreg [dreg:$0x2];
	[bflag:$0x3] =	sbarrier.arrive $0xFFFF;
	s2 =	simm.s32 @!p0 $0x1C01  }
0x53: {  	[timem:s3], [sflag:s2] =	dma.local @!p0 [hbm:s0], s1  }
0x54: {  	s0 =	simm.s32 @!p0 $0x1  }
0x55: {  	_ =	swait.ge @!p0 [sflag:s0], s1  }
0x56: {  	s1 =	ssub.s32 @!p0 $0x0, s1;
	[sflag:s0] =	ssyncset.done @!p0 $0x0  }
0x57: {  	[sflag:s0] =	ssyncadd.s32 @!p0 s1  }
0x58: {  	[bflag:$0x3] =	sbarrier.arrive $0xFFFF  }
0x59: {  	_ =	shalt  }

// kernel: sparse-core-data-format-call.cloned.1.call-start
scs
called_computation_lowered:
.L_overlay_start_0:
0x0: {  	s1 =	sld [smem:$0x3FD9]  }
0x1: {  	s2 =	sld [smem:$0x3FFE];
	_ =	sdelay $0x1  }
0x2: {  	s3 =	srdreg.scid  }
0x3: {  	s0 =	sand.u32 $0x1, s3  }
0x4: {  	s17 =	sshll.u32 s0, $0xA;
	s1 =	sadd.s32 s2, s1  }
0x5: {  	s1 =	sadd.s32 s1, s17  }
0x6: {  	[smem:$0x3F81] =	sst s1  }
0x7: {  	_ = 	snop  }
0x8: {  	(tm) =	ssettm $0x1  }
0x9: {  	s18 =	sld [smem:$0x3FFB];
	_ =	sdelay $0x3  }
0xa: {  	_ =	strace s18  }
0xb: {  	s1 =	sld [smem:$0x3FFC];
	_ =	sdelay $0x3  }
0xc: {  	_ =	strace s1  }
0xd: {  	s1 =	sld [smem:$0x3FFD];
	_ =	sdelay $0x3  }
0xe: {  	_ =	strace s1  }
0xf: {  	_ =	strace $0x8FFFFFFF  }
0x10: {  	s19 =	sld [smem:$0x3FDB];
	_ =	sdelay $0x1  }
0x11: {  	s20 =	simm.s32 $_scs_section_size  }
0x12: {  	s4 =	simm.s32 $_size__tile_overlayer_lowered;
	s5 =	simm.s32 $_tile_overlayer_lowered  }
0x13: {  	s23 =	simm.s32 $0x1BFF;
	s22 =	sshll.u32 s5, $0x1;
	s1 =	sadd.s32 s20, s19  }
0x14: {  	s6 =	simm.s32 $0x0;
	s21 =	sshll.u32 s4, $0x1;
	s4 =	sadd.s32 s22, s1  }
0x15: {  	[timem:s6], [sflag:s23] =	dma.local [hbm:s4], s21  }
0x16: {  	_ =	swait.ge [sflag:s23], s21  }
0x17: {  	s2 =	ssub.s32 $0x0, s21;
	[sflag:s23] =	ssyncset.done $0x0  }
0x18: {  	[sflag:s23] =	ssyncadd.s32 s2;
	_ =	sdelay $0x1  }
0x19: {  	s24 =	simm.s32 $0x1B8B  }
0x1a: {  	_ =	swait.ge [sflag:s24], $0x1  }
0x1b: {  	[sflag:s24] =	ssyncset.done $0x0  }
0x1c: {  	s26 =	simm.s32 $0x1B8E;
	s25 =	sld [smem:$0x3FFE];
	[sflag:s24] =	ssyncadd.s32 $0xFFFFFFFF  }
0x1d: {  	s27 =	simm.s32 $execute0_lowered;
	[smem:$0x3FD2] =	sst s26  }
0x1e: {  	s4 =	sshll.u32 s27, $0x1;
	_ =	strace $0x8000005B;
	[dreg:$0x1] =	wrdreg $0xFFFFFFFF  }
0x1f: {  	s28 =	simm.s32 $_size_execute0_lowered;
	s1 =	sadd.s32 s1, s4;
	[dreg:$0x0] =	wrdreg $0x0  }
0x20: {  	s4 =	sshll.u32 s28, $0x1;
	[dreg:$0x2] =	wrdreg s1  }
0x21: {  	[dreg:$0x3] =	wrdreg s4  }
0x22: {  	[dreg:$0x4] =	wrdreg $0xC0  }
0x23: {  	_ =	task [dreg:s6], $0x5FFFF  }
0x24: {  	[dreg:$0x1] =	wrdreg $0xFFFFFFFF  }
0x25: {  	[dreg:$0x0] =	wrdreg $0x60  }
0x26: {  	[dreg:$0x2] =	wrdreg s25  }
0x27: {  	[dreg:$0x3] =	wrdreg $0x9  }
0x28: {  	_ =	task.clear_ibuf [dreg:s6], $0x4FFFF;
	_ =	strace $0x9000005B  }
0x29: {  	s29 =	simm.s32 $0x9;
	_ =	strace $0x8000005D  }
0x2a: {  	_ =	swait.ge [sflag:s29], $0x1  }
0x2b: {  	[sflag:s29] =	ssyncadd.s32 $0xFFFFFFFF  }
0x2c: {  	_ =	strace $0x9000005D  }
0x2d: {  	_ =	sfence  }
0x2e: {  	s30 =	sld [smem:$0x0];
	_ =	sdelay $0x2  }
0x2f: {  	s31 =	sshll.u32 s3, $0xD;
	s3 =	sshrl.u32 s3, $0x2  }
0x30: {  	s2 =	sand.u32 $0x4000, s31;
	s1 =	sadd.s32 s3, s30  }
0x31: {  	s0 =	sor.u32 s2, s0;
	s1 =	sshll.u32 s1, $0x11  }
0x32: {  	s0 =	sor.u32 s1, s0  }
0x33: {  	s0 =	sadd.s32 $0x8F2B, s0  }
0x34: {  	[sflag:s0] =	ssyncadd.remote.s32 $0x1  }
0x35: {  	_ =	sfence.sel $0xFFFF  }
0x36: {  	[dreg:$0x0] =	wrdreg $0xFFFFFFFF;
	(pc) =	sbr.abs _section_cstart, $3  }
0x37: {  	[dreg:$0x1] =	wrdreg $0xFFFFFFFF  }
0x38: {  	_ =	task.clear_ibuf [dreg:s6], $0x2FFFF;
	_ =	strace $0x9FFFFFFF  }
0x39: {  	(tm) =	ssettm $0x7FFFFFFF  }
tec
execute0_lowered:
.L_overlay_start_1:
0x0: {  	(tag) =	ssettag $0x1  }
0x1: {  	s0 =	stileid.u32  }
0x2: {  	s2 =	srdreg.scid;
	s1 =	rddreg [dreg:$0x0];
	s31 =	simm.s32 $0x2  }
0x3: {  	s17 =	simm.s32 $0x0;
	s10 =	simm.s32 $0x10000;
	s11 =	simm.s32 $0x0  }
0x4: {  	s18 =	simm.s32 $0x0;
	s20 =	simm.s32 $0x0;
	s19 =	simm.s32 $0x0  }
0x5: {  	s12 =	simm.s32 $0x0;
	s3 =	sshll.u32 s0, $0x2;
	s4 =	sshll.u32 s2, $0x6  }
0x6: {  	s2 =	sand.u32 $0x1, s0;
	s5 =	sshll.u32 s0, $0x3;
	s4 =	sor.u32 s3, s4  }
0x7: {  	s3 =	sand.u32 $0x10, s5;
	s28 =	ssub.s32 $0x2, s2;
	s4 =	sand.u32 $0x70, s4  }
0x8: {  	s6 =	sshrl.u32 s28, $0x1;
	s5 =	sand.u32 $0x1, s28;
	s7 =	ssub.s32 $0x20, s3  }
0x9: {  	s5 =	sadd.s32 s5, s6;
	s29 =	sshrl.u32 s7, $0x4;
	s8 =	ssub.s32 $0x100, s4  }
0xa: {  	s7 =	sshrl.u32 s7, $0x5;
	s6 =	sand.u32 $0x1, s29;
	s9 =	sand.u32 $0x70, s8  }
0xb: {  	s6 =	sadd.s32 s7, s6;
	p0 =	sne.s32 s9, $0x0;
	s7 =	simm.s32 $0x1  }
0xc: {  	s8 =	sshrl.u32 s8, $0x7;
	s7 =	simm.s32 @!p0 $0x0;
	s30 =	smul.u32 s6, s5  }
.Ltmp0:
0xd: {  	s16 =	simm.s32 $0x0;
	s7 =	sadd.s32 s7, s8;
	(pc) =	sbr.rel .LBB1_1-.Ltmp0, $4  }
0xe: {  	s15 =	smov.u32 s2;
	s14 =	smov.u32 s3;
	s8 =	smul.u32 s7, s30  }
0xf: {  	s5 =	rddreg [dreg:$0x1];
	_ =	strace $0x8000005C;
	s6 =	simm.s32 $0x1  }
0x10: {  	s13 =	smov.u32 s4;
	[sflag:s6] =	ssyncpa.u1 $0x0;
	s8 =	sshll.u32 s8, $0x5  }
0x11: {  	s7 =	sadd.s32 $0x400000, s1;
	[sflag:s31] =	ssyncpa.u1 $0x0;
	s9 =	sor.u32 $0x1, s8  }
.LBB1_7:
0x12: {  	s21 =	sadd.s32 $0x80, s12  }
0x13: {  	s17 =	sadd.s32 $0x80, s13;
	s22 =	smov.u32 s13;
	p1 =	sgt.s32 s21, $0xFFF  }
0x14: {  	s22 =	smov.u32 @p1 s17  }
0x15: {  	s23 =	smov.u32 s14;
	s17 =	sadd.s32 $0x20, s14;
	p2 =	sgt.s32 s22, $0xFF  }
0x16: {  	s23 =	smov.u32 @p2 s17  }
0x17: {  	s24 =	smov.u32 s15;
	s17 =	sadd.s32 $0x2, s15;
	p3 =	sgt.s32 s23, $0x1F  }
0x18: {  	p0 =	slt.u32 s16, $0x2;
	s24 =	smov.u32 @p3 s17  }
0x19: {  	s18 =	smov.u32 s13;
	s21 =	simm.s32 @p1 $0x0;
	p1 =	sgt.s32 s24, $0x1  }
0x1a: {  	s25 =	simm.s32 @!p0 $0x2;
	s24 =	smov.u32 @p1 s2;
	p1 =	sne.s32 s16, s9  }
.Ltmp1:
0x1b: {  	s20 =	smov.u32 s14;
	_ =	swait.ge @!p0 [sflag:s25], $0x4000;
	(pc) =	sbr.rel @!p1 .LBB1_8-.Ltmp1, $4  }
0x1c: {  	s19 =	smov.u32 s15;
	[sflag:s25] =	ssyncset.done @!p0 $0x0;
	s22 =	smov.u32 @p2 s4  }
0x1d: {  	s11 =	sadd.s32 $0x8000, s11;
	[sflag:s25] =	ssyncadd.s32 @!p0 $0xFFFFC000;
	s13 =	smov.u32 s22  }
0x1e: {  	s23 =	smov.u32 @p3 s3;
	s17 =	smov.u32 s12;
	s12 =	smov.u32 s21  }
0x1f: {  	s14 =	smov.u32 s23;
	s16 =	sadd.s32 $0x1, s16;
	s15 =	smov.u32 s24  }
.LBB1_1:
0x20: {  	p0 =	sge.u32 s16, s8;
	s31 =	sadd.s32 $0xFFFFFFFF, s16  }
0x21: {  	s21 =	sshll.u32 @!p0 s13, $0xC;
	s22 =	sshll.u32 @!p0 s12, $0x4;
	s23 =	sshll.u32 @!p0 s13, $0x7  }
0x22: {  	s24 =	sshll.u32 @!p0 s12, $0x1;
	s23 =	sand.u32 @!p0 $0x700, s23;
	s25 =	sand.u32 @!p0 $0x800, s22  }
0x23: {  	s21 =	sand.u32 @!p0 $0xF0000, s21;
	s24 =	sand.u32 @!p0 $0xF0, s24;
	s23 =	sor.u32 @!p0 s23, s25  }
0x24: {  	s21 =	sadd.s32 @!p0 s21, s22;
	s22 =	sor.u32 @!p0 s24, s23;
	s23 =	sshll.u32 @!p0 s15, $0x15  }
0x25: {  	s24 =	sshll.u32 @!p0 s14, $0x10;
	s21 =	sshrl.u32 @!p0 s21, $0x4;
	s23 =	sadd.s32 @!p0 s1, s23  }
0x26: {  	s25 =	sxor.u32 @!p0 $0xFFFFFFFF, s16;
	s21 =	sand.u32 @!p0 $0xFF00, s21;
	s23 =	sadd.s32 @!p0 s24, s23  }
0x27: {  	s22 =	sshrl.u32 @!p0 s22, $0x4;
	s21 =	sadd.s32 @!p0 s21, s23;
	s23 =	sand.u32 @!p0 $0x7, s12  }
0x28: {  	s21 =	sadd.s32 @!p0 s22, s21;
	s22 =	sshll.u32 @!p0 s25, $0xE;
	s23 =	sshll.u32 @!p0 s23, $0x12  }
0x29: {  	s24 =	simm.s32 @!p0 $0x80000;
	s22 =	sand.u32 @!p0 $0x4000, s22;
	s23 =	sor.u32 @!p0 $0x400, s23  }
0x2a: {  	[tilespmem:s22], [sflag:$0x1] =	stream.strided.gather @!p0 [hbm4b:s21+s23], $0x4000, s24, s23, $0x38;
	[tilespmem:$0x10000] =	vst v63  }
0x2b: {  	p0 =	sge.u32 s31, s8  }
.Ltmp2:
0x2c: {  	_ = 	snop;
	(pc) =	sbr.rel @p0 .LBB1_7-.Ltmp2, $1  }
0x2d: {  	_ =	sdelay $0x3  }
0x2e: {  	s21 =	sshrl.u32 s11, $0x1;
	_ =	swait.ge [sflag:s6], $0x4000  }
0x2f: {  	s24 =	sshll.u32 s16, $0xE;
	s21 =	sand.u32 $0x4000, s21;
	[sflag:s6] =	ssyncset.done $0x0  }
0x30: {  	s31 =	sand.u32 $0x4000, s24;
	s24 =	simm.s32 $0x0;
	s22 =	sor.u32 $0x400, s21  }
0x31: {  	s23 =	sor.u32 $0x8400, s21;
	[sflag:s6] =	ssyncadd.s32 $0xFFFFC000;
	s21 =	sor.u32 $0x8000, s31  }
.LBB1_3:
0x32: {  	v0 =	vld [tilespmem:s22+$0xFFFFFC70]  }
0x33: {  	v1 =	vld [tilespmem:s22+$0x70]  }
0x34: {  	v2 =	vld [tilespmem:s22+$0x0]  }
0x35: {  	v3 =	vld [tilespmem:s22+$0xFFFFFC10]  }
0x36: {  	v4 =	vld [tilespmem:s22+$0x10]  }
0x37: {  	v5 =	vld [tilespmem:s22+$0xFFFFFC20]  }
0x38: {  	v7 =	vld [tilespmem:s22+$0x20]  }
0x39: {  	v11 =	vld [tilespmem:s22+$0x30];
	v6 =	vunpack.i.l.s16.s32 v0;
	v8 =	vunpack.i.u.s16.s32 v0;
	v9 =	vunpack.i.u.s16.s32 v1  }
0x3a: {  	v10 =	vunpack.i.l.s16.s32 v1;
	v0 =	vunpack.i.u.s16.s32 v2;
	v1 =	vunpack.i.l.s16.s32 v2;
	v2 =	vld [tilespmem:s22+$0xFFFFFC30]  }
0x3b: {  	v8 =	vpack.i.b32.b16 v9, v8;
	v9 =	vunpack.i.u.s16.s32 v3;
	v3 =	vunpack.i.l.s16.s32 v3  }
0x3c: {  	v12 =	vld [tilespmem:s22+$0xFFFFFC40];
	v6 =	vpack.i.b32.b16 v10, v6;
	[tilespmem:s23+$0x70] =	vst v8;
	v8 =	vunpack.i.u.s16.s32 v4;
	v4 =	vunpack.i.l.s16.s32 v4  }
0x3d: {  	v13 =	vld [tilespmem:s22+$0x40];
	v10 =	vunpack.i.u.s16.s32 v5;
	v5 =	vunpack.i.l.s16.s32 v5;
	[tilespmem:s23+$0xFFFFFC70] =	vst v6;
	v3 =	vpack.i.b32.b16 v4, v3  }
0x3e: {  	v6 =	vunpack.i.l.s16.s32 v7;
	v4 =	vld [tilespmem:s22+$0xFFFFFC50];
	[tilespmem:s23+$0xFFFFFC10] =	vst v3;
	v3 =	vpack.i.b32.b16 v8, v9;
	v8 =	vunpack.i.u.s16.s32 v7  }
0x3f: {  	v7 =	vunpack.i.l.s16.s32 v11;
	[tilespmem:s23+$0x10] =	vst v3;
	v3 =	vpack.i.b32.b16 v6, v5;
	v9 =	vunpack.i.u.s16.s32 v2;
	v6 =	vld [tilespmem:s22+$0x50]  }
0x40: {  	v5 =	vunpack.i.l.s16.s32 v2;
	v2 =	vld [tilespmem:s22+$0xFFFFFC60];
	[tilespmem:s23+$0xFFFFFC20] =	vst v3;
	v3 =	vpack.i.b32.b16 v8, v10;
	v10 =	vunpack.i.u.s16.s32 v11  }
0x41: {  	s27 =	simm.s32 $0x0;
	v11 =	vpack.i.b32.b16 v7, v5;
	v7 =	vunpack.i.u.s16.s32 v12;
	v8 =	vunpack.i.l.s16.s32 v12;
	[tilespmem:s23+$0x20] =	vst v3;
	v3 =	vld [tilespmem:s22+$0x60]  }
0x42: {  	s28 =	sadd.s32 $0x80, s22;
	s26 =	smov.u32 s23;
	s25 =	smov.u32 s23;
	v5 =	vld [tilespmem:s22+$0xFFFFFC00];
	[tilespmem:s23+$0xFFFFFC30] =	vst v11;
	v10 =	vpack.i.b32.b16 v10, v9;
	v9 =	vunpack.i.u.s16.s32 v13;
	v11 =	vunpack.i.l.s16.s32 v13  }
.LBB1_4:
0x43: {  	v12 =	vld [tilespmem:s28+$0xFFFFFC70];
	[tilespmem:s26+$0x30] =	vst v10;
	v8 =	vpack.i.b32.b16 v11, v8;
	v10 =	vunpack.i.u.s16.s32 v4;
	v4 =	vunpack.i.l.s16.s32 v4  }
0x44: {  	s27 =	sadd.s32 $0x2, s27;
	v7 =	vpack.i.b32.b16 v9, v7;
	v11 =	vld [tilespmem:s28+$0x70];
	[tilespmem:s26+$0xFFFFFC40] =	vst v8;
	v8 =	vunpack.i.u.s16.s32 v6;
	v6 =	vunpack.i.l.s16.s32 v6  }
0x45: {  	p0 =	slt.u32 s27, $0xE;
	v9 =	vld [tilespmem:s28+$0x0];
	[tilespmem:s26+$0x40] =	vst v7;
	v4 =	vpack.i.b32.b16 v6, v4;
	v6 =	vunpack.i.u.s16.s32 v2;
	v2 =	vunpack.i.l.s16.s32 v2  }
0x46: {  	v7 =	vld [tilespmem:s28+$0xFFFFFC10];
	[tilespmem:s26+$0xFFFFFC50] =	vst v4;
	v4 =	vpack.i.b32.b16 v8, v10;
	v8 =	vunpack.i.u.s16.s32 v3;
	v3 =	vunpack.i.l.s16.s32 v3  }
0x47: {  	v10 =	vld [tilespmem:s28+$0x10];
	v13 =	vunpack.i.u.s16.s32 v5;
	v5 =	vunpack.i.l.s16.s32 v5;
	[tilespmem:s26+$0x50] =	vst v4;
	v2 =	vpack.i.b32.b16 v3, v2  }
0x48: {  	v3 =	vld [tilespmem:s28+$0xFFFFFC20];
	v4 =	vunpack.i.l.s16.s32 v12;
	v1 =	vpack.i.b32.b16 v1, v5;
	v5 =	vpack.i.b32.b16 v0, v13;
	[tilespmem:s26+$0xFFFFFC60] =	vst v2  }
0x49: {  	v12 =	vunpack.i.u.s16.s32 v12;
	v2 =	vld [tilespmem:s28+$0x20];
	v13 =	vunpack.i.u.s16.s32 v11;
	v11 =	vunpack.i.l.s16.s32 v11;
	[tilespmem:s26+$0xFFFFFC00] =	vst v1  }
0x4a: {  	s26 =	sadd.s32 $0x800, s26;
	v0 =	vunpack.i.u.s16.s32 v9;
	v1 =	vunpack.i.l.s16.s32 v9;
	v9 =	vld [tilespmem:s28+$0xFFFFFC30];
	v12 =	vpack.i.b32.b16 v13, v12;
	[tilespmem:s25+$0x0] =	vst v5  }
0x4b: {  	v6 =	vpack.i.b32.b16 v8, v6;
	v5 =	vunpack.i.u.s16.s32 v7;
	v7 =	vunpack.i.l.s16.s32 v7;
	v13 =	vld [tilespmem:s28+$0x30];
	[tilespmem:s26+$0x70] =	vst v12  }
0x4c: {  	v4 =	vpack.i.b32.b16 v11, v4;
	v8 =	vunpack.i.u.s16.s32 v10;
	v10 =	vunpack.i.l.s16.s32 v10;
	v12 =	vld [tilespmem:s28+$0xFFFFFC40];
	[tilespmem:s25+$0x60] =	vst v6;
	s25 =	smov.u32 s26  }
0x4d: {  	v6 =	vpack.i.b32.b16 v10, v7;
	v7 =	vunpack.i.u.s16.s32 v3;
	v3 =	vunpack.i.l.s16.s32 v3;
	v11 =	vld [tilespmem:s28+$0x40];
	[tilespmem:s26+$0xFFFFFC70] =	vst v4  }
.Ltmp3:
0x4e: {  	v5 =	vpack.i.b32.b16 v8, v5;
	[tilespmem:s26+$0xFFFFFC10] =	vst v6;
	v8 =	vunpack.i.u.s16.s32 v2;
	v2 =	vunpack.i.l.s16.s32 v2;
	v4 =	vld [tilespmem:s28+$0xFFFFFC50];
	(pc) =	sbr.rel @p0 .LBB1_4-.Ltmp3, $4  }
0x4f: {  	[tilespmem:s26+$0x10] =	vst v5;
	v2 =	vpack.i.b32.b16 v2, v3;
	v10 =	vunpack.i.u.s16.s32 v9;
	v3 =	vunpack.i.l.s16.s32 v9;
	v6 =	vld [tilespmem:s28+$0x50]  }
0x50: {  	v5 =	vpack.i.b32.b16 v8, v7;
	[tilespmem:s26+$0xFFFFFC20] =	vst v2;
	v9 =	vunpack.i.u.s16.s32 v13;
	v7 =	vunpack.i.l.s16.s32 v13;
	v2 =	vld [tilespmem:s28+$0xFFFFFC60]  }
0x51: {  	[tilespmem:s26+$0x20] =	vst v5;
	v13 =	vpack.i.b32.b16 v7, v3;
	v7 =	vunpack.i.u.s16.s32 v12;
	v8 =	vunpack.i.l.s16.s32 v12;
	v3 =	vld [tilespmem:s28+$0x60]  }
0x52: {  	v10 =	vpack.i.b32.b16 v9, v10;
	v5 =	vld [tilespmem:s28+$0xFFFFFC00];
	[tilespmem:s26+$0xFFFFFC30] =	vst v13;
	v9 =	vunpack.i.u.s16.s32 v11;
	v11 =	vunpack.i.l.s16.s32 v11;
	s28 =	sadd.s32 $0x80, s28  }
0x53: {  	[tilespmem:s26+$0x30] =	vst v10;
	v8 =	vpack.i.b32.b16 v11, v8  }
0x54: {  	v51 =	vunpack.i.l.s16.s32 v4;
	v7 =	vpack.i.b32.b16 v9, v7;
	[tilespmem:s26+$0xFFFFFC40] =	vst v8;
	v52 =	vunpack.i.l.s16.s32 v6  }
0x55: {  	v53 =	vunpack.i.u.s16.s32 v4;
	v54 =	vunpack.i.u.s16.s32 v6;
	[tilespmem:s26+$0x40] =	vst v7;
	v55 =	vpack.i.b32.b16 v52, v51  }
0x56: {  	p0 =	slt.u32 s24, $0xE;
	v56 =	vunpack.i.l.s16.s32 v2;
	v4 =	vpack.i.b32.b16 v54, v53;
	[tilespmem:s26+$0xFFFFFC50] =	vst v55;
	v57 =	vunpack.i.l.s16.s32 v3  }
.Ltmp4:
0x57: {  	[tilespmem:s26+$0x50] =	vst v4;
	v58 =	vunpack.i.l.s16.s32 v5;
	v59 =	vpack.i.b32.b16 v57, v56;
	(pc) =	sbr.rel @p0 .LBB1_3-.Ltmp4, $4  }
0x58: {  	v61 =	vunpack.i.u.s16.s32 v2;
	v62 =	vunpack.i.u.s16.s32 v3;
	v1 =	vpack.i.b32.b16 v1, v58;
	[tilespmem:s26+$0xFFFFFC60] =	vst v59  }
0x59: {  	v60 =	vunpack.i.u.s16.s32 v5;
	v63 =	vpack.i.b32.b16 v62, v61;
	[tilespmem:s26+$0xFFFFFC00] =	vst v1  }
0x5a: {  	s31 =	sadd.s32 $0x2, s24;
	v0 =	vpack.i.b32.b16 v0, v60;
	[tilespmem:s25+$0x60] =	vst v63  }
0x5b: {  	s22 =	sadd.s32 $0x800, s22;
	s23 =	sadd.s32 $0x80, s23;
	s24 =	smov.u32 s31;
	[tilespmem:s25+$0x0] =	vst v0  }
0x5c: {  	s22 =	sshll.u32 s20, $0xC  }
0x5d: {  	s23 =	sshll.u32 s17, $0x4;
	s29 =	sshll.u32 s20, $0x7;
	s24 =	sshll.u32 s17, $0x1  }
0x5e: {  	s19 =	sshll.u32 s19, $0x15;
	s18 =	sshll.u32 s18, $0xD;
	s30 =	sand.u32 $0x7, s17  }
0x5f: {  	s20 =	sand.u32 $0x700, s29;
	s25 =	sand.u32 $0x800, s23;
	s22 =	sand.u32 $0x10000, s22  }
0x60: {  	s24 =	sand.u32 $0xF0, s24;
	s19 =	sadd.s32 s7, s19;
	s22 =	sadd.s32 s22, s23  }
.Ltmp5:
0x61: {  	s20 =	sor.u32 s20, s25;
	s22 =	sshrl.u32 s22, $0x4;
	(pc) =	sbr.rel .LBB1_7-.Ltmp5, $4  }
0x62: {  	s18 =	sadd.s32 s18, s19;
	s20 =	sor.u32 s24, s20;
	s22 =	sand.u32 $0x1F00, s22  }
0x63: {  	s17 =	sshll.u32 s30, $0x12;
	s31 =	sshrl.u32 s20, $0x4;
	s18 =	sadd.s32 s22, s18  }
0x64: {  	s17 =	sor.u32 $0x400, s17;
	s18 =	sadd.s32 s31, s18  }
0x65: {  	[hbm4b:s18+s17] =	stream.strided.scatter [tilespmem:s21], [sflag:$0x2], $0x4000, s10, s17, $0x38;
	[tilespmem:$0x10000] =	vst v63  }
.LBB1_8:
0x66: {  	_ =	sfence.sel $0x180000  }
0x67: {  	s1 =	simm.s32 $0x1;
	[bflag:$0x0] =	sbarrier.arrive $0xFFFF  }
0x68: {  	s31 =	simm.s32 $0x2;
	[sflag:s1] =	ssyncpa.u1 $0x1  }
0x69: {  	[sflag:s31] =	ssyncpa.u1 $0x1  }
0x6a: {  	p0 =	sne.s32 s0, $0x0;
	_ =	strace $0x9000005C  }
0x6b: {  	s0 =	sadd.s32 @!p0 $0x100000, s5;
	[bflag:$0x2] =	sbarrier.arrive $0xFFFF  }
0x6c: {  	[sflag:s0] =	ssyncadd.tile.s32 @!p0 $0x1;
	_ =	shalt  }
.Lfunc_end1:
_tile_overlayer_lowered:
.L_overlay_start_2:
0x6d: {  	(tag) =	ssettag $0x2  }
0x6e: {  	s0 =	rddreg [dreg:$0x0];
	s2 =	stileid.u32  }
0x6f: {  	s1 =	rddreg [dreg:$0x1];
	p0 =	sne.s32 s2, $0x0  }
0x70: {  	s3 =	rddreg [dreg:$0x2];
	[bflag:$0x3] =	sbarrier.arrive $0xFFFF;
	s2 =	simm.s32 @!p0 $0x1C01  }
0x71: {  	[timem:s3], [sflag:s2] =	dma.local @!p0 [hbm:s0], s1  }
0x72: {  	s0 =	simm.s32 @!p0 $0x1  }
0x73: {  	_ =	swait.ge @!p0 [sflag:s0], s1  }
0x74: {  	s1 =	ssub.s32 @!p0 $0x0, s1;
	[sflag:s0] =	ssyncset.done @!p0 $0x0  }
0x75: {  	[sflag:s0] =	ssyncadd.s32 @!p0 s1  }
0x76: {  	[bflag:$0x3] =	sbarrier.arrive $0xFFFF  }
0x77: {  	_ =	shalt  }

</sc_bundles>
